<compile_context>
chip_gen: v7x
topology: tpu7x:2x2x1
jax: 0.10.2.dev20260603
libtpu: 0.0.44.dev20260713+nightly
codegen_flags: <defaults>
</compile_context>

<pallas_src>
import functools

import jax
import jax.numpy as jnp
from jax import lax
from jax.experimental import pallas as pl
from jax.experimental.pallas import tpu as pltpu
from jax.experimental.pallas import tpu_sc as plsc

N_NODES = 10000
N_EDGES = 320000
DIM = 128
NC = 2
NS = 16
NW = NC * NS
L = 16
EPW = N_EDGES // NW
CHUNK = 80
NCHUNK = EPW // CHUNK
NF = DIM // L
NB = DIM // (2 * L)


def _pack_pair(a, b):
    ia = lax.bitcast_convert_type(a, jnp.int32)
    ib = lax.bitcast_convert_type(b, jnp.int32)
    lo = lax.shift_right_logical(ia + 0x8000, 16)
    hi = jnp.bitwise_and(ib + 0x8000, jnp.int32(-65536))
    return jnp.bitwise_or(hi, lo)


def _proj_body(x_ref, wal_ref, wah_ref, wbl_ref, wbh_ref, b1l_ref, b1h_ref,
               u_ref, v_ref):
    xv = x_ref[...]
    f32 = jnp.float32
    ul = jnp.dot(xv, wal_ref[...], preferred_element_type=f32)
    uh = jnp.dot(xv, wah_ref[...], preferred_element_type=f32)
    vl = jnp.dot(xv, wbl_ref[...], preferred_element_type=f32) + b1l_ref[...]
    vh = jnp.dot(xv, wbh_ref[...], preferred_element_type=f32) + b1h_ref[...]
    u_ref[...] = _pack_pair(ul, uh)
    v_ref[...] = _pack_pair(vl, vh)


def _node_projections(x, W1, b1):
    H = DIM // 2
    wa = W1[:, :DIM].T
    wb = W1[:, DIM:].T
    return pl.pallas_call(
        _proj_body,
        out_shape=[
            jax.ShapeDtypeStruct((N_NODES, H), jnp.int32),
            jax.ShapeDtypeStruct((N_NODES, H), jnp.int32),
        ],
    )(x, wa[:, :H], wa[:, H:], wb[:, :H], wb[:, H:],
      b1[:H].reshape(1, H), b1[H:].reshape(1, H))


def _edge_body(u_hbm, v_hbm, ei_hbm, w2_hbm, b2_hbm, out_hbm,
               idx_r, idx_c, urows, vrows, logv, w2v, b2v, sem):
    cid = lax.axis_index("c")
    sid = lax.axis_index("s")
    wid = sid * NC + cid
    base = wid * EPW

    pltpu.sync_copy(ei_hbm.at[0, wid], idx_r)
    pltpu.sync_copy(ei_hbm.at[1, wid], idx_c)
    pltpu.sync_copy(w2_hbm, w2v)
    pltpu.sync_copy(b2_hbm, b2v)
    b2reg = b2v[...]
    w2regs = [
        plsc.bitcast(w2v[pl.ds(b * L, L)], jnp.bfloat16) for b in range(NB)
    ]
    lane = lax.iota(jnp.int32, L)

    def issue(cc, s):
        pltpu.async_copy(u_hbm.at[idx_r.at[cc]], urows.at[s], sem.at[s])
        pltpu.async_copy(v_hbm.at[idx_c.at[cc]], vrows.at[s], sem.at[s])

    def wait(cc, s):
        pltpu.make_async_copy(u_hbm.at[idx_r.at[cc]], urows.at[s], sem.at[s]).wait()
        pltpu.make_async_copy(v_hbm.at[idx_c.at[cc]], vrows.at[s], sem.at[s]).wait()

    def compute(cc, s):
        ur = urows.at[s]
        vr = vrows.at[s]

        def group_body(g, carry):
            def edge_body(j, merged):
                e = g * L + j
                acc_bf = None
                for b in range(NB):
                    u = plsc.bitcast(ur[e, pl.ds(b * L, L)], jnp.bfloat16)
                    v = plsc.bitcast(vr[e, pl.ds(b * L, L)], jnp.bfloat16)
                    h = jnp.maximum(u + v, jnp.bfloat16(0.0))
                    p = h * w2regs[b]
                    acc_bf = p if acc_bf is None else acc_bf + p
                lo, hi = plsc.unpack(acc_bf, format=plsc.PackFormat.INTERLEAVED)
                acc = lo + hi
                return jnp.where(lane == j, jnp.sum(acc), merged)

            merged = lax.fori_loop(0, L, edge_body,
                                   jnp.zeros((L,), jnp.float32), unroll=4)
            z = merged + b2reg
            logv[pl.ds(g * L, L)] = 1.0 / (1.0 + jnp.exp(-z))
            return carry

        lax.fori_loop(0, CHUNK // L, group_body, 0, unroll=False)
        pltpu.sync_copy(logv, out_hbm.at[pl.ds(base + cc * CHUNK, CHUNK)])

    issue(0, 0)
    issue(1, 1)
    issue(2, 2)

    @pl.loop(0, NCHUNK - 1, step=4)
    def _chunk_quad(c):
        for k in range(4):
            cc = c + k

            @pl.when(cc + 3 < NCHUNK)
            def _prefetch():
                issue(cc + 3, (k + 3) % 4)

            wait(cc, k)
            compute(cc, k)

    wait(NCHUNK - 1, 0)
    compute(NCHUNK - 1, 0)


def _edge_mask(U, V, ei, w2, b2vec):
    mesh = plsc.VectorSubcoreMesh(core_axis_name="c", subcore_axis_name="s")
    run = functools.partial(
        pl.kernel,
        mesh=mesh,
        out_type=jax.ShapeDtypeStruct((N_EDGES,), jnp.float32),
        compiler_params=pltpu.CompilerParams(needs_layout_passes=False, use_tc_tiling_on_sc=False),
        scratch_types=[
            pltpu.VMEM((NCHUNK, CHUNK), jnp.int32),
            pltpu.VMEM((NCHUNK, CHUNK), jnp.int32),
            pltpu.VMEM((4, CHUNK, DIM // 2), jnp.int32),
            pltpu.VMEM((4, CHUNK, DIM // 2), jnp.int32),
            pltpu.VMEM((CHUNK,), jnp.float32),
            pltpu.VMEM((DIM // 2,), jnp.int32),
            pltpu.VMEM((L,), jnp.float32),
            pltpu.SemaphoreType.DMA((4,)),
        ],
    )(_edge_body)
    return run(U, V, ei, w2, b2vec)


def kernel(x, edge_index, W1, b1, W2, b2):
    ei = edge_index.astype(jnp.int32).reshape(2, NW, NCHUNK, CHUNK)
    U, V = _node_projections(x, W1, b1)
    w2f = W2.reshape(DIM)
    w2 = _pack_pair(w2f[: DIM // 2], w2f[DIM // 2:])
    b2vec = jnp.broadcast_to(b2, (L,)).astype(jnp.float32)
    return _edge_mask(U, V, ei, w2, b2vec)

# --- scband reference (transcript-rebuilt; emitter-appended) ---
"""Pipeline reference for scband-edge-mask-generator-8916352106738 (READ-ONLY COPY).

The authoritative reference and input builder live on the scoring server;
editing this copy changes nothing except your own understanding.
"""

import jax, jax.numpy as jnp
import numpy as np

IN_DIM = 128
HIDDEN_DIM = 128
TEMPERATURE = 1.0
N_NODES = 10000
N_EDGES = 320000


def setup_inputs(seed: int = 0) -> dict:
    key = jax.random.key(seed)
    k_x, k_ei, k_w1, k_b1, k_w2, k_b2 = jax.random.split(key, 6)
    x = jax.random.normal(k_x, (N_NODES, IN_DIM), dtype=jnp.float32)
    edge_index = jax.random.randint(k_ei, (2, N_EDGES), 0, N_NODES, dtype=jnp.int64)
    # nn.Linear(2*in_dim, hidden_dim): weight (hidden, 2*in), bias (hidden,)
    lim1 = 1.0 / np.sqrt(2 * IN_DIM)
    W1 = jax.random.uniform(k_w1, (HIDDEN_DIM, 2 * IN_DIM), minval=-lim1, maxval=lim1, dtype=jnp.float32)
    b1 = jax.random.uniform(k_b1, (HIDDEN_DIM,), minval=-lim1, maxval=lim1, dtype=jnp.float32)
    lim2 = 1.0 / np.sqrt(HIDDEN_DIM)
    W2 = jax.random.uniform(k_w2, (1, HIDDEN_DIM), minval=-lim2, maxval=lim2, dtype=jnp.float32)
    b2 = jax.random.uniform(k_b2, (1,), minval=-lim2, maxval=lim2, dtype=jnp.float32)
    return {"x": x, "edge_index": edge_index, "W1": W1, "b1": b1, "W2": W2, "b2": b2}


def reference(x, edge_index, W1, b1, W2, b2):
    row = edge_index[0]
    col = edge_index[1]
    x_i = jnp.take(x, row, axis=0)
    x_j = jnp.take(x, col, axis=0)
    edge_feat = jnp.concatenate([x_i, x_j], axis=-1)  # (E, 2*in_dim)
    h = edge_feat @ W1.T + b1
    h = jax.nn.relu(h)
    logits = (h @ W2.T + b2).squeeze(-1)  # (E,)
    m = jax.nn.sigmoid(logits / max(TEMPERATURE, 1e-06)).reshape(-1)
    return m

if __name__ == "__main__":
    import jax
    _d = setup_inputs()
    print(jax.jit(kernel)(*tuple(_d.values())))

</pallas_src>

<mosaic_0001>
#map = affine_map<(d0, d1) -> (0, 0)>
#map1 = affine_map<(d0, d1) -> (0, 0, 0, 0)>
#map2 = affine_map<(d0, d1) -> (0)>
module attributes {stable_mosaic.version = 14 : i64} {
  func.func @_edge_body(%arg0: i32, %arg1: i32, %arg2: memref<10000x64xi32, #tpu.memory_space<hbm>>, %arg3: memref<10000x64xi32, #tpu.memory_space<hbm>>, %arg4: memref<2x32x125x80xi32, #tpu.memory_space<hbm>>, %arg5: memref<64xi32, #tpu.memory_space<hbm>>, %arg6: memref<16xf32, #tpu.memory_space<hbm>>, %arg7: memref<320000xf32, #tpu.memory_space<hbm>>, %arg8: memref<125x80xi32, #tpu.memory_space<vmem>>, %arg9: memref<125x80xi32, #tpu.memory_space<vmem>>, %arg10: memref<4x80x64xi32, #tpu.memory_space<vmem>>, %arg11: memref<4x80x64xi32, #tpu.memory_space<vmem>>, %arg12: memref<80xf32, #tpu.memory_space<vmem>>, %arg13: memref<64xi32, #tpu.memory_space<vmem>>, %arg14: memref<16xf32, #tpu.memory_space<vmem>>, %arg15: memref<4x!tpu.dma_semaphore, #tpu.memory_space<semaphore_mem>>) attributes {dimension_semantics = [#tpu.dimension_semantics<core_parallel>, #tpu.dimension_semantics<subcore_parallel>], iteration_bounds = array<i64: 2, 16>, scalar_prefetch = 0 : i64, scratch_operands = 8 : i64, tpu.core_type = #tpu.core_type<sc_vector_subcore>, window_params = [{transform_indices = #map}, {transform_indices = #map}, {transform_indices = #map1}, {transform_indices = #map2}, {transform_indices = #map2}, {transform_indices = #map2}]} {
    %mul3A = arith.constant 2 : i32
    %mul3A_0 = arith.muli %arg1, %mul3A : i32
    %add3A = arith.addi %mul3A_0, %arg0 : i32
    %mul3A_1 = arith.constant 10000 : i32
    %mul3A_2 = arith.muli %add3A, %mul3A_1 : i32
    %run_scoped3A = arith.constant 0 : i32
    "tpu.region"() ({
      %run_scoped3A_148 = tpu.sem_alloc : memref<!tpu.dma_semaphore, #tpu.memory_space<semaphore_mem>>
      %dma_start3A_149 = arith.constant 0 : i32
      %dma_start3A_150 = arith.constant 0 : i32
      %dma_start3A_151 = tpu.memref_slice %arg4[%run_scoped3A, %add3A, %dma_start3A_149, %dma_start3A_150] : memref<2x32x125x80xi32, #tpu.memory_space<hbm>> -> memref<1x1x125x80xi32, #tpu.memory_space<hbm>>
      %dma_start3A_152 = tpu.memref_squeeze %dma_start3A_151 : memref<1x1x125x80xi32, #tpu.memory_space<hbm>> -> memref<125x80xi32, #tpu.memory_space<hbm>>
      %dma_start3A_153 = arith.constant 0 : i32
      %dma_start3A_154 = arith.constant 0 : i32
      %dma_start3A_155 = tpu.memref_slice %arg4[%run_scoped3A, %add3A, %dma_start3A_153, %dma_start3A_154] : memref<2x32x125x80xi32, #tpu.memory_space<hbm>> -> memref<1x1x125x80xi32, #tpu.memory_space<hbm>>
      %dma_start3A_156 = tpu.memref_squeeze %dma_start3A_155 : memref<1x1x125x80xi32, #tpu.memory_space<hbm>> -> memref<125x80xi32, #tpu.memory_space<hbm>>
      tpu.enqueue_dma source(%dma_start3A_156 : memref<125x80xi32, #tpu.memory_space<hbm>>) target(%arg8 : memref<125x80xi32, #tpu.memory_space<vmem>>) target_semaphore(%run_scoped3A_148 : memref<!tpu.dma_semaphore, #tpu.memory_space<semaphore_mem>>)
      %dma_wait3A_157 = arith.constant 0 : i32
      %dma_wait3A_158 = arith.constant 0 : i32
      %dma_wait3A_159 = tpu.memref_slice %arg4[%run_scoped3A, %add3A, %dma_wait3A_157, %dma_wait3A_158] : memref<2x32x125x80xi32, #tpu.memory_space<hbm>> -> memref<1x1x125x80xi32, #tpu.memory_space<hbm>>
      %dma_wait3A_160 = tpu.memref_squeeze %dma_wait3A_159 : memref<1x1x125x80xi32, #tpu.memory_space<hbm>> -> memref<125x80xi32, #tpu.memory_space<hbm>>
      %dma_wait3A_161 = arith.constant 0 : i32
      %dma_wait3A_162 = arith.constant 0 : i32
      %dma_wait3A_163 = tpu.memref_slice %arg4[%run_scoped3A, %add3A, %dma_wait3A_161, %dma_wait3A_162] : memref<2x32x125x80xi32, #tpu.memory_space<hbm>> -> memref<1x1x125x80xi32, #tpu.memory_space<hbm>>
      %dma_wait3A_164 = tpu.memref_squeeze %dma_wait3A_163 : memref<1x1x125x80xi32, #tpu.memory_space<hbm>> -> memref<125x80xi32, #tpu.memory_space<hbm>>
      tpu.wait_dma2 semaphore(%run_scoped3A_148 : memref<!tpu.dma_semaphore, #tpu.memory_space<semaphore_mem>>) src(%dma_wait3A_164 : memref<125x80xi32, #tpu.memory_space<hbm>>) dst(%arg8 : memref<125x80xi32, #tpu.memory_space<vmem>>)
      tpu.yield
    }) : () -> ()
    %run_scoped3A_3 = arith.constant 1 : i32
    "tpu.region"() ({
      %run_scoped3A_148 = tpu.sem_alloc : memref<!tpu.dma_semaphore, #tpu.memory_space<semaphore_mem>>
      %dma_start3A_149 = arith.constant 0 : i32
      %dma_start3A_150 = arith.constant 0 : i32
      %dma_start3A_151 = tpu.memref_slice %arg4[%run_scoped3A_3, %add3A, %dma_start3A_149, %dma_start3A_150] : memref<2x32x125x80xi32, #tpu.memory_space<hbm>> -> memref<1x1x125x80xi32, #tpu.memory_space<hbm>>
      %dma_start3A_152 = tpu.memref_squeeze %dma_start3A_151 : memref<1x1x125x80xi32, #tpu.memory_space<hbm>> -> memref<125x80xi32, #tpu.memory_space<hbm>>
      %dma_start3A_153 = arith.constant 0 : i32
      %dma_start3A_154 = arith.constant 0 : i32
      %dma_start3A_155 = tpu.memref_slice %arg4[%run_scoped3A_3, %add3A, %dma_start3A_153, %dma_start3A_154] : memref<2x32x125x80xi32, #tpu.memory_space<hbm>> -> memref<1x1x125x80xi32, #tpu.memory_space<hbm>>
      %dma_start3A_156 = tpu.memref_squeeze %dma_start3A_155 : memref<1x1x125x80xi32, #tpu.memory_space<hbm>> -> memref<125x80xi32, #tpu.memory_space<hbm>>
      tpu.enqueue_dma source(%dma_start3A_156 : memref<125x80xi32, #tpu.memory_space<hbm>>) target(%arg9 : memref<125x80xi32, #tpu.memory_space<vmem>>) target_semaphore(%run_scoped3A_148 : memref<!tpu.dma_semaphore, #tpu.memory_space<semaphore_mem>>)
      %dma_wait3A_157 = arith.constant 0 : i32
      %dma_wait3A_158 = arith.constant 0 : i32
      %dma_wait3A_159 = tpu.memref_slice %arg4[%run_scoped3A_3, %add3A, %dma_wait3A_157, %dma_wait3A_158] : memref<2x32x125x80xi32, #tpu.memory_space<hbm>> -> memref<1x1x125x80xi32, #tpu.memory_space<hbm>>
      %dma_wait3A_160 = tpu.memref_squeeze %dma_wait3A_159 : memref<1x1x125x80xi32, #tpu.memory_space<hbm>> -> memref<125x80xi32, #tpu.memory_space<hbm>>
      %dma_wait3A_161 = arith.constant 0 : i32
      %dma_wait3A_162 = arith.constant 0 : i32
      %dma_wait3A_163 = tpu.memref_slice %arg4[%run_scoped3A_3, %add3A, %dma_wait3A_161, %dma_wait3A_162] : memref<2x32x125x80xi32, #tpu.memory_space<hbm>> -> memref<1x1x125x80xi32, #tpu.memory_space<hbm>>
      %dma_wait3A_164 = tpu.memref_squeeze %dma_wait3A_163 : memref<1x1x125x80xi32, #tpu.memory_space<hbm>> -> memref<125x80xi32, #tpu.memory_space<hbm>>
      tpu.wait_dma2 semaphore(%run_scoped3A_148 : memref<!tpu.dma_semaphore, #tpu.memory_space<semaphore_mem>>) src(%dma_wait3A_164 : memref<125x80xi32, #tpu.memory_space<hbm>>) dst(%arg9 : memref<125x80xi32, #tpu.memory_space<vmem>>)
      tpu.yield
    }) : () -> ()
    "tpu.region"() ({
      %run_scoped3A_148 = tpu.sem_alloc : memref<!tpu.dma_semaphore, #tpu.memory_space<semaphore_mem>>
      tpu.enqueue_dma source(%arg5 : memref<64xi32, #tpu.memory_space<hbm>>) target(%arg13 : memref<64xi32, #tpu.memory_space<vmem>>) target_semaphore(%run_scoped3A_148 : memref<!tpu.dma_semaphore, #tpu.memory_space<semaphore_mem>>)
      tpu.wait_dma2 semaphore(%run_scoped3A_148 : memref<!tpu.dma_semaphore, #tpu.memory_space<semaphore_mem>>) src(%arg5 : memref<64xi32, #tpu.memory_space<hbm>>) dst(%arg13 : memref<64xi32, #tpu.memory_space<vmem>>)
      tpu.yield
    }) : () -> ()
    "tpu.region"() ({
      %run_scoped3A_148 = tpu.sem_alloc : memref<!tpu.dma_semaphore, #tpu.memory_space<semaphore_mem>>
      tpu.enqueue_dma source(%arg6 : memref<16xf32, #tpu.memory_space<hbm>>) target(%arg14 : memref<16xf32, #tpu.memory_space<vmem>>) target_semaphore(%run_scoped3A_148 : memref<!tpu.dma_semaphore, #tpu.memory_space<semaphore_mem>>)
      tpu.wait_dma2 semaphore(%run_scoped3A_148 : memref<!tpu.dma_semaphore, #tpu.memory_space<semaphore_mem>>) src(%arg6 : memref<16xf32, #tpu.memory_space<hbm>>) dst(%arg14 : memref<16xf32, #tpu.memory_space<vmem>>)
      tpu.yield
    }) : () -> ()
    %get3A = arith.constant 0 : index
    %get3A_4 = tpu.vector_load %arg14[%get3A] {strides = array<i32>} : memref<16xf32, #tpu.memory_space<vmem>>, vector<16xf32>,
    %get3A_5 = arith.constant 0 : index
    %get3A_6 = tpu.vector_load %arg13[%get3A_5] {strides = array<i32>} : memref<64xi32, #tpu.memory_space<vmem>>, vector<16xi32>,
    %bitcast3A = vector.bitcast %get3A_6 : vector<16xi32> to vector<32xbf16>
    %get3A_7 = arith.constant 16 : index
    %get3A_8 = tpu.vector_load %arg13[%get3A_7] {strides = array<i32>} : memref<64xi32, #tpu.memory_space<vmem>>, vector<16xi32>,
    %bitcast3A_9 = vector.bitcast %get3A_8 : vector<16xi32> to vector<32xbf16>
    %get3A_10 = arith.constant 32 : index
    %get3A_11 = tpu.vector_load %arg13[%get3A_10] {strides = array<i32>} : memref<64xi32, #tpu.memory_space<vmem>>, vector<16xi32>,
    %bitcast3A_12 = vector.bitcast %get3A_11 : vector<16xi32> to vector<32xbf16>
    %get3A_13 = arith.constant 48 : index
    %get3A_14 = tpu.vector_load %arg13[%get3A_13] {strides = array<i32>} : memref<64xi32, #tpu.memory_space<vmem>>, vector<16xi32>,
    %bitcast3A_15 = vector.bitcast %get3A_14 : vector<16xi32> to vector<32xbf16>
    %iota3A = tpu.iota {dimensions = array<i32: 0>} : vector<16xi32>
    %dma_start3A = arith.constant 0 : i32
    %dma_start3A_16 = arith.constant 0 : i32
    %dma_start3A_17 = arith.constant 0 : i32
    %dma_start3A_18 = arith.constant 0 : i32
    %dma_start3A_19 = arith.constant 0 : i32
    %dma_start3A_20 = tpu.memref_slice %arg10[%dma_start3A_16, %dma_start3A_18, %dma_start3A_19] : memref<4x80x64xi32, #tpu.memory_space<vmem>> -> memref<1x80x64xi32, #tpu.memory_space<vmem>>
    %dma_start3A_21 = tpu.memref_squeeze %dma_start3A_20 : memref<1x80x64xi32, #tpu.memory_space<vmem>> -> memref<80x64xi32, #tpu.memory_space<vmem>>
    %dma_start3A_22 = arith.constant 0 : i32
    %dma_start3A_23 = tpu.memref_slice %arg8[%dma_start3A, %dma_start3A_22] : memref<125x80xi32, #tpu.memory_space<vmem>> -> memref<1x80xi32, #tpu.memory_space<vmem>>
    %dma_start3A_24 = tpu.memref_squeeze %dma_start3A_23 : memref<1x80xi32, #tpu.memory_space<vmem>> -> memref<80xi32, #tpu.memory_space<vmem>>
    %dma_start3A_25 = arith.constant 0 : i32
    %dma_start3A_26 = arith.constant 0 : i32
    %dma_start3A_27 = tpu.memref_slice %arg2[%dma_start3A_25, %dma_start3A_26] : memref<10000x64xi32, #tpu.memory_space<hbm>> -> memref<10000x64xi32, #tpu.memory_space<hbm>>
    %dma_start3A_28 = tpu.memref_slice %arg15[%dma_start3A_17] : memref<4x!tpu.dma_semaphore, #tpu.memory_space<semaphore_mem>> -> memref<1x!tpu.dma_semaphore, #tpu.memory_space<semaphore_mem>>
    %dma_start3A_29 = tpu.memref_squeeze %dma_start3A_28 : memref<1x!tpu.dma_semaphore, #tpu.memory_space<semaphore_mem>> -> memref<!tpu.dma_semaphore, #tpu.memory_space<semaphore_mem>>
    tpu.enqueue_indirect_dma source(%dma_start3A_27 : memref<10000x64xi32, #tpu.memory_space<hbm>>) target(%dma_start3A_21 : memref<80x64xi32, #tpu.memory_space<vmem>>) offsets(%dma_start3A_24 : memref<80xi32, #tpu.memory_space<vmem>>) semaphore(%dma_start3A_29 : memref<!tpu.dma_semaphore, #tpu.memory_space<semaphore_mem>>)
    %dma_start3A_30 = arith.constant 0 : i32
    %dma_start3A_31 = arith.constant 0 : i32
    %dma_start3A_32 = arith.constant 0 : i32
    %dma_start3A_33 = arith.constant 0 : i32
    %dma_start3A_34 = arith.constant 0 : i32
    %dma_start3A_35 = tpu.memref_slice %arg11[%dma_start3A_31, %dma_start3A_33, %dma_start3A_34] : memref<4x80x64xi32, #tpu.memory_space<vmem>> -> memref<1x80x64xi32, #tpu.memory_space<vmem>>
    %dma_start3A_36 = tpu.memref_squeeze %dma_start3A_35 : memref<1x80x64xi32, #tpu.memory_space<vmem>> -> memref<80x64xi32, #tpu.memory_space<vmem>>
    %dma_start3A_37 = arith.constant 0 : i32
    %dma_start3A_38 = tpu.memref_slice %arg9[%dma_start3A_30, %dma_start3A_37] : memref<125x80xi32, #tpu.memory_space<vmem>> -> memref<1x80xi32, #tpu.memory_space<vmem>>
    %dma_start3A_39 = tpu.memref_squeeze %dma_start3A_38 : memref<1x80xi32, #tpu.memory_space<vmem>> -> memref<80xi32, #tpu.memory_space<vmem>>
    %dma_start3A_40 = arith.constant 0 : i32
    %dma_start3A_41 = arith.constant 0 : i32
    %dma_start3A_42 = tpu.memref_slice %arg3[%dma_start3A_40, %dma_start3A_41] : memref<10000x64xi32, #tpu.memory_space<hbm>> -> memref<10000x64xi32, #tpu.memory_space<hbm>>
    %dma_start3A_43 = tpu.memref_slice %arg15[%dma_start3A_32] : memref<4x!tpu.dma_semaphore, #tpu.memory_space<semaphore_mem>> -> memref<1x!tpu.dma_semaphore, #tpu.memory_space<semaphore_mem>>
    %dma_start3A_44 = tpu.memref_squeeze %dma_start3A_43 : memref<1x!tpu.dma_semaphore, #tpu.memory_space<semaphore_mem>> -> memref<!tpu.dma_semaphore, #tpu.memory_space<semaphore_mem>>
    tpu.enqueue_indirect_dma source(%dma_start3A_42 : memref<10000x64xi32, #tpu.memory_space<hbm>>) target(%dma_start3A_36 : memref<80x64xi32, #tpu.memory_space<vmem>>) offsets(%dma_start3A_39 : memref<80xi32, #tpu.memory_space<vmem>>) semaphore(%dma_start3A_44 : memref<!tpu.dma_semaphore, #tpu.memory_space<semaphore_mem>>)
    %dma_start3A_45 = arith.constant 1 : i32
    %dma_start3A_46 = arith.constant 1 : i32
    %dma_start3A_47 = arith.constant 1 : i32
    %dma_start3A_48 = arith.constant 0 : i32
    %dma_start3A_49 = arith.constant 0 : i32
    %dma_start3A_50 = tpu.memref_slice %arg10[%dma_start3A_46, %dma_start3A_48, %dma_start3A_49] : memref<4x80x64xi32, #tpu.memory_space<vmem>> -> memref<1x80x64xi32, #tpu.memory_space<vmem>>
    %dma_start3A_51 = tpu.memref_squeeze %dma_start3A_50 : memref<1x80x64xi32, #tpu.memory_space<vmem>> -> memref<80x64xi32, #tpu.memory_space<vmem>>
    %dma_start3A_52 = arith.constant 0 : i32
    %dma_start3A_53 = tpu.memref_slice %arg8[%dma_start3A_45, %dma_start3A_52] : memref<125x80xi32, #tpu.memory_space<vmem>> -> memref<1x80xi32, #tpu.memory_space<vmem>>
    %dma_start3A_54 = tpu.memref_squeeze %dma_start3A_53 : memref<1x80xi32, #tpu.memory_space<vmem>> -> memref<80xi32, #tpu.memory_space<vmem>>
    %dma_start3A_55 = arith.constant 0 : i32
    %dma_start3A_56 = arith.constant 0 : i32
    %dma_start3A_57 = tpu.memref_slice %arg2[%dma_start3A_55, %dma_start3A_56] : memref<10000x64xi32, #tpu.memory_space<hbm>> -> memref<10000x64xi32, #tpu.memory_space<hbm>>
    %dma_start3A_58 = tpu.memref_slice %arg15[%dma_start3A_47] : memref<4x!tpu.dma_semaphore, #tpu.memory_space<semaphore_mem>> -> memref<1x!tpu.dma_semaphore, #tpu.memory_space<semaphore_mem>>
    %dma_start3A_59 = tpu.memref_squeeze %dma_start3A_58 : memref<1x!tpu.dma_semaphore, #tpu.memory_space<semaphore_mem>> -> memref<!tpu.dma_semaphore, #tpu.memory_space<semaphore_mem>>
    tpu.enqueue_indirect_dma source(%dma_start3A_57 : memref<10000x64xi32, #tpu.memory_space<hbm>>) target(%dma_start3A_51 : memref<80x64xi32, #tpu.memory_space<vmem>>) offsets(%dma_start3A_54 : memref<80xi32, #tpu.memory_space<vmem>>) semaphore(%dma_start3A_59 : memref<!tpu.dma_semaphore, #tpu.memory_space<semaphore_mem>>)
    %dma_start3A_60 = arith.constant 1 : i32
    %dma_start3A_61 = arith.constant 1 : i32
    %dma_start3A_62 = arith.constant 1 : i32
    %dma_start3A_63 = arith.constant 0 : i32
    %dma_start3A_64 = arith.constant 0 : i32
    %dma_start3A_65 = tpu.memref_slice %arg11[%dma_start3A_61, %dma_start3A_63, %dma_start3A_64] : memref<4x80x64xi32, #tpu.memory_space<vmem>> -> memref<1x80x64xi32, #tpu.memory_space<vmem>>
    %dma_start3A_66 = tpu.memref_squeeze %dma_start3A_65 : memref<1x80x64xi32, #tpu.memory_space<vmem>> -> memref<80x64xi32, #tpu.memory_space<vmem>>
    %dma_start3A_67 = arith.constant 0 : i32
    %dma_start3A_68 = tpu.memref_slice %arg9[%dma_start3A_60, %dma_start3A_67] : memref<125x80xi32, #tpu.memory_space<vmem>> -> memref<1x80xi32, #tpu.memory_space<vmem>>
    %dma_start3A_69 = tpu.memref_squeeze %dma_start3A_68 : memref<1x80xi32, #tpu.memory_space<vmem>> -> memref<80xi32, #tpu.memory_space<vmem>>
    %dma_start3A_70 = arith.constant 0 : i32
    %dma_start3A_71 = arith.constant 0 : i32
    %dma_start3A_72 = tpu.memref_slice %arg3[%dma_start3A_70, %dma_start3A_71] : memref<10000x64xi32, #tpu.memory_space<hbm>> -> memref<10000x64xi32, #tpu.memory_space<hbm>>
    %dma_start3A_73 = tpu.memref_slice %arg15[%dma_start3A_62] : memref<4x!tpu.dma_semaphore, #tpu.memory_space<semaphore_mem>> -> memref<1x!tpu.dma_semaphore, #tpu.memory_space<semaphore_mem>>
    %dma_start3A_74 = tpu.memref_squeeze %dma_start3A_73 : memref<1x!tpu.dma_semaphore, #tpu.memory_space<semaphore_mem>> -> memref<!tpu.dma_semaphore, #tpu.memory_space<semaphore_mem>>
    tpu.enqueue_indirect_dma source(%dma_start3A_72 : memref<10000x64xi32, #tpu.memory_space<hbm>>) target(%dma_start3A_66 : memref<80x64xi32, #tpu.memory_space<vmem>>) offsets(%dma_start3A_69 : memref<80xi32, #tpu.memory_space<vmem>>) semaphore(%dma_start3A_74 : memref<!tpu.dma_semaphore, #tpu.memory_space<semaphore_mem>>)
    %dma_start3A_75 = arith.constant 2 : i32
    %dma_start3A_76 = arith.constant 2 : i32
    %dma_start3A_77 = arith.constant 2 : i32
    %dma_start3A_78 = arith.constant 0 : i32
    %dma_start3A_79 = arith.constant 0 : i32
    %dma_start3A_80 = tpu.memref_slice %arg10[%dma_start3A_76, %dma_start3A_78, %dma_start3A_79] : memref<4x80x64xi32, #tpu.memory_space<vmem>> -> memref<1x80x64xi32, #tpu.memory_space<vmem>>
    %dma_start3A_81 = tpu.memref_squeeze %dma_start3A_80 : memref<1x80x64xi32, #tpu.memory_space<vmem>> -> memref<80x64xi32, #tpu.memory_space<vmem>>
    %dma_start3A_82 = arith.constant 0 : i32
    %dma_start3A_83 = tpu.memref_slice %arg8[%dma_start3A_75, %dma_start3A_82] : memref<125x80xi32, #tpu.memory_space<vmem>> -> memref<1x80xi32, #tpu.memory_space<vmem>>
    %dma_start3A_84 = tpu.memref_squeeze %dma_start3A_83 : memref<1x80xi32, #tpu.memory_space<vmem>> -> memref<80xi32, #tpu.memory_space<vmem>>
    %dma_start3A_85 = arith.constant 0 : i32
    %dma_start3A_86 = arith.constant 0 : i32
    %dma_start3A_87 = tpu.memref_slice %arg2[%dma_start3A_85, %dma_start3A_86] : memref<10000x64xi32, #tpu.memory_space<hbm>> -> memref<10000x64xi32, #tpu.memory_space<hbm>>
    %dma_start3A_88 = tpu.memref_slice %arg15[%dma_start3A_77] : memref<4x!tpu.dma_semaphore, #tpu.memory_space<semaphore_mem>> -> memref<1x!tpu.dma_semaphore, #tpu.memory_space<semaphore_mem>>
    %dma_start3A_89 = tpu.memref_squeeze %dma_start3A_88 : memref<1x!tpu.dma_semaphore, #tpu.memory_space<semaphore_mem>> -> memref<!tpu.dma_semaphore, #tpu.memory_space<semaphore_mem>>
    tpu.enqueue_indirect_dma source(%dma_start3A_87 : memref<10000x64xi32, #tpu.memory_space<hbm>>) target(%dma_start3A_81 : memref<80x64xi32, #tpu.memory_space<vmem>>) offsets(%dma_start3A_84 : memref<80xi32, #tpu.memory_space<vmem>>) semaphore(%dma_start3A_89 : memref<!tpu.dma_semaphore, #tpu.memory_space<semaphore_mem>>)
    %dma_start3A_90 = arith.constant 2 : i32
    %dma_start3A_91 = arith.constant 2 : i32
    %dma_start3A_92 = arith.constant 2 : i32
    %dma_start3A_93 = arith.constant 0 : i32
    %dma_start3A_94 = arith.constant 0 : i32
    %dma_start3A_95 = tpu.memref_slice %arg11[%dma_start3A_91, %dma_start3A_93, %dma_start3A_94] : memref<4x80x64xi32, #tpu.memory_space<vmem>> -> memref<1x80x64xi32, #tpu.memory_space<vmem>>
    %dma_start3A_96 = tpu.memref_squeeze %dma_start3A_95 : memref<1x80x64xi32, #tpu.memory_space<vmem>> -> memref<80x64xi32, #tpu.memory_space<vmem>>
    %dma_start3A_97 = arith.constant 0 : i32
    %dma_start3A_98 = tpu.memref_slice %arg9[%dma_start3A_90, %dma_start3A_97] : memref<125x80xi32, #tpu.memory_space<vmem>> -> memref<1x80xi32, #tpu.memory_space<vmem>>
    %dma_start3A_99 = tpu.memref_squeeze %dma_start3A_98 : memref<1x80xi32, #tpu.memory_space<vmem>> -> memref<80xi32, #tpu.memory_space<vmem>>
    %dma_start3A_100 = arith.constant 0 : i32
    %dma_start3A_101 = arith.constant 0 : i32
    %dma_start3A_102 = tpu.memref_slice %arg3[%dma_start3A_100, %dma_start3A_101] : memref<10000x64xi32, #tpu.memory_space<hbm>> -> memref<10000x64xi32, #tpu.memory_space<hbm>>
    %dma_start3A_103 = tpu.memref_slice %arg15[%dma_start3A_92] : memref<4x!tpu.dma_semaphore, #tpu.memory_space<semaphore_mem>> -> memref<1x!tpu.dma_semaphore, #tpu.memory_space<semaphore_mem>>
    %dma_start3A_104 = tpu.memref_squeeze %dma_start3A_103 : memref<1x!tpu.dma_semaphore, #tpu.memory_space<semaphore_mem>> -> memref<!tpu.dma_semaphore, #tpu.memory_space<semaphore_mem>>
    tpu.enqueue_indirect_dma source(%dma_start3A_102 : memref<10000x64xi32, #tpu.memory_space<hbm>>) target(%dma_start3A_96 : memref<80x64xi32, #tpu.memory_space<vmem>>) offsets(%dma_start3A_99 : memref<80xi32, #tpu.memory_space<vmem>>) semaphore(%dma_start3A_104 : memref<!tpu.dma_semaphore, #tpu.memory_space<semaphore_mem>>)
    %scan3A = arith.constant 0 : i32
    %scan3A_105 = arith.constant 31 : i32
    %scan3A_106 = arith.addi %scan3A, %scan3A_105 : i32
    %scan3A_107 = arith.constant 1 : i32
    scf.for %scan3A_148 = %scan3A to %scan3A_106 step %scan3A_107  : i32 {
      %mul3A_149 = arith.constant 4 : i32
      %mul3A_150 = arith.muli %scan3A_148, %mul3A_149 : i32
      %add3A_151 = arith.constant 0 : i32
      %add3A_152 = arith.addi %add3A_151, %mul3A_150 : i32
      %add3A_153 = arith.constant 0 : i32
      %add3A_154 = arith.addi %add3A_152, %add3A_153 : i32
      %add3A_155 = arith.constant 3 : i32
      %add3A_156 = arith.addi %add3A_154, %add3A_155 : i32
      %lt3A = arith.constant 125 : i32
      %lt3A_157 = arith.cmpi slt, %add3A_156, %lt3A : i32
      %convert_element_type3A = arith.extui %lt3A_157 : i1 to i32
      %cond3A = arith.constant 0 : i32
      %cond3A_158 = arith.cmpi ne, %convert_element_type3A, %cond3A : i32
      scf.if %cond3A_158 {
        %add3A_342 = arith.constant 3 : i32
        %add3A_343 = arith.addi %add3A_154, %add3A_342 : i32
        %dma_start3A_344 = arith.constant 3 : i32
        %dma_start3A_345 = arith.constant 3 : i32
        %dma_start3A_346 = arith.constant 0 : i32
        %dma_start3A_347 = arith.constant 0 : i32
        %dma_start3A_348 = tpu.memref_slice %arg10[%dma_start3A_344, %dma_start3A_346, %dma_start3A_347] : memref<4x80x64xi32, #tpu.memory_space<vmem>> -> memref<1x80x64xi32, #tpu.memory_space<vmem>>
        %dma_start3A_349 = tpu.memref_squeeze %dma_start3A_348 : memref<1x80x64xi32, #tpu.memory_space<vmem>> -> memref<80x64xi32, #tpu.memory_space<vmem>>
        %dma_start3A_350 = arith.constant 0 : i32
        %dma_start3A_351 = tpu.memref_slice %arg8[%add3A_343, %dma_start3A_350] : memref<125x80xi32, #tpu.memory_space<vmem>> -> memref<1x80xi32, #tpu.memory_space<vmem>>
        %dma_start3A_352 = tpu.memref_squeeze %dma_start3A_351 : memref<1x80xi32, #tpu.memory_space<vmem>> -> memref<80xi32, #tpu.memory_space<vmem>>
        %dma_start3A_353 = arith.constant 0 : i32
        %dma_start3A_354 = arith.constant 0 : i32
        %dma_start3A_355 = tpu.memref_slice %arg2[%dma_start3A_353, %dma_start3A_354] : memref<10000x64xi32, #tpu.memory_space<hbm>> -> memref<10000x64xi32, #tpu.memory_space<hbm>>
        %dma_start3A_356 = tpu.memref_slice %arg15[%dma_start3A_345] : memref<4x!tpu.dma_semaphore, #tpu.memory_space<semaphore_mem>> -> memref<1x!tpu.dma_semaphore, #tpu.memory_space<semaphore_mem>>
        %dma_start3A_357 = tpu.memref_squeeze %dma_start3A_356 : memref<1x!tpu.dma_semaphore, #tpu.memory_space<semaphore_mem>> -> memref<!tpu.dma_semaphore, #tpu.memory_space<semaphore_mem>>
        tpu.enqueue_indirect_dma source(%dma_start3A_355 : memref<10000x64xi32, #tpu.memory_space<hbm>>) target(%dma_start3A_349 : memref<80x64xi32, #tpu.memory_space<vmem>>) offsets(%dma_start3A_352 : memref<80xi32, #tpu.memory_space<vmem>>) semaphore(%dma_start3A_357 : memref<!tpu.dma_semaphore, #tpu.memory_space<semaphore_mem>>)
        %dma_start3A_358 = arith.constant 3 : i32
        %dma_start3A_359 = arith.constant 3 : i32
        %dma_start3A_360 = arith.constant 0 : i32
        %dma_start3A_361 = arith.constant 0 : i32
        %dma_start3A_362 = tpu.memref_slice %arg11[%dma_start3A_358, %dma_start3A_360, %dma_start3A_361] : memref<4x80x64xi32, #tpu.memory_space<vmem>> -> memref<1x80x64xi32, #tpu.memory_space<vmem>>
        %dma_start3A_363 = tpu.memref_squeeze %dma_start3A_362 : memref<1x80x64xi32, #tpu.memory_space<vmem>> -> memref<80x64xi32, #tpu.memory_space<vmem>>
        %dma_start3A_364 = arith.constant 0 : i32
        %dma_start3A_365 = tpu.memref_slice %arg9[%add3A_343, %dma_start3A_364] : memref<125x80xi32, #tpu.memory_space<vmem>> -> memref<1x80xi32, #tpu.memory_space<vmem>>
        %dma_start3A_366 = tpu.memref_squeeze %dma_start3A_365 : memref<1x80xi32, #tpu.memory_space<vmem>> -> memref<80xi32, #tpu.memory_space<vmem>>
        %dma_start3A_367 = arith.constant 0 : i32
        %dma_start3A_368 = arith.constant 0 : i32
        %dma_start3A_369 = tpu.memref_slice %arg3[%dma_start3A_367, %dma_start3A_368] : memref<10000x64xi32, #tpu.memory_space<hbm>> -> memref<10000x64xi32, #tpu.memory_space<hbm>>
        %dma_start3A_370 = tpu.memref_slice %arg15[%dma_start3A_359] : memref<4x!tpu.dma_semaphore, #tpu.memory_space<semaphore_mem>> -> memref<1x!tpu.dma_semaphore, #tpu.memory_space<semaphore_mem>>
        %dma_start3A_371 = tpu.memref_squeeze %dma_start3A_370 : memref<1x!tpu.dma_semaphore, #tpu.memory_space<semaphore_mem>> -> memref<!tpu.dma_semaphore, #tpu.memory_space<semaphore_mem>>
        tpu.enqueue_indirect_dma source(%dma_start3A_369 : memref<10000x64xi32, #tpu.memory_space<hbm>>) target(%dma_start3A_363 : memref<80x64xi32, #tpu.memory_space<vmem>>) offsets(%dma_start3A_366 : memref<80xi32, #tpu.memory_space<vmem>>) semaphore(%dma_start3A_371 : memref<!tpu.dma_semaphore, #tpu.memory_space<semaphore_mem>>)
      } else {
      }
      %dma_wait3A_159 = arith.constant 0 : i32
      %dma_wait3A_160 = arith.constant 0 : i32
      %dma_wait3A_161 = arith.constant 0 : i32
      %dma_wait3A_162 = arith.constant 0 : i32
      %dma_wait3A_163 = tpu.memref_slice %arg10[%dma_wait3A_159, %dma_wait3A_161, %dma_wait3A_162] : memref<4x80x64xi32, #tpu.memory_space<vmem>> -> memref<1x80x64xi32, #tpu.memory_space<vmem>>
      %dma_wait3A_164 = tpu.memref_squeeze %dma_wait3A_163 : memref<1x80x64xi32, #tpu.memory_space<vmem>> -> memref<80x64xi32, #tpu.memory_space<vmem>>
      %dma_wait3A_165 = arith.constant 0 : i32
      %dma_wait3A_166 = tpu.memref_slice %arg8[%add3A_154, %dma_wait3A_165] : memref<125x80xi32, #tpu.memory_space<vmem>> -> memref<1x80xi32, #tpu.memory_space<vmem>>
      %dma_wait3A_167 = tpu.memref_squeeze %dma_wait3A_166 : memref<1x80xi32, #tpu.memory_space<vmem>> -> memref<80xi32, #tpu.memory_space<vmem>>
      %dma_wait3A_168 = arith.constant 0 : i32
      %dma_wait3A_169 = arith.constant 0 : i32
      %dma_wait3A_170 = tpu.memref_slice %arg2[%dma_wait3A_168, %dma_wait3A_169] : memref<10000x64xi32, #tpu.memory_space<hbm>> -> memref<10000x64xi32, #tpu.memory_space<hbm>>
      %dma_wait3A_171 = tpu.memref_slice %arg15[%dma_wait3A_160] : memref<4x!tpu.dma_semaphore, #tpu.memory_space<semaphore_mem>> -> memref<1x!tpu.dma_semaphore, #tpu.memory_space<semaphore_mem>>
      %dma_wait3A_172 = tpu.memref_squeeze %dma_wait3A_171 : memref<1x!tpu.dma_semaphore, #tpu.memory_space<semaphore_mem>> -> memref<!tpu.dma_semaphore, #tpu.memory_space<semaphore_mem>>
      tpu.wait_indirect_dma semaphore(%dma_wait3A_172 : memref<!tpu.dma_semaphore, #tpu.memory_space<semaphore_mem>>) src(%dma_wait3A_170 : memref<10000x64xi32, #tpu.memory_space<hbm>>) dst(%dma_wait3A_164 : memref<80x64xi32, #tpu.memory_space<vmem>>)
      %dma_wait3A_173 = arith.constant 0 : i32
      %dma_wait3A_174 = arith.constant 0 : i32
      %dma_wait3A_175 = arith.constant 0 : i32
      %dma_wait3A_176 = arith.constant 0 : i32
      %dma_wait3A_177 = tpu.memref_slice %arg11[%dma_wait3A_173, %dma_wait3A_175, %dma_wait3A_176] : memref<4x80x64xi32, #tpu.memory_space<vmem>> -> memref<1x80x64xi32, #tpu.memory_space<vmem>>
      %dma_wait3A_178 = tpu.memref_squeeze %dma_wait3A_177 : memref<1x80x64xi32, #tpu.memory_space<vmem>> -> memref<80x64xi32, #tpu.memory_space<vmem>>
      %dma_wait3A_179 = arith.constant 0 : i32
      %dma_wait3A_180 = tpu.memref_slice %arg9[%add3A_154, %dma_wait3A_179] : memref<125x80xi32, #tpu.memory_space<vmem>> -> memref<1x80xi32, #tpu.memory_space<vmem>>
      %dma_wait3A_181 = tpu.memref_squeeze %dma_wait3A_180 : memref<1x80xi32, #tpu.memory_space<vmem>> -> memref<80xi32, #tpu.memory_space<vmem>>
      %dma_wait3A_182 = arith.constant 0 : i32
      %dma_wait3A_183 = arith.constant 0 : i32
      %dma_wait3A_184 = tpu.memref_slice %arg3[%dma_wait3A_182, %dma_wait3A_183] : memref<10000x64xi32, #tpu.memory_space<hbm>> -> memref<10000x64xi32, #tpu.memory_space<hbm>>
      %dma_wait3A_185 = tpu.memref_slice %arg15[%dma_wait3A_174] : memref<4x!tpu.dma_semaphore, #tpu.memory_space<semaphore_mem>> -> memref<1x!tpu.dma_semaphore, #tpu.memory_space<semaphore_mem>>
      %dma_wait3A_186 = tpu.memref_squeeze %dma_wait3A_185 : memref<1x!tpu.dma_semaphore, #tpu.memory_space<semaphore_mem>> -> memref<!tpu.dma_semaphore, #tpu.memory_space<semaphore_mem>>
      tpu.wait_indirect_dma semaphore(%dma_wait3A_186 : memref<!tpu.dma_semaphore, #tpu.memory_space<semaphore_mem>>) src(%dma_wait3A_184 : memref<10000x64xi32, #tpu.memory_space<hbm>>) dst(%dma_wait3A_178 : memref<80x64xi32, #tpu.memory_space<vmem>>)
      %scan3A_187 = arith.constant 0 : i32
      %scan3A_188 = arith.constant 0 : i32
      %scan3A_189 = arith.constant 0 : i32
      %scan3A_190 = arith.constant 0 : i32
      %scan3A_191 = arith.constant 5 : i32
      %scan3A_192 = arith.addi %scan3A_190, %scan3A_191 : i32
      %scan3A_193 = arith.constant 1 : i32
      scf.for %scan3A_342 = %scan3A_190 to %scan3A_192 step %scan3A_193  : i32 {
        %broadcast_in_dim3A = arith.constant 0.000000e+00 : f32
        %broadcast_in_dim3A_343 = vector.broadcast %broadcast_in_dim3A : f32 to vector<16xf32>
        %scan3A_344 = arith.constant 0 : i32
        %scan3A_345 = arith.constant 16 : i32
        %scan3A_346 = arith.addi %scan3A_344, %scan3A_345 : i32
        %scan3A_347 = arith.constant 4 : i32
        %scan3A_348 = scf.for %scan3A_361 = %scan3A_344 to %scan3A_346 step %scan3A_347 iter_args(%scan3A_362 = %broadcast_in_dim3A_343) -> (vector<16xf32>)  : i32 {
          %mul3A_363 = arith.constant 16 : i32
          %mul3A_364 = arith.muli %scan3A_342, %mul3A_363 : i32
          %add3A_365 = arith.addi %mul3A_364, %scan3A_361 : i32
          %get3A_366 = arith.constant 0 : i32
          %get3A_367 = arith.constant 0 : i32
          %get3A_368 = tpu.memref_slice %arg10[%scan3A_188, %get3A_366, %get3A_367] : memref<4x80x64xi32, #tpu.memory_space<vmem>> -> memref<1x80x64xi32, #tpu.memory_space<vmem>>
          %get3A_369 = tpu.memref_squeeze %get3A_368 : memref<1x80x64xi32, #tpu.memory_space<vmem>> -> memref<80x64xi32, #tpu.memory_space<vmem>>
          %get3A_370 = arith.index_cast %add3A_365 : i32 to index
          %get3A_371 = arith.constant 0 : index
          %get3A_372 = tpu.vector_load %get3A_369[%get3A_370, %get3A_371] {strides = array<i32>} : memref<80x64xi32, #tpu.memory_space<vmem>>, vector<16xi32>,
          %bitcast3A_373 = vector.bitcast %get3A_372 : vector<16xi32> to vector<32xbf16>
          %get3A_374 = arith.constant 0 : i32
          %get3A_375 = arith.constant 0 : i32
          %get3A_376 = tpu.memref_slice %arg11[%scan3A_189, %get3A_374, %get3A_375] : memref<4x80x64xi32, #tpu.memory_space<vmem>> -> memref<1x80x64xi32, #tpu.memory_space<vmem>>
          %get3A_377 = tpu.memref_squeeze %get3A_376 : memref<1x80x64xi32, #tpu.memory_space<vmem>> -> memref<80x64xi32, #tpu.memory_space<vmem>>
          %get3A_378 = arith.index_cast %add3A_365 : i32 to index
          %get3A_379 = arith.constant 0 : index
          %get3A_380 = tpu.vector_load %get3A_377[%get3A_378, %get3A_379] {strides = array<i32>} : memref<80x64xi32, #tpu.memory_space<vmem>>, vector<16xi32>,
          %bitcast3A_381 = vector.bitcast %get3A_380 : vector<16xi32> to vector<32xbf16>
          %add3A_382 = arith.addf %bitcast3A_373, %bitcast3A_381 : vector<32xbf16>
          %max3A = arith.constant 0.000000e+00 : bf16
          %max3A_383 = vector.broadcast %max3A : bf16 to vector<32xbf16>
          %max3A_384 = arith.maximumf %add3A_382, %max3A_383 : vector<32xbf16>
          %mul3A_385 = arith.mulf %max3A_384, %bitcast3A : vector<32xbf16>
          %get3A_386 = arith.constant 0 : i32
          %get3A_387 = arith.constant 0 : i32
          %get3A_388 = tpu.memref_slice %arg10[%scan3A_188, %get3A_386, %get3A_387] : memref<4x80x64xi32, #tpu.memory_space<vmem>> -> memref<1x80x64xi32, #tpu.memory_space<vmem>>
          %get3A_389 = tpu.memref_squeeze %get3A_388 : memref<1x80x64xi32, #tpu.memory_space<vmem>> -> memref<80x64xi32, #tpu.memory_space<vmem>>
          %get3A_390 = arith.index_cast %add3A_365 : i32 to index
          %get3A_391 = arith.constant 16 : index
          %get3A_392 = tpu.vector_load %get3A_389[%get3A_390, %get3A_391] {strides = array<i32>} : memref<80x64xi32, #tpu.memory_space<vmem>>, vector<16xi32>,
          %bitcast3A_393 = vector.bitcast %get3A_392 : vector<16xi32> to vector<32xbf16>
          %get3A_394 = arith.constant 0 : i32
          %get3A_395 = arith.constant 0 : i32
          %get3A_396 = tpu.memref_slice %arg11[%scan3A_189, %get3A_394, %get3A_395] : memref<4x80x64xi32, #tpu.memory_space<vmem>> -> memref<1x80x64xi32, #tpu.memory_space<vmem>>
          %get3A_397 = tpu.memref_squeeze %get3A_396 : memref<1x80x64xi32, #tpu.memory_space<vmem>> -> memref<80x64xi32, #tpu.memory_space<vmem>>
          %get3A_398 = arith.index_cast %add3A_365 : i32 to index
          %get3A_399 = arith.constant 16 : index
          %get3A_400 = tpu.vector_load %get3A_397[%get3A_398, %get3A_399] {strides = array<i32>} : memref<80x64xi32, #tpu.memory_space<vmem>>, vector<16xi32>,
          %bitcast3A_401 = vector.bitcast %get3A_400 : vector<16xi32> to vector<32xbf16>
          %add3A_402 = arith.addf %bitcast3A_393, %bitcast3A_401 : vector<32xbf16>
          %max3A_403 = arith.constant 0.000000e+00 : bf16
          %max3A_404 = vector.broadcast %max3A_403 : bf16 to vector<32xbf16>
          %max3A_405 = arith.maximumf %add3A_402, %max3A_404 : vector<32xbf16>
          %mul3A_406 = arith.mulf %max3A_405, %bitcast3A_9 : vector<32xbf16>
          %add3A_407 = arith.addf %mul3A_385, %mul3A_406 : vector<32xbf16>
          %get3A_408 = arith.constant 0 : i32
          %get3A_409 = arith.constant 0 : i32
          %get3A_410 = tpu.memref_slice %arg10[%scan3A_188, %get3A_408, %get3A_409] : memref<4x80x64xi32, #tpu.memory_space<vmem>> -> memref<1x80x64xi32, #tpu.memory_space<vmem>>
          %get3A_411 = tpu.memref_squeeze %get3A_410 : memref<1x80x64xi32, #tpu.memory_space<vmem>> -> memref<80x64xi32, #tpu.memory_space<vmem>>
          %get3A_412 = arith.index_cast %add3A_365 : i32 to index
          %get3A_413 = arith.constant 32 : index
          %get3A_414 = tpu.vector_load %get3A_411[%get3A_412, %get3A_413] {strides = array<i32>} : memref<80x64xi32, #tpu.memory_space<vmem>>, vector<16xi32>,
          %bitcast3A_415 = vector.bitcast %get3A_414 : vector<16xi32> to vector<32xbf16>
          %get3A_416 = arith.constant 0 : i32
          %get3A_417 = arith.constant 0 : i32
          %get3A_418 = tpu.memref_slice %arg11[%scan3A_189, %get3A_416, %get3A_417] : memref<4x80x64xi32, #tpu.memory_space<vmem>> -> memref<1x80x64xi32, #tpu.memory_space<vmem>>
          %get3A_419 = tpu.memref_squeeze %get3A_418 : memref<1x80x64xi32, #tpu.memory_space<vmem>> -> memref<80x64xi32, #tpu.memory_space<vmem>>
          %get3A_420 = arith.index_cast %add3A_365 : i32 to index
          %get3A_421 = arith.constant 32 : index
          %get3A_422 = tpu.vector_load %get3A_419[%get3A_420, %get3A_421] {strides = array<i32>} : memref<80x64xi32, #tpu.memory_space<vmem>>, vector<16xi32>,
          %bitcast3A_423 = vector.bitcast %get3A_422 : vector<16xi32> to vector<32xbf16>
          %add3A_424 = arith.addf %bitcast3A_415, %bitcast3A_423 : vector<32xbf16>
          %max3A_425 = arith.constant 0.000000e+00 : bf16
          %max3A_426 = vector.broadcast %max3A_425 : bf16 to vector<32xbf16>
          %max3A_427 = arith.maximumf %add3A_424, %max3A_426 : vector<32xbf16>
          %mul3A_428 = arith.mulf %max3A_427, %bitcast3A_12 : vector<32xbf16>
          %add3A_429 = arith.addf %add3A_407, %mul3A_428 : vector<32xbf16>
          %get3A_430 = arith.constant 0 : i32
          %get3A_431 = arith.constant 0 : i32
          %get3A_432 = tpu.memref_slice %arg10[%scan3A_188, %get3A_430, %get3A_431] : memref<4x80x64xi32, #tpu.memory_space<vmem>> -> memref<1x80x64xi32, #tpu.memory_space<vmem>>
          %get3A_433 = tpu.memref_squeeze %get3A_432 : memref<1x80x64xi32, #tpu.memory_space<vmem>> -> memref<80x64xi32, #tpu.memory_space<vmem>>
          %get3A_434 = arith.index_cast %add3A_365 : i32 to index
          %get3A_435 = arith.constant 48 : index
          %get3A_436 = tpu.vector_load %get3A_433[%get3A_434, %get3A_435] {strides = array<i32>} : memref<80x64xi32, #tpu.memory_space<vmem>>, vector<16xi32>,
          %bitcast3A_437 = vector.bitcast %get3A_436 : vector<16xi32> to vector<32xbf16>
          %get3A_438 = arith.constant 0 : i32
          %get3A_439 = arith.constant 0 : i32
          %get3A_440 = tpu.memref_slice %arg11[%scan3A_189, %get3A_438, %get3A_439] : memref<4x80x64xi32, #tpu.memory_space<vmem>> -> memref<1x80x64xi32, #tpu.memory_space<vmem>>
          %get3A_441 = tpu.memref_squeeze %get3A_440 : memref<1x80x64xi32, #tpu.memory_space<vmem>> -> memref<80x64xi32, #tpu.memory_space<vmem>>
          %get3A_442 = arith.index_cast %add3A_365 : i32 to index
          %get3A_443 = arith.constant 48 : index
          %get3A_444 = tpu.vector_load %get3A_441[%get3A_442, %get3A_443] {strides = array<i32>} : memref<80x64xi32, #tpu.memory_space<vmem>>, vector<16xi32>,
          %bitcast3A_445 = vector.bitcast %get3A_444 : vector<16xi32> to vector<32xbf16>
          %add3A_446 = arith.addf %bitcast3A_437, %bitcast3A_445 : vector<32xbf16>
          %max3A_447 = arith.constant 0.000000e+00 : bf16
          %max3A_448 = vector.broadcast %max3A_447 : bf16 to vector<32xbf16>
          %max3A_449 = arith.maximumf %add3A_446, %max3A_448 : vector<32xbf16>
          %mul3A_450 = arith.mulf %max3A_449, %bitcast3A_15 : vector<32xbf16>
          %add3A_451 = arith.addf %add3A_429, %mul3A_450 : vector<32xbf16>
          %unpack3A = tpu.unpack_subelements %add3A_451, 0 {pack_format = #tpu.pack_format<interleaved>} : vector<32xbf16> -> vector<16xf32>
          %unpack3A_452 = tpu.unpack_subelements %add3A_451, 1 {pack_format = #tpu.pack_format<interleaved>} : vector<32xbf16> -> vector<16xf32>
          %add3A_453 = arith.addf %unpack3A, %unpack3A_452 : vector<16xf32>
          %eq3A = vector.broadcast %scan3A_361 : i32 to vector<16xi32>
          %eq3A_454 = arith.cmpi eq, %iota3A, %eq3A : vector<16xi32>
          %reduce_sum3A = arith.constant true
          %reduce_sum3A_455 = vector.broadcast %reduce_sum3A : i1 to vector<16xi1>
          %reduce_sum3A_456 = tpu.scan <sum>, %add3A_453 masked %reduce_sum3A_455 : vector<16xf32>, vector<16xi1> -> vector<16xf32>
          %reduce_sum3A_457 = vector.extract %reduce_sum3A_456[15] : f32 from vector<16xf32>
          %broadcast_in_dim3A_458 = vector.broadcast %reduce_sum3A_457 : f32 to vector<16xf32>
          %select_n3A = arith.select %eq3A_454, %broadcast_in_dim3A_458, %scan3A_362 : vector<16xi1>, vector<16xf32>
          %scan3A_459 = arith.constant 1 : i32
          %scan3A_460 = arith.addi %scan3A_361, %scan3A_459 : i32
          %mul3A_461 = arith.constant 16 : i32
          %mul3A_462 = arith.muli %scan3A_342, %mul3A_461 : i32
          %add3A_463 = arith.addi %mul3A_462, %scan3A_460 : i32
          %get3A_464 = arith.constant 0 : i32
          %get3A_465 = arith.constant 0 : i32
          %get3A_466 = tpu.memref_slice %arg10[%scan3A_188, %get3A_464, %get3A_465] : memref<4x80x64xi32, #tpu.memory_space<vmem>> -> memref<1x80x64xi32, #tpu.memory_space<vmem>>
          %get3A_467 = tpu.memref_squeeze %get3A_466 : memref<1x80x64xi32, #tpu.memory_space<vmem>> -> memref<80x64xi32, #tpu.memory_space<vmem>>
          %get3A_468 = arith.index_cast %add3A_463 : i32 to index
          %get3A_469 = arith.constant 0 : index
          %get3A_470 = tpu.vector_load %get3A_467[%get3A_468, %get3A_469] {strides = array<i32>} : memref<80x64xi32, #tpu.memory_space<vmem>>, vector<16xi32>,
          %bitcast3A_471 = vector.bitcast %get3A_470 : vector<16xi32> to vector<32xbf16>
          %get3A_472 = arith.constant 0 : i32
          %get3A_473 = arith.constant 0 : i32
          %get3A_474 = tpu.memref_slice %arg11[%scan3A_189, %get3A_472, %get3A_473] : memref<4x80x64xi32, #tpu.memory_space<vmem>> -> memref<1x80x64xi32, #tpu.memory_space<vmem>>
          %get3A_475 = tpu.memref_squeeze %get3A_474 : memref<1x80x64xi32, #tpu.memory_space<vmem>> -> memref<80x64xi32, #tpu.memory_space<vmem>>
          %get3A_476 = arith.index_cast %add3A_463 : i32 to index
          %get3A_477 = arith.constant 0 : index
          %get3A_478 = tpu.vector_load %get3A_475[%get3A_476, %get3A_477] {strides = array<i32>} : memref<80x64xi32, #tpu.memory_space<vmem>>, vector<16xi32>,
          %bitcast3A_479 = vector.bitcast %get3A_478 : vector<16xi32> to vector<32xbf16>
          %add3A_480 = arith.addf %bitcast3A_471, %bitcast3A_479 : vector<32xbf16>
          %max3A_481 = arith.constant 0.000000e+00 : bf16
          %max3A_482 = vector.broadcast %max3A_481 : bf16 to vector<32xbf16>
          %max3A_483 = arith.maximumf %add3A_480, %max3A_482 : vector<32xbf16>
          %mul3A_484 = arith.mulf %max3A_483, %bitcast3A : vector<32xbf16>
          %get3A_485 = arith.constant 0 : i32
          %get3A_486 = arith.constant 0 : i32
          %get3A_487 = tpu.memref_slice %arg10[%scan3A_188, %get3A_485, %get3A_486] : memref<4x80x64xi32, #tpu.memory_space<vmem>> -> memref<1x80x64xi32, #tpu.memory_space<vmem>>
          %get3A_488 = tpu.memref_squeeze %get3A_487 : memref<1x80x64xi32, #tpu.memory_space<vmem>> -> memref<80x64xi32, #tpu.memory_space<vmem>>
          %get3A_489 = arith.index_cast %add3A_463 : i32 to index
          %get3A_490 = arith.constant 16 : index
          %get3A_491 = tpu.vector_load %get3A_488[%get3A_489, %get3A_490] {strides = array<i32>} : memref<80x64xi32, #tpu.memory_space<vmem>>, vector<16xi32>,
          %bitcast3A_492 = vector.bitcast %get3A_491 : vector<16xi32> to vector<32xbf16>
          %get3A_493 = arith.constant 0 : i32
          %get3A_494 = arith.constant 0 : i32
          %get3A_495 = tpu.memref_slice %arg11[%scan3A_189, %get3A_493, %get3A_494] : memref<4x80x64xi32, #tpu.memory_space<vmem>> -> memref<1x80x64xi32, #tpu.memory_space<vmem>>
          %get3A_496 = tpu.memref_squeeze %get3A_495 : memref<1x80x64xi32, #tpu.memory_space<vmem>> -> memref<80x64xi32, #tpu.memory_space<vmem>>
          %get3A_497 = arith.index_cast %add3A_463 : i32 to index
          %get3A_498 = arith.constant 16 : index
          %get3A_499 = tpu.vector_load %get3A_496[%get3A_497, %get3A_498] {strides = array<i32>} : memref<80x64xi32, #tpu.memory_space<vmem>>, vector<16xi32>,
          %bitcast3A_500 = vector.bitcast %get3A_499 : vector<16xi32> to vector<32xbf16>
          %add3A_501 = arith.addf %bitcast3A_492, %bitcast3A_500 : vector<32xbf16>
          %max3A_502 = arith.constant 0.000000e+00 : bf16
          %max3A_503 = vector.broadcast %max3A_502 : bf16 to vector<32xbf16>
          %max3A_504 = arith.maximumf %add3A_501, %max3A_503 : vector<32xbf16>
          %mul3A_505 = arith.mulf %max3A_504, %bitcast3A_9 : vector<32xbf16>
          %add3A_506 = arith.addf %mul3A_484, %mul3A_505 : vector<32xbf16>
          %get3A_507 = arith.constant 0 : i32
          %get3A_508 = arith.constant 0 : i32
          %get3A_509 = tpu.memref_slice %arg10[%scan3A_188, %get3A_507, %get3A_508] : memref<4x80x64xi32, #tpu.memory_space<vmem>> -> memref<1x80x64xi32, #tpu.memory_space<vmem>>
          %get3A_510 = tpu.memref_squeeze %get3A_509 : memref<1x80x64xi32, #tpu.memory_space<vmem>> -> memref<80x64xi32, #tpu.memory_space<vmem>>
          %get3A_511 = arith.index_cast %add3A_463 : i32 to index
          %get3A_512 = arith.constant 32 : index
          %get3A_513 = tpu.vector_load %get3A_510[%get3A_511, %get3A_512] {strides = array<i32>} : memref<80x64xi32, #tpu.memory_space<vmem>>, vector<16xi32>,
          %bitcast3A_514 = vector.bitcast %get3A_513 : vector<16xi32> to vector<32xbf16>
          %get3A_515 = arith.constant 0 : i32
          %get3A_516 = arith.constant 0 : i32
          %get3A_517 = tpu.memref_slice %arg11[%scan3A_189, %get3A_515, %get3A_516] : memref<4x80x64xi32, #tpu.memory_space<vmem>> -> memref<1x80x64xi32, #tpu.memory_space<vmem>>
          %get3A_518 = tpu.memref_squeeze %get3A_517 : memref<1x80x64xi32, #tpu.memory_space<vmem>> -> memref<80x64xi32, #tpu.memory_space<vmem>>
          %get3A_519 = arith.index_cast %add3A_463 : i32 to index
          %get3A_520 = arith.constant 32 : index
          %get3A_521 = tpu.vector_load %get3A_518[%get3A_519, %get3A_520] {strides = array<i32>} : memref<80x64xi32, #tpu.memory_space<vmem>>, vector<16xi32>,
          %bitcast3A_522 = vector.bitcast %get3A_521 : vector<16xi32> to vector<32xbf16>
          %add3A_523 = arith.addf %bitcast3A_514, %bitcast3A_522 : vector<32xbf16>
          %max3A_524 = arith.constant 0.000000e+00 : bf16
          %max3A_525 = vector.broadcast %max3A_524 : bf16 to vector<32xbf16>
          %max3A_526 = arith.maximumf %add3A_523, %max3A_525 : vector<32xbf16>
          %mul3A_527 = arith.mulf %max3A_526, %bitcast3A_12 : vector<32xbf16>
          %add3A_528 = arith.addf %add3A_506, %mul3A_527 : vector<32xbf16>
          %get3A_529 = arith.constant 0 : i32
          %get3A_530 = arith.constant 0 : i32
          %get3A_531 = tpu.memref_slice %arg10[%scan3A_188, %get3A_529, %get3A_530] : memref<4x80x64xi32, #tpu.memory_space<vmem>> -> memref<1x80x64xi32, #tpu.memory_space<vmem>>
          %get3A_532 = tpu.memref_squeeze %get3A_531 : memref<1x80x64xi32, #tpu.memory_space<vmem>> -> memref<80x64xi32, #tpu.memory_space<vmem>>
          %get3A_533 = arith.index_cast %add3A_463 : i32 to index
          %get3A_534 = arith.constant 48 : index
          %get3A_535 = tpu.vector_load %get3A_532[%get3A_533, %get3A_534] {strides = array<i32>} : memref<80x64xi32, #tpu.memory_space<vmem>>, vector<16xi32>,
          %bitcast3A_536 = vector.bitcast %get3A_535 : vector<16xi32> to vector<32xbf16>
          %get3A_537 = arith.constant 0 : i32
          %get3A_538 = arith.constant 0 : i32
          %get3A_539 = tpu.memref_slice %arg11[%scan3A_189, %get3A_537, %get3A_538] : memref<4x80x64xi32, #tpu.memory_space<vmem>> -> memref<1x80x64xi32, #tpu.memory_space<vmem>>
          %get3A_540 = tpu.memref_squeeze %get3A_539 : memref<1x80x64xi32, #tpu.memory_space<vmem>> -> memref<80x64xi32, #tpu.memory_space<vmem>>
          %get3A_541 = arith.index_cast %add3A_463 : i32 to index
          %get3A_542 = arith.constant 48 : index
          %get3A_543 = tpu.vector_load %get3A_540[%get3A_541, %get3A_542] {strides = array<i32>} : memref<80x64xi32, #tpu.memory_space<vmem>>, vector<16xi32>,
          %bitcast3A_544 = vector.bitcast %get3A_543 : vector<16xi32> to vector<32xbf16>
          %add3A_545 = arith.addf %bitcast3A_536, %bitcast3A_544 : vector<32xbf16>
          %max3A_546 = arith.constant 0.000000e+00 : bf16
          %max3A_547 = vector.broadcast %max3A_546 : bf16 to vector<32xbf16>
          %max3A_548 = arith.maximumf %add3A_545, %max3A_547 : vector<32xbf16>
          %mul3A_549 = arith.mulf %max3A_548, %bitcast3A_15 : vector<32xbf16>
          %add3A_550 = arith.addf %add3A_528, %mul3A_549 : vector<32xbf16>
          %unpack3A_551 = tpu.unpack_subelements %add3A_550, 0 {pack_format = #tpu.pack_format<interleaved>} : vector<32xbf16> -> vector<16xf32>
          %unpack3A_552 = tpu.unpack_subelements %add3A_550, 1 {pack_format = #tpu.pack_format<interleaved>} : vector<32xbf16> -> vector<16xf32>
          %add3A_553 = arith.addf %unpack3A_551, %unpack3A_552 : vector<16xf32>
          %eq3A_554 = vector.broadcast %scan3A_460 : i32 to vector<16xi32>
          %eq3A_555 = arith.cmpi eq, %iota3A, %eq3A_554 : vector<16xi32>
          %reduce_sum3A_556 = arith.constant true
          %reduce_sum3A_557 = vector.broadcast %reduce_sum3A_556 : i1 to vector<16xi1>
          %reduce_sum3A_558 = tpu.scan <sum>, %add3A_553 masked %reduce_sum3A_557 : vector<16xf32>, vector<16xi1> -> vector<16xf32>
          %reduce_sum3A_559 = vector.extract %reduce_sum3A_558[15] : f32 from vector<16xf32>
          %broadcast_in_dim3A_560 = vector.broadcast %reduce_sum3A_559 : f32 to vector<16xf32>
          %select_n3A_561 = arith.select %eq3A_555, %broadcast_in_dim3A_560, %select_n3A : vector<16xi1>, vector<16xf32>
          %scan3A_562 = arith.constant 2 : i32
          %scan3A_563 = arith.addi %scan3A_361, %scan3A_562 : i32
          %mul3A_564 = arith.constant 16 : i32
          %mul3A_565 = arith.muli %scan3A_342, %mul3A_564 : i32
          %add3A_566 = arith.addi %mul3A_565, %scan3A_563 : i32
          %get3A_567 = arith.constant 0 : i32
          %get3A_568 = arith.constant 0 : i32
          %get3A_569 = tpu.memref_slice %arg10[%scan3A_188, %get3A_567, %get3A_568] : memref<4x80x64xi32, #tpu.memory_space<vmem>> -> memref<1x80x64xi32, #tpu.memory_space<vmem>>
          %get3A_570 = tpu.memref_squeeze %get3A_569 : memref<1x80x64xi32, #tpu.memory_space<vmem>> -> memref<80x64xi32, #tpu.memory_space<vmem>>
          %get3A_571 = arith.index_cast %add3A_566 : i32 to index
          %get3A_572 = arith.constant 0 : index
          %get3A_573 = tpu.vector_load %get3A_570[%get3A_571, %get3A_572] {strides = array<i32>} : memref<80x64xi32, #tpu.memory_space<vmem>>, vector<16xi32>,
          %bitcast3A_574 = vector.bitcast %get3A_573 : vector<16xi32> to vector<32xbf16>
          %get3A_575 = arith.constant 0 : i32
          %get3A_576 = arith.constant 0 : i32
          %get3A_577 = tpu.memref_slice %arg11[%scan3A_189, %get3A_575, %get3A_576] : memref<4x80x64xi32, #tpu.memory_space<vmem>> -> memref<1x80x64xi32, #tpu.memory_space<vmem>>
          %get3A_578 = tpu.memref_squeeze %get3A_577 : memref<1x80x64xi32, #tpu.memory_space<vmem>> -> memref<80x64xi32, #tpu.memory_space<vmem>>
          %get3A_579 = arith.index_cast %add3A_566 : i32 to index
          %get3A_580 = arith.constant 0 : index
          %get3A_581 = tpu.vector_load %get3A_578[%get3A_579, %get3A_580] {strides = array<i32>} : memref<80x64xi32, #tpu.memory_space<vmem>>, vector<16xi32>,
          %bitcast3A_582 = vector.bitcast %get3A_581 : vector<16xi32> to vector<32xbf16>
          %add3A_583 = arith.addf %bitcast3A_574, %bitcast3A_582 : vector<32xbf16>
          %max3A_584 = arith.constant 0.000000e+00 : bf16
          %max3A_585 = vector.broadcast %max3A_584 : bf16 to vector<32xbf16>
          %max3A_586 = arith.maximumf %add3A_583, %max3A_585 : vector<32xbf16>
          %mul3A_587 = arith.mulf %max3A_586, %bitcast3A : vector<32xbf16>
          %get3A_588 = arith.constant 0 : i32
          %get3A_589 = arith.constant 0 : i32
          %get3A_590 = tpu.memref_slice %arg10[%scan3A_188, %get3A_588, %get3A_589] : memref<4x80x64xi32, #tpu.memory_space<vmem>> -> memref<1x80x64xi32, #tpu.memory_space<vmem>>
          %get3A_591 = tpu.memref_squeeze %get3A_590 : memref<1x80x64xi32, #tpu.memory_space<vmem>> -> memref<80x64xi32, #tpu.memory_space<vmem>>
          %get3A_592 = arith.index_cast %add3A_566 : i32 to index
          %get3A_593 = arith.constant 16 : index
          %get3A_594 = tpu.vector_load %get3A_591[%get3A_592, %get3A_593] {strides = array<i32>} : memref<80x64xi32, #tpu.memory_space<vmem>>, vector<16xi32>,
          %bitcast3A_595 = vector.bitcast %get3A_594 : vector<16xi32> to vector<32xbf16>
          %get3A_596 = arith.constant 0 : i32
          %get3A_597 = arith.constant 0 : i32
          %get3A_598 = tpu.memref_slice %arg11[%scan3A_189, %get3A_596, %get3A_597] : memref<4x80x64xi32, #tpu.memory_space<vmem>> -> memref<1x80x64xi32, #tpu.memory_space<vmem>>
          %get3A_599 = tpu.memref_squeeze %get3A_598 : memref<1x80x64xi32, #tpu.memory_space<vmem>> -> memref<80x64xi32, #tpu.memory_space<vmem>>
          %get3A_600 = arith.index_cast %add3A_566 : i32 to index
          %get3A_601 = arith.constant 16 : index
          %get3A_602 = tpu.vector_load %get3A_599[%get3A_600, %get3A_601] {strides = array<i32>} : memref<80x64xi32, #tpu.memory_space<vmem>>, vector<16xi32>,
          %bitcast3A_603 = vector.bitcast %get3A_602 : vector<16xi32> to vector<32xbf16>
          %add3A_604 = arith.addf %bitcast3A_595, %bitcast3A_603 : vector<32xbf16>
          %max3A_605 = arith.constant 0.000000e+00 : bf16
          %max3A_606 = vector.broadcast %max3A_605 : bf16 to vector<32xbf16>
          %max3A_607 = arith.maximumf %add3A_604, %max3A_606 : vector<32xbf16>
          %mul3A_608 = arith.mulf %max3A_607, %bitcast3A_9 : vector<32xbf16>
          %add3A_609 = arith.addf %mul3A_587, %mul3A_608 : vector<32xbf16>
          %get3A_610 = arith.constant 0 : i32
          %get3A_611 = arith.constant 0 : i32
          %get3A_612 = tpu.memref_slice %arg10[%scan3A_188, %get3A_610, %get3A_611] : memref<4x80x64xi32, #tpu.memory_space<vmem>> -> memref<1x80x64xi32, #tpu.memory_space<vmem>>
          %get3A_613 = tpu.memref_squeeze %get3A_612 : memref<1x80x64xi32, #tpu.memory_space<vmem>> -> memref<80x64xi32, #tpu.memory_space<vmem>>
          %get3A_614 = arith.index_cast %add3A_566 : i32 to index
          %get3A_615 = arith.constant 32 : index
          %get3A_616 = tpu.vector_load %get3A_613[%get3A_614, %get3A_615] {strides = array<i32>} : memref<80x64xi32, #tpu.memory_space<vmem>>, vector<16xi32>,
          %bitcast3A_617 = vector.bitcast %get3A_616 : vector<16xi32> to vector<32xbf16>
          %get3A_618 = arith.constant 0 : i32
          %get3A_619 = arith.constant 0 : i32
          %get3A_620 = tpu.memref_slice %arg11[%scan3A_189, %get3A_618, %get3A_619] : memref<4x80x64xi32, #tpu.memory_space<vmem>> -> memref<1x80x64xi32, #tpu.memory_space<vmem>>
          %get3A_621 = tpu.memref_squeeze %get3A_620 : memref<1x80x64xi32, #tpu.memory_space<vmem>> -> memref<80x64xi32, #tpu.memory_space<vmem>>
          %get3A_622 = arith.index_cast %add3A_566 : i32 to index
          %get3A_623 = arith.constant 32 : index
          %get3A_624 = tpu.vector_load %get3A_621[%get3A_622, %get3A_623] {strides = array<i32>} : memref<80x64xi32, #tpu.memory_space<vmem>>, vector<16xi32>,
          %bitcast3A_625 = vector.bitcast %get3A_624 : vector<16xi32> to vector<32xbf16>
          %add3A_626 = arith.addf %bitcast3A_617, %bitcast3A_625 : vector<32xbf16>
          %max3A_627 = arith.constant 0.000000e+00 : bf16
          %max3A_628 = vector.broadcast %max3A_627 : bf16 to vector<32xbf16>
          %max3A_629 = arith.maximumf %add3A_626, %max3A_628 : vector<32xbf16>
          %mul3A_630 = arith.mulf %max3A_629, %bitcast3A_12 : vector<32xbf16>
          %add3A_631 = arith.addf %add3A_609, %mul3A_630 : vector<32xbf16>
          %get3A_632 = arith.constant 0 : i32
          %get3A_633 = arith.constant 0 : i32
          %get3A_634 = tpu.memref_slice %arg10[%scan3A_188, %get3A_632, %get3A_633] : memref<4x80x64xi32, #tpu.memory_space<vmem>> -> memref<1x80x64xi32, #tpu.memory_space<vmem>>
          %get3A_635 = tpu.memref_squeeze %get3A_634 : memref<1x80x64xi32, #tpu.memory_space<vmem>> -> memref<80x64xi32, #tpu.memory_space<vmem>>
          %get3A_636 = arith.index_cast %add3A_566 : i32 to index
          %get3A_637 = arith.constant 48 : index
          %get3A_638 = tpu.vector_load %get3A_635[%get3A_636, %get3A_637] {strides = array<i32>} : memref<80x64xi32, #tpu.memory_space<vmem>>, vector<16xi32>,
          %bitcast3A_639 = vector.bitcast %get3A_638 : vector<16xi32> to vector<32xbf16>
          %get3A_640 = arith.constant 0 : i32
          %get3A_641 = arith.constant 0 : i32
          %get3A_642 = tpu.memref_slice %arg11[%scan3A_189, %get3A_640, %get3A_641] : memref<4x80x64xi32, #tpu.memory_space<vmem>> -> memref<1x80x64xi32, #tpu.memory_space<vmem>>
          %get3A_643 = tpu.memref_squeeze %get3A_642 : memref<1x80x64xi32, #tpu.memory_space<vmem>> -> memref<80x64xi32, #tpu.memory_space<vmem>>
          %get3A_644 = arith.index_cast %add3A_566 : i32 to index
          %get3A_645 = arith.constant 48 : index
          %get3A_646 = tpu.vector_load %get3A_643[%get3A_644, %get3A_645] {strides = array<i32>} : memref<80x64xi32, #tpu.memory_space<vmem>>, vector<16xi32>,
          %bitcast3A_647 = vector.bitcast %get3A_646 : vector<16xi32> to vector<32xbf16>
          %add3A_648 = arith.addf %bitcast3A_639, %bitcast3A_647 : vector<32xbf16>
          %max3A_649 = arith.constant 0.000000e+00 : bf16
          %max3A_650 = vector.broadcast %max3A_649 : bf16 to vector<32xbf16>
          %max3A_651 = arith.maximumf %add3A_648, %max3A_650 : vector<32xbf16>
          %mul3A_652 = arith.mulf %max3A_651, %bitcast3A_15 : vector<32xbf16>
          %add3A_653 = arith.addf %add3A_631, %mul3A_652 : vector<32xbf16>
          %unpack3A_654 = tpu.unpack_subelements %add3A_653, 0 {pack_format = #tpu.pack_format<interleaved>} : vector<32xbf16> -> vector<16xf32>
          %unpack3A_655 = tpu.unpack_subelements %add3A_653, 1 {pack_format = #tpu.pack_format<interleaved>} : vector<32xbf16> -> vector<16xf32>
          %add3A_656 = arith.addf %unpack3A_654, %unpack3A_655 : vector<16xf32>
          %eq3A_657 = vector.broadcast %scan3A_563 : i32 to vector<16xi32>
          %eq3A_658 = arith.cmpi eq, %iota3A, %eq3A_657 : vector<16xi32>
          %reduce_sum3A_659 = arith.constant true
          %reduce_sum3A_660 = vector.broadcast %reduce_sum3A_659 : i1 to vector<16xi1>
          %reduce_sum3A_661 = tpu.scan <sum>, %add3A_656 masked %reduce_sum3A_660 : vector<16xf32>, vector<16xi1> -> vector<16xf32>
          %reduce_sum3A_662 = vector.extract %reduce_sum3A_661[15] : f32 from vector<16xf32>
          %broadcast_in_dim3A_663 = vector.broadcast %reduce_sum3A_662 : f32 to vector<16xf32>
          %select_n3A_664 = arith.select %eq3A_658, %broadcast_in_dim3A_663, %select_n3A_561 : vector<16xi1>, vector<16xf32>
          %scan3A_665 = arith.constant 3 : i32
          %scan3A_666 = arith.addi %scan3A_361, %scan3A_665 : i32
          %mul3A_667 = arith.constant 16 : i32
          %mul3A_668 = arith.muli %scan3A_342, %mul3A_667 : i32
          %add3A_669 = arith.addi %mul3A_668, %scan3A_666 : i32
          %get3A_670 = arith.constant 0 : i32
          %get3A_671 = arith.constant 0 : i32
          %get3A_672 = tpu.memref_slice %arg10[%scan3A_188, %get3A_670, %get3A_671] : memref<4x80x64xi32, #tpu.memory_space<vmem>> -> memref<1x80x64xi32, #tpu.memory_space<vmem>>
          %get3A_673 = tpu.memref_squeeze %get3A_672 : memref<1x80x64xi32, #tpu.memory_space<vmem>> -> memref<80x64xi32, #tpu.memory_space<vmem>>
          %get3A_674 = arith.index_cast %add3A_669 : i32 to index
          %get3A_675 = arith.constant 0 : index
          %get3A_676 = tpu.vector_load %get3A_673[%get3A_674, %get3A_675] {strides = array<i32>} : memref<80x64xi32, #tpu.memory_space<vmem>>, vector<16xi32>,
          %bitcast3A_677 = vector.bitcast %get3A_676 : vector<16xi32> to vector<32xbf16>
          %get3A_678 = arith.constant 0 : i32
          %get3A_679 = arith.constant 0 : i32
          %get3A_680 = tpu.memref_slice %arg11[%scan3A_189, %get3A_678, %get3A_679] : memref<4x80x64xi32, #tpu.memory_space<vmem>> -> memref<1x80x64xi32, #tpu.memory_space<vmem>>
          %get3A_681 = tpu.memref_squeeze %get3A_680 : memref<1x80x64xi32, #tpu.memory_space<vmem>> -> memref<80x64xi32, #tpu.memory_space<vmem>>
          %get3A_682 = arith.index_cast %add3A_669 : i32 to index
          %get3A_683 = arith.constant 0 : index
          %get3A_684 = tpu.vector_load %get3A_681[%get3A_682, %get3A_683] {strides = array<i32>} : memref<80x64xi32, #tpu.memory_space<vmem>>, vector<16xi32>,
          %bitcast3A_685 = vector.bitcast %get3A_684 : vector<16xi32> to vector<32xbf16>
          %add3A_686 = arith.addf %bitcast3A_677, %bitcast3A_685 : vector<32xbf16>
          %max3A_687 = arith.constant 0.000000e+00 : bf16
          %max3A_688 = vector.broadcast %max3A_687 : bf16 to vector<32xbf16>
          %max3A_689 = arith.maximumf %add3A_686, %max3A_688 : vector<32xbf16>
          %mul3A_690 = arith.mulf %max3A_689, %bitcast3A : vector<32xbf16>
          %get3A_691 = arith.constant 0 : i32
          %get3A_692 = arith.constant 0 : i32
          %get3A_693 = tpu.memref_slice %arg10[%scan3A_188, %get3A_691, %get3A_692] : memref<4x80x64xi32, #tpu.memory_space<vmem>> -> memref<1x80x64xi32, #tpu.memory_space<vmem>>
          %get3A_694 = tpu.memref_squeeze %get3A_693 : memref<1x80x64xi32, #tpu.memory_space<vmem>> -> memref<80x64xi32, #tpu.memory_space<vmem>>
          %get3A_695 = arith.index_cast %add3A_669 : i32 to index
          %get3A_696 = arith.constant 16 : index
          %get3A_697 = tpu.vector_load %get3A_694[%get3A_695, %get3A_696] {strides = array<i32>} : memref<80x64xi32, #tpu.memory_space<vmem>>, vector<16xi32>,
          %bitcast3A_698 = vector.bitcast %get3A_697 : vector<16xi32> to vector<32xbf16>
          %get3A_699 = arith.constant 0 : i32
          %get3A_700 = arith.constant 0 : i32
          %get3A_701 = tpu.memref_slice %arg11[%scan3A_189, %get3A_699, %get3A_700] : memref<4x80x64xi32, #tpu.memory_space<vmem>> -> memref<1x80x64xi32, #tpu.memory_space<vmem>>
          %get3A_702 = tpu.memref_squeeze %get3A_701 : memref<1x80x64xi32, #tpu.memory_space<vmem>> -> memref<80x64xi32, #tpu.memory_space<vmem>>
          %get3A_703 = arith.index_cast %add3A_669 : i32 to index
          %get3A_704 = arith.constant 16 : index
          %get3A_705 = tpu.vector_load %get3A_702[%get3A_703, %get3A_704] {strides = array<i32>} : memref<80x64xi32, #tpu.memory_space<vmem>>, vector<16xi32>,
          %bitcast3A_706 = vector.bitcast %get3A_705 : vector<16xi32> to vector<32xbf16>
          %add3A_707 = arith.addf %bitcast3A_698, %bitcast3A_706 : vector<32xbf16>
          %max3A_708 = arith.constant 0.000000e+00 : bf16
          %max3A_709 = vector.broadcast %max3A_708 : bf16 to vector<32xbf16>
          %max3A_710 = arith.maximumf %add3A_707, %max3A_709 : vector<32xbf16>
          %mul3A_711 = arith.mulf %max3A_710, %bitcast3A_9 : vector<32xbf16>
          %add3A_712 = arith.addf %mul3A_690, %mul3A_711 : vector<32xbf16>
          %get3A_713 = arith.constant 0 : i32
          %get3A_714 = arith.constant 0 : i32
          %get3A_715 = tpu.memref_slice %arg10[%scan3A_188, %get3A_713, %get3A_714] : memref<4x80x64xi32, #tpu.memory_space<vmem>> -> memref<1x80x64xi32, #tpu.memory_space<vmem>>
          %get3A_716 = tpu.memref_squeeze %get3A_715 : memref<1x80x64xi32, #tpu.memory_space<vmem>> -> memref<80x64xi32, #tpu.memory_space<vmem>>
          %get3A_717 = arith.index_cast %add3A_669 : i32 to index
          %get3A_718 = arith.constant 32 : index
          %get3A_719 = tpu.vector_load %get3A_716[%get3A_717, %get3A_718] {strides = array<i32>} : memref<80x64xi32, #tpu.memory_space<vmem>>, vector<16xi32>,
          %bitcast3A_720 = vector.bitcast %get3A_719 : vector<16xi32> to vector<32xbf16>
          %get3A_721 = arith.constant 0 : i32
          %get3A_722 = arith.constant 0 : i32
          %get3A_723 = tpu.memref_slice %arg11[%scan3A_189, %get3A_721, %get3A_722] : memref<4x80x64xi32, #tpu.memory_space<vmem>> -> memref<1x80x64xi32, #tpu.memory_space<vmem>>
          %get3A_724 = tpu.memref_squeeze %get3A_723 : memref<1x80x64xi32, #tpu.memory_space<vmem>> -> memref<80x64xi32, #tpu.memory_space<vmem>>
          %get3A_725 = arith.index_cast %add3A_669 : i32 to index
          %get3A_726 = arith.constant 32 : index
          %get3A_727 = tpu.vector_load %get3A_724[%get3A_725, %get3A_726] {strides = array<i32>} : memref<80x64xi32, #tpu.memory_space<vmem>>, vector<16xi32>,
          %bitcast3A_728 = vector.bitcast %get3A_727 : vector<16xi32> to vector<32xbf16>
          %add3A_729 = arith.addf %bitcast3A_720, %bitcast3A_728 : vector<32xbf16>
          %max3A_730 = arith.constant 0.000000e+00 : bf16
          %max3A_731 = vector.broadcast %max3A_730 : bf16 to vector<32xbf16>
          %max3A_732 = arith.maximumf %add3A_729, %max3A_731 : vector<32xbf16>
          %mul3A_733 = arith.mulf %max3A_732, %bitcast3A_12 : vector<32xbf16>
          %add3A_734 = arith.addf %add3A_712, %mul3A_733 : vector<32xbf16>
          %get3A_735 = arith.constant 0 : i32
          %get3A_736 = arith.constant 0 : i32
          %get3A_737 = tpu.memref_slice %arg10[%scan3A_188, %get3A_735, %get3A_736] : memref<4x80x64xi32, #tpu.memory_space<vmem>> -> memref<1x80x64xi32, #tpu.memory_space<vmem>>
          %get3A_738 = tpu.memref_squeeze %get3A_737 : memref<1x80x64xi32, #tpu.memory_space<vmem>> -> memref<80x64xi32, #tpu.memory_space<vmem>>
          %get3A_739 = arith.index_cast %add3A_669 : i32 to index
          %get3A_740 = arith.constant 48 : index
          %get3A_741 = tpu.vector_load %get3A_738[%get3A_739, %get3A_740] {strides = array<i32>} : memref<80x64xi32, #tpu.memory_space<vmem>>, vector<16xi32>,
          %bitcast3A_742 = vector.bitcast %get3A_741 : vector<16xi32> to vector<32xbf16>
          %get3A_743 = arith.constant 0 : i32
          %get3A_744 = arith.constant 0 : i32
          %get3A_745 = tpu.memref_slice %arg11[%scan3A_189, %get3A_743, %get3A_744] : memref<4x80x64xi32, #tpu.memory_space<vmem>> -> memref<1x80x64xi32, #tpu.memory_space<vmem>>
          %get3A_746 = tpu.memref_squeeze %get3A_745 : memref<1x80x64xi32, #tpu.memory_space<vmem>> -> memref<80x64xi32, #tpu.memory_space<vmem>>
          %get3A_747 = arith.index_cast %add3A_669 : i32 to index
          %get3A_748 = arith.constant 48 : index
          %get3A_749 = tpu.vector_load %get3A_746[%get3A_747, %get3A_748] {strides = array<i32>} : memref<80x64xi32, #tpu.memory_space<vmem>>, vector<16xi32>,
          %bitcast3A_750 = vector.bitcast %get3A_749 : vector<16xi32> to vector<32xbf16>
          %add3A_751 = arith.addf %bitcast3A_742, %bitcast3A_750 : vector<32xbf16>
          %max3A_752 = arith.constant 0.000000e+00 : bf16
          %max3A_753 = vector.broadcast %max3A_752 : bf16 to vector<32xbf16>
          %max3A_754 = arith.maximumf %add3A_751, %max3A_753 : vector<32xbf16>
          %mul3A_755 = arith.mulf %max3A_754, %bitcast3A_15 : vector<32xbf16>
          %add3A_756 = arith.addf %add3A_734, %mul3A_755 : vector<32xbf16>
          %unpack3A_757 = tpu.unpack_subelements %add3A_756, 0 {pack_format = #tpu.pack_format<interleaved>} : vector<32xbf16> -> vector<16xf32>
          %unpack3A_758 = tpu.unpack_subelements %add3A_756, 1 {pack_format = #tpu.pack_format<interleaved>} : vector<32xbf16> -> vector<16xf32>
          %add3A_759 = arith.addf %unpack3A_757, %unpack3A_758 : vector<16xf32>
          %eq3A_760 = vector.broadcast %scan3A_666 : i32 to vector<16xi32>
          %eq3A_761 = arith.cmpi eq, %iota3A, %eq3A_760 : vector<16xi32>
          %reduce_sum3A_762 = arith.constant true
          %reduce_sum3A_763 = vector.broadcast %reduce_sum3A_762 : i1 to vector<16xi1>
          %reduce_sum3A_764 = tpu.scan <sum>, %add3A_759 masked %reduce_sum3A_763 : vector<16xf32>, vector<16xi1> -> vector<16xf32>
          %reduce_sum3A_765 = vector.extract %reduce_sum3A_764[15] : f32 from vector<16xf32>
          %broadcast_in_dim3A_766 = vector.broadcast %reduce_sum3A_765 : f32 to vector<16xf32>
          %select_n3A_767 = arith.select %eq3A_761, %broadcast_in_dim3A_766, %select_n3A_664 : vector<16xi1>, vector<16xf32>
          scf.yield %select_n3A_767 : vector<16xf32>
        }
        %scan3A_349 = arith.constant 16 : i32
        %add3A_350 = arith.addf %scan3A_348, %get3A_4 : vector<16xf32>
        %neg3A = arith.constant 0.000000e+00 : f32
        %neg3A_351 = vector.broadcast %neg3A : f32 to vector<16xf32>
        %neg3A_352 = arith.subf %neg3A_351, %add3A_350 : vector<16xf32>
        %exp3A = math.exp %neg3A_352 : vector<16xf32>
        %add3A_353 = arith.constant 1.000000e+00 : f32
        %add3A_354 = vector.broadcast %add3A_353 : f32 to vector<16xf32>
        %add3A_355 = arith.addf %add3A_354, %exp3A : vector<16xf32>
        %div3A = arith.constant 1.000000e+00 : f32
        %div3A_356 = vector.broadcast %div3A : f32 to vector<16xf32>
        %div3A_357 = arith.divf %div3A_356, %add3A_355 : vector<16xf32>
        %mul3A_358 = arith.constant 16 : i32
        %mul3A_359 = arith.muli %scan3A_342, %mul3A_358 : i32
        %swap3A = arith.index_cast %mul3A_359 : i32 to index
        %swap3A_360 = tpu.vector_load %arg12[%swap3A] {strides = array<i32>} : memref<80xf32, #tpu.memory_space<vmem>>, vector<16xf32>,
        tpu.vector_store %arg12[%swap3A], %div3A_357 {strides = array<i32>} : memref<80xf32, #tpu.memory_space<vmem>>, vector<16xf32>,
      }
      %scan3A_194 = arith.constant 5 : i32
      %mul3A_195 = arith.constant 80 : i32
      %mul3A_196 = arith.muli %add3A_154, %mul3A_195 : i32
      %add3A_197 = arith.addi %mul3A_2, %mul3A_196 : i32
      "tpu.region"() ({
        %run_scoped3A_342 = tpu.sem_alloc : memref<!tpu.dma_semaphore, #tpu.memory_space<semaphore_mem>>
        %dma_start3A_343 = tpu.memref_slice %arg7[%add3A_197] : memref<320000xf32, #tpu.memory_space<hbm>> -> memref<80xf32, #tpu.memory_space<hbm>>
        %dma_start3A_344 = tpu.memref_slice %arg7[%add3A_197] : memref<320000xf32, #tpu.memory_space<hbm>> -> memref<80xf32, #tpu.memory_space<hbm>>
        tpu.enqueue_dma source(%arg12 : memref<80xf32, #tpu.memory_space<vmem>>) target(%dma_start3A_344 : memref<80xf32, #tpu.memory_space<hbm>>) target_semaphore(%run_scoped3A_342 : memref<!tpu.dma_semaphore, #tpu.memory_space<semaphore_mem>>)
        %dma_wait3A_345 = tpu.memref_slice %arg7[%add3A_197] : memref<320000xf32, #tpu.memory_space<hbm>> -> memref<80xf32, #tpu.memory_space<hbm>>
        %dma_wait3A_346 = tpu.memref_slice %arg7[%add3A_197] : memref<320000xf32, #tpu.memory_space<hbm>> -> memref<80xf32, #tpu.memory_space<hbm>>
        tpu.wait_dma2 semaphore(%run_scoped3A_342 : memref<!tpu.dma_semaphore, #tpu.memory_space<semaphore_mem>>) src(%arg12 : memref<80xf32, #tpu.memory_space<vmem>>) dst(%dma_wait3A_346 : memref<80xf32, #tpu.memory_space<hbm>>)
        tpu.yield
      }) : () -> ()
      %add3A_198 = arith.constant 1 : i32
      %add3A_199 = arith.addi %add3A_152, %add3A_198 : i32
      %add3A_200 = arith.constant 3 : i32
      %add3A_201 = arith.addi %add3A_199, %add3A_200 : i32
      %lt3A_202 = arith.constant 125 : i32
      %lt3A_203 = arith.cmpi slt, %add3A_201, %lt3A_202 : i32
      %convert_element_type3A_204 = arith.extui %lt3A_203 : i1 to i32
      %cond3A_205 = arith.constant 0 : i32
      %cond3A_206 = arith.cmpi ne, %convert_element_type3A_204, %cond3A_205 : i32
      scf.if %cond3A_206 {
        %add3A_342 = arith.constant 3 : i32
        %add3A_343 = arith.addi %add3A_199, %add3A_342 : i32
        %dma_start3A_344 = arith.constant 0 : i32
        %dma_start3A_345 = arith.constant 0 : i32
        %dma_start3A_346 = arith.constant 0 : i32
        %dma_start3A_347 = arith.constant 0 : i32
        %dma_start3A_348 = tpu.memref_slice %arg10[%dma_start3A_344, %dma_start3A_346, %dma_start3A_347] : memref<4x80x64xi32, #tpu.memory_space<vmem>> -> memref<1x80x64xi32, #tpu.memory_space<vmem>>
        %dma_start3A_349 = tpu.memref_squeeze %dma_start3A_348 : memref<1x80x64xi32, #tpu.memory_space<vmem>> -> memref<80x64xi32, #tpu.memory_space<vmem>>
        %dma_start3A_350 = arith.constant 0 : i32
        %dma_start3A_351 = tpu.memref_slice %arg8[%add3A_343, %dma_start3A_350] : memref<125x80xi32, #tpu.memory_space<vmem>> -> memref<1x80xi32, #tpu.memory_space<vmem>>
        %dma_start3A_352 = tpu.memref_squeeze %dma_start3A_351 : memref<1x80xi32, #tpu.memory_space<vmem>> -> memref<80xi32, #tpu.memory_space<vmem>>
        %dma_start3A_353 = arith.constant 0 : i32
        %dma_start3A_354 = arith.constant 0 : i32
        %dma_start3A_355 = tpu.memref_slice %arg2[%dma_start3A_353, %dma_start3A_354] : memref<10000x64xi32, #tpu.memory_space<hbm>> -> memref<10000x64xi32, #tpu.memory_space<hbm>>
        %dma_start3A_356 = tpu.memref_slice %arg15[%dma_start3A_345] : memref<4x!tpu.dma_semaphore, #tpu.memory_space<semaphore_mem>> -> memref<1x!tpu.dma_semaphore, #tpu.memory_space<semaphore_mem>>
        %dma_start3A_357 = tpu.memref_squeeze %dma_start3A_356 : memref<1x!tpu.dma_semaphore, #tpu.memory_space<semaphore_mem>> -> memref<!tpu.dma_semaphore, #tpu.memory_space<semaphore_mem>>
        tpu.enqueue_indirect_dma source(%dma_start3A_355 : memref<10000x64xi32, #tpu.memory_space<hbm>>) target(%dma_start3A_349 : memref<80x64xi32, #tpu.memory_space<vmem>>) offsets(%dma_start3A_352 : memref<80xi32, #tpu.memory_space<vmem>>) semaphore(%dma_start3A_357 : memref<!tpu.dma_semaphore, #tpu.memory_space<semaphore_mem>>)
        %dma_start3A_358 = arith.constant 0 : i32
        %dma_start3A_359 = arith.constant 0 : i32
        %dma_start3A_360 = arith.constant 0 : i32
        %dma_start3A_361 = arith.constant 0 : i32
        %dma_start3A_362 = tpu.memref_slice %arg11[%dma_start3A_358, %dma_start3A_360, %dma_start3A_361] : memref<4x80x64xi32, #tpu.memory_space<vmem>> -> memref<1x80x64xi32, #tpu.memory_space<vmem>>
        %dma_start3A_363 = tpu.memref_squeeze %dma_start3A_362 : memref<1x80x64xi32, #tpu.memory_space<vmem>> -> memref<80x64xi32, #tpu.memory_space<vmem>>
        %dma_start3A_364 = arith.constant 0 : i32
        %dma_start3A_365 = tpu.memref_slice %arg9[%add3A_343, %dma_start3A_364] : memref<125x80xi32, #tpu.memory_space<vmem>> -> memref<1x80xi32, #tpu.memory_space<vmem>>
        %dma_start3A_366 = tpu.memref_squeeze %dma_start3A_365 : memref<1x80xi32, #tpu.memory_space<vmem>> -> memref<80xi32, #tpu.memory_space<vmem>>
        %dma_start3A_367 = arith.constant 0 : i32
        %dma_start3A_368 = arith.constant 0 : i32
        %dma_start3A_369 = tpu.memref_slice %arg3[%dma_start3A_367, %dma_start3A_368] : memref<10000x64xi32, #tpu.memory_space<hbm>> -> memref<10000x64xi32, #tpu.memory_space<hbm>>
        %dma_start3A_370 = tpu.memref_slice %arg15[%dma_start3A_359] : memref<4x!tpu.dma_semaphore, #tpu.memory_space<semaphore_mem>> -> memref<1x!tpu.dma_semaphore, #tpu.memory_space<semaphore_mem>>
        %dma_start3A_371 = tpu.memref_squeeze %dma_start3A_370 : memref<1x!tpu.dma_semaphore, #tpu.memory_space<semaphore_mem>> -> memref<!tpu.dma_semaphore, #tpu.memory_space<semaphore_mem>>
        tpu.enqueue_indirect_dma source(%dma_start3A_369 : memref<10000x64xi32, #tpu.memory_space<hbm>>) target(%dma_start3A_363 : memref<80x64xi32, #tpu.memory_space<vmem>>) offsets(%dma_start3A_366 : memref<80xi32, #tpu.memory_space<vmem>>) semaphore(%dma_start3A_371 : memref<!tpu.dma_semaphore, #tpu.memory_space<semaphore_mem>>)
      } else {
      }
      %dma_wait3A_207 = arith.constant 1 : i32
      %dma_wait3A_208 = arith.constant 1 : i32
      %dma_wait3A_209 = arith.constant 0 : i32
      %dma_wait3A_210 = arith.constant 0 : i32
      %dma_wait3A_211 = tpu.memref_slice %arg10[%dma_wait3A_207, %dma_wait3A_209, %dma_wait3A_210] : memref<4x80x64xi32, #tpu.memory_space<vmem>> -> memref<1x80x64xi32, #tpu.memory_space<vmem>>
      %dma_wait3A_212 = tpu.memref_squeeze %dma_wait3A_211 : memref<1x80x64xi32, #tpu.memory_space<vmem>> -> memref<80x64xi32, #tpu.memory_space<vmem>>
      %dma_wait3A_213 = arith.constant 0 : i32
      %dma_wait3A_214 = tpu.memref_slice %arg8[%add3A_199, %dma_wait3A_213] : memref<125x80xi32, #tpu.memory_space<vmem>> -> memref<1x80xi32, #tpu.memory_space<vmem>>
      %dma_wait3A_215 = tpu.memref_squeeze %dma_wait3A_214 : memref<1x80xi32, #tpu.memory_space<vmem>> -> memref<80xi32, #tpu.memory_space<vmem>>
      %dma_wait3A_216 = arith.constant 0 : i32
      %dma_wait3A_217 = arith.constant 0 : i32
      %dma_wait3A_218 = tpu.memref_slice %arg2[%dma_wait3A_216, %dma_wait3A_217] : memref<10000x64xi32, #tpu.memory_space<hbm>> -> memref<10000x64xi32, #tpu.memory_space<hbm>>
      %dma_wait3A_219 = tpu.memref_slice %arg15[%dma_wait3A_208] : memref<4x!tpu.dma_semaphore, #tpu.memory_space<semaphore_mem>> -> memref<1x!tpu.dma_semaphore, #tpu.memory_space<semaphore_mem>>
      %dma_wait3A_220 = tpu.memref_squeeze %dma_wait3A_219 : memref<1x!tpu.dma_semaphore, #tpu.memory_space<semaphore_mem>> -> memref<!tpu.dma_semaphore, #tpu.memory_space<semaphore_mem>>
      tpu.wait_indirect_dma semaphore(%dma_wait3A_220 : memref<!tpu.dma_semaphore, #tpu.memory_space<semaphore_mem>>) src(%dma_wait3A_218 : memref<10000x64xi32, #tpu.memory_space<hbm>>) dst(%dma_wait3A_212 : memref<80x64xi32, #tpu.memory_space<vmem>>)
      %dma_wait3A_221 = arith.constant 1 : i32
      %dma_wait3A_222 = arith.constant 1 : i32
      %dma_wait3A_223 = arith.constant 0 : i32
      %dma_wait3A_224 = arith.constant 0 : i32
      %dma_wait3A_225 = tpu.memref_slice %arg11[%dma_wait3A_221, %dma_wait3A_223, %dma_wait3A_224] : memref<4x80x64xi32, #tpu.memory_space<vmem>> -> memref<1x80x64xi32, #tpu.memory_space<vmem>>
      %dma_wait3A_226 = tpu.memref_squeeze %dma_wait3A_225 : memref<1x80x64xi32, #tpu.memory_space<vmem>> -> memref<80x64xi32, #tpu.memory_space<vmem>>
      %dma_wait3A_227 = arith.constant 0 : i32
      %dma_wait3A_228 = tpu.memref_slice %arg9[%add3A_199, %dma_wait3A_227] : memref<125x80xi32, #tpu.memory_space<vmem>> -> memref<1x80xi32, #tpu.memory_space<vmem>>
      %dma_wait3A_229 = tpu.memref_squeeze %dma_wait3A_228 : memref<1x80xi32, #tpu.memory_space<vmem>> -> memref<80xi32, #tpu.memory_space<vmem>>
      %dma_wait3A_230 = arith.constant 0 : i32
      %dma_wait3A_231 = arith.constant 0 : i32
      %dma_wait3A_232 = tpu.memref_slice %arg3[%dma_wait3A_230, %dma_wait3A_231] : memref<10000x64xi32, #tpu.memory_space<hbm>> -> memref<10000x64xi32, #tpu.memory_space<hbm>>
      %dma_wait3A_233 = tpu.memref_slice %arg15[%dma_wait3A_222] : memref<4x!tpu.dma_semaphore, #tpu.memory_space<semaphore_mem>> -> memref<1x!tpu.dma_semaphore, #tpu.memory_space<semaphore_mem>>
      %dma_wait3A_234 = tpu.memref_squeeze %dma_wait3A_233 : memref<1x!tpu.dma_semaphore, #tpu.memory_space<semaphore_mem>> -> memref<!tpu.dma_semaphore, #tpu.memory_space<semaphore_mem>>
      tpu.wait_indirect_dma semaphore(%dma_wait3A_234 : memref<!tpu.dma_semaphore, #tpu.memory_space<semaphore_mem>>) src(%dma_wait3A_232 : memref<10000x64xi32, #tpu.memory_space<hbm>>) dst(%dma_wait3A_226 : memref<80x64xi32, #tpu.memory_space<vmem>>)
      %scan3A_235 = arith.constant 0 : i32
      %scan3A_236 = arith.constant 1 : i32
      %scan3A_237 = arith.constant 1 : i32
      %scan3A_238 = arith.constant 0 : i32
      %scan3A_239 = arith.constant 5 : i32
      %scan3A_240 = arith.addi %scan3A_238, %scan3A_239 : i32
      %scan3A_241 = arith.constant 1 : i32
      scf.for %scan3A_342 = %scan3A_238 to %scan3A_240 step %scan3A_241  : i32 {
        %broadcast_in_dim3A = arith.constant 0.000000e+00 : f32
        %broadcast_in_dim3A_343 = vector.broadcast %broadcast_in_dim3A : f32 to vector<16xf32>
        %scan3A_344 = arith.constant 0 : i32
        %scan3A_345 = arith.constant 16 : i32
        %scan3A_346 = arith.addi %scan3A_344, %scan3A_345 : i32
        %scan3A_347 = arith.constant 4 : i32
        %scan3A_348 = scf.for %scan3A_361 = %scan3A_344 to %scan3A_346 step %scan3A_347 iter_args(%scan3A_362 = %broadcast_in_dim3A_343) -> (vector<16xf32>)  : i32 {
          %mul3A_363 = arith.constant 16 : i32
          %mul3A_364 = arith.muli %scan3A_342, %mul3A_363 : i32
          %add3A_365 = arith.addi %mul3A_364, %scan3A_361 : i32
          %get3A_366 = arith.constant 0 : i32
          %get3A_367 = arith.constant 0 : i32
          %get3A_368 = tpu.memref_slice %arg10[%scan3A_236, %get3A_366, %get3A_367] : memref<4x80x64xi32, #tpu.memory_space<vmem>> -> memref<1x80x64xi32, #tpu.memory_space<vmem>>
          %get3A_369 = tpu.memref_squeeze %get3A_368 : memref<1x80x64xi32, #tpu.memory_space<vmem>> -> memref<80x64xi32, #tpu.memory_space<vmem>>
          %get3A_370 = arith.index_cast %add3A_365 : i32 to index
          %get3A_371 = arith.constant 0 : index
          %get3A_372 = tpu.vector_load %get3A_369[%get3A_370, %get3A_371] {strides = array<i32>} : memref<80x64xi32, #tpu.memory_space<vmem>>, vector<16xi32>,
          %bitcast3A_373 = vector.bitcast %get3A_372 : vector<16xi32> to vector<32xbf16>
          %get3A_374 = arith.constant 0 : i32
          %get3A_375 = arith.constant 0 : i32
          %get3A_376 = tpu.memref_slice %arg11[%scan3A_237, %get3A_374, %get3A_375] : memref<4x80x64xi32, #tpu.memory_space<vmem>> -> memref<1x80x64xi32, #tpu.memory_space<vmem>>
          %get3A_377 = tpu.memref_squeeze %get3A_376 : memref<1x80x64xi32, #tpu.memory_space<vmem>> -> memref<80x64xi32, #tpu.memory_space<vmem>>
          %get3A_378 = arith.index_cast %add3A_365 : i32 to index
          %get3A_379 = arith.constant 0 : index
          %get3A_380 = tpu.vector_load %get3A_377[%get3A_378, %get3A_379] {strides = array<i32>} : memref<80x64xi32, #tpu.memory_space<vmem>>, vector<16xi32>,
          %bitcast3A_381 = vector.bitcast %get3A_380 : vector<16xi32> to vector<32xbf16>
          %add3A_382 = arith.addf %bitcast3A_373, %bitcast3A_381 : vector<32xbf16>
          %max3A = arith.constant 0.000000e+00 : bf16
          %max3A_383 = vector.broadcast %max3A : bf16 to vector<32xbf16>
          %max3A_384 = arith.maximumf %add3A_382, %max3A_383 : vector<32xbf16>
          %mul3A_385 = arith.mulf %max3A_384, %bitcast3A : vector<32xbf16>
          %get3A_386 = arith.constant 0 : i32
          %get3A_387 = arith.constant 0 : i32
          %get3A_388 = tpu.memref_slice %arg10[%scan3A_236, %get3A_386, %get3A_387] : memref<4x80x64xi32, #tpu.memory_space<vmem>> -> memref<1x80x64xi32, #tpu.memory_space<vmem>>
          %get3A_389 = tpu.memref_squeeze %get3A_388 : memref<1x80x64xi32, #tpu.memory_space<vmem>> -> memref<80x64xi32, #tpu.memory_space<vmem>>
          %get3A_390 = arith.index_cast %add3A_365 : i32 to index
          %get3A_391 = arith.constant 16 : index
          %get3A_392 = tpu.vector_load %get3A_389[%get3A_390, %get3A_391] {strides = array<i32>} : memref<80x64xi32, #tpu.memory_space<vmem>>, vector<16xi32>,
          %bitcast3A_393 = vector.bitcast %get3A_392 : vector<16xi32> to vector<32xbf16>
          %get3A_394 = arith.constant 0 : i32
          %get3A_395 = arith.constant 0 : i32
          %get3A_396 = tpu.memref_slice %arg11[%scan3A_237, %get3A_394, %get3A_395] : memref<4x80x64xi32, #tpu.memory_space<vmem>> -> memref<1x80x64xi32, #tpu.memory_space<vmem>>
          %get3A_397 = tpu.memref_squeeze %get3A_396 : memref<1x80x64xi32, #tpu.memory_space<vmem>> -> memref<80x64xi32, #tpu.memory_space<vmem>>
          %get3A_398 = arith.index_cast %add3A_365 : i32 to index
          %get3A_399 = arith.constant 16 : index
          %get3A_400 = tpu.vector_load %get3A_397[%get3A_398, %get3A_399] {strides = array<i32>} : memref<80x64xi32, #tpu.memory_space<vmem>>, vector<16xi32>,
          %bitcast3A_401 = vector.bitcast %get3A_400 : vector<16xi32> to vector<32xbf16>
          %add3A_402 = arith.addf %bitcast3A_393, %bitcast3A_401 : vector<32xbf16>
          %max3A_403 = arith.constant 0.000000e+00 : bf16
          %max3A_404 = vector.broadcast %max3A_403 : bf16 to vector<32xbf16>
          %max3A_405 = arith.maximumf %add3A_402, %max3A_404 : vector<32xbf16>
          %mul3A_406 = arith.mulf %max3A_405, %bitcast3A_9 : vector<32xbf16>
          %add3A_407 = arith.addf %mul3A_385, %mul3A_406 : vector<32xbf16>
          %get3A_408 = arith.constant 0 : i32
          %get3A_409 = arith.constant 0 : i32
          %get3A_410 = tpu.memref_slice %arg10[%scan3A_236, %get3A_408, %get3A_409] : memref<4x80x64xi32, #tpu.memory_space<vmem>> -> memref<1x80x64xi32, #tpu.memory_space<vmem>>
          %get3A_411 = tpu.memref_squeeze %get3A_410 : memref<1x80x64xi32, #tpu.memory_space<vmem>> -> memref<80x64xi32, #tpu.memory_space<vmem>>
          %get3A_412 = arith.index_cast %add3A_365 : i32 to index
          %get3A_413 = arith.constant 32 : index
          %get3A_414 = tpu.vector_load %get3A_411[%get3A_412, %get3A_413] {strides = array<i32>} : memref<80x64xi32, #tpu.memory_space<vmem>>, vector<16xi32>,
          %bitcast3A_415 = vector.bitcast %get3A_414 : vector<16xi32> to vector<32xbf16>
          %get3A_416 = arith.constant 0 : i32
          %get3A_417 = arith.constant 0 : i32
          %get3A_418 = tpu.memref_slice %arg11[%scan3A_237, %get3A_416, %get3A_417] : memref<4x80x64xi32, #tpu.memory_space<vmem>> -> memref<1x80x64xi32, #tpu.memory_space<vmem>>
          %get3A_419 = tpu.memref_squeeze %get3A_418 : memref<1x80x64xi32, #tpu.memory_space<vmem>> -> memref<80x64xi32, #tpu.memory_space<vmem>>
          %get3A_420 = arith.index_cast %add3A_365 : i32 to index
          %get3A_421 = arith.constant 32 : index
          %get3A_422 = tpu.vector_load %get3A_419[%get3A_420, %get3A_421] {strides = array<i32>} : memref<80x64xi32, #tpu.memory_space<vmem>>, vector<16xi32>,
          %bitcast3A_423 = vector.bitcast %get3A_422 : vector<16xi32> to vector<32xbf16>
          %add3A_424 = arith.addf %bitcast3A_415, %bitcast3A_423 : vector<32xbf16>
          %max3A_425 = arith.constant 0.000000e+00 : bf16
          %max3A_426 = vector.broadcast %max3A_425 : bf16 to vector<32xbf16>
          %max3A_427 = arith.maximumf %add3A_424, %max3A_426 : vector<32xbf16>
          %mul3A_428 = arith.mulf %max3A_427, %bitcast3A_12 : vector<32xbf16>
          %add3A_429 = arith.addf %add3A_407, %mul3A_428 : vector<32xbf16>
          %get3A_430 = arith.constant 0 : i32
          %get3A_431 = arith.constant 0 : i32
          %get3A_432 = tpu.memref_slice %arg10[%scan3A_236, %get3A_430, %get3A_431] : memref<4x80x64xi32, #tpu.memory_space<vmem>> -> memref<1x80x64xi32, #tpu.memory_space<vmem>>
          %get3A_433 = tpu.memref_squeeze %get3A_432 : memref<1x80x64xi32, #tpu.memory_space<vmem>> -> memref<80x64xi32, #tpu.memory_space<vmem>>
          %get3A_434 = arith.index_cast %add3A_365 : i32 to index
          %get3A_435 = arith.constant 48 : index
          %get3A_436 = tpu.vector_load %get3A_433[%get3A_434, %get3A_435] {strides = array<i32>} : memref<80x64xi32, #tpu.memory_space<vmem>>, vector<16xi32>,
          %bitcast3A_437 = vector.bitcast %get3A_436 : vector<16xi32> to vector<32xbf16>
          %get3A_438 = arith.constant 0 : i32
          %get3A_439 = arith.constant 0 : i32
          %get3A_440 = tpu.memref_slice %arg11[%scan3A_237, %get3A_438, %get3A_439] : memref<4x80x64xi32, #tpu.memory_space<vmem>> -> memref<1x80x64xi32, #tpu.memory_space<vmem>>
          %get3A_441 = tpu.memref_squeeze %get3A_440 : memref<1x80x64xi32, #tpu.memory_space<vmem>> -> memref<80x64xi32, #tpu.memory_space<vmem>>
          %get3A_442 = arith.index_cast %add3A_365 : i32 to index
          %get3A_443 = arith.constant 48 : index
          %get3A_444 = tpu.vector_load %get3A_441[%get3A_442, %get3A_443] {strides = array<i32>} : memref<80x64xi32, #tpu.memory_space<vmem>>, vector<16xi32>,
          %bitcast3A_445 = vector.bitcast %get3A_444 : vector<16xi32> to vector<32xbf16>
          %add3A_446 = arith.addf %bitcast3A_437, %bitcast3A_445 : vector<32xbf16>
          %max3A_447 = arith.constant 0.000000e+00 : bf16
          %max3A_448 = vector.broadcast %max3A_447 : bf16 to vector<32xbf16>
          %max3A_449 = arith.maximumf %add3A_446, %max3A_448 : vector<32xbf16>
          %mul3A_450 = arith.mulf %max3A_449, %bitcast3A_15 : vector<32xbf16>
          %add3A_451 = arith.addf %add3A_429, %mul3A_450 : vector<32xbf16>
          %unpack3A = tpu.unpack_subelements %add3A_451, 0 {pack_format = #tpu.pack_format<interleaved>} : vector<32xbf16> -> vector<16xf32>
          %unpack3A_452 = tpu.unpack_subelements %add3A_451, 1 {pack_format = #tpu.pack_format<interleaved>} : vector<32xbf16> -> vector<16xf32>
          %add3A_453 = arith.addf %unpack3A, %unpack3A_452 : vector<16xf32>
          %eq3A = vector.broadcast %scan3A_361 : i32 to vector<16xi32>
          %eq3A_454 = arith.cmpi eq, %iota3A, %eq3A : vector<16xi32>
          %reduce_sum3A = arith.constant true
          %reduce_sum3A_455 = vector.broadcast %reduce_sum3A : i1 to vector<16xi1>
          %reduce_sum3A_456 = tpu.scan <sum>, %add3A_453 masked %reduce_sum3A_455 : vector<16xf32>, vector<16xi1> -> vector<16xf32>
          %reduce_sum3A_457 = vector.extract %reduce_sum3A_456[15] : f32 from vector<16xf32>
          %broadcast_in_dim3A_458 = vector.broadcast %reduce_sum3A_457 : f32 to vector<16xf32>
          %select_n3A = arith.select %eq3A_454, %broadcast_in_dim3A_458, %scan3A_362 : vector<16xi1>, vector<16xf32>
          %scan3A_459 = arith.constant 1 : i32
          %scan3A_460 = arith.addi %scan3A_361, %scan3A_459 : i32
          %mul3A_461 = arith.constant 16 : i32
          %mul3A_462 = arith.muli %scan3A_342, %mul3A_461 : i32
          %add3A_463 = arith.addi %mul3A_462, %scan3A_460 : i32
          %get3A_464 = arith.constant 0 : i32
          %get3A_465 = arith.constant 0 : i32
          %get3A_466 = tpu.memref_slice %arg10[%scan3A_236, %get3A_464, %get3A_465] : memref<4x80x64xi32, #tpu.memory_space<vmem>> -> memref<1x80x64xi32, #tpu.memory_space<vmem>>
          %get3A_467 = tpu.memref_squeeze %get3A_466 : memref<1x80x64xi32, #tpu.memory_space<vmem>> -> memref<80x64xi32, #tpu.memory_space<vmem>>
          %get3A_468 = arith.index_cast %add3A_463 : i32 to index
          %get3A_469 = arith.constant 0 : index
          %get3A_470 = tpu.vector_load %get3A_467[%get3A_468, %get3A_469] {strides = array<i32>} : memref<80x64xi32, #tpu.memory_space<vmem>>, vector<16xi32>,
          %bitcast3A_471 = vector.bitcast %get3A_470 : vector<16xi32> to vector<32xbf16>
          %get3A_472 = arith.constant 0 : i32
          %get3A_473 = arith.constant 0 : i32
          %get3A_474 = tpu.memref_slice %arg11[%scan3A_237, %get3A_472, %get3A_473] : memref<4x80x64xi32, #tpu.memory_space<vmem>> -> memref<1x80x64xi32, #tpu.memory_space<vmem>>
          %get3A_475 = tpu.memref_squeeze %get3A_474 : memref<1x80x64xi32, #tpu.memory_space<vmem>> -> memref<80x64xi32, #tpu.memory_space<vmem>>
          %get3A_476 = arith.index_cast %add3A_463 : i32 to index
          %get3A_477 = arith.constant 0 : index
          %get3A_478 = tpu.vector_load %get3A_475[%get3A_476, %get3A_477] {strides = array<i32>} : memref<80x64xi32, #tpu.memory_space<vmem>>, vector<16xi32>,
          %bitcast3A_479 = vector.bitcast %get3A_478 : vector<16xi32> to vector<32xbf16>
          %add3A_480 = arith.addf %bitcast3A_471, %bitcast3A_479 : vector<32xbf16>
          %max3A_481 = arith.constant 0.000000e+00 : bf16
          %max3A_482 = vector.broadcast %max3A_481 : bf16 to vector<32xbf16>
          %max3A_483 = arith.maximumf %add3A_480, %max3A_482 : vector<32xbf16>
          %mul3A_484 = arith.mulf %max3A_483, %bitcast3A : vector<32xbf16>
          %get3A_485 = arith.constant 0 : i32
          %get3A_486 = arith.constant 0 : i32
          %get3A_487 = tpu.memref_slice %arg10[%scan3A_236, %get3A_485, %get3A_486] : memref<4x80x64xi32, #tpu.memory_space<vmem>> -> memref<1x80x64xi32, #tpu.memory_space<vmem>>
          %get3A_488 = tpu.memref_squeeze %get3A_487 : memref<1x80x64xi32, #tpu.memory_space<vmem>> -> memref<80x64xi32, #tpu.memory_space<vmem>>
          %get3A_489 = arith.index_cast %add3A_463 : i32 to index
          %get3A_490 = arith.constant 16 : index
          %get3A_491 = tpu.vector_load %get3A_488[%get3A_489, %get3A_490] {strides = array<i32>} : memref<80x64xi32, #tpu.memory_space<vmem>>, vector<16xi32>,
          %bitcast3A_492 = vector.bitcast %get3A_491 : vector<16xi32> to vector<32xbf16>
          %get3A_493 = arith.constant 0 : i32
          %get3A_494 = arith.constant 0 : i32
          %get3A_495 = tpu.memref_slice %arg11[%scan3A_237, %get3A_493, %get3A_494] : memref<4x80x64xi32, #tpu.memory_space<vmem>> -> memref<1x80x64xi32, #tpu.memory_space<vmem>>
          %get3A_496 = tpu.memref_squeeze %get3A_495 : memref<1x80x64xi32, #tpu.memory_space<vmem>> -> memref<80x64xi32, #tpu.memory_space<vmem>>
          %get3A_497 = arith.index_cast %add3A_463 : i32 to index
          %get3A_498 = arith.constant 16 : index
          %get3A_499 = tpu.vector_load %get3A_496[%get3A_497, %get3A_498] {strides = array<i32>} : memref<80x64xi32, #tpu.memory_space<vmem>>, vector<16xi32>,
          %bitcast3A_500 = vector.bitcast %get3A_499 : vector<16xi32> to vector<32xbf16>
          %add3A_501 = arith.addf %bitcast3A_492, %bitcast3A_500 : vector<32xbf16>
          %max3A_502 = arith.constant 0.000000e+00 : bf16
          %max3A_503 = vector.broadcast %max3A_502 : bf16 to vector<32xbf16>
          %max3A_504 = arith.maximumf %add3A_501, %max3A_503 : vector<32xbf16>
          %mul3A_505 = arith.mulf %max3A_504, %bitcast3A_9 : vector<32xbf16>
          %add3A_506 = arith.addf %mul3A_484, %mul3A_505 : vector<32xbf16>
          %get3A_507 = arith.constant 0 : i32
          %get3A_508 = arith.constant 0 : i32
          %get3A_509 = tpu.memref_slice %arg10[%scan3A_236, %get3A_507, %get3A_508] : memref<4x80x64xi32, #tpu.memory_space<vmem>> -> memref<1x80x64xi32, #tpu.memory_space<vmem>>
          %get3A_510 = tpu.memref_squeeze %get3A_509 : memref<1x80x64xi32, #tpu.memory_space<vmem>> -> memref<80x64xi32, #tpu.memory_space<vmem>>
          %get3A_511 = arith.index_cast %add3A_463 : i32 to index
          %get3A_512 = arith.constant 32 : index
          %get3A_513 = tpu.vector_load %get3A_510[%get3A_511, %get3A_512] {strides = array<i32>} : memref<80x64xi32, #tpu.memory_space<vmem>>, vector<16xi32>,
          %bitcast3A_514 = vector.bitcast %get3A_513 : vector<16xi32> to vector<32xbf16>
          %get3A_515 = arith.constant 0 : i32
          %get3A_516 = arith.constant 0 : i32
          %get3A_517 = tpu.memref_slice %arg11[%scan3A_237, %get3A_515, %get3A_516] : memref<4x80x64xi32, #tpu.memory_space<vmem>> -> memref<1x80x64xi32, #tpu.memory_space<vmem>>
          %get3A_518 = tpu.memref_squeeze %get3A_517 : memref<1x80x64xi32, #tpu.memory_space<vmem>> -> memref<80x64xi32, #tpu.memory_space<vmem>>
          %get3A_519 = arith.index_cast %add3A_463 : i32 to index
          %get3A_520 = arith.constant 32 : index
          %get3A_521 = tpu.vector_load %get3A_518[%get3A_519, %get3A_520] {strides = array<i32>} : memref<80x64xi32, #tpu.memory_space<vmem>>, vector<16xi32>,
          %bitcast3A_522 = vector.bitcast %get3A_521 : vector<16xi32> to vector<32xbf16>
          %add3A_523 = arith.addf %bitcast3A_514, %bitcast3A_522 : vector<32xbf16>
          %max3A_524 = arith.constant 0.000000e+00 : bf16
          %max3A_525 = vector.broadcast %max3A_524 : bf16 to vector<32xbf16>
          %max3A_526 = arith.maximumf %add3A_523, %max3A_525 : vector<32xbf16>
          %mul3A_527 = arith.mulf %max3A_526, %bitcast3A_12 : vector<32xbf16>
          %add3A_528 = arith.addf %add3A_506, %mul3A_527 : vector<32xbf16>
          %get3A_529 = arith.constant 0 : i32
          %get3A_530 = arith.constant 0 : i32
          %get3A_531 = tpu.memref_slice %arg10[%scan3A_236, %get3A_529, %get3A_530] : memref<4x80x64xi32, #tpu.memory_space<vmem>> -> memref<1x80x64xi32, #tpu.memory_space<vmem>>
          %get3A_532 = tpu.memref_squeeze %get3A_531 : memref<1x80x64xi32, #tpu.memory_space<vmem>> -> memref<80x64xi32, #tpu.memory_space<vmem>>
          %get3A_533 = arith.index_cast %add3A_463 : i32 to index
          %get3A_534 = arith.constant 48 : index
          %get3A_535 = tpu.vector_load %get3A_532[%get3A_533, %get3A_534] {strides = array<i32>} : memref<80x64xi32, #tpu.memory_space<vmem>>, vector<16xi32>,
          %bitcast3A_536 = vector.bitcast %get3A_535 : vector<16xi32> to vector<32xbf16>
          %get3A_537 = arith.constant 0 : i32
          %get3A_538 = arith.constant 0 : i32
          %get3A_539 = tpu.memref_slice %arg11[%scan3A_237, %get3A_537, %get3A_538] : memref<4x80x64xi32, #tpu.memory_space<vmem>> -> memref<1x80x64xi32, #tpu.memory_space<vmem>>
          %get3A_540 = tpu.memref_squeeze %get3A_539 : memref<1x80x64xi32, #tpu.memory_space<vmem>> -> memref<80x64xi32, #tpu.memory_space<vmem>>
          %get3A_541 = arith.index_cast %add3A_463 : i32 to index
          %get3A_542 = arith.constant 48 : index
          %get3A_543 = tpu.vector_load %get3A_540[%get3A_541, %get3A_542] {strides = array<i32>} : memref<80x64xi32, #tpu.memory_space<vmem>>, vector<16xi32>,
          %bitcast3A_544 = vector.bitcast %get3A_543 : vector<16xi32> to vector<32xbf16>
          %add3A_545 = arith.addf %bitcast3A_536, %bitcast3A_544 : vector<32xbf16>
          %max3A_546 = arith.constant 0.000000e+00 : bf16
          %max3A_547 = vector.broadcast %max3A_546 : bf16 to vector<32xbf16>
          %max3A_548 = arith.maximumf %add3A_545, %max3A_547 : vector<32xbf16>
          %mul3A_549 = arith.mulf %max3A_548, %bitcast3A_15 : vector<32xbf16>
          %add3A_550 = arith.addf %add3A_528, %mul3A_549 : vector<32xbf16>
          %unpack3A_551 = tpu.unpack_subelements %add3A_550, 0 {pack_format = #tpu.pack_format<interleaved>} : vector<32xbf16> -> vector<16xf32>
          %unpack3A_552 = tpu.unpack_subelements %add3A_550, 1 {pack_format = #tpu.pack_format<interleaved>} : vector<32xbf16> -> vector<16xf32>
          %add3A_553 = arith.addf %unpack3A_551, %unpack3A_552 : vector<16xf32>
          %eq3A_554 = vector.broadcast %scan3A_460 : i32 to vector<16xi32>
          %eq3A_555 = arith.cmpi eq, %iota3A, %eq3A_554 : vector<16xi32>
          %reduce_sum3A_556 = arith.constant true
          %reduce_sum3A_557 = vector.broadcast %reduce_sum3A_556 : i1 to vector<16xi1>
          %reduce_sum3A_558 = tpu.scan <sum>, %add3A_553 masked %reduce_sum3A_557 : vector<16xf32>, vector<16xi1> -> vector<16xf32>
          %reduce_sum3A_559 = vector.extract %reduce_sum3A_558[15] : f32 from vector<16xf32>
          %broadcast_in_dim3A_560 = vector.broadcast %reduce_sum3A_559 : f32 to vector<16xf32>
          %select_n3A_561 = arith.select %eq3A_555, %broadcast_in_dim3A_560, %select_n3A : vector<16xi1>, vector<16xf32>
          %scan3A_562 = arith.constant 2 : i32
          %scan3A_563 = arith.addi %scan3A_361, %scan3A_562 : i32
          %mul3A_564 = arith.constant 16 : i32
          %mul3A_565 = arith.muli %scan3A_342, %mul3A_564 : i32
          %add3A_566 = arith.addi %mul3A_565, %scan3A_563 : i32
          %get3A_567 = arith.constant 0 : i32
          %get3A_568 = arith.constant 0 : i32
          %get3A_569 = tpu.memref_slice %arg10[%scan3A_236, %get3A_567, %get3A_568] : memref<4x80x64xi32, #tpu.memory_space<vmem>> -> memref<1x80x64xi32, #tpu.memory_space<vmem>>
          %get3A_570 = tpu.memref_squeeze %get3A_569 : memref<1x80x64xi32, #tpu.memory_space<vmem>> -> memref<80x64xi32, #tpu.memory_space<vmem>>
          %get3A_571 = arith.index_cast %add3A_566 : i32 to index
          %get3A_572 = arith.constant 0 : index
          %get3A_573 = tpu.vector_load %get3A_570[%get3A_571, %get3A_572] {strides = array<i32>} : memref<80x64xi32, #tpu.memory_space<vmem>>, vector<16xi32>,
          %bitcast3A_574 = vector.bitcast %get3A_573 : vector<16xi32> to vector<32xbf16>
          %get3A_575 = arith.constant 0 : i32
          %get3A_576 = arith.constant 0 : i32
          %get3A_577 = tpu.memref_slice %arg11[%scan3A_237, %get3A_575, %get3A_576] : memref<4x80x64xi32, #tpu.memory_space<vmem>> -> memref<1x80x64xi32, #tpu.memory_space<vmem>>
          %get3A_578 = tpu.memref_squeeze %get3A_577 : memref<1x80x64xi32, #tpu.memory_space<vmem>> -> memref<80x64xi32, #tpu.memory_space<vmem>>
          %get3A_579 = arith.index_cast %add3A_566 : i32 to index
          %get3A_580 = arith.constant 0 : index
          %get3A_581 = tpu.vector_load %get3A_578[%get3A_579, %get3A_580] {strides = array<i32>} : memref<80x64xi32, #tpu.memory_space<vmem>>, vector<16xi32>,
          %bitcast3A_582 = vector.bitcast %get3A_581 : vector<16xi32> to vector<32xbf16>
          %add3A_583 = arith.addf %bitcast3A_574, %bitcast3A_582 : vector<32xbf16>
          %max3A_584 = arith.constant 0.000000e+00 : bf16
          %max3A_585 = vector.broadcast %max3A_584 : bf16 to vector<32xbf16>
          %max3A_586 = arith.maximumf %add3A_583, %max3A_585 : vector<32xbf16>
          %mul3A_587 = arith.mulf %max3A_586, %bitcast3A : vector<32xbf16>
          %get3A_588 = arith.constant 0 : i32
          %get3A_589 = arith.constant 0 : i32
          %get3A_590 = tpu.memref_slice %arg10[%scan3A_236, %get3A_588, %get3A_589] : memref<4x80x64xi32, #tpu.memory_space<vmem>> -> memref<1x80x64xi32, #tpu.memory_space<vmem>>
          %get3A_591 = tpu.memref_squeeze %get3A_590 : memref<1x80x64xi32, #tpu.memory_space<vmem>> -> memref<80x64xi32, #tpu.memory_space<vmem>>
          %get3A_592 = arith.index_cast %add3A_566 : i32 to index
          %get3A_593 = arith.constant 16 : index
          %get3A_594 = tpu.vector_load %get3A_591[%get3A_592, %get3A_593] {strides = array<i32>} : memref<80x64xi32, #tpu.memory_space<vmem>>, vector<16xi32>,
          %bitcast3A_595 = vector.bitcast %get3A_594 : vector<16xi32> to vector<32xbf16>
          %get3A_596 = arith.constant 0 : i32
          %get3A_597 = arith.constant 0 : i32
          %get3A_598 = tpu.memref_slice %arg11[%scan3A_237, %get3A_596, %get3A_597] : memref<4x80x64xi32, #tpu.memory_space<vmem>> -> memref<1x80x64xi32, #tpu.memory_space<vmem>>
          %get3A_599 = tpu.memref_squeeze %get3A_598 : memref<1x80x64xi32, #tpu.memory_space<vmem>> -> memref<80x64xi32, #tpu.memory_space<vmem>>
          %get3A_600 = arith.index_cast %add3A_566 : i32 to index
          %get3A_601 = arith.constant 16 : index
          %get3A_602 = tpu.vector_load %get3A_599[%get3A_600, %get3A_601] {strides = array<i32>} : memref<80x64xi32, #tpu.memory_space<vmem>>, vector<16xi32>,
          %bitcast3A_603 = vector.bitcast %get3A_602 : vector<16xi32> to vector<32xbf16>
          %add3A_604 = arith.addf %bitcast3A_595, %bitcast3A_603 : vector<32xbf16>
          %max3A_605 = arith.constant 0.000000e+00 : bf16
          %max3A_606 = vector.broadcast %max3A_605 : bf16 to vector<32xbf16>
          %max3A_607 = arith.maximumf %add3A_604, %max3A_606 : vector<32xbf16>
          %mul3A_608 = arith.mulf %max3A_607, %bitcast3A_9 : vector<32xbf16>
          %add3A_609 = arith.addf %mul3A_587, %mul3A_608 : vector<32xbf16>
          %get3A_610 = arith.constant 0 : i32
          %get3A_611 = arith.constant 0 : i32
          %get3A_612 = tpu.memref_slice %arg10[%scan3A_236, %get3A_610, %get3A_611] : memref<4x80x64xi32, #tpu.memory_space<vmem>> -> memref<1x80x64xi32, #tpu.memory_space<vmem>>
          %get3A_613 = tpu.memref_squeeze %get3A_612 : memref<1x80x64xi32, #tpu.memory_space<vmem>> -> memref<80x64xi32, #tpu.memory_space<vmem>>
          %get3A_614 = arith.index_cast %add3A_566 : i32 to index
          %get3A_615 = arith.constant 32 : index
          %get3A_616 = tpu.vector_load %get3A_613[%get3A_614, %get3A_615] {strides = array<i32>} : memref<80x64xi32, #tpu.memory_space<vmem>>, vector<16xi32>,
          %bitcast3A_617 = vector.bitcast %get3A_616 : vector<16xi32> to vector<32xbf16>
          %get3A_618 = arith.constant 0 : i32
          %get3A_619 = arith.constant 0 : i32
          %get3A_620 = tpu.memref_slice %arg11[%scan3A_237, %get3A_618, %get3A_619] : memref<4x80x64xi32, #tpu.memory_space<vmem>> -> memref<1x80x64xi32, #tpu.memory_space<vmem>>
          %get3A_621 = tpu.memref_squeeze %get3A_620 : memref<1x80x64xi32, #tpu.memory_space<vmem>> -> memref<80x64xi32, #tpu.memory_space<vmem>>
          %get3A_622 = arith.index_cast %add3A_566 : i32 to index
          %get3A_623 = arith.constant 32 : index
          %get3A_624 = tpu.vector_load %get3A_621[%get3A_622, %get3A_623] {strides = array<i32>} : memref<80x64xi32, #tpu.memory_space<vmem>>, vector<16xi32>,
          %bitcast3A_625 = vector.bitcast %get3A_624 : vector<16xi32> to vector<32xbf16>
          %add3A_626 = arith.addf %bitcast3A_617, %bitcast3A_625 : vector<32xbf16>
          %max3A_627 = arith.constant 0.000000e+00 : bf16
          %max3A_628 = vector.broadcast %max3A_627 : bf16 to vector<32xbf16>
          %max3A_629 = arith.maximumf %add3A_626, %max3A_628 : vector<32xbf16>
          %mul3A_630 = arith.mulf %max3A_629, %bitcast3A_12 : vector<32xbf16>
          %add3A_631 = arith.addf %add3A_609, %mul3A_630 : vector<32xbf16>
          %get3A_632 = arith.constant 0 : i32
          %get3A_633 = arith.constant 0 : i32
          %get3A_634 = tpu.memref_slice %arg10[%scan3A_236, %get3A_632, %get3A_633] : memref<4x80x64xi32, #tpu.memory_space<vmem>> -> memref<1x80x64xi32, #tpu.memory_space<vmem>>
          %get3A_635 = tpu.memref_squeeze %get3A_634 : memref<1x80x64xi32, #tpu.memory_space<vmem>> -> memref<80x64xi32, #tpu.memory_space<vmem>>
          %get3A_636 = arith.index_cast %add3A_566 : i32 to index
          %get3A_637 = arith.constant 48 : index
          %get3A_638 = tpu.vector_load %get3A_635[%get3A_636, %get3A_637] {strides = array<i32>} : memref<80x64xi32, #tpu.memory_space<vmem>>, vector<16xi32>,
          %bitcast3A_639 = vector.bitcast %get3A_638 : vector<16xi32> to vector<32xbf16>
          %get3A_640 = arith.constant 0 : i32
          %get3A_641 = arith.constant 0 : i32
          %get3A_642 = tpu.memref_slice %arg11[%scan3A_237, %get3A_640, %get3A_641] : memref<4x80x64xi32, #tpu.memory_space<vmem>> -> memref<1x80x64xi32, #tpu.memory_space<vmem>>
          %get3A_643 = tpu.memref_squeeze %get3A_642 : memref<1x80x64xi32, #tpu.memory_space<vmem>> -> memref<80x64xi32, #tpu.memory_space<vmem>>
          %get3A_644 = arith.index_cast %add3A_566 : i32 to index
          %get3A_645 = arith.constant 48 : index
          %get3A_646 = tpu.vector_load %get3A_643[%get3A_644, %get3A_645] {strides = array<i32>} : memref<80x64xi32, #tpu.memory_space<vmem>>, vector<16xi32>,
          %bitcast3A_647 = vector.bitcast %get3A_646 : vector<16xi32> to vector<32xbf16>
          %add3A_648 = arith.addf %bitcast3A_639, %bitcast3A_647 : vector<32xbf16>
          %max3A_649 = arith.constant 0.000000e+00 : bf16
          %max3A_650 = vector.broadcast %max3A_649 : bf16 to vector<32xbf16>
          %max3A_651 = arith.maximumf %add3A_648, %max3A_650 : vector<32xbf16>
          %mul3A_652 = arith.mulf %max3A_651, %bitcast3A_15 : vector<32xbf16>
          %add3A_653 = arith.addf %add3A_631, %mul3A_652 : vector<32xbf16>
          %unpack3A_654 = tpu.unpack_subelements %add3A_653, 0 {pack_format = #tpu.pack_format<interleaved>} : vector<32xbf16> -> vector<16xf32>
          %unpack3A_655 = tpu.unpack_subelements %add3A_653, 1 {pack_format = #tpu.pack_format<interleaved>} : vector<32xbf16> -> vector<16xf32>
          %add3A_656 = arith.addf %unpack3A_654, %unpack3A_655 : vector<16xf32>
          %eq3A_657 = vector.broadcast %scan3A_563 : i32 to vector<16xi32>
          %eq3A_658 = arith.cmpi eq, %iota3A, %eq3A_657 : vector<16xi32>
          %reduce_sum3A_659 = arith.constant true
          %reduce_sum3A_660 = vector.broadcast %reduce_sum3A_659 : i1 to vector<16xi1>
          %reduce_sum3A_661 = tpu.scan <sum>, %add3A_656 masked %reduce_sum3A_660 : vector<16xf32>, vector<16xi1> -> vector<16xf32>
          %reduce_sum3A_662 = vector.extract %reduce_sum3A_661[15] : f32 from vector<16xf32>
          %broadcast_in_dim3A_663 = vector.broadcast %reduce_sum3A_662 : f32 to vector<16xf32>
          %select_n3A_664 = arith.select %eq3A_658, %broadcast_in_dim3A_663, %select_n3A_561 : vector<16xi1>, vector<16xf32>
          %scan3A_665 = arith.constant 3 : i32
          %scan3A_666 = arith.addi %scan3A_361, %scan3A_665 : i32
          %mul3A_667 = arith.constant 16 : i32
          %mul3A_668 = arith.muli %scan3A_342, %mul3A_667 : i32
          %add3A_669 = arith.addi %mul3A_668, %scan3A_666 : i32
          %get3A_670 = arith.constant 0 : i32
          %get3A_671 = arith.constant 0 : i32
          %get3A_672 = tpu.memref_slice %arg10[%scan3A_236, %get3A_670, %get3A_671] : memref<4x80x64xi32, #tpu.memory_space<vmem>> -> memref<1x80x64xi32, #tpu.memory_space<vmem>>
          %get3A_673 = tpu.memref_squeeze %get3A_672 : memref<1x80x64xi32, #tpu.memory_space<vmem>> -> memref<80x64xi32, #tpu.memory_space<vmem>>
          %get3A_674 = arith.index_cast %add3A_669 : i32 to index
          %get3A_675 = arith.constant 0 : index
          %get3A_676 = tpu.vector_load %get3A_673[%get3A_674, %get3A_675] {strides = array<i32>} : memref<80x64xi32, #tpu.memory_space<vmem>>, vector<16xi32>,
          %bitcast3A_677 = vector.bitcast %get3A_676 : vector<16xi32> to vector<32xbf16>
          %get3A_678 = arith.constant 0 : i32
          %get3A_679 = arith.constant 0 : i32
          %get3A_680 = tpu.memref_slice %arg11[%scan3A_237, %get3A_678, %get3A_679] : memref<4x80x64xi32, #tpu.memory_space<vmem>> -> memref<1x80x64xi32, #tpu.memory_space<vmem>>
          %get3A_681 = tpu.memref_squeeze %get3A_680 : memref<1x80x64xi32, #tpu.memory_space<vmem>> -> memref<80x64xi32, #tpu.memory_space<vmem>>
          %get3A_682 = arith.index_cast %add3A_669 : i32 to index
          %get3A_683 = arith.constant 0 : index
          %get3A_684 = tpu.vector_load %get3A_681[%get3A_682, %get3A_683] {strides = array<i32>} : memref<80x64xi32, #tpu.memory_space<vmem>>, vector<16xi32>,
          %bitcast3A_685 = vector.bitcast %get3A_684 : vector<16xi32> to vector<32xbf16>
          %add3A_686 = arith.addf %bitcast3A_677, %bitcast3A_685 : vector<32xbf16>
          %max3A_687 = arith.constant 0.000000e+00 : bf16
          %max3A_688 = vector.broadcast %max3A_687 : bf16 to vector<32xbf16>
          %max3A_689 = arith.maximumf %add3A_686, %max3A_688 : vector<32xbf16>
          %mul3A_690 = arith.mulf %max3A_689, %bitcast3A : vector<32xbf16>
          %get3A_691 = arith.constant 0 : i32
          %get3A_692 = arith.constant 0 : i32
          %get3A_693 = tpu.memref_slice %arg10[%scan3A_236, %get3A_691, %get3A_692] : memref<4x80x64xi32, #tpu.memory_space<vmem>> -> memref<1x80x64xi32, #tpu.memory_space<vmem>>
          %get3A_694 = tpu.memref_squeeze %get3A_693 : memref<1x80x64xi32, #tpu.memory_space<vmem>> -> memref<80x64xi32, #tpu.memory_space<vmem>>
          %get3A_695 = arith.index_cast %add3A_669 : i32 to index
          %get3A_696 = arith.constant 16 : index
          %get3A_697 = tpu.vector_load %get3A_694[%get3A_695, %get3A_696] {strides = array<i32>} : memref<80x64xi32, #tpu.memory_space<vmem>>, vector<16xi32>,
          %bitcast3A_698 = vector.bitcast %get3A_697 : vector<16xi32> to vector<32xbf16>
          %get3A_699 = arith.constant 0 : i32
          %get3A_700 = arith.constant 0 : i32
          %get3A_701 = tpu.memref_slice %arg11[%scan3A_237, %get3A_699, %get3A_700] : memref<4x80x64xi32, #tpu.memory_space<vmem>> -> memref<1x80x64xi32, #tpu.memory_space<vmem>>
          %get3A_702 = tpu.memref_squeeze %get3A_701 : memref<1x80x64xi32, #tpu.memory_space<vmem>> -> memref<80x64xi32, #tpu.memory_space<vmem>>
          %get3A_703 = arith.index_cast %add3A_669 : i32 to index
          %get3A_704 = arith.constant 16 : index
          %get3A_705 = tpu.vector_load %get3A_702[%get3A_703, %get3A_704] {strides = array<i32>} : memref<80x64xi32, #tpu.memory_space<vmem>>, vector<16xi32>,
          %bitcast3A_706 = vector.bitcast %get3A_705 : vector<16xi32> to vector<32xbf16>
          %add3A_707 = arith.addf %bitcast3A_698, %bitcast3A_706 : vector<32xbf16>
          %max3A_708 = arith.constant 0.000000e+00 : bf16
          %max3A_709 = vector.broadcast %max3A_708 : bf16 to vector<32xbf16>
          %max3A_710 = arith.maximumf %add3A_707, %max3A_709 : vector<32xbf16>
          %mul3A_711 = arith.mulf %max3A_710, %bitcast3A_9 : vector<32xbf16>
          %add3A_712 = arith.addf %mul3A_690, %mul3A_711 : vector<32xbf16>
          %get3A_713 = arith.constant 0 : i32
          %get3A_714 = arith.constant 0 : i32
          %get3A_715 = tpu.memref_slice %arg10[%scan3A_236, %get3A_713, %get3A_714] : memref<4x80x64xi32, #tpu.memory_space<vmem>> -> memref<1x80x64xi32, #tpu.memory_space<vmem>>
          %get3A_716 = tpu.memref_squeeze %get3A_715 : memref<1x80x64xi32, #tpu.memory_space<vmem>> -> memref<80x64xi32, #tpu.memory_space<vmem>>
          %get3A_717 = arith.index_cast %add3A_669 : i32 to index
          %get3A_718 = arith.constant 32 : index
          %get3A_719 = tpu.vector_load %get3A_716[%get3A_717, %get3A_718] {strides = array<i32>} : memref<80x64xi32, #tpu.memory_space<vmem>>, vector<16xi32>,
          %bitcast3A_720 = vector.bitcast %get3A_719 : vector<16xi32> to vector<32xbf16>
          %get3A_721 = arith.constant 0 : i32
          %get3A_722 = arith.constant 0 : i32
          %get3A_723 = tpu.memref_slice %arg11[%scan3A_237, %get3A_721, %get3A_722] : memref<4x80x64xi32, #tpu.memory_space<vmem>> -> memref<1x80x64xi32, #tpu.memory_space<vmem>>
          %get3A_724 = tpu.memref_squeeze %get3A_723 : memref<1x80x64xi32, #tpu.memory_space<vmem>> -> memref<80x64xi32, #tpu.memory_space<vmem>>
          %get3A_725 = arith.index_cast %add3A_669 : i32 to index
          %get3A_726 = arith.constant 32 : index
          %get3A_727 = tpu.vector_load %get3A_724[%get3A_725, %get3A_726] {strides = array<i32>} : memref<80x64xi32, #tpu.memory_space<vmem>>, vector<16xi32>,
          %bitcast3A_728 = vector.bitcast %get3A_727 : vector<16xi32> to vector<32xbf16>
          %add3A_729 = arith.addf %bitcast3A_720, %bitcast3A_728 : vector<32xbf16>
          %max3A_730 = arith.constant 0.000000e+00 : bf16
          %max3A_731 = vector.broadcast %max3A_730 : bf16 to vector<32xbf16>
          %max3A_732 = arith.maximumf %add3A_729, %max3A_731 : vector<32xbf16>
          %mul3A_733 = arith.mulf %max3A_732, %bitcast3A_12 : vector<32xbf16>
          %add3A_734 = arith.addf %add3A_712, %mul3A_733 : vector<32xbf16>
          %get3A_735 = arith.constant 0 : i32
          %get3A_736 = arith.constant 0 : i32
          %get3A_737 = tpu.memref_slice %arg10[%scan3A_236, %get3A_735, %get3A_736] : memref<4x80x64xi32, #tpu.memory_space<vmem>> -> memref<1x80x64xi32, #tpu.memory_space<vmem>>
          %get3A_738 = tpu.memref_squeeze %get3A_737 : memref<1x80x64xi32, #tpu.memory_space<vmem>> -> memref<80x64xi32, #tpu.memory_space<vmem>>
          %get3A_739 = arith.index_cast %add3A_669 : i32 to index
          %get3A_740 = arith.constant 48 : index
          %get3A_741 = tpu.vector_load %get3A_738[%get3A_739, %get3A_740] {strides = array<i32>} : memref<80x64xi32, #tpu.memory_space<vmem>>, vector<16xi32>,
          %bitcast3A_742 = vector.bitcast %get3A_741 : vector<16xi32> to vector<32xbf16>
          %get3A_743 = arith.constant 0 : i32
          %get3A_744 = arith.constant 0 : i32
          %get3A_745 = tpu.memref_slice %arg11[%scan3A_237, %get3A_743, %get3A_744] : memref<4x80x64xi32, #tpu.memory_space<vmem>> -> memref<1x80x64xi32, #tpu.memory_space<vmem>>
          %get3A_746 = tpu.memref_squeeze %get3A_745 : memref<1x80x64xi32, #tpu.memory_space<vmem>> -> memref<80x64xi32, #tpu.memory_space<vmem>>
          %get3A_747 = arith.index_cast %add3A_669 : i32 to index
          %get3A_748 = arith.constant 48 : index
          %get3A_749 = tpu.vector_load %get3A_746[%get3A_747, %get3A_748] {strides = array<i32>} : memref<80x64xi32, #tpu.memory_space<vmem>>, vector<16xi32>,
          %bitcast3A_750 = vector.bitcast %get3A_749 : vector<16xi32> to vector<32xbf16>
          %add3A_751 = arith.addf %bitcast3A_742, %bitcast3A_750 : vector<32xbf16>
          %max3A_752 = arith.constant 0.000000e+00 : bf16
          %max3A_753 = vector.broadcast %max3A_752 : bf16 to vector<32xbf16>
          %max3A_754 = arith.maximumf %add3A_751, %max3A_753 : vector<32xbf16>
          %mul3A_755 = arith.mulf %max3A_754, %bitcast3A_15 : vector<32xbf16>
          %add3A_756 = arith.addf %add3A_734, %mul3A_755 : vector<32xbf16>
          %unpack3A_757 = tpu.unpack_subelements %add3A_756, 0 {pack_format = #tpu.pack_format<interleaved>} : vector<32xbf16> -> vector<16xf32>
          %unpack3A_758 = tpu.unpack_subelements %add3A_756, 1 {pack_format = #tpu.pack_format<interleaved>} : vector<32xbf16> -> vector<16xf32>
          %add3A_759 = arith.addf %unpack3A_757, %unpack3A_758 : vector<16xf32>
          %eq3A_760 = vector.broadcast %scan3A_666 : i32 to vector<16xi32>
          %eq3A_761 = arith.cmpi eq, %iota3A, %eq3A_760 : vector<16xi32>
          %reduce_sum3A_762 = arith.constant true
          %reduce_sum3A_763 = vector.broadcast %reduce_sum3A_762 : i1 to vector<16xi1>
          %reduce_sum3A_764 = tpu.scan <sum>, %add3A_759 masked %reduce_sum3A_763 : vector<16xf32>, vector<16xi1> -> vector<16xf32>
          %reduce_sum3A_765 = vector.extract %reduce_sum3A_764[15] : f32 from vector<16xf32>
          %broadcast_in_dim3A_766 = vector.broadcast %reduce_sum3A_765 : f32 to vector<16xf32>
          %select_n3A_767 = arith.select %eq3A_761, %broadcast_in_dim3A_766, %select_n3A_664 : vector<16xi1>, vector<16xf32>
          scf.yield %select_n3A_767 : vector<16xf32>
        }
        %scan3A_349 = arith.constant 16 : i32
        %add3A_350 = arith.addf %scan3A_348, %get3A_4 : vector<16xf32>
        %neg3A = arith.constant 0.000000e+00 : f32
        %neg3A_351 = vector.broadcast %neg3A : f32 to vector<16xf32>
        %neg3A_352 = arith.subf %neg3A_351, %add3A_350 : vector<16xf32>
        %exp3A = math.exp %neg3A_352 : vector<16xf32>
        %add3A_353 = arith.constant 1.000000e+00 : f32
        %add3A_354 = vector.broadcast %add3A_353 : f32 to vector<16xf32>
        %add3A_355 = arith.addf %add3A_354, %exp3A : vector<16xf32>
        %div3A = arith.constant 1.000000e+00 : f32
        %div3A_356 = vector.broadcast %div3A : f32 to vector<16xf32>
        %div3A_357 = arith.divf %div3A_356, %add3A_355 : vector<16xf32>
        %mul3A_358 = arith.constant 16 : i32
        %mul3A_359 = arith.muli %scan3A_342, %mul3A_358 : i32
        %swap3A = arith.index_cast %mul3A_359 : i32 to index
        %swap3A_360 = tpu.vector_load %arg12[%swap3A] {strides = array<i32>} : memref<80xf32, #tpu.memory_space<vmem>>, vector<16xf32>,
        tpu.vector_store %arg12[%swap3A], %div3A_357 {strides = array<i32>} : memref<80xf32, #tpu.memory_space<vmem>>, vector<16xf32>,
      }
      %scan3A_242 = arith.constant 5 : i32
      %mul3A_243 = arith.constant 80 : i32
      %mul3A_244 = arith.muli %add3A_199, %mul3A_243 : i32
      %add3A_245 = arith.addi %mul3A_2, %mul3A_244 : i32
      "tpu.region"() ({
        %run_scoped3A_342 = tpu.sem_alloc : memref<!tpu.dma_semaphore, #tpu.memory_space<semaphore_mem>>
        %dma_start3A_343 = tpu.memref_slice %arg7[%add3A_245] : memref<320000xf32, #tpu.memory_space<hbm>> -> memref<80xf32, #tpu.memory_space<hbm>>
        %dma_start3A_344 = tpu.memref_slice %arg7[%add3A_245] : memref<320000xf32, #tpu.memory_space<hbm>> -> memref<80xf32, #tpu.memory_space<hbm>>
        tpu.enqueue_dma source(%arg12 : memref<80xf32, #tpu.memory_space<vmem>>) target(%dma_start3A_344 : memref<80xf32, #tpu.memory_space<hbm>>) target_semaphore(%run_scoped3A_342 : memref<!tpu.dma_semaphore, #tpu.memory_space<semaphore_mem>>)
        %dma_wait3A_345 = tpu.memref_slice %arg7[%add3A_245] : memref<320000xf32, #tpu.memory_space<hbm>> -> memref<80xf32, #tpu.memory_space<hbm>>
        %dma_wait3A_346 = tpu.memref_slice %arg7[%add3A_245] : memref<320000xf32, #tpu.memory_space<hbm>> -> memref<80xf32, #tpu.memory_space<hbm>>
        tpu.wait_dma2 semaphore(%run_scoped3A_342 : memref<!tpu.dma_semaphore, #tpu.memory_space<semaphore_mem>>) src(%arg12 : memref<80xf32, #tpu.memory_space<vmem>>) dst(%dma_wait3A_346 : memref<80xf32, #tpu.memory_space<hbm>>)
        tpu.yield
      }) : () -> ()
      %add3A_246 = arith.constant 2 : i32
      %add3A_247 = arith.addi %add3A_152, %add3A_246 : i32
      %add3A_248 = arith.constant 3 : i32
      %add3A_249 = arith.addi %add3A_247, %add3A_248 : i32
      %lt3A_250 = arith.constant 125 : i32
      %lt3A_251 = arith.cmpi slt, %add3A_249, %lt3A_250 : i32
      %convert_element_type3A_252 = arith.extui %lt3A_251 : i1 to i32
      %cond3A_253 = arith.constant 0 : i32
      %cond3A_254 = arith.cmpi ne, %convert_element_type3A_252, %cond3A_253 : i32
      scf.if %cond3A_254 {
        %add3A_342 = arith.constant 3 : i32
        %add3A_343 = arith.addi %add3A_247, %add3A_342 : i32
        %dma_start3A_344 = arith.constant 1 : i32
        %dma_start3A_345 = arith.constant 1 : i32
        %dma_start3A_346 = arith.constant 0 : i32
        %dma_start3A_347 = arith.constant 0 : i32
        %dma_start3A_348 = tpu.memref_slice %arg10[%dma_start3A_344, %dma_start3A_346, %dma_start3A_347] : memref<4x80x64xi32, #tpu.memory_space<vmem>> -> memref<1x80x64xi32, #tpu.memory_space<vmem>>
        %dma_start3A_349 = tpu.memref_squeeze %dma_start3A_348 : memref<1x80x64xi32, #tpu.memory_space<vmem>> -> memref<80x64xi32, #tpu.memory_space<vmem>>
        %dma_start3A_350 = arith.constant 0 : i32
        %dma_start3A_351 = tpu.memref_slice %arg8[%add3A_343, %dma_start3A_350] : memref<125x80xi32, #tpu.memory_space<vmem>> -> memref<1x80xi32, #tpu.memory_space<vmem>>
        %dma_start3A_352 = tpu.memref_squeeze %dma_start3A_351 : memref<1x80xi32, #tpu.memory_space<vmem>> -> memref<80xi32, #tpu.memory_space<vmem>>
        %dma_start3A_353 = arith.constant 0 : i32
        %dma_start3A_354 = arith.constant 0 : i32
        %dma_start3A_355 = tpu.memref_slice %arg2[%dma_start3A_353, %dma_start3A_354] : memref<10000x64xi32, #tpu.memory_space<hbm>> -> memref<10000x64xi32, #tpu.memory_space<hbm>>
        %dma_start3A_356 = tpu.memref_slice %arg15[%dma_start3A_345] : memref<4x!tpu.dma_semaphore, #tpu.memory_space<semaphore_mem>> -> memref<1x!tpu.dma_semaphore, #tpu.memory_space<semaphore_mem>>
        %dma_start3A_357 = tpu.memref_squeeze %dma_start3A_356 : memref<1x!tpu.dma_semaphore, #tpu.memory_space<semaphore_mem>> -> memref<!tpu.dma_semaphore, #tpu.memory_space<semaphore_mem>>
        tpu.enqueue_indirect_dma source(%dma_start3A_355 : memref<10000x64xi32, #tpu.memory_space<hbm>>) target(%dma_start3A_349 : memref<80x64xi32, #tpu.memory_space<vmem>>) offsets(%dma_start3A_352 : memref<80xi32, #tpu.memory_space<vmem>>) semaphore(%dma_start3A_357 : memref<!tpu.dma_semaphore, #tpu.memory_space<semaphore_mem>>)
        %dma_start3A_358 = arith.constant 1 : i32
        %dma_start3A_359 = arith.constant 1 : i32
        %dma_start3A_360 = arith.constant 0 : i32
        %dma_start3A_361 = arith.constant 0 : i32
        %dma_start3A_362 = tpu.memref_slice %arg11[%dma_start3A_358, %dma_start3A_360, %dma_start3A_361] : memref<4x80x64xi32, #tpu.memory_space<vmem>> -> memref<1x80x64xi32, #tpu.memory_space<vmem>>
        %dma_start3A_363 = tpu.memref_squeeze %dma_start3A_362 : memref<1x80x64xi32, #tpu.memory_space<vmem>> -> memref<80x64xi32, #tpu.memory_space<vmem>>
        %dma_start3A_364 = arith.constant 0 : i32
        %dma_start3A_365 = tpu.memref_slice %arg9[%add3A_343, %dma_start3A_364] : memref<125x80xi32, #tpu.memory_space<vmem>> -> memref<1x80xi32, #tpu.memory_space<vmem>>
        %dma_start3A_366 = tpu.memref_squeeze %dma_start3A_365 : memref<1x80xi32, #tpu.memory_space<vmem>> -> memref<80xi32, #tpu.memory_space<vmem>>
        %dma_start3A_367 = arith.constant 0 : i32
        %dma_start3A_368 = arith.constant 0 : i32
        %dma_start3A_369 = tpu.memref_slice %arg3[%dma_start3A_367, %dma_start3A_368] : memref<10000x64xi32, #tpu.memory_space<hbm>> -> memref<10000x64xi32, #tpu.memory_space<hbm>>
        %dma_start3A_370 = tpu.memref_slice %arg15[%dma_start3A_359] : memref<4x!tpu.dma_semaphore, #tpu.memory_space<semaphore_mem>> -> memref<1x!tpu.dma_semaphore, #tpu.memory_space<semaphore_mem>>
        %dma_start3A_371 = tpu.memref_squeeze %dma_start3A_370 : memref<1x!tpu.dma_semaphore, #tpu.memory_space<semaphore_mem>> -> memref<!tpu.dma_semaphore, #tpu.memory_space<semaphore_mem>>
        tpu.enqueue_indirect_dma source(%dma_start3A_369 : memref<10000x64xi32, #tpu.memory_space<hbm>>) target(%dma_start3A_363 : memref<80x64xi32, #tpu.memory_space<vmem>>) offsets(%dma_start3A_366 : memref<80xi32, #tpu.memory_space<vmem>>) semaphore(%dma_start3A_371 : memref<!tpu.dma_semaphore, #tpu.memory_space<semaphore_mem>>)
      } else {
      }
      %dma_wait3A_255 = arith.constant 2 : i32
      %dma_wait3A_256 = arith.constant 2 : i32
      %dma_wait3A_257 = arith.constant 0 : i32
      %dma_wait3A_258 = arith.constant 0 : i32
      %dma_wait3A_259 = tpu.memref_slice %arg10[%dma_wait3A_255, %dma_wait3A_257, %dma_wait3A_258] : memref<4x80x64xi32, #tpu.memory_space<vmem>> -> memref<1x80x64xi32, #tpu.memory_space<vmem>>
      %dma_wait3A_260 = tpu.memref_squeeze %dma_wait3A_259 : memref<1x80x64xi32, #tpu.memory_space<vmem>> -> memref<80x64xi32, #tpu.memory_space<vmem>>
      %dma_wait3A_261 = arith.constant 0 : i32
      %dma_wait3A_262 = tpu.memref_slice %arg8[%add3A_247, %dma_wait3A_261] : memref<125x80xi32, #tpu.memory_space<vmem>> -> memref<1x80xi32, #tpu.memory_space<vmem>>
      %dma_wait3A_263 = tpu.memref_squeeze %dma_wait3A_262 : memref<1x80xi32, #tpu.memory_space<vmem>> -> memref<80xi32, #tpu.memory_space<vmem>>
      %dma_wait3A_264 = arith.constant 0 : i32
      %dma_wait3A_265 = arith.constant 0 : i32
      %dma_wait3A_266 = tpu.memref_slice %arg2[%dma_wait3A_264, %dma_wait3A_265] : memref<10000x64xi32, #tpu.memory_space<hbm>> -> memref<10000x64xi32, #tpu.memory_space<hbm>>
      %dma_wait3A_267 = tpu.memref_slice %arg15[%dma_wait3A_256] : memref<4x!tpu.dma_semaphore, #tpu.memory_space<semaphore_mem>> -> memref<1x!tpu.dma_semaphore, #tpu.memory_space<semaphore_mem>>
      %dma_wait3A_268 = tpu.memref_squeeze %dma_wait3A_267 : memref<1x!tpu.dma_semaphore, #tpu.memory_space<semaphore_mem>> -> memref<!tpu.dma_semaphore, #tpu.memory_space<semaphore_mem>>
      tpu.wait_indirect_dma semaphore(%dma_wait3A_268 : memref<!tpu.dma_semaphore, #tpu.memory_space<semaphore_mem>>) src(%dma_wait3A_266 : memref<10000x64xi32, #tpu.memory_space<hbm>>) dst(%dma_wait3A_260 : memref<80x64xi32, #tpu.memory_space<vmem>>)
      %dma_wait3A_269 = arith.constant 2 : i32
      %dma_wait3A_270 = arith.constant 2 : i32
      %dma_wait3A_271 = arith.constant 0 : i32
      %dma_wait3A_272 = arith.constant 0 : i32
      %dma_wait3A_273 = tpu.memref_slice %arg11[%dma_wait3A_269, %dma_wait3A_271, %dma_wait3A_272] : memref<4x80x64xi32, #tpu.memory_space<vmem>> -> memref<1x80x64xi32, #tpu.memory_space<vmem>>
      %dma_wait3A_274 = tpu.memref_squeeze %dma_wait3A_273 : memref<1x80x64xi32, #tpu.memory_space<vmem>> -> memref<80x64xi32, #tpu.memory_space<vmem>>
      %dma_wait3A_275 = arith.constant 0 : i32
      %dma_wait3A_276 = tpu.memref_slice %arg9[%add3A_247, %dma_wait3A_275] : memref<125x80xi32, #tpu.memory_space<vmem>> -> memref<1x80xi32, #tpu.memory_space<vmem>>
      %dma_wait3A_277 = tpu.memref_squeeze %dma_wait3A_276 : memref<1x80xi32, #tpu.memory_space<vmem>> -> memref<80xi32, #tpu.memory_space<vmem>>
      %dma_wait3A_278 = arith.constant 0 : i32
      %dma_wait3A_279 = arith.constant 0 : i32
      %dma_wait3A_280 = tpu.memref_slice %arg3[%dma_wait3A_278, %dma_wait3A_279] : memref<10000x64xi32, #tpu.memory_space<hbm>> -> memref<10000x64xi32, #tpu.memory_space<hbm>>
      %dma_wait3A_281 = tpu.memref_slice %arg15[%dma_wait3A_270] : memref<4x!tpu.dma_semaphore, #tpu.memory_space<semaphore_mem>> -> memref<1x!tpu.dma_semaphore, #tpu.memory_space<semaphore_mem>>
      %dma_wait3A_282 = tpu.memref_squeeze %dma_wait3A_281 : memref<1x!tpu.dma_semaphore, #tpu.memory_space<semaphore_mem>> -> memref<!tpu.dma_semaphore, #tpu.memory_space<semaphore_mem>>
      tpu.wait_indirect_dma semaphore(%dma_wait3A_282 : memref<!tpu.dma_semaphore, #tpu.memory_space<semaphore_mem>>) src(%dma_wait3A_280 : memref<10000x64xi32, #tpu.memory_space<hbm>>) dst(%dma_wait3A_274 : memref<80x64xi32, #tpu.memory_space<vmem>>)
      %scan3A_283 = arith.constant 0 : i32
      %scan3A_284 = arith.constant 2 : i32
      %scan3A_285 = arith.constant 2 : i32
      %scan3A_286 = arith.constant 0 : i32
      %scan3A_287 = arith.constant 5 : i32
      %scan3A_288 = arith.addi %scan3A_286, %scan3A_287 : i32
      %scan3A_289 = arith.constant 1 : i32
      scf.for %scan3A_342 = %scan3A_286 to %scan3A_288 step %scan3A_289  : i32 {
        %broadcast_in_dim3A = arith.constant 0.000000e+00 : f32
        %broadcast_in_dim3A_343 = vector.broadcast %broadcast_in_dim3A : f32 to vector<16xf32>
        %scan3A_344 = arith.constant 0 : i32
        %scan3A_345 = arith.constant 16 : i32
        %scan3A_346 = arith.addi %scan3A_344, %scan3A_345 : i32
        %scan3A_347 = arith.constant 4 : i32
        %scan3A_348 = scf.for %scan3A_361 = %scan3A_344 to %scan3A_346 step %scan3A_347 iter_args(%scan3A_362 = %broadcast_in_dim3A_343) -> (vector<16xf32>)  : i32 {
          %mul3A_363 = arith.constant 16 : i32
          %mul3A_364 = arith.muli %scan3A_342, %mul3A_363 : i32
          %add3A_365 = arith.addi %mul3A_364, %scan3A_361 : i32
          %get3A_366 = arith.constant 0 : i32
          %get3A_367 = arith.constant 0 : i32
          %get3A_368 = tpu.memref_slice %arg10[%scan3A_284, %get3A_366, %get3A_367] : memref<4x80x64xi32, #tpu.memory_space<vmem>> -> memref<1x80x64xi32, #tpu.memory_space<vmem>>
          %get3A_369 = tpu.memref_squeeze %get3A_368 : memref<1x80x64xi32, #tpu.memory_space<vmem>> -> memref<80x64xi32, #tpu.memory_space<vmem>>
          %get3A_370 = arith.index_cast %add3A_365 : i32 to index
          %get3A_371 = arith.constant 0 : index
          %get3A_372 = tpu.vector_load %get3A_369[%get3A_370, %get3A_371] {strides = array<i32>} : memref<80x64xi32, #tpu.memory_space<vmem>>, vector<16xi32>,
          %bitcast3A_373 = vector.bitcast %get3A_372 : vector<16xi32> to vector<32xbf16>
          %get3A_374 = arith.constant 0 : i32
          %get3A_375 = arith.constant 0 : i32
          %get3A_376 = tpu.memref_slice %arg11[%scan3A_285, %get3A_374, %get3A_375] : memref<4x80x64xi32, #tpu.memory_space<vmem>> -> memref<1x80x64xi32, #tpu.memory_space<vmem>>
          %get3A_377 = tpu.memref_squeeze %get3A_376 : memref<1x80x64xi32, #tpu.memory_space<vmem>> -> memref<80x64xi32, #tpu.memory_space<vmem>>
          %get3A_378 = arith.index_cast %add3A_365 : i32 to index
          %get3A_379 = arith.constant 0 : index
          %get3A_380 = tpu.vector_load %get3A_377[%get3A_378, %get3A_379] {strides = array<i32>} : memref<80x64xi32, #tpu.memory_space<vmem>>, vector<16xi32>,
          %bitcast3A_381 = vector.bitcast %get3A_380 : vector<16xi32> to vector<32xbf16>
          %add3A_382 = arith.addf %bitcast3A_373, %bitcast3A_381 : vector<32xbf16>
          %max3A = arith.constant 0.000000e+00 : bf16
          %max3A_383 = vector.broadcast %max3A : bf16 to vector<32xbf16>
          %max3A_384 = arith.maximumf %add3A_382, %max3A_383 : vector<32xbf16>
          %mul3A_385 = arith.mulf %max3A_384, %bitcast3A : vector<32xbf16>
          %get3A_386 = arith.constant 0 : i32
          %get3A_387 = arith.constant 0 : i32
          %get3A_388 = tpu.memref_slice %arg10[%scan3A_284, %get3A_386, %get3A_387] : memref<4x80x64xi32, #tpu.memory_space<vmem>> -> memref<1x80x64xi32, #tpu.memory_space<vmem>>
          %get3A_389 = tpu.memref_squeeze %get3A_388 : memref<1x80x64xi32, #tpu.memory_space<vmem>> -> memref<80x64xi32, #tpu.memory_space<vmem>>
          %get3A_390 = arith.index_cast %add3A_365 : i32 to index
          %get3A_391 = arith.constant 16 : index
          %get3A_392 = tpu.vector_load %get3A_389[%get3A_390, %get3A_391] {strides = array<i32>} : memref<80x64xi32, #tpu.memory_space<vmem>>, vector<16xi32>,
          %bitcast3A_393 = vector.bitcast %get3A_392 : vector<16xi32> to vector<32xbf16>
          %get3A_394 = arith.constant 0 : i32
          %get3A_395 = arith.constant 0 : i32
          %get3A_396 = tpu.memref_slice %arg11[%scan3A_285, %get3A_394, %get3A_395] : memref<4x80x64xi32, #tpu.memory_space<vmem>> -> memref<1x80x64xi32, #tpu.memory_space<vmem>>
          %get3A_397 = tpu.memref_squeeze %get3A_396 : memref<1x80x64xi32, #tpu.memory_space<vmem>> -> memref<80x64xi32, #tpu.memory_space<vmem>>
          %get3A_398 = arith.index_cast %add3A_365 : i32 to index
          %get3A_399 = arith.constant 16 : index
          %get3A_400 = tpu.vector_load %get3A_397[%get3A_398, %get3A_399] {strides = array<i32>} : memref<80x64xi32, #tpu.memory_space<vmem>>, vector<16xi32>,
          %bitcast3A_401 = vector.bitcast %get3A_400 : vector<16xi32> to vector<32xbf16>
          %add3A_402 = arith.addf %bitcast3A_393, %bitcast3A_401 : vector<32xbf16>
          %max3A_403 = arith.constant 0.000000e+00 : bf16
          %max3A_404 = vector.broadcast %max3A_403 : bf16 to vector<32xbf16>
          %max3A_405 = arith.maximumf %add3A_402, %max3A_404 : vector<32xbf16>
          %mul3A_406 = arith.mulf %max3A_405, %bitcast3A_9 : vector<32xbf16>
          %add3A_407 = arith.addf %mul3A_385, %mul3A_406 : vector<32xbf16>
          %get3A_408 = arith.constant 0 : i32
          %get3A_409 = arith.constant 0 : i32
          %get3A_410 = tpu.memref_slice %arg10[%scan3A_284, %get3A_408, %get3A_409] : memref<4x80x64xi32, #tpu.memory_space<vmem>> -> memref<1x80x64xi32, #tpu.memory_space<vmem>>
          %get3A_411 = tpu.memref_squeeze %get3A_410 : memref<1x80x64xi32, #tpu.memory_space<vmem>> -> memref<80x64xi32, #tpu.memory_space<vmem>>
          %get3A_412 = arith.index_cast %add3A_365 : i32 to index
          %get3A_413 = arith.constant 32 : index
          %get3A_414 = tpu.vector_load %get3A_411[%get3A_412, %get3A_413] {strides = array<i32>} : memref<80x64xi32, #tpu.memory_space<vmem>>, vector<16xi32>,
          %bitcast3A_415 = vector.bitcast %get3A_414 : vector<16xi32> to vector<32xbf16>
          %get3A_416 = arith.constant 0 : i32
          %get3A_417 = arith.constant 0 : i32
          %get3A_418 = tpu.memref_slice %arg11[%scan3A_285, %get3A_416, %get3A_417] : memref<4x80x64xi32, #tpu.memory_space<vmem>> -> memref<1x80x64xi32, #tpu.memory_space<vmem>>
          %get3A_419 = tpu.memref_squeeze %get3A_418 : memref<1x80x64xi32, #tpu.memory_space<vmem>> -> memref<80x64xi32, #tpu.memory_space<vmem>>
          %get3A_420 = arith.index_cast %add3A_365 : i32 to index
          %get3A_421 = arith.constant 32 : index
          %get3A_422 = tpu.vector_load %get3A_419[%get3A_420, %get3A_421] {strides = array<i32>} : memref<80x64xi32, #tpu.memory_space<vmem>>, vector<16xi32>,
          %bitcast3A_423 = vector.bitcast %get3A_422 : vector<16xi32> to vector<32xbf16>
          %add3A_424 = arith.addf %bitcast3A_415, %bitcast3A_423 : vector<32xbf16>
          %max3A_425 = arith.constant 0.000000e+00 : bf16
          %max3A_426 = vector.broadcast %max3A_425 : bf16 to vector<32xbf16>
          %max3A_427 = arith.maximumf %add3A_424, %max3A_426 : vector<32xbf16>
          %mul3A_428 = arith.mulf %max3A_427, %bitcast3A_12 : vector<32xbf16>
          %add3A_429 = arith.addf %add3A_407, %mul3A_428 : vector<32xbf16>
          %get3A_430 = arith.constant 0 : i32
          %get3A_431 = arith.constant 0 : i32
          %get3A_432 = tpu.memref_slice %arg10[%scan3A_284, %get3A_430, %get3A_431] : memref<4x80x64xi32, #tpu.memory_space<vmem>> -> memref<1x80x64xi32, #tpu.memory_space<vmem>>
          %get3A_433 = tpu.memref_squeeze %get3A_432 : memref<1x80x64xi32, #tpu.memory_space<vmem>> -> memref<80x64xi32, #tpu.memory_space<vmem>>
          %get3A_434 = arith.index_cast %add3A_365 : i32 to index
          %get3A_435 = arith.constant 48 : index
          %get3A_436 = tpu.vector_load %get3A_433[%get3A_434, %get3A_435] {strides = array<i32>} : memref<80x64xi32, #tpu.memory_space<vmem>>, vector<16xi32>,
          %bitcast3A_437 = vector.bitcast %get3A_436 : vector<16xi32> to vector<32xbf16>
          %get3A_438 = arith.constant 0 : i32
          %get3A_439 = arith.constant 0 : i32
          %get3A_440 = tpu.memref_slice %arg11[%scan3A_285, %get3A_438, %get3A_439] : memref<4x80x64xi32, #tpu.memory_space<vmem>> -> memref<1x80x64xi32, #tpu.memory_space<vmem>>
          %get3A_441 = tpu.memref_squeeze %get3A_440 : memref<1x80x64xi32, #tpu.memory_space<vmem>> -> memref<80x64xi32, #tpu.memory_space<vmem>>
          %get3A_442 = arith.index_cast %add3A_365 : i32 to index
          %get3A_443 = arith.constant 48 : index
          %get3A_444 = tpu.vector_load %get3A_441[%get3A_442, %get3A_443] {strides = array<i32>} : memref<80x64xi32, #tpu.memory_space<vmem>>, vector<16xi32>,
          %bitcast3A_445 = vector.bitcast %get3A_444 : vector<16xi32> to vector<32xbf16>
          %add3A_446 = arith.addf %bitcast3A_437, %bitcast3A_445 : vector<32xbf16>
          %max3A_447 = arith.constant 0.000000e+00 : bf16
          %max3A_448 = vector.broadcast %max3A_447 : bf16 to vector<32xbf16>
          %max3A_449 = arith.maximumf %add3A_446, %max3A_448 : vector<32xbf16>
          %mul3A_450 = arith.mulf %max3A_449, %bitcast3A_15 : vector<32xbf16>
          %add3A_451 = arith.addf %add3A_429, %mul3A_450 : vector<32xbf16>
          %unpack3A = tpu.unpack_subelements %add3A_451, 0 {pack_format = #tpu.pack_format<interleaved>} : vector<32xbf16> -> vector<16xf32>
          %unpack3A_452 = tpu.unpack_subelements %add3A_451, 1 {pack_format = #tpu.pack_format<interleaved>} : vector<32xbf16> -> vector<16xf32>
          %add3A_453 = arith.addf %unpack3A, %unpack3A_452 : vector<16xf32>
          %eq3A = vector.broadcast %scan3A_361 : i32 to vector<16xi32>
          %eq3A_454 = arith.cmpi eq, %iota3A, %eq3A : vector<16xi32>
          %reduce_sum3A = arith.constant true
          %reduce_sum3A_455 = vector.broadcast %reduce_sum3A : i1 to vector<16xi1>
          %reduce_sum3A_456 = tpu.scan <sum>, %add3A_453 masked %reduce_sum3A_455 : vector<16xf32>, vector<16xi1> -> vector<16xf32>
          %reduce_sum3A_457 = vector.extract %reduce_sum3A_456[15] : f32 from vector<16xf32>
          %broadcast_in_dim3A_458 = vector.broadcast %reduce_sum3A_457 : f32 to vector<16xf32>
          %select_n3A = arith.select %eq3A_454, %broadcast_in_dim3A_458, %scan3A_362 : vector<16xi1>, vector<16xf32>
          %scan3A_459 = arith.constant 1 : i32
          %scan3A_460 = arith.addi %scan3A_361, %scan3A_459 : i32
          %mul3A_461 = arith.constant 16 : i32
          %mul3A_462 = arith.muli %scan3A_342, %mul3A_461 : i32
          %add3A_463 = arith.addi %mul3A_462, %scan3A_460 : i32
          %get3A_464 = arith.constant 0 : i32
          %get3A_465 = arith.constant 0 : i32
          %get3A_466 = tpu.memref_slice %arg10[%scan3A_284, %get3A_464, %get3A_465] : memref<4x80x64xi32, #tpu.memory_space<vmem>> -> memref<1x80x64xi32, #tpu.memory_space<vmem>>
          %get3A_467 = tpu.memref_squeeze %get3A_466 : memref<1x80x64xi32, #tpu.memory_space<vmem>> -> memref<80x64xi32, #tpu.memory_space<vmem>>
          %get3A_468 = arith.index_cast %add3A_463 : i32 to index
          %get3A_469 = arith.constant 0 : index
          %get3A_470 = tpu.vector_load %get3A_467[%get3A_468, %get3A_469] {strides = array<i32>} : memref<80x64xi32, #tpu.memory_space<vmem>>, vector<16xi32>,
          %bitcast3A_471 = vector.bitcast %get3A_470 : vector<16xi32> to vector<32xbf16>
          %get3A_472 = arith.constant 0 : i32
          %get3A_473 = arith.constant 0 : i32
          %get3A_474 = tpu.memref_slice %arg11[%scan3A_285, %get3A_472, %get3A_473] : memref<4x80x64xi32, #tpu.memory_space<vmem>> -> memref<1x80x64xi32, #tpu.memory_space<vmem>>
          %get3A_475 = tpu.memref_squeeze %get3A_474 : memref<1x80x64xi32, #tpu.memory_space<vmem>> -> memref<80x64xi32, #tpu.memory_space<vmem>>
          %get3A_476 = arith.index_cast %add3A_463 : i32 to index
          %get3A_477 = arith.constant 0 : index
          %get3A_478 = tpu.vector_load %get3A_475[%get3A_476, %get3A_477] {strides = array<i32>} : memref<80x64xi32, #tpu.memory_space<vmem>>, vector<16xi32>,
          %bitcast3A_479 = vector.bitcast %get3A_478 : vector<16xi32> to vector<32xbf16>
          %add3A_480 = arith.addf %bitcast3A_471, %bitcast3A_479 : vector<32xbf16>
          %max3A_481 = arith.constant 0.000000e+00 : bf16
          %max3A_482 = vector.broadcast %max3A_481 : bf16 to vector<32xbf16>
          %max3A_483 = arith.maximumf %add3A_480, %max3A_482 : vector<32xbf16>
          %mul3A_484 = arith.mulf %max3A_483, %bitcast3A : vector<32xbf16>
          %get3A_485 = arith.constant 0 : i32
          %get3A_486 = arith.constant 0 : i32
          %get3A_487 = tpu.memref_slice %arg10[%scan3A_284, %get3A_485, %get3A_486] : memref<4x80x64xi32, #tpu.memory_space<vmem>> -> memref<1x80x64xi32, #tpu.memory_space<vmem>>
          %get3A_488 = tpu.memref_squeeze %get3A_487 : memref<1x80x64xi32, #tpu.memory_space<vmem>> -> memref<80x64xi32, #tpu.memory_space<vmem>>
          %get3A_489 = arith.index_cast %add3A_463 : i32 to index
          %get3A_490 = arith.constant 16 : index
          %get3A_491 = tpu.vector_load %get3A_488[%get3A_489, %get3A_490] {strides = array<i32>} : memref<80x64xi32, #tpu.memory_space<vmem>>, vector<16xi32>,
          %bitcast3A_492 = vector.bitcast %get3A_491 : vector<16xi32> to vector<32xbf16>
          %get3A_493 = arith.constant 0 : i32
          %get3A_494 = arith.constant 0 : i32
          %get3A_495 = tpu.memref_slice %arg11[%scan3A_285, %get3A_493, %get3A_494] : memref<4x80x64xi32, #tpu.memory_space<vmem>> -> memref<1x80x64xi32, #tpu.memory_space<vmem>>
          %get3A_496 = tpu.memref_squeeze %get3A_495 : memref<1x80x64xi32, #tpu.memory_space<vmem>> -> memref<80x64xi32, #tpu.memory_space<vmem>>
          %get3A_497 = arith.index_cast %add3A_463 : i32 to index
          %get3A_498 = arith.constant 16 : index
          %get3A_499 = tpu.vector_load %get3A_496[%get3A_497, %get3A_498] {strides = array<i32>} : memref<80x64xi32, #tpu.memory_space<vmem>>, vector<16xi32>,
          %bitcast3A_500 = vector.bitcast %get3A_499 : vector<16xi32> to vector<32xbf16>
          %add3A_501 = arith.addf %bitcast3A_492, %bitcast3A_500 : vector<32xbf16>
          %max3A_502 = arith.constant 0.000000e+00 : bf16
          %max3A_503 = vector.broadcast %max3A_502 : bf16 to vector<32xbf16>
          %max3A_504 = arith.maximumf %add3A_501, %max3A_503 : vector<32xbf16>
          %mul3A_505 = arith.mulf %max3A_504, %bitcast3A_9 : vector<32xbf16>
          %add3A_506 = arith.addf %mul3A_484, %mul3A_505 : vector<32xbf16>
          %get3A_507 = arith.constant 0 : i32
          %get3A_508 = arith.constant 0 : i32
          %get3A_509 = tpu.memref_slice %arg10[%scan3A_284, %get3A_507, %get3A_508] : memref<4x80x64xi32, #tpu.memory_space<vmem>> -> memref<1x80x64xi32, #tpu.memory_space<vmem>>
          %get3A_510 = tpu.memref_squeeze %get3A_509 : memref<1x80x64xi32, #tpu.memory_space<vmem>> -> memref<80x64xi32, #tpu.memory_space<vmem>>
          %get3A_511 = arith.index_cast %add3A_463 : i32 to index
          %get3A_512 = arith.constant 32 : index
          %get3A_513 = tpu.vector_load %get3A_510[%get3A_511, %get3A_512] {strides = array<i32>} : memref<80x64xi32, #tpu.memory_space<vmem>>, vector<16xi32>,
          %bitcast3A_514 = vector.bitcast %get3A_513 : vector<16xi32> to vector<32xbf16>
          %get3A_515 = arith.constant 0 : i32
          %get3A_516 = arith.constant 0 : i32
          %get3A_517 = tpu.memref_slice %arg11[%scan3A_285, %get3A_515, %get3A_516] : memref<4x80x64xi32, #tpu.memory_space<vmem>> -> memref<1x80x64xi32, #tpu.memory_space<vmem>>
          %get3A_518 = tpu.memref_squeeze %get3A_517 : memref<1x80x64xi32, #tpu.memory_space<vmem>> -> memref<80x64xi32, #tpu.memory_space<vmem>>
          %get3A_519 = arith.index_cast %add3A_463 : i32 to index
          %get3A_520 = arith.constant 32 : index
          %get3A_521 = tpu.vector_load %get3A_518[%get3A_519, %get3A_520] {strides = array<i32>} : memref<80x64xi32, #tpu.memory_space<vmem>>, vector<16xi32>,
          %bitcast3A_522 = vector.bitcast %get3A_521 : vector<16xi32> to vector<32xbf16>
          %add3A_523 = arith.addf %bitcast3A_514, %bitcast3A_522 : vector<32xbf16>
          %max3A_524 = arith.constant 0.000000e+00 : bf16
          %max3A_525 = vector.broadcast %max3A_524 : bf16 to vector<32xbf16>
          %max3A_526 = arith.maximumf %add3A_523, %max3A_525 : vector<32xbf16>
          %mul3A_527 = arith.mulf %max3A_526, %bitcast3A_12 : vector<32xbf16>
          %add3A_528 = arith.addf %add3A_506, %mul3A_527 : vector<32xbf16>
          %get3A_529 = arith.constant 0 : i32
          %get3A_530 = arith.constant 0 : i32
          %get3A_531 = tpu.memref_slice %arg10[%scan3A_284, %get3A_529, %get3A_530] : memref<4x80x64xi32, #tpu.memory_space<vmem>> -> memref<1x80x64xi32, #tpu.memory_space<vmem>>
          %get3A_532 = tpu.memref_squeeze %get3A_531 : memref<1x80x64xi32, #tpu.memory_space<vmem>> -> memref<80x64xi32, #tpu.memory_space<vmem>>
          %get3A_533 = arith.index_cast %add3A_463 : i32 to index
          %get3A_534 = arith.constant 48 : index
          %get3A_535 = tpu.vector_load %get3A_532[%get3A_533, %get3A_534] {strides = array<i32>} : memref<80x64xi32, #tpu.memory_space<vmem>>, vector<16xi32>,
          %bitcast3A_536 = vector.bitcast %get3A_535 : vector<16xi32> to vector<32xbf16>
          %get3A_537 = arith.constant 0 : i32
          %get3A_538 = arith.constant 0 : i32
          %get3A_539 = tpu.memref_slice %arg11[%scan3A_285, %get3A_537, %get3A_538] : memref<4x80x64xi32, #tpu.memory_space<vmem>> -> memref<1x80x64xi32, #tpu.memory_space<vmem>>
          %get3A_540 = tpu.memref_squeeze %get3A_539 : memref<1x80x64xi32, #tpu.memory_space<vmem>> -> memref<80x64xi32, #tpu.memory_space<vmem>>
          %get3A_541 = arith.index_cast %add3A_463 : i32 to index
          %get3A_542 = arith.constant 48 : index
          %get3A_543 = tpu.vector_load %get3A_540[%get3A_541, %get3A_542] {strides = array<i32>} : memref<80x64xi32, #tpu.memory_space<vmem>>, vector<16xi32>,
          %bitcast3A_544 = vector.bitcast %get3A_543 : vector<16xi32> to vector<32xbf16>
          %add3A_545 = arith.addf %bitcast3A_536, %bitcast3A_544 : vector<32xbf16>
          %max3A_546 = arith.constant 0.000000e+00 : bf16
          %max3A_547 = vector.broadcast %max3A_546 : bf16 to vector<32xbf16>
          %max3A_548 = arith.maximumf %add3A_545, %max3A_547 : vector<32xbf16>
          %mul3A_549 = arith.mulf %max3A_548, %bitcast3A_15 : vector<32xbf16>
          %add3A_550 = arith.addf %add3A_528, %mul3A_549 : vector<32xbf16>
          %unpack3A_551 = tpu.unpack_subelements %add3A_550, 0 {pack_format = #tpu.pack_format<interleaved>} : vector<32xbf16> -> vector<16xf32>
          %unpack3A_552 = tpu.unpack_subelements %add3A_550, 1 {pack_format = #tpu.pack_format<interleaved>} : vector<32xbf16> -> vector<16xf32>
          %add3A_553 = arith.addf %unpack3A_551, %unpack3A_552 : vector<16xf32>
          %eq3A_554 = vector.broadcast %scan3A_460 : i32 to vector<16xi32>
          %eq3A_555 = arith.cmpi eq, %iota3A, %eq3A_554 : vector<16xi32>
          %reduce_sum3A_556 = arith.constant true
          %reduce_sum3A_557 = vector.broadcast %reduce_sum3A_556 : i1 to vector<16xi1>
          %reduce_sum3A_558 = tpu.scan <sum>, %add3A_553 masked %reduce_sum3A_557 : vector<16xf32>, vector<16xi1> -> vector<16xf32>
          %reduce_sum3A_559 = vector.extract %reduce_sum3A_558[15] : f32 from vector<16xf32>
          %broadcast_in_dim3A_560 = vector.broadcast %reduce_sum3A_559 : f32 to vector<16xf32>
          %select_n3A_561 = arith.select %eq3A_555, %broadcast_in_dim3A_560, %select_n3A : vector<16xi1>, vector<16xf32>
          %scan3A_562 = arith.constant 2 : i32
          %scan3A_563 = arith.addi %scan3A_361, %scan3A_562 : i32
          %mul3A_564 = arith.constant 16 : i32
          %mul3A_565 = arith.muli %scan3A_342, %mul3A_564 : i32
          %add3A_566 = arith.addi %mul3A_565, %scan3A_563 : i32
          %get3A_567 = arith.constant 0 : i32
          %get3A_568 = arith.constant 0 : i32
          %get3A_569 = tpu.memref_slice %arg10[%scan3A_284, %get3A_567, %get3A_568] : memref<4x80x64xi32, #tpu.memory_space<vmem>> -> memref<1x80x64xi32, #tpu.memory_space<vmem>>
          %get3A_570 = tpu.memref_squeeze %get3A_569 : memref<1x80x64xi32, #tpu.memory_space<vmem>> -> memref<80x64xi32, #tpu.memory_space<vmem>>
          %get3A_571 = arith.index_cast %add3A_566 : i32 to index
          %get3A_572 = arith.constant 0 : index
          %get3A_573 = tpu.vector_load %get3A_570[%get3A_571, %get3A_572] {strides = array<i32>} : memref<80x64xi32, #tpu.memory_space<vmem>>, vector<16xi32>,
          %bitcast3A_574 = vector.bitcast %get3A_573 : vector<16xi32> to vector<32xbf16>
          %get3A_575 = arith.constant 0 : i32
          %get3A_576 = arith.constant 0 : i32
          %get3A_577 = tpu.memref_slice %arg11[%scan3A_285, %get3A_575, %get3A_576] : memref<4x80x64xi32, #tpu.memory_space<vmem>> -> memref<1x80x64xi32, #tpu.memory_space<vmem>>
          %get3A_578 = tpu.memref_squeeze %get3A_577 : memref<1x80x64xi32, #tpu.memory_space<vmem>> -> memref<80x64xi32, #tpu.memory_space<vmem>>
          %get3A_579 = arith.index_cast %add3A_566 : i32 to index
          %get3A_580 = arith.constant 0 : index
          %get3A_581 = tpu.vector_load %get3A_578[%get3A_579, %get3A_580] {strides = array<i32>} : memref<80x64xi32, #tpu.memory_space<vmem>>, vector<16xi32>,
          %bitcast3A_582 = vector.bitcast %get3A_581 : vector<16xi32> to vector<32xbf16>
          %add3A_583 = arith.addf %bitcast3A_574, %bitcast3A_582 : vector<32xbf16>
          %max3A_584 = arith.constant 0.000000e+00 : bf16
          %max3A_585 = vector.broadcast %max3A_584 : bf16 to vector<32xbf16>
          %max3A_586 = arith.maximumf %add3A_583, %max3A_585 : vector<32xbf16>
          %mul3A_587 = arith.mulf %max3A_586, %bitcast3A : vector<32xbf16>
          %get3A_588 = arith.constant 0 : i32
          %get3A_589 = arith.constant 0 : i32
          %get3A_590 = tpu.memref_slice %arg10[%scan3A_284, %get3A_588, %get3A_589] : memref<4x80x64xi32, #tpu.memory_space<vmem>> -> memref<1x80x64xi32, #tpu.memory_space<vmem>>
          %get3A_591 = tpu.memref_squeeze %get3A_590 : memref<1x80x64xi32, #tpu.memory_space<vmem>> -> memref<80x64xi32, #tpu.memory_space<vmem>>
          %get3A_592 = arith.index_cast %add3A_566 : i32 to index
          %get3A_593 = arith.constant 16 : index
          %get3A_594 = tpu.vector_load %get3A_591[%get3A_592, %get3A_593] {strides = array<i32>} : memref<80x64xi32, #tpu.memory_space<vmem>>, vector<16xi32>,
          %bitcast3A_595 = vector.bitcast %get3A_594 : vector<16xi32> to vector<32xbf16>
          %get3A_596 = arith.constant 0 : i32
          %get3A_597 = arith.constant 0 : i32
          %get3A_598 = tpu.memref_slice %arg11[%scan3A_285, %get3A_596, %get3A_597] : memref<4x80x64xi32, #tpu.memory_space<vmem>> -> memref<1x80x64xi32, #tpu.memory_space<vmem>>
          %get3A_599 = tpu.memref_squeeze %get3A_598 : memref<1x80x64xi32, #tpu.memory_space<vmem>> -> memref<80x64xi32, #tpu.memory_space<vmem>>
          %get3A_600 = arith.index_cast %add3A_566 : i32 to index
          %get3A_601 = arith.constant 16 : index
          %get3A_602 = tpu.vector_load %get3A_599[%get3A_600, %get3A_601] {strides = array<i32>} : memref<80x64xi32, #tpu.memory_space<vmem>>, vector<16xi32>,
          %bitcast3A_603 = vector.bitcast %get3A_602 : vector<16xi32> to vector<32xbf16>
          %add3A_604 = arith.addf %bitcast3A_595, %bitcast3A_603 : vector<32xbf16>
          %max3A_605 = arith.constant 0.000000e+00 : bf16
          %max3A_606 = vector.broadcast %max3A_605 : bf16 to vector<32xbf16>
          %max3A_607 = arith.maximumf %add3A_604, %max3A_606 : vector<32xbf16>
          %mul3A_608 = arith.mulf %max3A_607, %bitcast3A_9 : vector<32xbf16>
          %add3A_609 = arith.addf %mul3A_587, %mul3A_608 : vector<32xbf16>
          %get3A_610 = arith.constant 0 : i32
          %get3A_611 = arith.constant 0 : i32
          %get3A_612 = tpu.memref_slice %arg10[%scan3A_284, %get3A_610, %get3A_611] : memref<4x80x64xi32, #tpu.memory_space<vmem>> -> memref<1x80x64xi32, #tpu.memory_space<vmem>>
          %get3A_613 = tpu.memref_squeeze %get3A_612 : memref<1x80x64xi32, #tpu.memory_space<vmem>> -> memref<80x64xi32, #tpu.memory_space<vmem>>
          %get3A_614 = arith.index_cast %add3A_566 : i32 to index
          %get3A_615 = arith.constant 32 : index
          %get3A_616 = tpu.vector_load %get3A_613[%get3A_614, %get3A_615] {strides = array<i32>} : memref<80x64xi32, #tpu.memory_space<vmem>>, vector<16xi32>,
          %bitcast3A_617 = vector.bitcast %get3A_616 : vector<16xi32> to vector<32xbf16>
          %get3A_618 = arith.constant 0 : i32
          %get3A_619 = arith.constant 0 : i32
          %get3A_620 = tpu.memref_slice %arg11[%scan3A_285, %get3A_618, %get3A_619] : memref<4x80x64xi32, #tpu.memory_space<vmem>> -> memref<1x80x64xi32, #tpu.memory_space<vmem>>
          %get3A_621 = tpu.memref_squeeze %get3A_620 : memref<1x80x64xi32, #tpu.memory_space<vmem>> -> memref<80x64xi32, #tpu.memory_space<vmem>>
          %get3A_622 = arith.index_cast %add3A_566 : i32 to index
          %get3A_623 = arith.constant 32 : index
          %get3A_624 = tpu.vector_load %get3A_621[%get3A_622, %get3A_623] {strides = array<i32>} : memref<80x64xi32, #tpu.memory_space<vmem>>, vector<16xi32>,
          %bitcast3A_625 = vector.bitcast %get3A_624 : vector<16xi32> to vector<32xbf16>
          %add3A_626 = arith.addf %bitcast3A_617, %bitcast3A_625 : vector<32xbf16>
          %max3A_627 = arith.constant 0.000000e+00 : bf16
          %max3A_628 = vector.broadcast %max3A_627 : bf16 to vector<32xbf16>
          %max3A_629 = arith.maximumf %add3A_626, %max3A_628 : vector<32xbf16>
          %mul3A_630 = arith.mulf %max3A_629, %bitcast3A_12 : vector<32xbf16>
          %add3A_631 = arith.addf %add3A_609, %mul3A_630 : vector<32xbf16>
          %get3A_632 = arith.constant 0 : i32
          %get3A_633 = arith.constant 0 : i32
          %get3A_634 = tpu.memref_slice %arg10[%scan3A_284, %get3A_632, %get3A_633] : memref<4x80x64xi32, #tpu.memory_space<vmem>> -> memref<1x80x64xi32, #tpu.memory_space<vmem>>
          %get3A_635 = tpu.memref_squeeze %get3A_634 : memref<1x80x64xi32, #tpu.memory_space<vmem>> -> memref<80x64xi32, #tpu.memory_space<vmem>>
          %get3A_636 = arith.index_cast %add3A_566 : i32 to index
          %get3A_637 = arith.constant 48 : index
          %get3A_638 = tpu.vector_load %get3A_635[%get3A_636, %get3A_637] {strides = array<i32>} : memref<80x64xi32, #tpu.memory_space<vmem>>, vector<16xi32>,
          %bitcast3A_639 = vector.bitcast %get3A_638 : vector<16xi32> to vector<32xbf16>
          %get3A_640 = arith.constant 0 : i32
          %get3A_641 = arith.constant 0 : i32
          %get3A_642 = tpu.memref_slice %arg11[%scan3A_285, %get3A_640, %get3A_641] : memref<4x80x64xi32, #tpu.memory_space<vmem>> -> memref<1x80x64xi32, #tpu.memory_space<vmem>>
          %get3A_643 = tpu.memref_squeeze %get3A_642 : memref<1x80x64xi32, #tpu.memory_space<vmem>> -> memref<80x64xi32, #tpu.memory_space<vmem>>
          %get3A_644 = arith.index_cast %add3A_566 : i32 to index
          %get3A_645 = arith.constant 48 : index
          %get3A_646 = tpu.vector_load %get3A_643[%get3A_644, %get3A_645] {strides = array<i32>} : memref<80x64xi32, #tpu.memory_space<vmem>>, vector<16xi32>,
          %bitcast3A_647 = vector.bitcast %get3A_646 : vector<16xi32> to vector<32xbf16>
          %add3A_648 = arith.addf %bitcast3A_639, %bitcast3A_647 : vector<32xbf16>
          %max3A_649 = arith.constant 0.000000e+00 : bf16
          %max3A_650 = vector.broadcast %max3A_649 : bf16 to vector<32xbf16>
          %max3A_651 = arith.maximumf %add3A_648, %max3A_650 : vector<32xbf16>
          %mul3A_652 = arith.mulf %max3A_651, %bitcast3A_15 : vector<32xbf16>
          %add3A_653 = arith.addf %add3A_631, %mul3A_652 : vector<32xbf16>
          %unpack3A_654 = tpu.unpack_subelements %add3A_653, 0 {pack_format = #tpu.pack_format<interleaved>} : vector<32xbf16> -> vector<16xf32>
          %unpack3A_655 = tpu.unpack_subelements %add3A_653, 1 {pack_format = #tpu.pack_format<interleaved>} : vector<32xbf16> -> vector<16xf32>
          %add3A_656 = arith.addf %unpack3A_654, %unpack3A_655 : vector<16xf32>
          %eq3A_657 = vector.broadcast %scan3A_563 : i32 to vector<16xi32>
          %eq3A_658 = arith.cmpi eq, %iota3A, %eq3A_657 : vector<16xi32>
          %reduce_sum3A_659 = arith.constant true
          %reduce_sum3A_660 = vector.broadcast %reduce_sum3A_659 : i1 to vector<16xi1>
          %reduce_sum3A_661 = tpu.scan <sum>, %add3A_656 masked %reduce_sum3A_660 : vector<16xf32>, vector<16xi1> -> vector<16xf32>
          %reduce_sum3A_662 = vector.extract %reduce_sum3A_661[15] : f32 from vector<16xf32>
          %broadcast_in_dim3A_663 = vector.broadcast %reduce_sum3A_662 : f32 to vector<16xf32>
          %select_n3A_664 = arith.select %eq3A_658, %broadcast_in_dim3A_663, %select_n3A_561 : vector<16xi1>, vector<16xf32>
          %scan3A_665 = arith.constant 3 : i32
          %scan3A_666 = arith.addi %scan3A_361, %scan3A_665 : i32
          %mul3A_667 = arith.constant 16 : i32
          %mul3A_668 = arith.muli %scan3A_342, %mul3A_667 : i32
          %add3A_669 = arith.addi %mul3A_668, %scan3A_666 : i32
          %get3A_670 = arith.constant 0 : i32
          %get3A_671 = arith.constant 0 : i32
          %get3A_672 = tpu.memref_slice %arg10[%scan3A_284, %get3A_670, %get3A_671] : memref<4x80x64xi32, #tpu.memory_space<vmem>> -> memref<1x80x64xi32, #tpu.memory_space<vmem>>
          %get3A_673 = tpu.memref_squeeze %get3A_672 : memref<1x80x64xi32, #tpu.memory_space<vmem>> -> memref<80x64xi32, #tpu.memory_space<vmem>>
          %get3A_674 = arith.index_cast %add3A_669 : i32 to index
          %get3A_675 = arith.constant 0 : index
          %get3A_676 = tpu.vector_load %get3A_673[%get3A_674, %get3A_675] {strides = array<i32>} : memref<80x64xi32, #tpu.memory_space<vmem>>, vector<16xi32>,
          %bitcast3A_677 = vector.bitcast %get3A_676 : vector<16xi32> to vector<32xbf16>
          %get3A_678 = arith.constant 0 : i32
          %get3A_679 = arith.constant 0 : i32
          %get3A_680 = tpu.memref_slice %arg11[%scan3A_285, %get3A_678, %get3A_679] : memref<4x80x64xi32, #tpu.memory_space<vmem>> -> memref<1x80x64xi32, #tpu.memory_space<vmem>>
          %get3A_681 = tpu.memref_squeeze %get3A_680 : memref<1x80x64xi32, #tpu.memory_space<vmem>> -> memref<80x64xi32, #tpu.memory_space<vmem>>
          %get3A_682 = arith.index_cast %add3A_669 : i32 to index
          %get3A_683 = arith.constant 0 : index
          %get3A_684 = tpu.vector_load %get3A_681[%get3A_682, %get3A_683] {strides = array<i32>} : memref<80x64xi32, #tpu.memory_space<vmem>>, vector<16xi32>,
          %bitcast3A_685 = vector.bitcast %get3A_684 : vector<16xi32> to vector<32xbf16>
          %add3A_686 = arith.addf %bitcast3A_677, %bitcast3A_685 : vector<32xbf16>
          %max3A_687 = arith.constant 0.000000e+00 : bf16
          %max3A_688 = vector.broadcast %max3A_687 : bf16 to vector<32xbf16>
          %max3A_689 = arith.maximumf %add3A_686, %max3A_688 : vector<32xbf16>
          %mul3A_690 = arith.mulf %max3A_689, %bitcast3A : vector<32xbf16>
          %get3A_691 = arith.constant 0 : i32
          %get3A_692 = arith.constant 0 : i32
          %get3A_693 = tpu.memref_slice %arg10[%scan3A_284, %get3A_691, %get3A_692] : memref<4x80x64xi32, #tpu.memory_space<vmem>> -> memref<1x80x64xi32, #tpu.memory_space<vmem>>
          %get3A_694 = tpu.memref_squeeze %get3A_693 : memref<1x80x64xi32, #tpu.memory_space<vmem>> -> memref<80x64xi32, #tpu.memory_space<vmem>>
          %get3A_695 = arith.index_cast %add3A_669 : i32 to index
          %get3A_696 = arith.constant 16 : index
          %get3A_697 = tpu.vector_load %get3A_694[%get3A_695, %get3A_696] {strides = array<i32>} : memref<80x64xi32, #tpu.memory_space<vmem>>, vector<16xi32>,
          %bitcast3A_698 = vector.bitcast %get3A_697 : vector<16xi32> to vector<32xbf16>
          %get3A_699 = arith.constant 0 : i32
          %get3A_700 = arith.constant 0 : i32
          %get3A_701 = tpu.memref_slice %arg11[%scan3A_285, %get3A_699, %get3A_700] : memref<4x80x64xi32, #tpu.memory_space<vmem>> -> memref<1x80x64xi32, #tpu.memory_space<vmem>>
          %get3A_702 = tpu.memref_squeeze %get3A_701 : memref<1x80x64xi32, #tpu.memory_space<vmem>> -> memref<80x64xi32, #tpu.memory_space<vmem>>
          %get3A_703 = arith.index_cast %add3A_669 : i32 to index
          %get3A_704 = arith.constant 16 : index
          %get3A_705 = tpu.vector_load %get3A_702[%get3A_703, %get3A_704] {strides = array<i32>} : memref<80x64xi32, #tpu.memory_space<vmem>>, vector<16xi32>,
          %bitcast3A_706 = vector.bitcast %get3A_705 : vector<16xi32> to vector<32xbf16>
          %add3A_707 = arith.addf %bitcast3A_698, %bitcast3A_706 : vector<32xbf16>
          %max3A_708 = arith.constant 0.000000e+00 : bf16
          %max3A_709 = vector.broadcast %max3A_708 : bf16 to vector<32xbf16>
          %max3A_710 = arith.maximumf %add3A_707, %max3A_709 : vector<32xbf16>
          %mul3A_711 = arith.mulf %max3A_710, %bitcast3A_9 : vector<32xbf16>
          %add3A_712 = arith.addf %mul3A_690, %mul3A_711 : vector<32xbf16>
          %get3A_713 = arith.constant 0 : i32
          %get3A_714 = arith.constant 0 : i32
          %get3A_715 = tpu.memref_slice %arg10[%scan3A_284, %get3A_713, %get3A_714] : memref<4x80x64xi32, #tpu.memory_space<vmem>> -> memref<1x80x64xi32, #tpu.memory_space<vmem>>
          %get3A_716 = tpu.memref_squeeze %get3A_715 : memref<1x80x64xi32, #tpu.memory_space<vmem>> -> memref<80x64xi32, #tpu.memory_space<vmem>>
          %get3A_717 = arith.index_cast %add3A_669 : i32 to index
          %get3A_718 = arith.constant 32 : index
          %get3A_719 = tpu.vector_load %get3A_716[%get3A_717, %get3A_718] {strides = array<i32>} : memref<80x64xi32, #tpu.memory_space<vmem>>, vector<16xi32>,
          %bitcast3A_720 = vector.bitcast %get3A_719 : vector<16xi32> to vector<32xbf16>
          %get3A_721 = arith.constant 0 : i32
          %get3A_722 = arith.constant 0 : i32
          %get3A_723 = tpu.memref_slice %arg11[%scan3A_285, %get3A_721, %get3A_722] : memref<4x80x64xi32, #tpu.memory_space<vmem>> -> memref<1x80x64xi32, #tpu.memory_space<vmem>>
          %get3A_724 = tpu.memref_squeeze %get3A_723 : memref<1x80x64xi32, #tpu.memory_space<vmem>> -> memref<80x64xi32, #tpu.memory_space<vmem>>
          %get3A_725 = arith.index_cast %add3A_669 : i32 to index
          %get3A_726 = arith.constant 32 : index
          %get3A_727 = tpu.vector_load %get3A_724[%get3A_725, %get3A_726] {strides = array<i32>} : memref<80x64xi32, #tpu.memory_space<vmem>>, vector<16xi32>,
          %bitcast3A_728 = vector.bitcast %get3A_727 : vector<16xi32> to vector<32xbf16>
          %add3A_729 = arith.addf %bitcast3A_720, %bitcast3A_728 : vector<32xbf16>
          %max3A_730 = arith.constant 0.000000e+00 : bf16
          %max3A_731 = vector.broadcast %max3A_730 : bf16 to vector<32xbf16>
          %max3A_732 = arith.maximumf %add3A_729, %max3A_731 : vector<32xbf16>
          %mul3A_733 = arith.mulf %max3A_732, %bitcast3A_12 : vector<32xbf16>
          %add3A_734 = arith.addf %add3A_712, %mul3A_733 : vector<32xbf16>
          %get3A_735 = arith.constant 0 : i32
          %get3A_736 = arith.constant 0 : i32
          %get3A_737 = tpu.memref_slice %arg10[%scan3A_284, %get3A_735, %get3A_736] : memref<4x80x64xi32, #tpu.memory_space<vmem>> -> memref<1x80x64xi32, #tpu.memory_space<vmem>>
          %get3A_738 = tpu.memref_squeeze %get3A_737 : memref<1x80x64xi32, #tpu.memory_space<vmem>> -> memref<80x64xi32, #tpu.memory_space<vmem>>
          %get3A_739 = arith.index_cast %add3A_669 : i32 to index
          %get3A_740 = arith.constant 48 : index
          %get3A_741 = tpu.vector_load %get3A_738[%get3A_739, %get3A_740] {strides = array<i32>} : memref<80x64xi32, #tpu.memory_space<vmem>>, vector<16xi32>,
          %bitcast3A_742 = vector.bitcast %get3A_741 : vector<16xi32> to vector<32xbf16>
          %get3A_743 = arith.constant 0 : i32
          %get3A_744 = arith.constant 0 : i32
          %get3A_745 = tpu.memref_slice %arg11[%scan3A_285, %get3A_743, %get3A_744] : memref<4x80x64xi32, #tpu.memory_space<vmem>> -> memref<1x80x64xi32, #tpu.memory_space<vmem>>
          %get3A_746 = tpu.memref_squeeze %get3A_745 : memref<1x80x64xi32, #tpu.memory_space<vmem>> -> memref<80x64xi32, #tpu.memory_space<vmem>>
          %get3A_747 = arith.index_cast %add3A_669 : i32 to index
          %get3A_748 = arith.constant 48 : index
          %get3A_749 = tpu.vector_load %get3A_746[%get3A_747, %get3A_748] {strides = array<i32>} : memref<80x64xi32, #tpu.memory_space<vmem>>, vector<16xi32>,
          %bitcast3A_750 = vector.bitcast %get3A_749 : vector<16xi32> to vector<32xbf16>
          %add3A_751 = arith.addf %bitcast3A_742, %bitcast3A_750 : vector<32xbf16>
          %max3A_752 = arith.constant 0.000000e+00 : bf16
          %max3A_753 = vector.broadcast %max3A_752 : bf16 to vector<32xbf16>
          %max3A_754 = arith.maximumf %add3A_751, %max3A_753 : vector<32xbf16>
          %mul3A_755 = arith.mulf %max3A_754, %bitcast3A_15 : vector<32xbf16>
          %add3A_756 = arith.addf %add3A_734, %mul3A_755 : vector<32xbf16>
          %unpack3A_757 = tpu.unpack_subelements %add3A_756, 0 {pack_format = #tpu.pack_format<interleaved>} : vector<32xbf16> -> vector<16xf32>
          %unpack3A_758 = tpu.unpack_subelements %add3A_756, 1 {pack_format = #tpu.pack_format<interleaved>} : vector<32xbf16> -> vector<16xf32>
          %add3A_759 = arith.addf %unpack3A_757, %unpack3A_758 : vector<16xf32>
          %eq3A_760 = vector.broadcast %scan3A_666 : i32 to vector<16xi32>
          %eq3A_761 = arith.cmpi eq, %iota3A, %eq3A_760 : vector<16xi32>
          %reduce_sum3A_762 = arith.constant true
          %reduce_sum3A_763 = vector.broadcast %reduce_sum3A_762 : i1 to vector<16xi1>
          %reduce_sum3A_764 = tpu.scan <sum>, %add3A_759 masked %reduce_sum3A_763 : vector<16xf32>, vector<16xi1> -> vector<16xf32>
          %reduce_sum3A_765 = vector.extract %reduce_sum3A_764[15] : f32 from vector<16xf32>
          %broadcast_in_dim3A_766 = vector.broadcast %reduce_sum3A_765 : f32 to vector<16xf32>
          %select_n3A_767 = arith.select %eq3A_761, %broadcast_in_dim3A_766, %select_n3A_664 : vector<16xi1>, vector<16xf32>
          scf.yield %select_n3A_767 : vector<16xf32>
        }
        %scan3A_349 = arith.constant 16 : i32
        %add3A_350 = arith.addf %scan3A_348, %get3A_4 : vector<16xf32>
        %neg3A = arith.constant 0.000000e+00 : f32
        %neg3A_351 = vector.broadcast %neg3A : f32 to vector<16xf32>
        %neg3A_352 = arith.subf %neg3A_351, %add3A_350 : vector<16xf32>
        %exp3A = math.exp %neg3A_352 : vector<16xf32>
        %add3A_353 = arith.constant 1.000000e+00 : f32
        %add3A_354 = vector.broadcast %add3A_353 : f32 to vector<16xf32>
        %add3A_355 = arith.addf %add3A_354, %exp3A : vector<16xf32>
        %div3A = arith.constant 1.000000e+00 : f32
        %div3A_356 = vector.broadcast %div3A : f32 to vector<16xf32>
        %div3A_357 = arith.divf %div3A_356, %add3A_355 : vector<16xf32>
        %mul3A_358 = arith.constant 16 : i32
        %mul3A_359 = arith.muli %scan3A_342, %mul3A_358 : i32
        %swap3A = arith.index_cast %mul3A_359 : i32 to index
        %swap3A_360 = tpu.vector_load %arg12[%swap3A] {strides = array<i32>} : memref<80xf32, #tpu.memory_space<vmem>>, vector<16xf32>,
        tpu.vector_store %arg12[%swap3A], %div3A_357 {strides = array<i32>} : memref<80xf32, #tpu.memory_space<vmem>>, vector<16xf32>,
      }
      %scan3A_290 = arith.constant 5 : i32
      %mul3A_291 = arith.constant 80 : i32
      %mul3A_292 = arith.muli %add3A_247, %mul3A_291 : i32
      %add3A_293 = arith.addi %mul3A_2, %mul3A_292 : i32
      "tpu.region"() ({
        %run_scoped3A_342 = tpu.sem_alloc : memref<!tpu.dma_semaphore, #tpu.memory_space<semaphore_mem>>
        %dma_start3A_343 = tpu.memref_slice %arg7[%add3A_293] : memref<320000xf32, #tpu.memory_space<hbm>> -> memref<80xf32, #tpu.memory_space<hbm>>
        %dma_start3A_344 = tpu.memref_slice %arg7[%add3A_293] : memref<320000xf32, #tpu.memory_space<hbm>> -> memref<80xf32, #tpu.memory_space<hbm>>
        tpu.enqueue_dma source(%arg12 : memref<80xf32, #tpu.memory_space<vmem>>) target(%dma_start3A_344 : memref<80xf32, #tpu.memory_space<hbm>>) target_semaphore(%run_scoped3A_342 : memref<!tpu.dma_semaphore, #tpu.memory_space<semaphore_mem>>)
        %dma_wait3A_345 = tpu.memref_slice %arg7[%add3A_293] : memref<320000xf32, #tpu.memory_space<hbm>> -> memref<80xf32, #tpu.memory_space<hbm>>
        %dma_wait3A_346 = tpu.memref_slice %arg7[%add3A_293] : memref<320000xf32, #tpu.memory_space<hbm>> -> memref<80xf32, #tpu.memory_space<hbm>>
        tpu.wait_dma2 semaphore(%run_scoped3A_342 : memref<!tpu.dma_semaphore, #tpu.memory_space<semaphore_mem>>) src(%arg12 : memref<80xf32, #tpu.memory_space<vmem>>) dst(%dma_wait3A_346 : memref<80xf32, #tpu.memory_space<hbm>>)
        tpu.yield
      }) : () -> ()
      %add3A_294 = arith.constant 3 : i32
      %add3A_295 = arith.addi %add3A_152, %add3A_294 : i32
      %add3A_296 = arith.constant 3 : i32
      %add3A_297 = arith.addi %add3A_295, %add3A_296 : i32
      %lt3A_298 = arith.constant 125 : i32
      %lt3A_299 = arith.cmpi slt, %add3A_297, %lt3A_298 : i32
      %convert_element_type3A_300 = arith.extui %lt3A_299 : i1 to i32
      %cond3A_301 = arith.constant 0 : i32
      %cond3A_302 = arith.cmpi ne, %convert_element_type3A_300, %cond3A_301 : i32
      scf.if %cond3A_302 {
        %add3A_342 = arith.constant 3 : i32
        %add3A_343 = arith.addi %add3A_295, %add3A_342 : i32
        %dma_start3A_344 = arith.constant 2 : i32
        %dma_start3A_345 = arith.constant 2 : i32
        %dma_start3A_346 = arith.constant 0 : i32
        %dma_start3A_347 = arith.constant 0 : i32
        %dma_start3A_348 = tpu.memref_slice %arg10[%dma_start3A_344, %dma_start3A_346, %dma_start3A_347] : memref<4x80x64xi32, #tpu.memory_space<vmem>> -> memref<1x80x64xi32, #tpu.memory_space<vmem>>
        %dma_start3A_349 = tpu.memref_squeeze %dma_start3A_348 : memref<1x80x64xi32, #tpu.memory_space<vmem>> -> memref<80x64xi32, #tpu.memory_space<vmem>>
        %dma_start3A_350 = arith.constant 0 : i32
        %dma_start3A_351 = tpu.memref_slice %arg8[%add3A_343, %dma_start3A_350] : memref<125x80xi32, #tpu.memory_space<vmem>> -> memref<1x80xi32, #tpu.memory_space<vmem>>
        %dma_start3A_352 = tpu.memref_squeeze %dma_start3A_351 : memref<1x80xi32, #tpu.memory_space<vmem>> -> memref<80xi32, #tpu.memory_space<vmem>>
        %dma_start3A_353 = arith.constant 0 : i32
        %dma_start3A_354 = arith.constant 0 : i32
        %dma_start3A_355 = tpu.memref_slice %arg2[%dma_start3A_353, %dma_start3A_354] : memref<10000x64xi32, #tpu.memory_space<hbm>> -> memref<10000x64xi32, #tpu.memory_space<hbm>>
        %dma_start3A_356 = tpu.memref_slice %arg15[%dma_start3A_345] : memref<4x!tpu.dma_semaphore, #tpu.memory_space<semaphore_mem>> -> memref<1x!tpu.dma_semaphore, #tpu.memory_space<semaphore_mem>>
        %dma_start3A_357 = tpu.memref_squeeze %dma_start3A_356 : memref<1x!tpu.dma_semaphore, #tpu.memory_space<semaphore_mem>> -> memref<!tpu.dma_semaphore, #tpu.memory_space<semaphore_mem>>
        tpu.enqueue_indirect_dma source(%dma_start3A_355 : memref<10000x64xi32, #tpu.memory_space<hbm>>) target(%dma_start3A_349 : memref<80x64xi32, #tpu.memory_space<vmem>>) offsets(%dma_start3A_352 : memref<80xi32, #tpu.memory_space<vmem>>) semaphore(%dma_start3A_357 : memref<!tpu.dma_semaphore, #tpu.memory_space<semaphore_mem>>)
        %dma_start3A_358 = arith.constant 2 : i32
        %dma_start3A_359 = arith.constant 2 : i32
        %dma_start3A_360 = arith.constant 0 : i32
        %dma_start3A_361 = arith.constant 0 : i32
        %dma_start3A_362 = tpu.memref_slice %arg11[%dma_start3A_358, %dma_start3A_360, %dma_start3A_361] : memref<4x80x64xi32, #tpu.memory_space<vmem>> -> memref<1x80x64xi32, #tpu.memory_space<vmem>>
        %dma_start3A_363 = tpu.memref_squeeze %dma_start3A_362 : memref<1x80x64xi32, #tpu.memory_space<vmem>> -> memref<80x64xi32, #tpu.memory_space<vmem>>
        %dma_start3A_364 = arith.constant 0 : i32
        %dma_start3A_365 = tpu.memref_slice %arg9[%add3A_343, %dma_start3A_364] : memref<125x80xi32, #tpu.memory_space<vmem>> -> memref<1x80xi32, #tpu.memory_space<vmem>>
        %dma_start3A_366 = tpu.memref_squeeze %dma_start3A_365 : memref<1x80xi32, #tpu.memory_space<vmem>> -> memref<80xi32, #tpu.memory_space<vmem>>
        %dma_start3A_367 = arith.constant 0 : i32
        %dma_start3A_368 = arith.constant 0 : i32
        %dma_start3A_369 = tpu.memref_slice %arg3[%dma_start3A_367, %dma_start3A_368] : memref<10000x64xi32, #tpu.memory_space<hbm>> -> memref<10000x64xi32, #tpu.memory_space<hbm>>
        %dma_start3A_370 = tpu.memref_slice %arg15[%dma_start3A_359] : memref<4x!tpu.dma_semaphore, #tpu.memory_space<semaphore_mem>> -> memref<1x!tpu.dma_semaphore, #tpu.memory_space<semaphore_mem>>
        %dma_start3A_371 = tpu.memref_squeeze %dma_start3A_370 : memref<1x!tpu.dma_semaphore, #tpu.memory_space<semaphore_mem>> -> memref<!tpu.dma_semaphore, #tpu.memory_space<semaphore_mem>>
        tpu.enqueue_indirect_dma source(%dma_start3A_369 : memref<10000x64xi32, #tpu.memory_space<hbm>>) target(%dma_start3A_363 : memref<80x64xi32, #tpu.memory_space<vmem>>) offsets(%dma_start3A_366 : memref<80xi32, #tpu.memory_space<vmem>>) semaphore(%dma_start3A_371 : memref<!tpu.dma_semaphore, #tpu.memory_space<semaphore_mem>>)
      } else {
      }
      %dma_wait3A_303 = arith.constant 3 : i32
      %dma_wait3A_304 = arith.constant 3 : i32
      %dma_wait3A_305 = arith.constant 0 : i32
      %dma_wait3A_306 = arith.constant 0 : i32
      %dma_wait3A_307 = tpu.memref_slice %arg10[%dma_wait3A_303, %dma_wait3A_305, %dma_wait3A_306] : memref<4x80x64xi32, #tpu.memory_space<vmem>> -> memref<1x80x64xi32, #tpu.memory_space<vmem>>
      %dma_wait3A_308 = tpu.memref_squeeze %dma_wait3A_307 : memref<1x80x64xi32, #tpu.memory_space<vmem>> -> memref<80x64xi32, #tpu.memory_space<vmem>>
      %dma_wait3A_309 = arith.constant 0 : i32
      %dma_wait3A_310 = tpu.memref_slice %arg8[%add3A_295, %dma_wait3A_309] : memref<125x80xi32, #tpu.memory_space<vmem>> -> memref<1x80xi32, #tpu.memory_space<vmem>>
      %dma_wait3A_311 = tpu.memref_squeeze %dma_wait3A_310 : memref<1x80xi32, #tpu.memory_space<vmem>> -> memref<80xi32, #tpu.memory_space<vmem>>
      %dma_wait3A_312 = arith.constant 0 : i32
      %dma_wait3A_313 = arith.constant 0 : i32
      %dma_wait3A_314 = tpu.memref_slice %arg2[%dma_wait3A_312, %dma_wait3A_313] : memref<10000x64xi32, #tpu.memory_space<hbm>> -> memref<10000x64xi32, #tpu.memory_space<hbm>>
      %dma_wait3A_315 = tpu.memref_slice %arg15[%dma_wait3A_304] : memref<4x!tpu.dma_semaphore, #tpu.memory_space<semaphore_mem>> -> memref<1x!tpu.dma_semaphore, #tpu.memory_space<semaphore_mem>>
      %dma_wait3A_316 = tpu.memref_squeeze %dma_wait3A_315 : memref<1x!tpu.dma_semaphore, #tpu.memory_space<semaphore_mem>> -> memref<!tpu.dma_semaphore, #tpu.memory_space<semaphore_mem>>
      tpu.wait_indirect_dma semaphore(%dma_wait3A_316 : memref<!tpu.dma_semaphore, #tpu.memory_space<semaphore_mem>>) src(%dma_wait3A_314 : memref<10000x64xi32, #tpu.memory_space<hbm>>) dst(%dma_wait3A_308 : memref<80x64xi32, #tpu.memory_space<vmem>>)
      %dma_wait3A_317 = arith.constant 3 : i32
      %dma_wait3A_318 = arith.constant 3 : i32
      %dma_wait3A_319 = arith.constant 0 : i32
      %dma_wait3A_320 = arith.constant 0 : i32
      %dma_wait3A_321 = tpu.memref_slice %arg11[%dma_wait3A_317, %dma_wait3A_319, %dma_wait3A_320] : memref<4x80x64xi32, #tpu.memory_space<vmem>> -> memref<1x80x64xi32, #tpu.memory_space<vmem>>
      %dma_wait3A_322 = tpu.memref_squeeze %dma_wait3A_321 : memref<1x80x64xi32, #tpu.memory_space<vmem>> -> memref<80x64xi32, #tpu.memory_space<vmem>>
      %dma_wait3A_323 = arith.constant 0 : i32
      %dma_wait3A_324 = tpu.memref_slice %arg9[%add3A_295, %dma_wait3A_323] : memref<125x80xi32, #tpu.memory_space<vmem>> -> memref<1x80xi32, #tpu.memory_space<vmem>>
      %dma_wait3A_325 = tpu.memref_squeeze %dma_wait3A_324 : memref<1x80xi32, #tpu.memory_space<vmem>> -> memref<80xi32, #tpu.memory_space<vmem>>
      %dma_wait3A_326 = arith.constant 0 : i32
      %dma_wait3A_327 = arith.constant 0 : i32
      %dma_wait3A_328 = tpu.memref_slice %arg3[%dma_wait3A_326, %dma_wait3A_327] : memref<10000x64xi32, #tpu.memory_space<hbm>> -> memref<10000x64xi32, #tpu.memory_space<hbm>>
      %dma_wait3A_329 = tpu.memref_slice %arg15[%dma_wait3A_318] : memref<4x!tpu.dma_semaphore, #tpu.memory_space<semaphore_mem>> -> memref<1x!tpu.dma_semaphore, #tpu.memory_space<semaphore_mem>>
      %dma_wait3A_330 = tpu.memref_squeeze %dma_wait3A_329 : memref<1x!tpu.dma_semaphore, #tpu.memory_space<semaphore_mem>> -> memref<!tpu.dma_semaphore, #tpu.memory_space<semaphore_mem>>
      tpu.wait_indirect_dma semaphore(%dma_wait3A_330 : memref<!tpu.dma_semaphore, #tpu.memory_space<semaphore_mem>>) src(%dma_wait3A_328 : memref<10000x64xi32, #tpu.memory_space<hbm>>) dst(%dma_wait3A_322 : memref<80x64xi32, #tpu.memory_space<vmem>>)
      %scan3A_331 = arith.constant 0 : i32
      %scan3A_332 = arith.constant 3 : i32
      %scan3A_333 = arith.constant 3 : i32
      %scan3A_334 = arith.constant 0 : i32
      %scan3A_335 = arith.constant 5 : i32
      %scan3A_336 = arith.addi %scan3A_334, %scan3A_335 : i32
      %scan3A_337 = arith.constant 1 : i32
      scf.for %scan3A_342 = %scan3A_334 to %scan3A_336 step %scan3A_337  : i32 {
        %broadcast_in_dim3A = arith.constant 0.000000e+00 : f32
        %broadcast_in_dim3A_343 = vector.broadcast %broadcast_in_dim3A : f32 to vector<16xf32>
        %scan3A_344 = arith.constant 0 : i32
        %scan3A_345 = arith.constant 16 : i32
        %scan3A_346 = arith.addi %scan3A_344, %scan3A_345 : i32
        %scan3A_347 = arith.constant 4 : i32
        %scan3A_348 = scf.for %scan3A_361 = %scan3A_344 to %scan3A_346 step %scan3A_347 iter_args(%scan3A_362 = %broadcast_in_dim3A_343) -> (vector<16xf32>)  : i32 {
          %mul3A_363 = arith.constant 16 : i32
          %mul3A_364 = arith.muli %scan3A_342, %mul3A_363 : i32
          %add3A_365 = arith.addi %mul3A_364, %scan3A_361 : i32
          %get3A_366 = arith.constant 0 : i32
          %get3A_367 = arith.constant 0 : i32
          %get3A_368 = tpu.memref_slice %arg10[%scan3A_332, %get3A_366, %get3A_367] : memref<4x80x64xi32, #tpu.memory_space<vmem>> -> memref<1x80x64xi32, #tpu.memory_space<vmem>>
          %get3A_369 = tpu.memref_squeeze %get3A_368 : memref<1x80x64xi32, #tpu.memory_space<vmem>> -> memref<80x64xi32, #tpu.memory_space<vmem>>
          %get3A_370 = arith.index_cast %add3A_365 : i32 to index
          %get3A_371 = arith.constant 0 : index
          %get3A_372 = tpu.vector_load %get3A_369[%get3A_370, %get3A_371] {strides = array<i32>} : memref<80x64xi32, #tpu.memory_space<vmem>>, vector<16xi32>,
          %bitcast3A_373 = vector.bitcast %get3A_372 : vector<16xi32> to vector<32xbf16>
          %get3A_374 = arith.constant 0 : i32
          %get3A_375 = arith.constant 0 : i32
          %get3A_376 = tpu.memref_slice %arg11[%scan3A_333, %get3A_374, %get3A_375] : memref<4x80x64xi32, #tpu.memory_space<vmem>> -> memref<1x80x64xi32, #tpu.memory_space<vmem>>
          %get3A_377 = tpu.memref_squeeze %get3A_376 : memref<1x80x64xi32, #tpu.memory_space<vmem>> -> memref<80x64xi32, #tpu.memory_space<vmem>>
          %get3A_378 = arith.index_cast %add3A_365 : i32 to index
          %get3A_379 = arith.constant 0 : index
          %get3A_380 = tpu.vector_load %get3A_377[%get3A_378, %get3A_379] {strides = array<i32>} : memref<80x64xi32, #tpu.memory_space<vmem>>, vector<16xi32>,
          %bitcast3A_381 = vector.bitcast %get3A_380 : vector<16xi32> to vector<32xbf16>
          %add3A_382 = arith.addf %bitcast3A_373, %bitcast3A_381 : vector<32xbf16>
          %max3A = arith.constant 0.000000e+00 : bf16
          %max3A_383 = vector.broadcast %max3A : bf16 to vector<32xbf16>
          %max3A_384 = arith.maximumf %add3A_382, %max3A_383 : vector<32xbf16>
          %mul3A_385 = arith.mulf %max3A_384, %bitcast3A : vector<32xbf16>
          %get3A_386 = arith.constant 0 : i32
          %get3A_387 = arith.constant 0 : i32
          %get3A_388 = tpu.memref_slice %arg10[%scan3A_332, %get3A_386, %get3A_387] : memref<4x80x64xi32, #tpu.memory_space<vmem>> -> memref<1x80x64xi32, #tpu.memory_space<vmem>>
          %get3A_389 = tpu.memref_squeeze %get3A_388 : memref<1x80x64xi32, #tpu.memory_space<vmem>> -> memref<80x64xi32, #tpu.memory_space<vmem>>
          %get3A_390 = arith.index_cast %add3A_365 : i32 to index
          %get3A_391 = arith.constant 16 : index
          %get3A_392 = tpu.vector_load %get3A_389[%get3A_390, %get3A_391] {strides = array<i32>} : memref<80x64xi32, #tpu.memory_space<vmem>>, vector<16xi32>,
          %bitcast3A_393 = vector.bitcast %get3A_392 : vector<16xi32> to vector<32xbf16>
          %get3A_394 = arith.constant 0 : i32
          %get3A_395 = arith.constant 0 : i32
          %get3A_396 = tpu.memref_slice %arg11[%scan3A_333, %get3A_394, %get3A_395] : memref<4x80x64xi32, #tpu.memory_space<vmem>> -> memref<1x80x64xi32, #tpu.memory_space<vmem>>
          %get3A_397 = tpu.memref_squeeze %get3A_396 : memref<1x80x64xi32, #tpu.memory_space<vmem>> -> memref<80x64xi32, #tpu.memory_space<vmem>>
          %get3A_398 = arith.index_cast %add3A_365 : i32 to index
          %get3A_399 = arith.constant 16 : index
          %get3A_400 = tpu.vector_load %get3A_397[%get3A_398, %get3A_399] {strides = array<i32>} : memref<80x64xi32, #tpu.memory_space<vmem>>, vector<16xi32>,
          %bitcast3A_401 = vector.bitcast %get3A_400 : vector<16xi32> to vector<32xbf16>
          %add3A_402 = arith.addf %bitcast3A_393, %bitcast3A_401 : vector<32xbf16>
          %max3A_403 = arith.constant 0.000000e+00 : bf16
          %max3A_404 = vector.broadcast %max3A_403 : bf16 to vector<32xbf16>
          %max3A_405 = arith.maximumf %add3A_402, %max3A_404 : vector<32xbf16>
          %mul3A_406 = arith.mulf %max3A_405, %bitcast3A_9 : vector<32xbf16>
          %add3A_407 = arith.addf %mul3A_385, %mul3A_406 : vector<32xbf16>
          %get3A_408 = arith.constant 0 : i32
          %get3A_409 = arith.constant 0 : i32
          %get3A_410 = tpu.memref_slice %arg10[%scan3A_332, %get3A_408, %get3A_409] : memref<4x80x64xi32, #tpu.memory_space<vmem>> -> memref<1x80x64xi32, #tpu.memory_space<vmem>>
          %get3A_411 = tpu.memref_squeeze %get3A_410 : memref<1x80x64xi32, #tpu.memory_space<vmem>> -> memref<80x64xi32, #tpu.memory_space<vmem>>
          %get3A_412 = arith.index_cast %add3A_365 : i32 to index
          %get3A_413 = arith.constant 32 : index
          %get3A_414 = tpu.vector_load %get3A_411[%get3A_412, %get3A_413] {strides = array<i32>} : memref<80x64xi32, #tpu.memory_space<vmem>>, vector<16xi32>,
          %bitcast3A_415 = vector.bitcast %get3A_414 : vector<16xi32> to vector<32xbf16>
          %get3A_416 = arith.constant 0 : i32
          %get3A_417 = arith.constant 0 : i32
          %get3A_418 = tpu.memref_slice %arg11[%scan3A_333, %get3A_416, %get3A_417] : memref<4x80x64xi32, #tpu.memory_space<vmem>> -> memref<1x80x64xi32, #tpu.memory_space<vmem>>
          %get3A_419 = tpu.memref_squeeze %get3A_418 : memref<1x80x64xi32, #tpu.memory_space<vmem>> -> memref<80x64xi32, #tpu.memory_space<vmem>>
          %get3A_420 = arith.index_cast %add3A_365 : i32 to index
          %get3A_421 = arith.constant 32 : index
          %get3A_422 = tpu.vector_load %get3A_419[%get3A_420, %get3A_421] {strides = array<i32>} : memref<80x64xi32, #tpu.memory_space<vmem>>, vector<16xi32>,
          %bitcast3A_423 = vector.bitcast %get3A_422 : vector<16xi32> to vector<32xbf16>
          %add3A_424 = arith.addf %bitcast3A_415, %bitcast3A_423 : vector<32xbf16>
          %max3A_425 = arith.constant 0.000000e+00 : bf16
          %max3A_426 = vector.broadcast %max3A_425 : bf16 to vector<32xbf16>
          %max3A_427 = arith.maximumf %add3A_424, %max3A_426 : vector<32xbf16>
          %mul3A_428 = arith.mulf %max3A_427, %bitcast3A_12 : vector<32xbf16>
          %add3A_429 = arith.addf %add3A_407, %mul3A_428 : vector<32xbf16>
          %get3A_430 = arith.constant 0 : i32
          %get3A_431 = arith.constant 0 : i32
          %get3A_432 = tpu.memref_slice %arg10[%scan3A_332, %get3A_430, %get3A_431] : memref<4x80x64xi32, #tpu.memory_space<vmem>> -> memref<1x80x64xi32, #tpu.memory_space<vmem>>
          %get3A_433 = tpu.memref_squeeze %get3A_432 : memref<1x80x64xi32, #tpu.memory_space<vmem>> -> memref<80x64xi32, #tpu.memory_space<vmem>>
          %get3A_434 = arith.index_cast %add3A_365 : i32 to index
          %get3A_435 = arith.constant 48 : index
          %get3A_436 = tpu.vector_load %get3A_433[%get3A_434, %get3A_435] {strides = array<i32>} : memref<80x64xi32, #tpu.memory_space<vmem>>, vector<16xi32>,
          %bitcast3A_437 = vector.bitcast %get3A_436 : vector<16xi32> to vector<32xbf16>
          %get3A_438 = arith.constant 0 : i32
          %get3A_439 = arith.constant 0 : i32
          %get3A_440 = tpu.memref_slice %arg11[%scan3A_333, %get3A_438, %get3A_439] : memref<4x80x64xi32, #tpu.memory_space<vmem>> -> memref<1x80x64xi32, #tpu.memory_space<vmem>>
          %get3A_441 = tpu.memref_squeeze %get3A_440 : memref<1x80x64xi32, #tpu.memory_space<vmem>> -> memref<80x64xi32, #tpu.memory_space<vmem>>
          %get3A_442 = arith.index_cast %add3A_365 : i32 to index
          %get3A_443 = arith.constant 48 : index
          %get3A_444 = tpu.vector_load %get3A_441[%get3A_442, %get3A_443] {strides = array<i32>} : memref<80x64xi32, #tpu.memory_space<vmem>>, vector<16xi32>,
          %bitcast3A_445 = vector.bitcast %get3A_444 : vector<16xi32> to vector<32xbf16>
          %add3A_446 = arith.addf %bitcast3A_437, %bitcast3A_445 : vector<32xbf16>
          %max3A_447 = arith.constant 0.000000e+00 : bf16
          %max3A_448 = vector.broadcast %max3A_447 : bf16 to vector<32xbf16>
          %max3A_449 = arith.maximumf %add3A_446, %max3A_448 : vector<32xbf16>
          %mul3A_450 = arith.mulf %max3A_449, %bitcast3A_15 : vector<32xbf16>
          %add3A_451 = arith.addf %add3A_429, %mul3A_450 : vector<32xbf16>
          %unpack3A = tpu.unpack_subelements %add3A_451, 0 {pack_format = #tpu.pack_format<interleaved>} : vector<32xbf16> -> vector<16xf32>
          %unpack3A_452 = tpu.unpack_subelements %add3A_451, 1 {pack_format = #tpu.pack_format<interleaved>} : vector<32xbf16> -> vector<16xf32>
          %add3A_453 = arith.addf %unpack3A, %unpack3A_452 : vector<16xf32>
          %eq3A = vector.broadcast %scan3A_361 : i32 to vector<16xi32>
          %eq3A_454 = arith.cmpi eq, %iota3A, %eq3A : vector<16xi32>
          %reduce_sum3A = arith.constant true
          %reduce_sum3A_455 = vector.broadcast %reduce_sum3A : i1 to vector<16xi1>
          %reduce_sum3A_456 = tpu.scan <sum>, %add3A_453 masked %reduce_sum3A_455 : vector<16xf32>, vector<16xi1> -> vector<16xf32>
          %reduce_sum3A_457 = vector.extract %reduce_sum3A_456[15] : f32 from vector<16xf32>
          %broadcast_in_dim3A_458 = vector.broadcast %reduce_sum3A_457 : f32 to vector<16xf32>
          %select_n3A = arith.select %eq3A_454, %broadcast_in_dim3A_458, %scan3A_362 : vector<16xi1>, vector<16xf32>
          %scan3A_459 = arith.constant 1 : i32
          %scan3A_460 = arith.addi %scan3A_361, %scan3A_459 : i32
          %mul3A_461 = arith.constant 16 : i32
          %mul3A_462 = arith.muli %scan3A_342, %mul3A_461 : i32
          %add3A_463 = arith.addi %mul3A_462, %scan3A_460 : i32
          %get3A_464 = arith.constant 0 : i32
          %get3A_465 = arith.constant 0 : i32
          %get3A_466 = tpu.memref_slice %arg10[%scan3A_332, %get3A_464, %get3A_465] : memref<4x80x64xi32, #tpu.memory_space<vmem>> -> memref<1x80x64xi32, #tpu.memory_space<vmem>>
          %get3A_467 = tpu.memref_squeeze %get3A_466 : memref<1x80x64xi32, #tpu.memory_space<vmem>> -> memref<80x64xi32, #tpu.memory_space<vmem>>
          %get3A_468 = arith.index_cast %add3A_463 : i32 to index
          %get3A_469 = arith.constant 0 : index
          %get3A_470 = tpu.vector_load %get3A_467[%get3A_468, %get3A_469] {strides = array<i32>} : memref<80x64xi32, #tpu.memory_space<vmem>>, vector<16xi32>,
          %bitcast3A_471 = vector.bitcast %get3A_470 : vector<16xi32> to vector<32xbf16>
          %get3A_472 = arith.constant 0 : i32
          %get3A_473 = arith.constant 0 : i32
          %get3A_474 = tpu.memref_slice %arg11[%scan3A_333, %get3A_472, %get3A_473] : memref<4x80x64xi32, #tpu.memory_space<vmem>> -> memref<1x80x64xi32, #tpu.memory_space<vmem>>
          %get3A_475 = tpu.memref_squeeze %get3A_474 : memref<1x80x64xi32, #tpu.memory_space<vmem>> -> memref<80x64xi32, #tpu.memory_space<vmem>>
          %get3A_476 = arith.index_cast %add3A_463 : i32 to index
          %get3A_477 = arith.constant 0 : index
          %get3A_478 = tpu.vector_load %get3A_475[%get3A_476, %get3A_477] {strides = array<i32>} : memref<80x64xi32, #tpu.memory_space<vmem>>, vector<16xi32>,
          %bitcast3A_479 = vector.bitcast %get3A_478 : vector<16xi32> to vector<32xbf16>
          %add3A_480 = arith.addf %bitcast3A_471, %bitcast3A_479 : vector<32xbf16>
          %max3A_481 = arith.constant 0.000000e+00 : bf16
          %max3A_482 = vector.broadcast %max3A_481 : bf16 to vector<32xbf16>
          %max3A_483 = arith.maximumf %add3A_480, %max3A_482 : vector<32xbf16>
          %mul3A_484 = arith.mulf %max3A_483, %bitcast3A : vector<32xbf16>
          %get3A_485 = arith.constant 0 : i32
          %get3A_486 = arith.constant 0 : i32
          %get3A_487 = tpu.memref_slice %arg10[%scan3A_332, %get3A_485, %get3A_486] : memref<4x80x64xi32, #tpu.memory_space<vmem>> -> memref<1x80x64xi32, #tpu.memory_space<vmem>>
          %get3A_488 = tpu.memref_squeeze %get3A_487 : memref<1x80x64xi32, #tpu.memory_space<vmem>> -> memref<80x64xi32, #tpu.memory_space<vmem>>
          %get3A_489 = arith.index_cast %add3A_463 : i32 to index
          %get3A_490 = arith.constant 16 : index
          %get3A_491 = tpu.vector_load %get3A_488[%get3A_489, %get3A_490] {strides = array<i32>} : memref<80x64xi32, #tpu.memory_space<vmem>>, vector<16xi32>,
          %bitcast3A_492 = vector.bitcast %get3A_491 : vector<16xi32> to vector<32xbf16>
          %get3A_493 = arith.constant 0 : i32
          %get3A_494 = arith.constant 0 : i32
          %get3A_495 = tpu.memref_slice %arg11[%scan3A_333, %get3A_493, %get3A_494] : memref<4x80x64xi32, #tpu.memory_space<vmem>> -> memref<1x80x64xi32, #tpu.memory_space<vmem>>
          %get3A_496 = tpu.memref_squeeze %get3A_495 : memref<1x80x64xi32, #tpu.memory_space<vmem>> -> memref<80x64xi32, #tpu.memory_space<vmem>>
          %get3A_497 = arith.index_cast %add3A_463 : i32 to index
          %get3A_498 = arith.constant 16 : index
          %get3A_499 = tpu.vector_load %get3A_496[%get3A_497, %get3A_498] {strides = array<i32>} : memref<80x64xi32, #tpu.memory_space<vmem>>, vector<16xi32>,
          %bitcast3A_500 = vector.bitcast %get3A_499 : vector<16xi32> to vector<32xbf16>
          %add3A_501 = arith.addf %bitcast3A_492, %bitcast3A_500 : vector<32xbf16>
          %max3A_502 = arith.constant 0.000000e+00 : bf16
          %max3A_503 = vector.broadcast %max3A_502 : bf16 to vector<32xbf16>
          %max3A_504 = arith.maximumf %add3A_501, %max3A_503 : vector<32xbf16>
          %mul3A_505 = arith.mulf %max3A_504, %bitcast3A_9 : vector<32xbf16>
          %add3A_506 = arith.addf %mul3A_484, %mul3A_505 : vector<32xbf16>
          %get3A_507 = arith.constant 0 : i32
          %get3A_508 = arith.constant 0 : i32
          %get3A_509 = tpu.memref_slice %arg10[%scan3A_332, %get3A_507, %get3A_508] : memref<4x80x64xi32, #tpu.memory_space<vmem>> -> memref<1x80x64xi32, #tpu.memory_space<vmem>>
          %get3A_510 = tpu.memref_squeeze %get3A_509 : memref<1x80x64xi32, #tpu.memory_space<vmem>> -> memref<80x64xi32, #tpu.memory_space<vmem>>
          %get3A_511 = arith.index_cast %add3A_463 : i32 to index
          %get3A_512 = arith.constant 32 : index
          %get3A_513 = tpu.vector_load %get3A_510[%get3A_511, %get3A_512] {strides = array<i32>} : memref<80x64xi32, #tpu.memory_space<vmem>>, vector<16xi32>,
          %bitcast3A_514 = vector.bitcast %get3A_513 : vector<16xi32> to vector<32xbf16>
          %get3A_515 = arith.constant 0 : i32
          %get3A_516 = arith.constant 0 : i32
          %get3A_517 = tpu.memref_slice %arg11[%scan3A_333, %get3A_515, %get3A_516] : memref<4x80x64xi32, #tpu.memory_space<vmem>> -> memref<1x80x64xi32, #tpu.memory_space<vmem>>
          %get3A_518 = tpu.memref_squeeze %get3A_517 : memref<1x80x64xi32, #tpu.memory_space<vmem>> -> memref<80x64xi32, #tpu.memory_space<vmem>>
          %get3A_519 = arith.index_cast %add3A_463 : i32 to index
          %get3A_520 = arith.constant 32 : index
          %get3A_521 = tpu.vector_load %get3A_518[%get3A_519, %get3A_520] {strides = array<i32>} : memref<80x64xi32, #tpu.memory_space<vmem>>, vector<16xi32>,
          %bitcast3A_522 = vector.bitcast %get3A_521 : vector<16xi32> to vector<32xbf16>
          %add3A_523 = arith.addf %bitcast3A_514, %bitcast3A_522 : vector<32xbf16>
          %max3A_524 = arith.constant 0.000000e+00 : bf16
          %max3A_525 = vector.broadcast %max3A_524 : bf16 to vector<32xbf16>
          %max3A_526 = arith.maximumf %add3A_523, %max3A_525 : vector<32xbf16>
          %mul3A_527 = arith.mulf %max3A_526, %bitcast3A_12 : vector<32xbf16>
          %add3A_528 = arith.addf %add3A_506, %mul3A_527 : vector<32xbf16>
          %get3A_529 = arith.constant 0 : i32
          %get3A_530 = arith.constant 0 : i32
          %get3A_531 = tpu.memref_slice %arg10[%scan3A_332, %get3A_529, %get3A_530] : memref<4x80x64xi32, #tpu.memory_space<vmem>> -> memref<1x80x64xi32, #tpu.memory_space<vmem>>
          %get3A_532 = tpu.memref_squeeze %get3A_531 : memref<1x80x64xi32, #tpu.memory_space<vmem>> -> memref<80x64xi32, #tpu.memory_space<vmem>>
          %get3A_533 = arith.index_cast %add3A_463 : i32 to index
          %get3A_534 = arith.constant 48 : index
          %get3A_535 = tpu.vector_load %get3A_532[%get3A_533, %get3A_534] {strides = array<i32>} : memref<80x64xi32, #tpu.memory_space<vmem>>, vector<16xi32>,
          %bitcast3A_536 = vector.bitcast %get3A_535 : vector<16xi32> to vector<32xbf16>
          %get3A_537 = arith.constant 0 : i32
          %get3A_538 = arith.constant 0 : i32
          %get3A_539 = tpu.memref_slice %arg11[%scan3A_333, %get3A_537, %get3A_538] : memref<4x80x64xi32, #tpu.memory_space<vmem>> -> memref<1x80x64xi32, #tpu.memory_space<vmem>>
          %get3A_540 = tpu.memref_squeeze %get3A_539 : memref<1x80x64xi32, #tpu.memory_space<vmem>> -> memref<80x64xi32, #tpu.memory_space<vmem>>
          %get3A_541 = arith.index_cast %add3A_463 : i32 to index
          %get3A_542 = arith.constant 48 : index
          %get3A_543 = tpu.vector_load %get3A_540[%get3A_541, %get3A_542] {strides = array<i32>} : memref<80x64xi32, #tpu.memory_space<vmem>>, vector<16xi32>,
          %bitcast3A_544 = vector.bitcast %get3A_543 : vector<16xi32> to vector<32xbf16>
          %add3A_545 = arith.addf %bitcast3A_536, %bitcast3A_544 : vector<32xbf16>
          %max3A_546 = arith.constant 0.000000e+00 : bf16
          %max3A_547 = vector.broadcast %max3A_546 : bf16 to vector<32xbf16>
          %max3A_548 = arith.maximumf %add3A_545, %max3A_547 : vector<32xbf16>
          %mul3A_549 = arith.mulf %max3A_548, %bitcast3A_15 : vector<32xbf16>
          %add3A_550 = arith.addf %add3A_528, %mul3A_549 : vector<32xbf16>
          %unpack3A_551 = tpu.unpack_subelements %add3A_550, 0 {pack_format = #tpu.pack_format<interleaved>} : vector<32xbf16> -> vector<16xf32>
          %unpack3A_552 = tpu.unpack_subelements %add3A_550, 1 {pack_format = #tpu.pack_format<interleaved>} : vector<32xbf16> -> vector<16xf32>
          %add3A_553 = arith.addf %unpack3A_551, %unpack3A_552 : vector<16xf32>
          %eq3A_554 = vector.broadcast %scan3A_460 : i32 to vector<16xi32>
          %eq3A_555 = arith.cmpi eq, %iota3A, %eq3A_554 : vector<16xi32>
          %reduce_sum3A_556 = arith.constant true
          %reduce_sum3A_557 = vector.broadcast %reduce_sum3A_556 : i1 to vector<16xi1>
          %reduce_sum3A_558 = tpu.scan <sum>, %add3A_553 masked %reduce_sum3A_557 : vector<16xf32>, vector<16xi1> -> vector<16xf32>
          %reduce_sum3A_559 = vector.extract %reduce_sum3A_558[15] : f32 from vector<16xf32>
          %broadcast_in_dim3A_560 = vector.broadcast %reduce_sum3A_559 : f32 to vector<16xf32>
          %select_n3A_561 = arith.select %eq3A_555, %broadcast_in_dim3A_560, %select_n3A : vector<16xi1>, vector<16xf32>
          %scan3A_562 = arith.constant 2 : i32
          %scan3A_563 = arith.addi %scan3A_361, %scan3A_562 : i32
          %mul3A_564 = arith.constant 16 : i32
          %mul3A_565 = arith.muli %scan3A_342, %mul3A_564 : i32
          %add3A_566 = arith.addi %mul3A_565, %scan3A_563 : i32
          %get3A_567 = arith.constant 0 : i32
          %get3A_568 = arith.constant 0 : i32
          %get3A_569 = tpu.memref_slice %arg10[%scan3A_332, %get3A_567, %get3A_568] : memref<4x80x64xi32, #tpu.memory_space<vmem>> -> memref<1x80x64xi32, #tpu.memory_space<vmem>>
          %get3A_570 = tpu.memref_squeeze %get3A_569 : memref<1x80x64xi32, #tpu.memory_space<vmem>> -> memref<80x64xi32, #tpu.memory_space<vmem>>
          %get3A_571 = arith.index_cast %add3A_566 : i32 to index
          %get3A_572 = arith.constant 0 : index
          %get3A_573 = tpu.vector_load %get3A_570[%get3A_571, %get3A_572] {strides = array<i32>} : memref<80x64xi32, #tpu.memory_space<vmem>>, vector<16xi32>,
          %bitcast3A_574 = vector.bitcast %get3A_573 : vector<16xi32> to vector<32xbf16>
          %get3A_575 = arith.constant 0 : i32
          %get3A_576 = arith.constant 0 : i32
          %get3A_577 = tpu.memref_slice %arg11[%scan3A_333, %get3A_575, %get3A_576] : memref<4x80x64xi32, #tpu.memory_space<vmem>> -> memref<1x80x64xi32, #tpu.memory_space<vmem>>
          %get3A_578 = tpu.memref_squeeze %get3A_577 : memref<1x80x64xi32, #tpu.memory_space<vmem>> -> memref<80x64xi32, #tpu.memory_space<vmem>>
          %get3A_579 = arith.index_cast %add3A_566 : i32 to index
          %get3A_580 = arith.constant 0 : index
          %get3A_581 = tpu.vector_load %get3A_578[%get3A_579, %get3A_580] {strides = array<i32>} : memref<80x64xi32, #tpu.memory_space<vmem>>, vector<16xi32>,
          %bitcast3A_582 = vector.bitcast %get3A_581 : vector<16xi32> to vector<32xbf16>
          %add3A_583 = arith.addf %bitcast3A_574, %bitcast3A_582 : vector<32xbf16>
          %max3A_584 = arith.constant 0.000000e+00 : bf16
          %max3A_585 = vector.broadcast %max3A_584 : bf16 to vector<32xbf16>
          %max3A_586 = arith.maximumf %add3A_583, %max3A_585 : vector<32xbf16>
          %mul3A_587 = arith.mulf %max3A_586, %bitcast3A : vector<32xbf16>
          %get3A_588 = arith.constant 0 : i32
          %get3A_589 = arith.constant 0 : i32
          %get3A_590 = tpu.memref_slice %arg10[%scan3A_332, %get3A_588, %get3A_589] : memref<4x80x64xi32, #tpu.memory_space<vmem>> -> memref<1x80x64xi32, #tpu.memory_space<vmem>>
          %get3A_591 = tpu.memref_squeeze %get3A_590 : memref<1x80x64xi32, #tpu.memory_space<vmem>> -> memref<80x64xi32, #tpu.memory_space<vmem>>
          %get3A_592 = arith.index_cast %add3A_566 : i32 to index
          %get3A_593 = arith.constant 16 : index
          %get3A_594 = tpu.vector_load %get3A_591[%get3A_592, %get3A_593] {strides = array<i32>} : memref<80x64xi32, #tpu.memory_space<vmem>>, vector<16xi32>,
          %bitcast3A_595 = vector.bitcast %get3A_594 : vector<16xi32> to vector<32xbf16>
          %get3A_596 = arith.constant 0 : i32
          %get3A_597 = arith.constant 0 : i32
          %get3A_598 = tpu.memref_slice %arg11[%scan3A_333, %get3A_596, %get3A_597] : memref<4x80x64xi32, #tpu.memory_space<vmem>> -> memref<1x80x64xi32, #tpu.memory_space<vmem>>
          %get3A_599 = tpu.memref_squeeze %get3A_598 : memref<1x80x64xi32, #tpu.memory_space<vmem>> -> memref<80x64xi32, #tpu.memory_space<vmem>>
          %get3A_600 = arith.index_cast %add3A_566 : i32 to index
          %get3A_601 = arith.constant 16 : index
          %get3A_602 = tpu.vector_load %get3A_599[%get3A_600, %get3A_601] {strides = array<i32>} : memref<80x64xi32, #tpu.memory_space<vmem>>, vector<16xi32>,
          %bitcast3A_603 = vector.bitcast %get3A_602 : vector<16xi32> to vector<32xbf16>
          %add3A_604 = arith.addf %bitcast3A_595, %bitcast3A_603 : vector<32xbf16>
          %max3A_605 = arith.constant 0.000000e+00 : bf16
          %max3A_606 = vector.broadcast %max3A_605 : bf16 to vector<32xbf16>
          %max3A_607 = arith.maximumf %add3A_604, %max3A_606 : vector<32xbf16>
          %mul3A_608 = arith.mulf %max3A_607, %bitcast3A_9 : vector<32xbf16>
          %add3A_609 = arith.addf %mul3A_587, %mul3A_608 : vector<32xbf16>
          %get3A_610 = arith.constant 0 : i32
          %get3A_611 = arith.constant 0 : i32
          %get3A_612 = tpu.memref_slice %arg10[%scan3A_332, %get3A_610, %get3A_611] : memref<4x80x64xi32, #tpu.memory_space<vmem>> -> memref<1x80x64xi32, #tpu.memory_space<vmem>>
          %get3A_613 = tpu.memref_squeeze %get3A_612 : memref<1x80x64xi32, #tpu.memory_space<vmem>> -> memref<80x64xi32, #tpu.memory_space<vmem>>
          %get3A_614 = arith.index_cast %add3A_566 : i32 to index
          %get3A_615 = arith.constant 32 : index
          %get3A_616 = tpu.vector_load %get3A_613[%get3A_614, %get3A_615] {strides = array<i32>} : memref<80x64xi32, #tpu.memory_space<vmem>>, vector<16xi32>,
          %bitcast3A_617 = vector.bitcast %get3A_616 : vector<16xi32> to vector<32xbf16>
          %get3A_618 = arith.constant 0 : i32
          %get3A_619 = arith.constant 0 : i32
          %get3A_620 = tpu.memref_slice %arg11[%scan3A_333, %get3A_618, %get3A_619] : memref<4x80x64xi32, #tpu.memory_space<vmem>> -> memref<1x80x64xi32, #tpu.memory_space<vmem>>
          %get3A_621 = tpu.memref_squeeze %get3A_620 : memref<1x80x64xi32, #tpu.memory_space<vmem>> -> memref<80x64xi32, #tpu.memory_space<vmem>>
          %get3A_622 = arith.index_cast %add3A_566 : i32 to index
          %get3A_623 = arith.constant 32 : index
          %get3A_624 = tpu.vector_load %get3A_621[%get3A_622, %get3A_623] {strides = array<i32>} : memref<80x64xi32, #tpu.memory_space<vmem>>, vector<16xi32>,
          %bitcast3A_625 = vector.bitcast %get3A_624 : vector<16xi32> to vector<32xbf16>
          %add3A_626 = arith.addf %bitcast3A_617, %bitcast3A_625 : vector<32xbf16>
          %max3A_627 = arith.constant 0.000000e+00 : bf16
          %max3A_628 = vector.broadcast %max3A_627 : bf16 to vector<32xbf16>
          %max3A_629 = arith.maximumf %add3A_626, %max3A_628 : vector<32xbf16>
          %mul3A_630 = arith.mulf %max3A_629, %bitcast3A_12 : vector<32xbf16>
          %add3A_631 = arith.addf %add3A_609, %mul3A_630 : vector<32xbf16>
          %get3A_632 = arith.constant 0 : i32
          %get3A_633 = arith.constant 0 : i32
          %get3A_634 = tpu.memref_slice %arg10[%scan3A_332, %get3A_632, %get3A_633] : memref<4x80x64xi32, #tpu.memory_space<vmem>> -> memref<1x80x64xi32, #tpu.memory_space<vmem>>
          %get3A_635 = tpu.memref_squeeze %get3A_634 : memref<1x80x64xi32, #tpu.memory_space<vmem>> -> memref<80x64xi32, #tpu.memory_space<vmem>>
          %get3A_636 = arith.index_cast %add3A_566 : i32 to index
          %get3A_637 = arith.constant 48 : index
          %get3A_638 = tpu.vector_load %get3A_635[%get3A_636, %get3A_637] {strides = array<i32>} : memref<80x64xi32, #tpu.memory_space<vmem>>, vector<16xi32>,
          %bitcast3A_639 = vector.bitcast %get3A_638 : vector<16xi32> to vector<32xbf16>
          %get3A_640 = arith.constant 0 : i32
          %get3A_641 = arith.constant 0 : i32
          %get3A_642 = tpu.memref_slice %arg11[%scan3A_333, %get3A_640, %get3A_641] : memref<4x80x64xi32, #tpu.memory_space<vmem>> -> memref<1x80x64xi32, #tpu.memory_space<vmem>>
          %get3A_643 = tpu.memref_squeeze %get3A_642 : memref<1x80x64xi32, #tpu.memory_space<vmem>> -> memref<80x64xi32, #tpu.memory_space<vmem>>
          %get3A_644 = arith.index_cast %add3A_566 : i32 to index
          %get3A_645 = arith.constant 48 : index
          %get3A_646 = tpu.vector_load %get3A_643[%get3A_644, %get3A_645] {strides = array<i32>} : memref<80x64xi32, #tpu.memory_space<vmem>>, vector<16xi32>,
          %bitcast3A_647 = vector.bitcast %get3A_646 : vector<16xi32> to vector<32xbf16>
          %add3A_648 = arith.addf %bitcast3A_639, %bitcast3A_647 : vector<32xbf16>
          %max3A_649 = arith.constant 0.000000e+00 : bf16
          %max3A_650 = vector.broadcast %max3A_649 : bf16 to vector<32xbf16>
          %max3A_651 = arith.maximumf %add3A_648, %max3A_650 : vector<32xbf16>
          %mul3A_652 = arith.mulf %max3A_651, %bitcast3A_15 : vector<32xbf16>
          %add3A_653 = arith.addf %add3A_631, %mul3A_652 : vector<32xbf16>
          %unpack3A_654 = tpu.unpack_subelements %add3A_653, 0 {pack_format = #tpu.pack_format<interleaved>} : vector<32xbf16> -> vector<16xf32>
          %unpack3A_655 = tpu.unpack_subelements %add3A_653, 1 {pack_format = #tpu.pack_format<interleaved>} : vector<32xbf16> -> vector<16xf32>
          %add3A_656 = arith.addf %unpack3A_654, %unpack3A_655 : vector<16xf32>
          %eq3A_657 = vector.broadcast %scan3A_563 : i32 to vector<16xi32>
          %eq3A_658 = arith.cmpi eq, %iota3A, %eq3A_657 : vector<16xi32>
          %reduce_sum3A_659 = arith.constant true
          %reduce_sum3A_660 = vector.broadcast %reduce_sum3A_659 : i1 to vector<16xi1>
          %reduce_sum3A_661 = tpu.scan <sum>, %add3A_656 masked %reduce_sum3A_660 : vector<16xf32>, vector<16xi1> -> vector<16xf32>
          %reduce_sum3A_662 = vector.extract %reduce_sum3A_661[15] : f32 from vector<16xf32>
          %broadcast_in_dim3A_663 = vector.broadcast %reduce_sum3A_662 : f32 to vector<16xf32>
          %select_n3A_664 = arith.select %eq3A_658, %broadcast_in_dim3A_663, %select_n3A_561 : vector<16xi1>, vector<16xf32>
          %scan3A_665 = arith.constant 3 : i32
          %scan3A_666 = arith.addi %scan3A_361, %scan3A_665 : i32
          %mul3A_667 = arith.constant 16 : i32
          %mul3A_668 = arith.muli %scan3A_342, %mul3A_667 : i32
          %add3A_669 = arith.addi %mul3A_668, %scan3A_666 : i32
          %get3A_670 = arith.constant 0 : i32
          %get3A_671 = arith.constant 0 : i32
          %get3A_672 = tpu.memref_slice %arg10[%scan3A_332, %get3A_670, %get3A_671] : memref<4x80x64xi32, #tpu.memory_space<vmem>> -> memref<1x80x64xi32, #tpu.memory_space<vmem>>
          %get3A_673 = tpu.memref_squeeze %get3A_672 : memref<1x80x64xi32, #tpu.memory_space<vmem>> -> memref<80x64xi32, #tpu.memory_space<vmem>>
          %get3A_674 = arith.index_cast %add3A_669 : i32 to index
          %get3A_675 = arith.constant 0 : index
          %get3A_676 = tpu.vector_load %get3A_673[%get3A_674, %get3A_675] {strides = array<i32>} : memref<80x64xi32, #tpu.memory_space<vmem>>, vector<16xi32>,
          %bitcast3A_677 = vector.bitcast %get3A_676 : vector<16xi32> to vector<32xbf16>
          %get3A_678 = arith.constant 0 : i32
          %get3A_679 = arith.constant 0 : i32
          %get3A_680 = tpu.memref_slice %arg11[%scan3A_333, %get3A_678, %get3A_679] : memref<4x80x64xi32, #tpu.memory_space<vmem>> -> memref<1x80x64xi32, #tpu.memory_space<vmem>>
          %get3A_681 = tpu.memref_squeeze %get3A_680 : memref<1x80x64xi32, #tpu.memory_space<vmem>> -> memref<80x64xi32, #tpu.memory_space<vmem>>
          %get3A_682 = arith.index_cast %add3A_669 : i32 to index
          %get3A_683 = arith.constant 0 : index
          %get3A_684 = tpu.vector_load %get3A_681[%get3A_682, %get3A_683] {strides = array<i32>} : memref<80x64xi32, #tpu.memory_space<vmem>>, vector<16xi32>,
          %bitcast3A_685 = vector.bitcast %get3A_684 : vector<16xi32> to vector<32xbf16>
          %add3A_686 = arith.addf %bitcast3A_677, %bitcast3A_685 : vector<32xbf16>
          %max3A_687 = arith.constant 0.000000e+00 : bf16
          %max3A_688 = vector.broadcast %max3A_687 : bf16 to vector<32xbf16>
          %max3A_689 = arith.maximumf %add3A_686, %max3A_688 : vector<32xbf16>
          %mul3A_690 = arith.mulf %max3A_689, %bitcast3A : vector<32xbf16>
          %get3A_691 = arith.constant 0 : i32
          %get3A_692 = arith.constant 0 : i32
          %get3A_693 = tpu.memref_slice %arg10[%scan3A_332, %get3A_691, %get3A_692] : memref<4x80x64xi32, #tpu.memory_space<vmem>> -> memref<1x80x64xi32, #tpu.memory_space<vmem>>
          %get3A_694 = tpu.memref_squeeze %get3A_693 : memref<1x80x64xi32, #tpu.memory_space<vmem>> -> memref<80x64xi32, #tpu.memory_space<vmem>>
          %get3A_695 = arith.index_cast %add3A_669 : i32 to index
          %get3A_696 = arith.constant 16 : index
          %get3A_697 = tpu.vector_load %get3A_694[%get3A_695, %get3A_696] {strides = array<i32>} : memref<80x64xi32, #tpu.memory_space<vmem>>, vector<16xi32>,
          %bitcast3A_698 = vector.bitcast %get3A_697 : vector<16xi32> to vector<32xbf16>
          %get3A_699 = arith.constant 0 : i32
          %get3A_700 = arith.constant 0 : i32
          %get3A_701 = tpu.memref_slice %arg11[%scan3A_333, %get3A_699, %get3A_700] : memref<4x80x64xi32, #tpu.memory_space<vmem>> -> memref<1x80x64xi32, #tpu.memory_space<vmem>>
          %get3A_702 = tpu.memref_squeeze %get3A_701 : memref<1x80x64xi32, #tpu.memory_space<vmem>> -> memref<80x64xi32, #tpu.memory_space<vmem>>
          %get3A_703 = arith.index_cast %add3A_669 : i32 to index
          %get3A_704 = arith.constant 16 : index
          %get3A_705 = tpu.vector_load %get3A_702[%get3A_703, %get3A_704] {strides = array<i32>} : memref<80x64xi32, #tpu.memory_space<vmem>>, vector<16xi32>,
          %bitcast3A_706 = vector.bitcast %get3A_705 : vector<16xi32> to vector<32xbf16>
          %add3A_707 = arith.addf %bitcast3A_698, %bitcast3A_706 : vector<32xbf16>
          %max3A_708 = arith.constant 0.000000e+00 : bf16
          %max3A_709 = vector.broadcast %max3A_708 : bf16 to vector<32xbf16>
          %max3A_710 = arith.maximumf %add3A_707, %max3A_709 : vector<32xbf16>
          %mul3A_711 = arith.mulf %max3A_710, %bitcast3A_9 : vector<32xbf16>
          %add3A_712 = arith.addf %mul3A_690, %mul3A_711 : vector<32xbf16>
          %get3A_713 = arith.constant 0 : i32
          %get3A_714 = arith.constant 0 : i32
          %get3A_715 = tpu.memref_slice %arg10[%scan3A_332, %get3A_713, %get3A_714] : memref<4x80x64xi32, #tpu.memory_space<vmem>> -> memref<1x80x64xi32, #tpu.memory_space<vmem>>
          %get3A_716 = tpu.memref_squeeze %get3A_715 : memref<1x80x64xi32, #tpu.memory_space<vmem>> -> memref<80x64xi32, #tpu.memory_space<vmem>>
          %get3A_717 = arith.index_cast %add3A_669 : i32 to index
          %get3A_718 = arith.constant 32 : index
          %get3A_719 = tpu.vector_load %get3A_716[%get3A_717, %get3A_718] {strides = array<i32>} : memref<80x64xi32, #tpu.memory_space<vmem>>, vector<16xi32>,
          %bitcast3A_720 = vector.bitcast %get3A_719 : vector<16xi32> to vector<32xbf16>
          %get3A_721 = arith.constant 0 : i32
          %get3A_722 = arith.constant 0 : i32
          %get3A_723 = tpu.memref_slice %arg11[%scan3A_333, %get3A_721, %get3A_722] : memref<4x80x64xi32, #tpu.memory_space<vmem>> -> memref<1x80x64xi32, #tpu.memory_space<vmem>>
          %get3A_724 = tpu.memref_squeeze %get3A_723 : memref<1x80x64xi32, #tpu.memory_space<vmem>> -> memref<80x64xi32, #tpu.memory_space<vmem>>
          %get3A_725 = arith.index_cast %add3A_669 : i32 to index
          %get3A_726 = arith.constant 32 : index
          %get3A_727 = tpu.vector_load %get3A_724[%get3A_725, %get3A_726] {strides = array<i32>} : memref<80x64xi32, #tpu.memory_space<vmem>>, vector<16xi32>,
          %bitcast3A_728 = vector.bitcast %get3A_727 : vector<16xi32> to vector<32xbf16>
          %add3A_729 = arith.addf %bitcast3A_720, %bitcast3A_728 : vector<32xbf16>
          %max3A_730 = arith.constant 0.000000e+00 : bf16
          %max3A_731 = vector.broadcast %max3A_730 : bf16 to vector<32xbf16>
          %max3A_732 = arith.maximumf %add3A_729, %max3A_731 : vector<32xbf16>
          %mul3A_733 = arith.mulf %max3A_732, %bitcast3A_12 : vector<32xbf16>
          %add3A_734 = arith.addf %add3A_712, %mul3A_733 : vector<32xbf16>
          %get3A_735 = arith.constant 0 : i32
          %get3A_736 = arith.constant 0 : i32
          %get3A_737 = tpu.memref_slice %arg10[%scan3A_332, %get3A_735, %get3A_736] : memref<4x80x64xi32, #tpu.memory_space<vmem>> -> memref<1x80x64xi32, #tpu.memory_space<vmem>>
          %get3A_738 = tpu.memref_squeeze %get3A_737 : memref<1x80x64xi32, #tpu.memory_space<vmem>> -> memref<80x64xi32, #tpu.memory_space<vmem>>
          %get3A_739 = arith.index_cast %add3A_669 : i32 to index
          %get3A_740 = arith.constant 48 : index
          %get3A_741 = tpu.vector_load %get3A_738[%get3A_739, %get3A_740] {strides = array<i32>} : memref<80x64xi32, #tpu.memory_space<vmem>>, vector<16xi32>,
          %bitcast3A_742 = vector.bitcast %get3A_741 : vector<16xi32> to vector<32xbf16>
          %get3A_743 = arith.constant 0 : i32
          %get3A_744 = arith.constant 0 : i32
          %get3A_745 = tpu.memref_slice %arg11[%scan3A_333, %get3A_743, %get3A_744] : memref<4x80x64xi32, #tpu.memory_space<vmem>> -> memref<1x80x64xi32, #tpu.memory_space<vmem>>
          %get3A_746 = tpu.memref_squeeze %get3A_745 : memref<1x80x64xi32, #tpu.memory_space<vmem>> -> memref<80x64xi32, #tpu.memory_space<vmem>>
          %get3A_747 = arith.index_cast %add3A_669 : i32 to index
          %get3A_748 = arith.constant 48 : index
          %get3A_749 = tpu.vector_load %get3A_746[%get3A_747, %get3A_748] {strides = array<i32>} : memref<80x64xi32, #tpu.memory_space<vmem>>, vector<16xi32>,
          %bitcast3A_750 = vector.bitcast %get3A_749 : vector<16xi32> to vector<32xbf16>
          %add3A_751 = arith.addf %bitcast3A_742, %bitcast3A_750 : vector<32xbf16>
          %max3A_752 = arith.constant 0.000000e+00 : bf16
          %max3A_753 = vector.broadcast %max3A_752 : bf16 to vector<32xbf16>
          %max3A_754 = arith.maximumf %add3A_751, %max3A_753 : vector<32xbf16>
          %mul3A_755 = arith.mulf %max3A_754, %bitcast3A_15 : vector<32xbf16>
          %add3A_756 = arith.addf %add3A_734, %mul3A_755 : vector<32xbf16>
          %unpack3A_757 = tpu.unpack_subelements %add3A_756, 0 {pack_format = #tpu.pack_format<interleaved>} : vector<32xbf16> -> vector<16xf32>
          %unpack3A_758 = tpu.unpack_subelements %add3A_756, 1 {pack_format = #tpu.pack_format<interleaved>} : vector<32xbf16> -> vector<16xf32>
          %add3A_759 = arith.addf %unpack3A_757, %unpack3A_758 : vector<16xf32>
          %eq3A_760 = vector.broadcast %scan3A_666 : i32 to vector<16xi32>
          %eq3A_761 = arith.cmpi eq, %iota3A, %eq3A_760 : vector<16xi32>
          %reduce_sum3A_762 = arith.constant true
          %reduce_sum3A_763 = vector.broadcast %reduce_sum3A_762 : i1 to vector<16xi1>
          %reduce_sum3A_764 = tpu.scan <sum>, %add3A_759 masked %reduce_sum3A_763 : vector<16xf32>, vector<16xi1> -> vector<16xf32>
          %reduce_sum3A_765 = vector.extract %reduce_sum3A_764[15] : f32 from vector<16xf32>
          %broadcast_in_dim3A_766 = vector.broadcast %reduce_sum3A_765 : f32 to vector<16xf32>
          %select_n3A_767 = arith.select %eq3A_761, %broadcast_in_dim3A_766, %select_n3A_664 : vector<16xi1>, vector<16xf32>
          scf.yield %select_n3A_767 : vector<16xf32>
        }
        %scan3A_349 = arith.constant 16 : i32
        %add3A_350 = arith.addf %scan3A_348, %get3A_4 : vector<16xf32>
        %neg3A = arith.constant 0.000000e+00 : f32
        %neg3A_351 = vector.broadcast %neg3A : f32 to vector<16xf32>
        %neg3A_352 = arith.subf %neg3A_351, %add3A_350 : vector<16xf32>
        %exp3A = math.exp %neg3A_352 : vector<16xf32>
        %add3A_353 = arith.constant 1.000000e+00 : f32
        %add3A_354 = vector.broadcast %add3A_353 : f32 to vector<16xf32>
        %add3A_355 = arith.addf %add3A_354, %exp3A : vector<16xf32>
        %div3A = arith.constant 1.000000e+00 : f32
        %div3A_356 = vector.broadcast %div3A : f32 to vector<16xf32>
        %div3A_357 = arith.divf %div3A_356, %add3A_355 : vector<16xf32>
        %mul3A_358 = arith.constant 16 : i32
        %mul3A_359 = arith.muli %scan3A_342, %mul3A_358 : i32
        %swap3A = arith.index_cast %mul3A_359 : i32 to index
        %swap3A_360 = tpu.vector_load %arg12[%swap3A] {strides = array<i32>} : memref<80xf32, #tpu.memory_space<vmem>>, vector<16xf32>,
        tpu.vector_store %arg12[%swap3A], %div3A_357 {strides = array<i32>} : memref<80xf32, #tpu.memory_space<vmem>>, vector<16xf32>,
      }
      %scan3A_338 = arith.constant 5 : i32
      %mul3A_339 = arith.constant 80 : i32
      %mul3A_340 = arith.muli %add3A_295, %mul3A_339 : i32
      %add3A_341 = arith.addi %mul3A_2, %mul3A_340 : i32
      "tpu.region"() ({
        %run_scoped3A_342 = tpu.sem_alloc : memref<!tpu.dma_semaphore, #tpu.memory_space<semaphore_mem>>
        %dma_start3A_343 = tpu.memref_slice %arg7[%add3A_341] : memref<320000xf32, #tpu.memory_space<hbm>> -> memref<80xf32, #tpu.memory_space<hbm>>
        %dma_start3A_344 = tpu.memref_slice %arg7[%add3A_341] : memref<320000xf32, #tpu.memory_space<hbm>> -> memref<80xf32, #tpu.memory_space<hbm>>
        tpu.enqueue_dma source(%arg12 : memref<80xf32, #tpu.memory_space<vmem>>) target(%dma_start3A_344 : memref<80xf32, #tpu.memory_space<hbm>>) target_semaphore(%run_scoped3A_342 : memref<!tpu.dma_semaphore, #tpu.memory_space<semaphore_mem>>)
        %dma_wait3A_345 = tpu.memref_slice %arg7[%add3A_341] : memref<320000xf32, #tpu.memory_space<hbm>> -> memref<80xf32, #tpu.memory_space<hbm>>
        %dma_wait3A_346 = tpu.memref_slice %arg7[%add3A_341] : memref<320000xf32, #tpu.memory_space<hbm>> -> memref<80xf32, #tpu.memory_space<hbm>>
        tpu.wait_dma2 semaphore(%run_scoped3A_342 : memref<!tpu.dma_semaphore, #tpu.memory_space<semaphore_mem>>) src(%arg12 : memref<80xf32, #tpu.memory_space<vmem>>) dst(%dma_wait3A_346 : memref<80xf32, #tpu.memory_space<hbm>>)
        tpu.yield
      }) : () -> ()
    }
    %scan3A_108 = arith.constant 31 : i32
    %dma_wait3A = arith.constant 124 : i32
    %dma_wait3A_109 = arith.constant 0 : i32
    %dma_wait3A_110 = arith.constant 0 : i32
    %dma_wait3A_111 = arith.constant 0 : i32
    %dma_wait3A_112 = arith.constant 0 : i32
    %dma_wait3A_113 = tpu.memref_slice %arg10[%dma_wait3A_109, %dma_wait3A_111, %dma_wait3A_112] : memref<4x80x64xi32, #tpu.memory_space<vmem>> -> memref<1x80x64xi32, #tpu.memory_space<vmem>>
    %dma_wait3A_114 = tpu.memref_squeeze %dma_wait3A_113 : memref<1x80x64xi32, #tpu.memory_space<vmem>> -> memref<80x64xi32, #tpu.memory_space<vmem>>
    %dma_wait3A_115 = arith.constant 0 : i32
    %dma_wait3A_116 = tpu.memref_slice %arg8[%dma_wait3A, %dma_wait3A_115] : memref<125x80xi32, #tpu.memory_space<vmem>> -> memref<1x80xi32, #tpu.memory_space<vmem>>
    %dma_wait3A_117 = tpu.memref_squeeze %dma_wait3A_116 : memref<1x80xi32, #tpu.memory_space<vmem>> -> memref<80xi32, #tpu.memory_space<vmem>>
    %dma_wait3A_118 = arith.constant 0 : i32
    %dma_wait3A_119 = arith.constant 0 : i32
    %dma_wait3A_120 = tpu.memref_slice %arg2[%dma_wait3A_118, %dma_wait3A_119] : memref<10000x64xi32, #tpu.memory_space<hbm>> -> memref<10000x64xi32, #tpu.memory_space<hbm>>
    %dma_wait3A_121 = tpu.memref_slice %arg15[%dma_wait3A_110] : memref<4x!tpu.dma_semaphore, #tpu.memory_space<semaphore_mem>> -> memref<1x!tpu.dma_semaphore, #tpu.memory_space<semaphore_mem>>
    %dma_wait3A_122 = tpu.memref_squeeze %dma_wait3A_121 : memref<1x!tpu.dma_semaphore, #tpu.memory_space<semaphore_mem>> -> memref<!tpu.dma_semaphore, #tpu.memory_space<semaphore_mem>>
    tpu.wait_indirect_dma semaphore(%dma_wait3A_122 : memref<!tpu.dma_semaphore, #tpu.memory_space<semaphore_mem>>) src(%dma_wait3A_120 : memref<10000x64xi32, #tpu.memory_space<hbm>>) dst(%dma_wait3A_114 : memref<80x64xi32, #tpu.memory_space<vmem>>)
    %dma_wait3A_123 = arith.constant 124 : i32
    %dma_wait3A_124 = arith.constant 0 : i32
    %dma_wait3A_125 = arith.constant 0 : i32
    %dma_wait3A_126 = arith.constant 0 : i32
    %dma_wait3A_127 = arith.constant 0 : i32
    %dma_wait3A_128 = tpu.memref_slice %arg11[%dma_wait3A_124, %dma_wait3A_126, %dma_wait3A_127] : memref<4x80x64xi32, #tpu.memory_space<vmem>> -> memref<1x80x64xi32, #tpu.memory_space<vmem>>
    %dma_wait3A_129 = tpu.memref_squeeze %dma_wait3A_128 : memref<1x80x64xi32, #tpu.memory_space<vmem>> -> memref<80x64xi32, #tpu.memory_space<vmem>>
    %dma_wait3A_130 = arith.constant 0 : i32
    %dma_wait3A_131 = tpu.memref_slice %arg9[%dma_wait3A_123, %dma_wait3A_130] : memref<125x80xi32, #tpu.memory_space<vmem>> -> memref<1x80xi32, #tpu.memory_space<vmem>>
    %dma_wait3A_132 = tpu.memref_squeeze %dma_wait3A_131 : memref<1x80xi32, #tpu.memory_space<vmem>> -> memref<80xi32, #tpu.memory_space<vmem>>
    %dma_wait3A_133 = arith.constant 0 : i32
    %dma_wait3A_134 = arith.constant 0 : i32
    %dma_wait3A_135 = tpu.memref_slice %arg3[%dma_wait3A_133, %dma_wait3A_134] : memref<10000x64xi32, #tpu.memory_space<hbm>> -> memref<10000x64xi32, #tpu.memory_space<hbm>>
    %dma_wait3A_136 = tpu.memref_slice %arg15[%dma_wait3A_125] : memref<4x!tpu.dma_semaphore, #tpu.memory_space<semaphore_mem>> -> memref<1x!tpu.dma_semaphore, #tpu.memory_space<semaphore_mem>>
    %dma_wait3A_137 = tpu.memref_squeeze %dma_wait3A_136 : memref<1x!tpu.dma_semaphore, #tpu.memory_space<semaphore_mem>> -> memref<!tpu.dma_semaphore, #tpu.memory_space<semaphore_mem>>
    tpu.wait_indirect_dma semaphore(%dma_wait3A_137 : memref<!tpu.dma_semaphore, #tpu.memory_space<semaphore_mem>>) src(%dma_wait3A_135 : memref<10000x64xi32, #tpu.memory_space<hbm>>) dst(%dma_wait3A_129 : memref<80x64xi32, #tpu.memory_space<vmem>>)
    %scan3A_138 = arith.constant 0 : i32
    %scan3A_139 = arith.constant 0 : i32
    %scan3A_140 = arith.constant 0 : i32
    %scan3A_141 = arith.constant 0 : i32
    %scan3A_142 = arith.constant 5 : i32
    %scan3A_143 = arith.addi %scan3A_141, %scan3A_142 : i32
    %scan3A_144 = arith.constant 1 : i32
    scf.for %scan3A_148 = %scan3A_141 to %scan3A_143 step %scan3A_144  : i32 {
      %broadcast_in_dim3A = arith.constant 0.000000e+00 : f32
      %broadcast_in_dim3A_149 = vector.broadcast %broadcast_in_dim3A : f32 to vector<16xf32>
      %scan3A_150 = arith.constant 0 : i32
      %scan3A_151 = arith.constant 16 : i32
      %scan3A_152 = arith.addi %scan3A_150, %scan3A_151 : i32
      %scan3A_153 = arith.constant 4 : i32
      %scan3A_154 = scf.for %scan3A_167 = %scan3A_150 to %scan3A_152 step %scan3A_153 iter_args(%scan3A_168 = %broadcast_in_dim3A_149) -> (vector<16xf32>)  : i32 {
        %mul3A_169 = arith.constant 16 : i32
        %mul3A_170 = arith.muli %scan3A_148, %mul3A_169 : i32
        %add3A_171 = arith.addi %mul3A_170, %scan3A_167 : i32
        %get3A_172 = arith.constant 0 : i32
        %get3A_173 = arith.constant 0 : i32
        %get3A_174 = tpu.memref_slice %arg10[%scan3A_139, %get3A_172, %get3A_173] : memref<4x80x64xi32, #tpu.memory_space<vmem>> -> memref<1x80x64xi32, #tpu.memory_space<vmem>>
        %get3A_175 = tpu.memref_squeeze %get3A_174 : memref<1x80x64xi32, #tpu.memory_space<vmem>> -> memref<80x64xi32, #tpu.memory_space<vmem>>
        %get3A_176 = arith.index_cast %add3A_171 : i32 to index
        %get3A_177 = arith.constant 0 : index
        %get3A_178 = tpu.vector_load %get3A_175[%get3A_176, %get3A_177] {strides = array<i32>} : memref<80x64xi32, #tpu.memory_space<vmem>>, vector<16xi32>,
        %bitcast3A_179 = vector.bitcast %get3A_178 : vector<16xi32> to vector<32xbf16>
        %get3A_180 = arith.constant 0 : i32
        %get3A_181 = arith.constant 0 : i32
        %get3A_182 = tpu.memref_slice %arg11[%scan3A_140, %get3A_180, %get3A_181] : memref<4x80x64xi32, #tpu.memory_space<vmem>> -> memref<1x80x64xi32, #tpu.memory_space<vmem>>
        %get3A_183 = tpu.memref_squeeze %get3A_182 : memref<1x80x64xi32, #tpu.memory_space<vmem>> -> memref<80x64xi32, #tpu.memory_space<vmem>>
        %get3A_184 = arith.index_cast %add3A_171 : i32 to index
        %get3A_185 = arith.constant 0 : index
        %get3A_186 = tpu.vector_load %get3A_183[%get3A_184, %get3A_185] {strides = array<i32>} : memref<80x64xi32, #tpu.memory_space<vmem>>, vector<16xi32>,
        %bitcast3A_187 = vector.bitcast %get3A_186 : vector<16xi32> to vector<32xbf16>
        %add3A_188 = arith.addf %bitcast3A_179, %bitcast3A_187 : vector<32xbf16>
        %max3A = arith.constant 0.000000e+00 : bf16
        %max3A_189 = vector.broadcast %max3A : bf16 to vector<32xbf16>
        %max3A_190 = arith.maximumf %add3A_188, %max3A_189 : vector<32xbf16>
        %mul3A_191 = arith.mulf %max3A_190, %bitcast3A : vector<32xbf16>
        %get3A_192 = arith.constant 0 : i32
        %get3A_193 = arith.constant 0 : i32
        %get3A_194 = tpu.memref_slice %arg10[%scan3A_139, %get3A_192, %get3A_193] : memref<4x80x64xi32, #tpu.memory_space<vmem>> -> memref<1x80x64xi32, #tpu.memory_space<vmem>>
        %get3A_195 = tpu.memref_squeeze %get3A_194 : memref<1x80x64xi32, #tpu.memory_space<vmem>> -> memref<80x64xi32, #tpu.memory_space<vmem>>
        %get3A_196 = arith.index_cast %add3A_171 : i32 to index
        %get3A_197 = arith.constant 16 : index
        %get3A_198 = tpu.vector_load %get3A_195[%get3A_196, %get3A_197] {strides = array<i32>} : memref<80x64xi32, #tpu.memory_space<vmem>>, vector<16xi32>,
        %bitcast3A_199 = vector.bitcast %get3A_198 : vector<16xi32> to vector<32xbf16>
        %get3A_200 = arith.constant 0 : i32
        %get3A_201 = arith.constant 0 : i32
        %get3A_202 = tpu.memref_slice %arg11[%scan3A_140, %get3A_200, %get3A_201] : memref<4x80x64xi32, #tpu.memory_space<vmem>> -> memref<1x80x64xi32, #tpu.memory_space<vmem>>
        %get3A_203 = tpu.memref_squeeze %get3A_202 : memref<1x80x64xi32, #tpu.memory_space<vmem>> -> memref<80x64xi32, #tpu.memory_space<vmem>>
        %get3A_204 = arith.index_cast %add3A_171 : i32 to index
        %get3A_205 = arith.constant 16 : index
        %get3A_206 = tpu.vector_load %get3A_203[%get3A_204, %get3A_205] {strides = array<i32>} : memref<80x64xi32, #tpu.memory_space<vmem>>, vector<16xi32>,
        %bitcast3A_207 = vector.bitcast %get3A_206 : vector<16xi32> to vector<32xbf16>
        %add3A_208 = arith.addf %bitcast3A_199, %bitcast3A_207 : vector<32xbf16>
        %max3A_209 = arith.constant 0.000000e+00 : bf16
        %max3A_210 = vector.broadcast %max3A_209 : bf16 to vector<32xbf16>
        %max3A_211 = arith.maximumf %add3A_208, %max3A_210 : vector<32xbf16>
        %mul3A_212 = arith.mulf %max3A_211, %bitcast3A_9 : vector<32xbf16>
        %add3A_213 = arith.addf %mul3A_191, %mul3A_212 : vector<32xbf16>
        %get3A_214 = arith.constant 0 : i32
        %get3A_215 = arith.constant 0 : i32
        %get3A_216 = tpu.memref_slice %arg10[%scan3A_139, %get3A_214, %get3A_215] : memref<4x80x64xi32, #tpu.memory_space<vmem>> -> memref<1x80x64xi32, #tpu.memory_space<vmem>>
        %get3A_217 = tpu.memref_squeeze %get3A_216 : memref<1x80x64xi32, #tpu.memory_space<vmem>> -> memref<80x64xi32, #tpu.memory_space<vmem>>
        %get3A_218 = arith.index_cast %add3A_171 : i32 to index
        %get3A_219 = arith.constant 32 : index
        %get3A_220 = tpu.vector_load %get3A_217[%get3A_218, %get3A_219] {strides = array<i32>} : memref<80x64xi32, #tpu.memory_space<vmem>>, vector<16xi32>,
        %bitcast3A_221 = vector.bitcast %get3A_220 : vector<16xi32> to vector<32xbf16>
        %get3A_222 = arith.constant 0 : i32
        %get3A_223 = arith.constant 0 : i32
        %get3A_224 = tpu.memref_slice %arg11[%scan3A_140, %get3A_222, %get3A_223] : memref<4x80x64xi32, #tpu.memory_space<vmem>> -> memref<1x80x64xi32, #tpu.memory_space<vmem>>
        %get3A_225 = tpu.memref_squeeze %get3A_224 : memref<1x80x64xi32, #tpu.memory_space<vmem>> -> memref<80x64xi32, #tpu.memory_space<vmem>>
        %get3A_226 = arith.index_cast %add3A_171 : i32 to index
        %get3A_227 = arith.constant 32 : index
        %get3A_228 = tpu.vector_load %get3A_225[%get3A_226, %get3A_227] {strides = array<i32>} : memref<80x64xi32, #tpu.memory_space<vmem>>, vector<16xi32>,
        %bitcast3A_229 = vector.bitcast %get3A_228 : vector<16xi32> to vector<32xbf16>
        %add3A_230 = arith.addf %bitcast3A_221, %bitcast3A_229 : vector<32xbf16>
        %max3A_231 = arith.constant 0.000000e+00 : bf16
        %max3A_232 = vector.broadcast %max3A_231 : bf16 to vector<32xbf16>
        %max3A_233 = arith.maximumf %add3A_230, %max3A_232 : vector<32xbf16>
        %mul3A_234 = arith.mulf %max3A_233, %bitcast3A_12 : vector<32xbf16>
        %add3A_235 = arith.addf %add3A_213, %mul3A_234 : vector<32xbf16>
        %get3A_236 = arith.constant 0 : i32
        %get3A_237 = arith.constant 0 : i32
        %get3A_238 = tpu.memref_slice %arg10[%scan3A_139, %get3A_236, %get3A_237] : memref<4x80x64xi32, #tpu.memory_space<vmem>> -> memref<1x80x64xi32, #tpu.memory_space<vmem>>
        %get3A_239 = tpu.memref_squeeze %get3A_238 : memref<1x80x64xi32, #tpu.memory_space<vmem>> -> memref<80x64xi32, #tpu.memory_space<vmem>>
        %get3A_240 = arith.index_cast %add3A_171 : i32 to index
        %get3A_241 = arith.constant 48 : index
        %get3A_242 = tpu.vector_load %get3A_239[%get3A_240, %get3A_241] {strides = array<i32>} : memref<80x64xi32, #tpu.memory_space<vmem>>, vector<16xi32>,
        %bitcast3A_243 = vector.bitcast %get3A_242 : vector<16xi32> to vector<32xbf16>
        %get3A_244 = arith.constant 0 : i32
        %get3A_245 = arith.constant 0 : i32
        %get3A_246 = tpu.memref_slice %arg11[%scan3A_140, %get3A_244, %get3A_245] : memref<4x80x64xi32, #tpu.memory_space<vmem>> -> memref<1x80x64xi32, #tpu.memory_space<vmem>>
        %get3A_247 = tpu.memref_squeeze %get3A_246 : memref<1x80x64xi32, #tpu.memory_space<vmem>> -> memref<80x64xi32, #tpu.memory_space<vmem>>
        %get3A_248 = arith.index_cast %add3A_171 : i32 to index
        %get3A_249 = arith.constant 48 : index
        %get3A_250 = tpu.vector_load %get3A_247[%get3A_248, %get3A_249] {strides = array<i32>} : memref<80x64xi32, #tpu.memory_space<vmem>>, vector<16xi32>,
        %bitcast3A_251 = vector.bitcast %get3A_250 : vector<16xi32> to vector<32xbf16>
        %add3A_252 = arith.addf %bitcast3A_243, %bitcast3A_251 : vector<32xbf16>
        %max3A_253 = arith.constant 0.000000e+00 : bf16
        %max3A_254 = vector.broadcast %max3A_253 : bf16 to vector<32xbf16>
        %max3A_255 = arith.maximumf %add3A_252, %max3A_254 : vector<32xbf16>
        %mul3A_256 = arith.mulf %max3A_255, %bitcast3A_15 : vector<32xbf16>
        %add3A_257 = arith.addf %add3A_235, %mul3A_256 : vector<32xbf16>
        %unpack3A = tpu.unpack_subelements %add3A_257, 0 {pack_format = #tpu.pack_format<interleaved>} : vector<32xbf16> -> vector<16xf32>
        %unpack3A_258 = tpu.unpack_subelements %add3A_257, 1 {pack_format = #tpu.pack_format<interleaved>} : vector<32xbf16> -> vector<16xf32>
        %add3A_259 = arith.addf %unpack3A, %unpack3A_258 : vector<16xf32>
        %eq3A = vector.broadcast %scan3A_167 : i32 to vector<16xi32>
        %eq3A_260 = arith.cmpi eq, %iota3A, %eq3A : vector<16xi32>
        %reduce_sum3A = arith.constant true
        %reduce_sum3A_261 = vector.broadcast %reduce_sum3A : i1 to vector<16xi1>
        %reduce_sum3A_262 = tpu.scan <sum>, %add3A_259 masked %reduce_sum3A_261 : vector<16xf32>, vector<16xi1> -> vector<16xf32>
        %reduce_sum3A_263 = vector.extract %reduce_sum3A_262[15] : f32 from vector<16xf32>
        %broadcast_in_dim3A_264 = vector.broadcast %reduce_sum3A_263 : f32 to vector<16xf32>
        %select_n3A = arith.select %eq3A_260, %broadcast_in_dim3A_264, %scan3A_168 : vector<16xi1>, vector<16xf32>
        %scan3A_265 = arith.constant 1 : i32
        %scan3A_266 = arith.addi %scan3A_167, %scan3A_265 : i32
        %mul3A_267 = arith.constant 16 : i32
        %mul3A_268 = arith.muli %scan3A_148, %mul3A_267 : i32
        %add3A_269 = arith.addi %mul3A_268, %scan3A_266 : i32
        %get3A_270 = arith.constant 0 : i32
        %get3A_271 = arith.constant 0 : i32
        %get3A_272 = tpu.memref_slice %arg10[%scan3A_139, %get3A_270, %get3A_271] : memref<4x80x64xi32, #tpu.memory_space<vmem>> -> memref<1x80x64xi32, #tpu.memory_space<vmem>>
        %get3A_273 = tpu.memref_squeeze %get3A_272 : memref<1x80x64xi32, #tpu.memory_space<vmem>> -> memref<80x64xi32, #tpu.memory_space<vmem>>
        %get3A_274 = arith.index_cast %add3A_269 : i32 to index
        %get3A_275 = arith.constant 0 : index
        %get3A_276 = tpu.vector_load %get3A_273[%get3A_274, %get3A_275] {strides = array<i32>} : memref<80x64xi32, #tpu.memory_space<vmem>>, vector<16xi32>,
        %bitcast3A_277 = vector.bitcast %get3A_276 : vector<16xi32> to vector<32xbf16>
        %get3A_278 = arith.constant 0 : i32
        %get3A_279 = arith.constant 0 : i32
        %get3A_280 = tpu.memref_slice %arg11[%scan3A_140, %get3A_278, %get3A_279] : memref<4x80x64xi32, #tpu.memory_space<vmem>> -> memref<1x80x64xi32, #tpu.memory_space<vmem>>
        %get3A_281 = tpu.memref_squeeze %get3A_280 : memref<1x80x64xi32, #tpu.memory_space<vmem>> -> memref<80x64xi32, #tpu.memory_space<vmem>>
        %get3A_282 = arith.index_cast %add3A_269 : i32 to index
        %get3A_283 = arith.constant 0 : index
        %get3A_284 = tpu.vector_load %get3A_281[%get3A_282, %get3A_283] {strides = array<i32>} : memref<80x64xi32, #tpu.memory_space<vmem>>, vector<16xi32>,
        %bitcast3A_285 = vector.bitcast %get3A_284 : vector<16xi32> to vector<32xbf16>
        %add3A_286 = arith.addf %bitcast3A_277, %bitcast3A_285 : vector<32xbf16>
        %max3A_287 = arith.constant 0.000000e+00 : bf16
        %max3A_288 = vector.broadcast %max3A_287 : bf16 to vector<32xbf16>
        %max3A_289 = arith.maximumf %add3A_286, %max3A_288 : vector<32xbf16>
        %mul3A_290 = arith.mulf %max3A_289, %bitcast3A : vector<32xbf16>
        %get3A_291 = arith.constant 0 : i32
        %get3A_292 = arith.constant 0 : i32
        %get3A_293 = tpu.memref_slice %arg10[%scan3A_139, %get3A_291, %get3A_292] : memref<4x80x64xi32, #tpu.memory_space<vmem>> -> memref<1x80x64xi32, #tpu.memory_space<vmem>>
        %get3A_294 = tpu.memref_squeeze %get3A_293 : memref<1x80x64xi32, #tpu.memory_space<vmem>> -> memref<80x64xi32, #tpu.memory_space<vmem>>
        %get3A_295 = arith.index_cast %add3A_269 : i32 to index
        %get3A_296 = arith.constant 16 : index
        %get3A_297 = tpu.vector_load %get3A_294[%get3A_295, %get3A_296] {strides = array<i32>} : memref<80x64xi32, #tpu.memory_space<vmem>>, vector<16xi32>,
        %bitcast3A_298 = vector.bitcast %get3A_297 : vector<16xi32> to vector<32xbf16>
        %get3A_299 = arith.constant 0 : i32
        %get3A_300 = arith.constant 0 : i32
        %get3A_301 = tpu.memref_slice %arg11[%scan3A_140, %get3A_299, %get3A_300] : memref<4x80x64xi32, #tpu.memory_space<vmem>> -> memref<1x80x64xi32, #tpu.memory_space<vmem>>
        %get3A_302 = tpu.memref_squeeze %get3A_301 : memref<1x80x64xi32, #tpu.memory_space<vmem>> -> memref<80x64xi32, #tpu.memory_space<vmem>>
        %get3A_303 = arith.index_cast %add3A_269 : i32 to index
        %get3A_304 = arith.constant 16 : index
        %get3A_305 = tpu.vector_load %get3A_302[%get3A_303, %get3A_304] {strides = array<i32>} : memref<80x64xi32, #tpu.memory_space<vmem>>, vector<16xi32>,
        %bitcast3A_306 = vector.bitcast %get3A_305 : vector<16xi32> to vector<32xbf16>
        %add3A_307 = arith.addf %bitcast3A_298, %bitcast3A_306 : vector<32xbf16>
        %max3A_308 = arith.constant 0.000000e+00 : bf16
        %max3A_309 = vector.broadcast %max3A_308 : bf16 to vector<32xbf16>
        %max3A_310 = arith.maximumf %add3A_307, %max3A_309 : vector<32xbf16>
        %mul3A_311 = arith.mulf %max3A_310, %bitcast3A_9 : vector<32xbf16>
        %add3A_312 = arith.addf %mul3A_290, %mul3A_311 : vector<32xbf16>
        %get3A_313 = arith.constant 0 : i32
        %get3A_314 = arith.constant 0 : i32
        %get3A_315 = tpu.memref_slice %arg10[%scan3A_139, %get3A_313, %get3A_314] : memref<4x80x64xi32, #tpu.memory_space<vmem>> -> memref<1x80x64xi32, #tpu.memory_space<vmem>>
        %get3A_316 = tpu.memref_squeeze %get3A_315 : memref<1x80x64xi32, #tpu.memory_space<vmem>> -> memref<80x64xi32, #tpu.memory_space<vmem>>
        %get3A_317 = arith.index_cast %add3A_269 : i32 to index
        %get3A_318 = arith.constant 32 : index
        %get3A_319 = tpu.vector_load %get3A_316[%get3A_317, %get3A_318] {strides = array<i32>} : memref<80x64xi32, #tpu.memory_space<vmem>>, vector<16xi32>,
        %bitcast3A_320 = vector.bitcast %get3A_319 : vector<16xi32> to vector<32xbf16>
        %get3A_321 = arith.constant 0 : i32
        %get3A_322 = arith.constant 0 : i32
        %get3A_323 = tpu.memref_slice %arg11[%scan3A_140, %get3A_321, %get3A_322] : memref<4x80x64xi32, #tpu.memory_space<vmem>> -> memref<1x80x64xi32, #tpu.memory_space<vmem>>
        %get3A_324 = tpu.memref_squeeze %get3A_323 : memref<1x80x64xi32, #tpu.memory_space<vmem>> -> memref<80x64xi32, #tpu.memory_space<vmem>>
        %get3A_325 = arith.index_cast %add3A_269 : i32 to index
        %get3A_326 = arith.constant 32 : index
        %get3A_327 = tpu.vector_load %get3A_324[%get3A_325, %get3A_326] {strides = array<i32>} : memref<80x64xi32, #tpu.memory_space<vmem>>, vector<16xi32>,
        %bitcast3A_328 = vector.bitcast %get3A_327 : vector<16xi32> to vector<32xbf16>
        %add3A_329 = arith.addf %bitcast3A_320, %bitcast3A_328 : vector<32xbf16>
        %max3A_330 = arith.constant 0.000000e+00 : bf16
        %max3A_331 = vector.broadcast %max3A_330 : bf16 to vector<32xbf16>
        %max3A_332 = arith.maximumf %add3A_329, %max3A_331 : vector<32xbf16>
        %mul3A_333 = arith.mulf %max3A_332, %bitcast3A_12 : vector<32xbf16>
        %add3A_334 = arith.addf %add3A_312, %mul3A_333 : vector<32xbf16>
        %get3A_335 = arith.constant 0 : i32
        %get3A_336 = arith.constant 0 : i32
        %get3A_337 = tpu.memref_slice %arg10[%scan3A_139, %get3A_335, %get3A_336] : memref<4x80x64xi32, #tpu.memory_space<vmem>> -> memref<1x80x64xi32, #tpu.memory_space<vmem>>
        %get3A_338 = tpu.memref_squeeze %get3A_337 : memref<1x80x64xi32, #tpu.memory_space<vmem>> -> memref<80x64xi32, #tpu.memory_space<vmem>>
        %get3A_339 = arith.index_cast %add3A_269 : i32 to index
        %get3A_340 = arith.constant 48 : index
        %get3A_341 = tpu.vector_load %get3A_338[%get3A_339, %get3A_340] {strides = array<i32>} : memref<80x64xi32, #tpu.memory_space<vmem>>, vector<16xi32>,
        %bitcast3A_342 = vector.bitcast %get3A_341 : vector<16xi32> to vector<32xbf16>
        %get3A_343 = arith.constant 0 : i32
        %get3A_344 = arith.constant 0 : i32
        %get3A_345 = tpu.memref_slice %arg11[%scan3A_140, %get3A_343, %get3A_344] : memref<4x80x64xi32, #tpu.memory_space<vmem>> -> memref<1x80x64xi32, #tpu.memory_space<vmem>>
        %get3A_346 = tpu.memref_squeeze %get3A_345 : memref<1x80x64xi32, #tpu.memory_space<vmem>> -> memref<80x64xi32, #tpu.memory_space<vmem>>
        %get3A_347 = arith.index_cast %add3A_269 : i32 to index
        %get3A_348 = arith.constant 48 : index
        %get3A_349 = tpu.vector_load %get3A_346[%get3A_347, %get3A_348] {strides = array<i32>} : memref<80x64xi32, #tpu.memory_space<vmem>>, vector<16xi32>,
        %bitcast3A_350 = vector.bitcast %get3A_349 : vector<16xi32> to vector<32xbf16>
        %add3A_351 = arith.addf %bitcast3A_342, %bitcast3A_350 : vector<32xbf16>
        %max3A_352 = arith.constant 0.000000e+00 : bf16
        %max3A_353 = vector.broadcast %max3A_352 : bf16 to vector<32xbf16>
        %max3A_354 = arith.maximumf %add3A_351, %max3A_353 : vector<32xbf16>
        %mul3A_355 = arith.mulf %max3A_354, %bitcast3A_15 : vector<32xbf16>
        %add3A_356 = arith.addf %add3A_334, %mul3A_355 : vector<32xbf16>
        %unpack3A_357 = tpu.unpack_subelements %add3A_356, 0 {pack_format = #tpu.pack_format<interleaved>} : vector<32xbf16> -> vector<16xf32>
        %unpack3A_358 = tpu.unpack_subelements %add3A_356, 1 {pack_format = #tpu.pack_format<interleaved>} : vector<32xbf16> -> vector<16xf32>
        %add3A_359 = arith.addf %unpack3A_357, %unpack3A_358 : vector<16xf32>
        %eq3A_360 = vector.broadcast %scan3A_266 : i32 to vector<16xi32>
        %eq3A_361 = arith.cmpi eq, %iota3A, %eq3A_360 : vector<16xi32>
        %reduce_sum3A_362 = arith.constant true
        %reduce_sum3A_363 = vector.broadcast %reduce_sum3A_362 : i1 to vector<16xi1>
        %reduce_sum3A_364 = tpu.scan <sum>, %add3A_359 masked %reduce_sum3A_363 : vector<16xf32>, vector<16xi1> -> vector<16xf32>
        %reduce_sum3A_365 = vector.extract %reduce_sum3A_364[15] : f32 from vector<16xf32>
        %broadcast_in_dim3A_366 = vector.broadcast %reduce_sum3A_365 : f32 to vector<16xf32>
        %select_n3A_367 = arith.select %eq3A_361, %broadcast_in_dim3A_366, %select_n3A : vector<16xi1>, vector<16xf32>
        %scan3A_368 = arith.constant 2 : i32
        %scan3A_369 = arith.addi %scan3A_167, %scan3A_368 : i32
        %mul3A_370 = arith.constant 16 : i32
        %mul3A_371 = arith.muli %scan3A_148, %mul3A_370 : i32
        %add3A_372 = arith.addi %mul3A_371, %scan3A_369 : i32
        %get3A_373 = arith.constant 0 : i32
        %get3A_374 = arith.constant 0 : i32
        %get3A_375 = tpu.memref_slice %arg10[%scan3A_139, %get3A_373, %get3A_374] : memref<4x80x64xi32, #tpu.memory_space<vmem>> -> memref<1x80x64xi32, #tpu.memory_space<vmem>>
        %get3A_376 = tpu.memref_squeeze %get3A_375 : memref<1x80x64xi32, #tpu.memory_space<vmem>> -> memref<80x64xi32, #tpu.memory_space<vmem>>
        %get3A_377 = arith.index_cast %add3A_372 : i32 to index
        %get3A_378 = arith.constant 0 : index
        %get3A_379 = tpu.vector_load %get3A_376[%get3A_377, %get3A_378] {strides = array<i32>} : memref<80x64xi32, #tpu.memory_space<vmem>>, vector<16xi32>,
        %bitcast3A_380 = vector.bitcast %get3A_379 : vector<16xi32> to vector<32xbf16>
        %get3A_381 = arith.constant 0 : i32
        %get3A_382 = arith.constant 0 : i32
        %get3A_383 = tpu.memref_slice %arg11[%scan3A_140, %get3A_381, %get3A_382] : memref<4x80x64xi32, #tpu.memory_space<vmem>> -> memref<1x80x64xi32, #tpu.memory_space<vmem>>
        %get3A_384 = tpu.memref_squeeze %get3A_383 : memref<1x80x64xi32, #tpu.memory_space<vmem>> -> memref<80x64xi32, #tpu.memory_space<vmem>>
        %get3A_385 = arith.index_cast %add3A_372 : i32 to index
        %get3A_386 = arith.constant 0 : index
        %get3A_387 = tpu.vector_load %get3A_384[%get3A_385, %get3A_386] {strides = array<i32>} : memref<80x64xi32, #tpu.memory_space<vmem>>, vector<16xi32>,
        %bitcast3A_388 = vector.bitcast %get3A_387 : vector<16xi32> to vector<32xbf16>
        %add3A_389 = arith.addf %bitcast3A_380, %bitcast3A_388 : vector<32xbf16>
        %max3A_390 = arith.constant 0.000000e+00 : bf16
        %max3A_391 = vector.broadcast %max3A_390 : bf16 to vector<32xbf16>
        %max3A_392 = arith.maximumf %add3A_389, %max3A_391 : vector<32xbf16>
        %mul3A_393 = arith.mulf %max3A_392, %bitcast3A : vector<32xbf16>
        %get3A_394 = arith.constant 0 : i32
        %get3A_395 = arith.constant 0 : i32
        %get3A_396 = tpu.memref_slice %arg10[%scan3A_139, %get3A_394, %get3A_395] : memref<4x80x64xi32, #tpu.memory_space<vmem>> -> memref<1x80x64xi32, #tpu.memory_space<vmem>>
        %get3A_397 = tpu.memref_squeeze %get3A_396 : memref<1x80x64xi32, #tpu.memory_space<vmem>> -> memref<80x64xi32, #tpu.memory_space<vmem>>
        %get3A_398 = arith.index_cast %add3A_372 : i32 to index
        %get3A_399 = arith.constant 16 : index
        %get3A_400 = tpu.vector_load %get3A_397[%get3A_398, %get3A_399] {strides = array<i32>} : memref<80x64xi32, #tpu.memory_space<vmem>>, vector<16xi32>,
        %bitcast3A_401 = vector.bitcast %get3A_400 : vector<16xi32> to vector<32xbf16>
        %get3A_402 = arith.constant 0 : i32
        %get3A_403 = arith.constant 0 : i32
        %get3A_404 = tpu.memref_slice %arg11[%scan3A_140, %get3A_402, %get3A_403] : memref<4x80x64xi32, #tpu.memory_space<vmem>> -> memref<1x80x64xi32, #tpu.memory_space<vmem>>
        %get3A_405 = tpu.memref_squeeze %get3A_404 : memref<1x80x64xi32, #tpu.memory_space<vmem>> -> memref<80x64xi32, #tpu.memory_space<vmem>>
        %get3A_406 = arith.index_cast %add3A_372 : i32 to index
        %get3A_407 = arith.constant 16 : index
        %get3A_408 = tpu.vector_load %get3A_405[%get3A_406, %get3A_407] {strides = array<i32>} : memref<80x64xi32, #tpu.memory_space<vmem>>, vector<16xi32>,
        %bitcast3A_409 = vector.bitcast %get3A_408 : vector<16xi32> to vector<32xbf16>
        %add3A_410 = arith.addf %bitcast3A_401, %bitcast3A_409 : vector<32xbf16>
        %max3A_411 = arith.constant 0.000000e+00 : bf16
        %max3A_412 = vector.broadcast %max3A_411 : bf16 to vector<32xbf16>
        %max3A_413 = arith.maximumf %add3A_410, %max3A_412 : vector<32xbf16>
        %mul3A_414 = arith.mulf %max3A_413, %bitcast3A_9 : vector<32xbf16>
        %add3A_415 = arith.addf %mul3A_393, %mul3A_414 : vector<32xbf16>
        %get3A_416 = arith.constant 0 : i32
        %get3A_417 = arith.constant 0 : i32
        %get3A_418 = tpu.memref_slice %arg10[%scan3A_139, %get3A_416, %get3A_417] : memref<4x80x64xi32, #tpu.memory_space<vmem>> -> memref<1x80x64xi32, #tpu.memory_space<vmem>>
        %get3A_419 = tpu.memref_squeeze %get3A_418 : memref<1x80x64xi32, #tpu.memory_space<vmem>> -> memref<80x64xi32, #tpu.memory_space<vmem>>
        %get3A_420 = arith.index_cast %add3A_372 : i32 to index
        %get3A_421 = arith.constant 32 : index
        %get3A_422 = tpu.vector_load %get3A_419[%get3A_420, %get3A_421] {strides = array<i32>} : memref<80x64xi32, #tpu.memory_space<vmem>>, vector<16xi32>,
        %bitcast3A_423 = vector.bitcast %get3A_422 : vector<16xi32> to vector<32xbf16>
        %get3A_424 = arith.constant 0 : i32
        %get3A_425 = arith.constant 0 : i32
        %get3A_426 = tpu.memref_slice %arg11[%scan3A_140, %get3A_424, %get3A_425] : memref<4x80x64xi32, #tpu.memory_space<vmem>> -> memref<1x80x64xi32, #tpu.memory_space<vmem>>
        %get3A_427 = tpu.memref_squeeze %get3A_426 : memref<1x80x64xi32, #tpu.memory_space<vmem>> -> memref<80x64xi32, #tpu.memory_space<vmem>>
        %get3A_428 = arith.index_cast %add3A_372 : i32 to index
        %get3A_429 = arith.constant 32 : index
        %get3A_430 = tpu.vector_load %get3A_427[%get3A_428, %get3A_429] {strides = array<i32>} : memref<80x64xi32, #tpu.memory_space<vmem>>, vector<16xi32>,
        %bitcast3A_431 = vector.bitcast %get3A_430 : vector<16xi32> to vector<32xbf16>
        %add3A_432 = arith.addf %bitcast3A_423, %bitcast3A_431 : vector<32xbf16>
        %max3A_433 = arith.constant 0.000000e+00 : bf16
        %max3A_434 = vector.broadcast %max3A_433 : bf16 to vector<32xbf16>
        %max3A_435 = arith.maximumf %add3A_432, %max3A_434 : vector<32xbf16>
        %mul3A_436 = arith.mulf %max3A_435, %bitcast3A_12 : vector<32xbf16>
        %add3A_437 = arith.addf %add3A_415, %mul3A_436 : vector<32xbf16>
        %get3A_438 = arith.constant 0 : i32
        %get3A_439 = arith.constant 0 : i32
        %get3A_440 = tpu.memref_slice %arg10[%scan3A_139, %get3A_438, %get3A_439] : memref<4x80x64xi32, #tpu.memory_space<vmem>> -> memref<1x80x64xi32, #tpu.memory_space<vmem>>
        %get3A_441 = tpu.memref_squeeze %get3A_440 : memref<1x80x64xi32, #tpu.memory_space<vmem>> -> memref<80x64xi32, #tpu.memory_space<vmem>>
        %get3A_442 = arith.index_cast %add3A_372 : i32 to index
        %get3A_443 = arith.constant 48 : index
        %get3A_444 = tpu.vector_load %get3A_441[%get3A_442, %get3A_443] {strides = array<i32>} : memref<80x64xi32, #tpu.memory_space<vmem>>, vector<16xi32>,
        %bitcast3A_445 = vector.bitcast %get3A_444 : vector<16xi32> to vector<32xbf16>
        %get3A_446 = arith.constant 0 : i32
        %get3A_447 = arith.constant 0 : i32
        %get3A_448 = tpu.memref_slice %arg11[%scan3A_140, %get3A_446, %get3A_447] : memref<4x80x64xi32, #tpu.memory_space<vmem>> -> memref<1x80x64xi32, #tpu.memory_space<vmem>>
        %get3A_449 = tpu.memref_squeeze %get3A_448 : memref<1x80x64xi32, #tpu.memory_space<vmem>> -> memref<80x64xi32, #tpu.memory_space<vmem>>
        %get3A_450 = arith.index_cast %add3A_372 : i32 to index
        %get3A_451 = arith.constant 48 : index
        %get3A_452 = tpu.vector_load %get3A_449[%get3A_450, %get3A_451] {strides = array<i32>} : memref<80x64xi32, #tpu.memory_space<vmem>>, vector<16xi32>,
        %bitcast3A_453 = vector.bitcast %get3A_452 : vector<16xi32> to vector<32xbf16>
        %add3A_454 = arith.addf %bitcast3A_445, %bitcast3A_453 : vector<32xbf16>
        %max3A_455 = arith.constant 0.000000e+00 : bf16
        %max3A_456 = vector.broadcast %max3A_455 : bf16 to vector<32xbf16>
        %max3A_457 = arith.maximumf %add3A_454, %max3A_456 : vector<32xbf16>
        %mul3A_458 = arith.mulf %max3A_457, %bitcast3A_15 : vector<32xbf16>
        %add3A_459 = arith.addf %add3A_437, %mul3A_458 : vector<32xbf16>
        %unpack3A_460 = tpu.unpack_subelements %add3A_459, 0 {pack_format = #tpu.pack_format<interleaved>} : vector<32xbf16> -> vector<16xf32>
        %unpack3A_461 = tpu.unpack_subelements %add3A_459, 1 {pack_format = #tpu.pack_format<interleaved>} : vector<32xbf16> -> vector<16xf32>
        %add3A_462 = arith.addf %unpack3A_460, %unpack3A_461 : vector<16xf32>
        %eq3A_463 = vector.broadcast %scan3A_369 : i32 to vector<16xi32>
        %eq3A_464 = arith.cmpi eq, %iota3A, %eq3A_463 : vector<16xi32>
        %reduce_sum3A_465 = arith.constant true
        %reduce_sum3A_466 = vector.broadcast %reduce_sum3A_465 : i1 to vector<16xi1>
        %reduce_sum3A_467 = tpu.scan <sum>, %add3A_462 masked %reduce_sum3A_466 : vector<16xf32>, vector<16xi1> -> vector<16xf32>
        %reduce_sum3A_468 = vector.extract %reduce_sum3A_467[15] : f32 from vector<16xf32>
        %broadcast_in_dim3A_469 = vector.broadcast %reduce_sum3A_468 : f32 to vector<16xf32>
        %select_n3A_470 = arith.select %eq3A_464, %broadcast_in_dim3A_469, %select_n3A_367 : vector<16xi1>, vector<16xf32>
        %scan3A_471 = arith.constant 3 : i32
        %scan3A_472 = arith.addi %scan3A_167, %scan3A_471 : i32
        %mul3A_473 = arith.constant 16 : i32
        %mul3A_474 = arith.muli %scan3A_148, %mul3A_473 : i32
        %add3A_475 = arith.addi %mul3A_474, %scan3A_472 : i32
        %get3A_476 = arith.constant 0 : i32
        %get3A_477 = arith.constant 0 : i32
        %get3A_478 = tpu.memref_slice %arg10[%scan3A_139, %get3A_476, %get3A_477] : memref<4x80x64xi32, #tpu.memory_space<vmem>> -> memref<1x80x64xi32, #tpu.memory_space<vmem>>
        %get3A_479 = tpu.memref_squeeze %get3A_478 : memref<1x80x64xi32, #tpu.memory_space<vmem>> -> memref<80x64xi32, #tpu.memory_space<vmem>>
        %get3A_480 = arith.index_cast %add3A_475 : i32 to index
        %get3A_481 = arith.constant 0 : index
        %get3A_482 = tpu.vector_load %get3A_479[%get3A_480, %get3A_481] {strides = array<i32>} : memref<80x64xi32, #tpu.memory_space<vmem>>, vector<16xi32>,
        %bitcast3A_483 = vector.bitcast %get3A_482 : vector<16xi32> to vector<32xbf16>
        %get3A_484 = arith.constant 0 : i32
        %get3A_485 = arith.constant 0 : i32
        %get3A_486 = tpu.memref_slice %arg11[%scan3A_140, %get3A_484, %get3A_485] : memref<4x80x64xi32, #tpu.memory_space<vmem>> -> memref<1x80x64xi32, #tpu.memory_space<vmem>>
        %get3A_487 = tpu.memref_squeeze %get3A_486 : memref<1x80x64xi32, #tpu.memory_space<vmem>> -> memref<80x64xi32, #tpu.memory_space<vmem>>
        %get3A_488 = arith.index_cast %add3A_475 : i32 to index
        %get3A_489 = arith.constant 0 : index
        %get3A_490 = tpu.vector_load %get3A_487[%get3A_488, %get3A_489] {strides = array<i32>} : memref<80x64xi32, #tpu.memory_space<vmem>>, vector<16xi32>,
        %bitcast3A_491 = vector.bitcast %get3A_490 : vector<16xi32> to vector<32xbf16>
        %add3A_492 = arith.addf %bitcast3A_483, %bitcast3A_491 : vector<32xbf16>
        %max3A_493 = arith.constant 0.000000e+00 : bf16
        %max3A_494 = vector.broadcast %max3A_493 : bf16 to vector<32xbf16>
        %max3A_495 = arith.maximumf %add3A_492, %max3A_494 : vector<32xbf16>
        %mul3A_496 = arith.mulf %max3A_495, %bitcast3A : vector<32xbf16>
        %get3A_497 = arith.constant 0 : i32
        %get3A_498 = arith.constant 0 : i32
        %get3A_499 = tpu.memref_slice %arg10[%scan3A_139, %get3A_497, %get3A_498] : memref<4x80x64xi32, #tpu.memory_space<vmem>> -> memref<1x80x64xi32, #tpu.memory_space<vmem>>
        %get3A_500 = tpu.memref_squeeze %get3A_499 : memref<1x80x64xi32, #tpu.memory_space<vmem>> -> memref<80x64xi32, #tpu.memory_space<vmem>>
        %get3A_501 = arith.index_cast %add3A_475 : i32 to index
        %get3A_502 = arith.constant 16 : index
        %get3A_503 = tpu.vector_load %get3A_500[%get3A_501, %get3A_502] {strides = array<i32>} : memref<80x64xi32, #tpu.memory_space<vmem>>, vector<16xi32>,
        %bitcast3A_504 = vector.bitcast %get3A_503 : vector<16xi32> to vector<32xbf16>
        %get3A_505 = arith.constant 0 : i32
        %get3A_506 = arith.constant 0 : i32
        %get3A_507 = tpu.memref_slice %arg11[%scan3A_140, %get3A_505, %get3A_506] : memref<4x80x64xi32, #tpu.memory_space<vmem>> -> memref<1x80x64xi32, #tpu.memory_space<vmem>>
        %get3A_508 = tpu.memref_squeeze %get3A_507 : memref<1x80x64xi32, #tpu.memory_space<vmem>> -> memref<80x64xi32, #tpu.memory_space<vmem>>
        %get3A_509 = arith.index_cast %add3A_475 : i32 to index
        %get3A_510 = arith.constant 16 : index
        %get3A_511 = tpu.vector_load %get3A_508[%get3A_509, %get3A_510] {strides = array<i32>} : memref<80x64xi32, #tpu.memory_space<vmem>>, vector<16xi32>,
        %bitcast3A_512 = vector.bitcast %get3A_511 : vector<16xi32> to vector<32xbf16>
        %add3A_513 = arith.addf %bitcast3A_504, %bitcast3A_512 : vector<32xbf16>
        %max3A_514 = arith.constant 0.000000e+00 : bf16
        %max3A_515 = vector.broadcast %max3A_514 : bf16 to vector<32xbf16>
        %max3A_516 = arith.maximumf %add3A_513, %max3A_515 : vector<32xbf16>
        %mul3A_517 = arith.mulf %max3A_516, %bitcast3A_9 : vector<32xbf16>
        %add3A_518 = arith.addf %mul3A_496, %mul3A_517 : vector<32xbf16>
        %get3A_519 = arith.constant 0 : i32
        %get3A_520 = arith.constant 0 : i32
        %get3A_521 = tpu.memref_slice %arg10[%scan3A_139, %get3A_519, %get3A_520] : memref<4x80x64xi32, #tpu.memory_space<vmem>> -> memref<1x80x64xi32, #tpu.memory_space<vmem>>
        %get3A_522 = tpu.memref_squeeze %get3A_521 : memref<1x80x64xi32, #tpu.memory_space<vmem>> -> memref<80x64xi32, #tpu.memory_space<vmem>>
        %get3A_523 = arith.index_cast %add3A_475 : i32 to index
        %get3A_524 = arith.constant 32 : index
        %get3A_525 = tpu.vector_load %get3A_522[%get3A_523, %get3A_524] {strides = array<i32>} : memref<80x64xi32, #tpu.memory_space<vmem>>, vector<16xi32>,
        %bitcast3A_526 = vector.bitcast %get3A_525 : vector<16xi32> to vector<32xbf16>
        %get3A_527 = arith.constant 0 : i32
        %get3A_528 = arith.constant 0 : i32
        %get3A_529 = tpu.memref_slice %arg11[%scan3A_140, %get3A_527, %get3A_528] : memref<4x80x64xi32, #tpu.memory_space<vmem>> -> memref<1x80x64xi32, #tpu.memory_space<vmem>>
        %get3A_530 = tpu.memref_squeeze %get3A_529 : memref<1x80x64xi32, #tpu.memory_space<vmem>> -> memref<80x64xi32, #tpu.memory_space<vmem>>
        %get3A_531 = arith.index_cast %add3A_475 : i32 to index
        %get3A_532 = arith.constant 32 : index
        %get3A_533 = tpu.vector_load %get3A_530[%get3A_531, %get3A_532] {strides = array<i32>} : memref<80x64xi32, #tpu.memory_space<vmem>>, vector<16xi32>,
        %bitcast3A_534 = vector.bitcast %get3A_533 : vector<16xi32> to vector<32xbf16>
        %add3A_535 = arith.addf %bitcast3A_526, %bitcast3A_534 : vector<32xbf16>
        %max3A_536 = arith.constant 0.000000e+00 : bf16
        %max3A_537 = vector.broadcast %max3A_536 : bf16 to vector<32xbf16>
        %max3A_538 = arith.maximumf %add3A_535, %max3A_537 : vector<32xbf16>
        %mul3A_539 = arith.mulf %max3A_538, %bitcast3A_12 : vector<32xbf16>
        %add3A_540 = arith.addf %add3A_518, %mul3A_539 : vector<32xbf16>
        %get3A_541 = arith.constant 0 : i32
        %get3A_542 = arith.constant 0 : i32
        %get3A_543 = tpu.memref_slice %arg10[%scan3A_139, %get3A_541, %get3A_542] : memref<4x80x64xi32, #tpu.memory_space<vmem>> -> memref<1x80x64xi32, #tpu.memory_space<vmem>>
        %get3A_544 = tpu.memref_squeeze %get3A_543 : memref<1x80x64xi32, #tpu.memory_space<vmem>> -> memref<80x64xi32, #tpu.memory_space<vmem>>
        %get3A_545 = arith.index_cast %add3A_475 : i32 to index
        %get3A_546 = arith.constant 48 : index
        %get3A_547 = tpu.vector_load %get3A_544[%get3A_545, %get3A_546] {strides = array<i32>} : memref<80x64xi32, #tpu.memory_space<vmem>>, vector<16xi32>,
        %bitcast3A_548 = vector.bitcast %get3A_547 : vector<16xi32> to vector<32xbf16>
        %get3A_549 = arith.constant 0 : i32
        %get3A_550 = arith.constant 0 : i32
        %get3A_551 = tpu.memref_slice %arg11[%scan3A_140, %get3A_549, %get3A_550] : memref<4x80x64xi32, #tpu.memory_space<vmem>> -> memref<1x80x64xi32, #tpu.memory_space<vmem>>
        %get3A_552 = tpu.memref_squeeze %get3A_551 : memref<1x80x64xi32, #tpu.memory_space<vmem>> -> memref<80x64xi32, #tpu.memory_space<vmem>>
        %get3A_553 = arith.index_cast %add3A_475 : i32 to index
        %get3A_554 = arith.constant 48 : index
        %get3A_555 = tpu.vector_load %get3A_552[%get3A_553, %get3A_554] {strides = array<i32>} : memref<80x64xi32, #tpu.memory_space<vmem>>, vector<16xi32>,
        %bitcast3A_556 = vector.bitcast %get3A_555 : vector<16xi32> to vector<32xbf16>
        %add3A_557 = arith.addf %bitcast3A_548, %bitcast3A_556 : vector<32xbf16>
        %max3A_558 = arith.constant 0.000000e+00 : bf16
        %max3A_559 = vector.broadcast %max3A_558 : bf16 to vector<32xbf16>
        %max3A_560 = arith.maximumf %add3A_557, %max3A_559 : vector<32xbf16>
        %mul3A_561 = arith.mulf %max3A_560, %bitcast3A_15 : vector<32xbf16>
        %add3A_562 = arith.addf %add3A_540, %mul3A_561 : vector<32xbf16>
        %unpack3A_563 = tpu.unpack_subelements %add3A_562, 0 {pack_format = #tpu.pack_format<interleaved>} : vector<32xbf16> -> vector<16xf32>
        %unpack3A_564 = tpu.unpack_subelements %add3A_562, 1 {pack_format = #tpu.pack_format<interleaved>} : vector<32xbf16> -> vector<16xf32>
        %add3A_565 = arith.addf %unpack3A_563, %unpack3A_564 : vector<16xf32>
        %eq3A_566 = vector.broadcast %scan3A_472 : i32 to vector<16xi32>
        %eq3A_567 = arith.cmpi eq, %iota3A, %eq3A_566 : vector<16xi32>
        %reduce_sum3A_568 = arith.constant true
        %reduce_sum3A_569 = vector.broadcast %reduce_sum3A_568 : i1 to vector<16xi1>
        %reduce_sum3A_570 = tpu.scan <sum>, %add3A_565 masked %reduce_sum3A_569 : vector<16xf32>, vector<16xi1> -> vector<16xf32>
        %reduce_sum3A_571 = vector.extract %reduce_sum3A_570[15] : f32 from vector<16xf32>
        %broadcast_in_dim3A_572 = vector.broadcast %reduce_sum3A_571 : f32 to vector<16xf32>
        %select_n3A_573 = arith.select %eq3A_567, %broadcast_in_dim3A_572, %select_n3A_470 : vector<16xi1>, vector<16xf32>
        scf.yield %select_n3A_573 : vector<16xf32>
      }
      %scan3A_155 = arith.constant 16 : i32
      %add3A_156 = arith.addf %scan3A_154, %get3A_4 : vector<16xf32>
      %neg3A = arith.constant 0.000000e+00 : f32
      %neg3A_157 = vector.broadcast %neg3A : f32 to vector<16xf32>
      %neg3A_158 = arith.subf %neg3A_157, %add3A_156 : vector<16xf32>
      %exp3A = math.exp %neg3A_158 : vector<16xf32>
      %add3A_159 = arith.constant 1.000000e+00 : f32
      %add3A_160 = vector.broadcast %add3A_159 : f32 to vector<16xf32>
      %add3A_161 = arith.addf %add3A_160, %exp3A : vector<16xf32>
      %div3A = arith.constant 1.000000e+00 : f32
      %div3A_162 = vector.broadcast %div3A : f32 to vector<16xf32>
      %div3A_163 = arith.divf %div3A_162, %add3A_161 : vector<16xf32>
      %mul3A_164 = arith.constant 16 : i32
      %mul3A_165 = arith.muli %scan3A_148, %mul3A_164 : i32
      %swap3A = arith.index_cast %mul3A_165 : i32 to index
      %swap3A_166 = tpu.vector_load %arg12[%swap3A] {strides = array<i32>} : memref<80xf32, #tpu.memory_space<vmem>>, vector<16xf32>,
      tpu.vector_store %arg12[%swap3A], %div3A_163 {strides = array<i32>} : memref<80xf32, #tpu.memory_space<vmem>>, vector<16xf32>,
    }
    %scan3A_145 = arith.constant 5 : i32
    %add3A_146 = arith.constant 9920 : i32
    %add3A_147 = arith.addi %mul3A_2, %add3A_146 : i32
    "tpu.region"() ({
      %run_scoped3A_148 = tpu.sem_alloc : memref<!tpu.dma_semaphore, #tpu.memory_space<semaphore_mem>>
      %dma_start3A_149 = tpu.memref_slice %arg7[%add3A_147] : memref<320000xf32, #tpu.memory_space<hbm>> -> memref<80xf32, #tpu.memory_space<hbm>>
      %dma_start3A_150 = tpu.memref_slice %arg7[%add3A_147] : memref<320000xf32, #tpu.memory_space<hbm>> -> memref<80xf32, #tpu.memory_space<hbm>>
      tpu.enqueue_dma source(%arg12 : memref<80xf32, #tpu.memory_space<vmem>>) target(%dma_start3A_150 : memref<80xf32, #tpu.memory_space<hbm>>) target_semaphore(%run_scoped3A_148 : memref<!tpu.dma_semaphore, #tpu.memory_space<semaphore_mem>>)
      %dma_wait3A_151 = tpu.memref_slice %arg7[%add3A_147] : memref<320000xf32, #tpu.memory_space<hbm>> -> memref<80xf32, #tpu.memory_space<hbm>>
      %dma_wait3A_152 = tpu.memref_slice %arg7[%add3A_147] : memref<320000xf32, #tpu.memory_space<hbm>> -> memref<80xf32, #tpu.memory_space<hbm>>
      tpu.wait_dma2 semaphore(%run_scoped3A_148 : memref<!tpu.dma_semaphore, #tpu.memory_space<semaphore_mem>>) src(%arg12 : memref<80xf32, #tpu.memory_space<vmem>>) dst(%dma_wait3A_152 : memref<80xf32, #tpu.memory_space<hbm>>)
      tpu.yield
    }) : () -> ()
    return
  }
}

module attributes {stable_mosaic.version = 14 : i64} {
  func.func @_proj_body(%arg0: memref<10000x128xf32, #tpu.memory_space<vmem>>, %arg1: memref<128x64xf32, #tpu.memory_space<vmem>>, %arg2: memref<128x64xf32, #tpu.memory_space<vmem>>, %arg3: memref<128x64xf32, #tpu.memory_space<vmem>>, %arg4: memref<128x64xf32, #tpu.memory_space<vmem>>, %arg5: memref<1x64xf32, #tpu.memory_space<vmem>>, %arg6: memref<1x64xf32, #tpu.memory_space<vmem>>, %arg7: memref<10000x64xi32, #tpu.memory_space<vmem>>, %arg8: memref<10000x64xi32, #tpu.memory_space<vmem>>) attributes {dimension_semantics = [], scalar_prefetch = 0 : i64, scratch_operands = 0 : i64, tpu.core_type = #tpu.core_type<tc>} {
    %get3A = arith.constant 0 : index
    %get3A_0 = arith.constant 0 : index
    %get3A_1 = vector.load %arg0[%get3A, %get3A_0] : memref<10000x128xf32, #tpu.memory_space<vmem>>, vector<10000x128xf32>
    %get3A_2 = arith.constant 0 : index
    %get3A_3 = arith.constant 0 : index
    %get3A_4 = vector.load %arg1[%get3A_2, %get3A_3] : memref<128x64xf32, #tpu.memory_space<vmem>>, vector<128x64xf32>
    %dot_general3A = arith.constant dense<0.000000e+00> : vector<10000x64xf32>
    %dot_general3A_5 = tpu.matmul %get3A_1, %get3A_4, %dot_general3A {dimension_numbers = #tpu.dot_dimension_numbers<[1], [0], [0], [1], [0, 0, 1, 1], [], []>, transpose_lhs_hint = false} : vector<10000x128xf32>, vector<128x64xf32>, vector<10000x64xf32> -> vector<10000x64xf32>
    %get3A_6 = arith.constant 0 : index
    %get3A_7 = arith.constant 0 : index
    %get3A_8 = vector.load %arg2[%get3A_6, %get3A_7] : memref<128x64xf32, #tpu.memory_space<vmem>>, vector<128x64xf32>
    %dot_general3A_9 = arith.constant dense<0.000000e+00> : vector<10000x64xf32>
    %dot_general3A_10 = tpu.matmul %get3A_1, %get3A_8, %dot_general3A_9 {dimension_numbers = #tpu.dot_dimension_numbers<[1], [0], [0], [1], [0, 0, 1, 1], [], []>, transpose_lhs_hint = false} : vector<10000x128xf32>, vector<128x64xf32>, vector<10000x64xf32> -> vector<10000x64xf32>
    %get3A_11 = arith.constant 0 : index
    %get3A_12 = arith.constant 0 : index
    %get3A_13 = vector.load %arg3[%get3A_11, %get3A_12] : memref<128x64xf32, #tpu.memory_space<vmem>>, vector<128x64xf32>
    %dot_general3A_14 = arith.constant dense<0.000000e+00> : vector<10000x64xf32>
    %dot_general3A_15 = tpu.matmul %get3A_1, %get3A_13, %dot_general3A_14 {dimension_numbers = #tpu.dot_dimension_numbers<[1], [0], [0], [1], [0, 0, 1, 1], [], []>, transpose_lhs_hint = false} : vector<10000x128xf32>, vector<128x64xf32>, vector<10000x64xf32> -> vector<10000x64xf32>
    %get3A_16 = arith.constant 0 : index
    %get3A_17 = arith.constant 0 : index
    %get3A_18 = vector.load %arg5[%get3A_16, %get3A_17] : memref<1x64xf32, #tpu.memory_space<vmem>>, vector<1x64xf32>
    %add3A = vector.broadcast %get3A_18 : vector<1x64xf32> to vector<10000x64xf32>
    %add3A_19 = arith.addf %dot_general3A_15, %add3A : vector<10000x64xf32>
    %get3A_20 = arith.constant 0 : index
    %get3A_21 = arith.constant 0 : index
    %get3A_22 = vector.load %arg4[%get3A_20, %get3A_21] : memref<128x64xf32, #tpu.memory_space<vmem>>, vector<128x64xf32>
    %dot_general3A_23 = arith.constant dense<0.000000e+00> : vector<10000x64xf32>
    %dot_general3A_24 = tpu.matmul %get3A_1, %get3A_22, %dot_general3A_23 {dimension_numbers = #tpu.dot_dimension_numbers<[1], [0], [0], [1], [0, 0, 1, 1], [], []>, transpose_lhs_hint = false} : vector<10000x128xf32>, vector<128x64xf32>, vector<10000x64xf32> -> vector<10000x64xf32>
    %get3A_25 = arith.constant 0 : index
    %get3A_26 = arith.constant 0 : index
    %get3A_27 = vector.load %arg6[%get3A_25, %get3A_26] : memref<1x64xf32, #tpu.memory_space<vmem>>, vector<1x64xf32>
    %add3A_28 = vector.broadcast %get3A_27 : vector<1x64xf32> to vector<10000x64xf32>
    %add3A_29 = arith.addf %dot_general3A_24, %add3A_28 : vector<10000x64xf32>
    %bitcast_convert_type3A = tpu.bitcast %dot_general3A_5 : vector<10000x64xf32> -> vector<10000x64xi32>
    %bitcast_convert_type3A_30 = tpu.bitcast %dot_general3A_10 : vector<10000x64xf32> -> vector<10000x64xi32>
    %add3A_31 = arith.constant 32768 : i32
    %add3A_32 = vector.broadcast %add3A_31 : i32 to vector<10000x64xi32>
    %add3A_33 = arith.addi %bitcast_convert_type3A, %add3A_32 : vector<10000x64xi32>
    %shift_right_logical3A = arith.constant 16 : i32
    %shift_right_logical3A_34 = vector.broadcast %shift_right_logical3A : i32 to vector<10000x64xi32>
    %shift_right_logical3A_35 = arith.shrui %add3A_33, %shift_right_logical3A_34 : vector<10000x64xi32>
    %add3A_36 = arith.constant 32768 : i32
    %add3A_37 = vector.broadcast %add3A_36 : i32 to vector<10000x64xi32>
    %add3A_38 = arith.addi %bitcast_convert_type3A_30, %add3A_37 : vector<10000x64xi32>
    %and3A = arith.constant -65536 : i32
    %and3A_39 = vector.broadcast %and3A : i32 to vector<10000x64xi32>
    %and3A_40 = arith.andi %add3A_38, %and3A_39 : vector<10000x64xi32>
    %or3A = arith.ori %and3A_40, %shift_right_logical3A_35 : vector<10000x64xi32>
    %swap3A = arith.constant 0 : index
    %swap3A_41 = arith.constant 0 : index
    %swap3A_42 = vector.load %arg7[%swap3A, %swap3A_41] : memref<10000x64xi32, #tpu.memory_space<vmem>>, vector<10000x64xi32>
    tpu.vector_store %arg7[%swap3A, %swap3A_41], %or3A {strides = array<i32>} : memref<10000x64xi32, #tpu.memory_space<vmem>>, vector<10000x64xi32>,
    %bitcast_convert_type3A_43 = tpu.bitcast %add3A_19 : vector<10000x64xf32> -> vector<10000x64xi32>
    %bitcast_convert_type3A_44 = tpu.bitcast %add3A_29 : vector<10000x64xf32> -> vector<10000x64xi32>
    %add3A_45 = arith.constant 32768 : i32
    %add3A_46 = vector.broadcast %add3A_45 : i32 to vector<10000x64xi32>
    %add3A_47 = arith.addi %bitcast_convert_type3A_43, %add3A_46 : vector<10000x64xi32>
    %shift_right_logical3A_48 = arith.constant 16 : i32
    %shift_right_logical3A_49 = vector.broadcast %shift_right_logical3A_48 : i32 to vector<10000x64xi32>
    %shift_right_logical3A_50 = arith.shrui %add3A_47, %shift_right_logical3A_49 : vector<10000x64xi32>
    %add3A_51 = arith.constant 32768 : i32
    %add3A_52 = vector.broadcast %add3A_51 : i32 to vector<10000x64xi32>
    %add3A_53 = arith.addi %bitcast_convert_type3A_44, %add3A_52 : vector<10000x64xi32>
    %and3A_54 = arith.constant -65536 : i32
    %and3A_55 = vector.broadcast %and3A_54 : i32 to vector<10000x64xi32>
    %and3A_56 = arith.andi %add3A_53, %and3A_55 : vector<10000x64xi32>
    %or3A_57 = arith.ori %and3A_56, %shift_right_logical3A_50 : vector<10000x64xi32>
    %swap3A_58 = arith.constant 0 : index
    %swap3A_59 = arith.constant 0 : index
    %swap3A_60 = vector.load %arg8[%swap3A_58, %swap3A_59] : memref<10000x64xi32, #tpu.memory_space<vmem>>, vector<10000x64xi32>
    tpu.vector_store %arg8[%swap3A_58, %swap3A_59], %or3A_57 {strides = array<i32>} : memref<10000x64xi32, #tpu.memory_space<vmem>>, vector<10000x64xi32>,
    return
  }
}

</mosaic_0001>

<sc_bundles>
// kernel: kernel.4.cloned.1.call-start
scs
__scs_entry_jumppad:
0x0: {  	(pc) =	sbr.rel $0x88, $3  }
0x1: {  	(tag) =	ssettag $0x0;
	lr =	simm.s32 $0x1  }
0x2: {  	[smem:$0x3F9B] =	sst lr;
	_ =	strace $0xD0000000  }
0x3: {  	_ = 	snop  }
0x4: {  	_ = 	snop  }
0x5: {  	_ = 	snop  }
0x6: {  	_ = 	snop  }
0x7: {  	_ = 	snop  }
__scs_overlays_trampoline_lowered:
0x8: {  	[smem:$0x3FAA] =	sst s0  }
0x9: {  	[smem:$0x3FAB] =	sst s1  }
0xa: {  	[smem:$0x3FAC] =	sst s2  }
0xb: {  	[smem:$0x3FAD] =	sst s3  }
0xc: {  	[smem:$0x3FAE] =	sst s4  }
0xd: {  	[smem:$0x3FAF] =	sst s5  }
0xe: {  	[smem:$0x3FB0] =	sst s6  }
0xf: {  	[smem:$0x3FB1] =	sst s7  }
0x10: {  	[smem:$0x3FB2] =	sst s8  }
0x11: {  	[smem:$0x3FB3] =	sst s9;
	s0 =	simm.s32 @!p0 $0x0  }
0x12: {  	s1 =	sld [smem:$0x3F99];
	s0 =	simm.s32 @p0 $0x1  }
0x13: {  	[smem:$0x3FB4] =	sst s0;
	s0 =	simm.s32 @!p1 $0x0  }
0x14: {  	s2 =	sld [smem:$0x3F98];
	s0 =	simm.s32 @p1 $0x1  }
0x15: {  	[smem:$0x3FB5] =	sst s0;
	s0 =	simm.s32 @!p2 $0x0  }
0x16: {  	s3 =	sld [smem:$0x3FDB];
	s0 =	simm.s32 @p2 $0x1  }
0x17: {  	s4 =	simm.s32 $0x1BF5;
	[smem:$0x3FB7] =	sst s0  }
0x18: {  	s0 =	sld [smem:$0x3F9A];
	_ =	swait.ge [sflag:s4], $0x0  }
0x19: {  	s7 =	sld [smem:$0x3F9B]  }
0x1a: {  	s8 =	sadd.s32 $0xFFFFE003, lr  }
0x1b: {  	s9 =	sadd.s32 $0xFFFFFEF7, lr;
	s5 =	simm.s32 $0xFFFFFFFF;
	p2 =	slt.u32 s8, $0xFFFFF086  }
0x1c: {  	p1 =	slt.u32 s9, $0xF7A;
	s5 =	simm.s32 @!p2 $0x0  }
0x1d: {  	s5 =	simm.s32 @p1 $0x1;
	p0 =	seq.s32 s7, s2  }
0x1e: {  	s7 =	smul.u32 @!p0 $0xF7A, s2;
	p2 =	seq.s32 @!p0 s5, $0x0  }
0x1f: {  	s9 =	smul.u32 $0xF7A, s1;
	s8 =	simm.s32 @!p0 $0x1BF5;
	p2 =	por !p2, p0  }
0x20: {  	[sflag:s8] =	ssyncset.s32 @!p0 $0xFFFFF086;
	s6 =	sadd.s32 @!p0 s3, s7;
	s7 =	simm.s32 @!p0 $0x108  }
0x21: {  	s3 =	sadd.s32 s3, s9;
	s6 =	sadd.s32 @!p0 $0x88, s6;
	s7 =	simm.s32 @p2 $0x1082  }
0x22: {  	[simem:s7], [sflag:s8] =	dma.local @!p0 [hbm:s6], $0xF7A  }
0x23: {  	s9 =	sor.u32 $0xD0000000, s2;
	s6 =	simm.s32 $0x108;
	_ =	swait.ge @!p0 [sflag:s8], $0x0  }
0x24: {  	s3 =	sadd.s32 $0x88, s3;
	s6 =	simm.s32 @!p1 $0x1082;
	[sflag:s4] =	ssyncset.s32 $0xFFFFF086  }
0x25: {  	[simem:s6], [sflag:s4] =	dma.local [hbm:s3], $0xF7A  }
0x26: {  	[smem:$0x3F9B] =	sst s1;
	(tag) =	ssettag s2;
	_ =	strace s9  }
0x27: {  	s1 =	sld [smem:$0x3FAB]  }
0x28: {  	s2 =	sld [smem:$0x3FAC]  }
0x29: {  	s4 =	sld [smem:$0x3FAE]  }
0x2a: {  	p0 =	seq.s32 s5, $0x0;
	s5 =	sld [smem:$0x3FAF]  }
0x2b: {  	s6 =	sld [smem:$0x3FB0]  }
0x2c: {  	s7 =	sld [smem:$0x3FB1]  }
0x2d: {  	s3 =	simm.s32 $0x108;
	s8 =	sld [smem:$0x3FB2]  }
0x2e: {  	s3 =	simm.s32 @!p0 $0x1082;
	s9 =	sld [smem:$0x3FB3]  }
0x2f: {  	lr =	sadd.s32 s0, s3;
	s0 =	sld [smem:$0x3FAA]  }
0x30: {  	s3 =	sld [smem:$0x3FAD]  }
0x31: {  	[smem:$0x3FB6] =	sst s10  }
0x32: {  	s10 =	sld [smem:$0x3FB4];
	_ =	sdelay $0x3  }
0x33: {  	p0 =	seq.s32 s10, $0x1;
	s10 =	sld [smem:$0x3FB6];
	_ =	sdelay $0x3  }
0x34: {  	[smem:$0x3FB6] =	sst s10  }
0x35: {  	s10 =	sld [smem:$0x3FB5];
	_ =	sdelay $0x3  }
0x36: {  	p1 =	seq.s32 s10, $0x1;
	s10 =	sld [smem:$0x3FB6];
	_ =	sdelay $0x3  }
0x37: {  	[smem:$0x3FB6] =	sst s10  }
0x38: {  	s10 =	sld [smem:$0x3FB7]  }
0x39: {  	_ = 	snop;
	(pc) =	sbr.ind lr, $3  }
0x3a: {  	_ = 	snop  }
0x3b: {  	_ = 	snop  }
0x3c: {  	p2 =	seq.s32 s10, $0x1;
	s10 =	sld [smem:$0x3FB6]  }
0x3d: {  	_ =	shalt  }
0x3e: {  	_ =	shalt  }
0x3f: {  	_ =	shalt  }
0x40: {  	_ =	shalt  }
0x41: {  	_ =	shalt  }
0x42: {  	_ =	shalt  }
0x43: {  	_ =	shalt  }
0x44: {  	_ =	shalt  }
0x45: {  	_ =	shalt  }
0x46: {  	_ =	shalt  }
0x47: {  	_ =	shalt  }
0x48: {  	_ =	shalt  }
0x49: {  	_ =	shalt  }
0x4a: {  	_ =	shalt  }
0x4b: {  	_ =	shalt  }
0x4c: {  	_ =	shalt  }
0x4d: {  	_ =	shalt  }
0x4e: {  	_ =	shalt  }
0x4f: {  	_ =	shalt  }
0x50: {  	_ =	shalt  }
0x51: {  	_ =	shalt  }
0x52: {  	_ =	shalt  }
0x53: {  	_ =	shalt  }
0x54: {  	_ =	shalt  }
0x55: {  	_ =	shalt  }
0x56: {  	_ =	shalt  }
0x57: {  	_ =	shalt  }
0x58: {  	_ =	shalt  }
0x59: {  	_ =	shalt  }
0x5a: {  	_ =	shalt  }
0x5b: {  	_ =	shalt  }
0x5c: {  	_ =	shalt  }
0x5d: {  	_ =	shalt  }
0x5e: {  	_ =	shalt  }
0x5f: {  	_ =	shalt  }
0x60: {  	_ =	shalt  }
0x61: {  	_ =	shalt  }
0x62: {  	_ =	shalt  }
0x63: {  	_ =	shalt  }
0x64: {  	_ =	shalt  }
0x65: {  	_ =	shalt  }
0x66: {  	_ =	shalt  }
0x67: {  	_ =	shalt  }
0x68: {  	_ =	shalt  }
0x69: {  	_ =	shalt  }
0x6a: {  	_ =	shalt  }
0x6b: {  	_ =	shalt  }
0x6c: {  	_ =	shalt  }
0x6d: {  	_ =	shalt  }
0x6e: {  	_ =	shalt  }
0x6f: {  	_ =	shalt  }
0x70: {  	_ =	shalt  }
0x71: {  	_ =	shalt  }
0x72: {  	_ =	shalt  }
0x73: {  	_ =	shalt  }
0x74: {  	_ =	shalt  }
0x75: {  	_ =	shalt  }
0x76: {  	_ =	shalt  }
0x77: {  	_ =	shalt  }
0x78: {  	_ =	shalt  }
0x79: {  	_ =	shalt  }
0x7a: {  	_ =	shalt  }
0x7b: {  	_ =	shalt  }
0x7c: {  	_ =	shalt  }
0x7d: {  	_ =	shalt  }
0x7e: {  	_ =	shalt  }
0x7f: {  	_ =	shalt  }
0x80: {  	_ =	shalt  }
0x81: {  	_ =	shalt  }
0x82: {  	_ =	shalt  }
0x83: {  	_ =	shalt  }
0x84: {  	_ =	shalt  }
0x85: {  	_ =	shalt  }
0x86: {  	_ =	shalt  }
0x87: {  	_ =	shalt  }
.Lfunc_end0:
.L_simem_size_0:
called_computation_lowered:
.L_overlay_start_0:
0x88: {  	s2 =	sld [smem:$0x3FD9]  }
0x89: {  	s3 =	sld [smem:$0x3FFE];
	_ =	sdelay $0x1  }
0x8a: {  	s1 =	srdreg.scid  }
0x8b: {  	s0 =	sand.u32 $0x1, s1  }
0x8c: {  	s17 =	sshll.u32 s0, $0xA;
	s2 =	sadd.s32 s3, s2  }
0x8d: {  	s2 =	sadd.s32 s2, s17  }
0x8e: {  	[smem:$0x3FC2] =	sst s2  }
0x8f: {  	_ = 	snop  }
0x90: {  	s2 =	sld [smem:$0x3FD0];
	(tm) =	ssettm $0x1  }
0x91: {  	s18 =	sld [smem:$0x3FFB];
	_ =	sdelay $0x3  }
0x92: {  	_ =	strace s18  }
0x93: {  	s3 =	sld [smem:$0x3FFC];
	_ =	sdelay $0x3  }
0x94: {  	_ =	strace s3  }
0x95: {  	s3 =	sld [smem:$0x3FFD];
	_ =	sdelay $0x3  }
0x96: {  	_ =	strace s3  }
0x97: {  	_ =	strace $0x8FFFFFFF  }
0x98: {  	s19 =	sld [smem:$0x3FDB];
	_ =	sdelay $0x1  }
0x99: {  	s4 =	simm.s32 $_scs_section_size  }
0x9a: {  	s5 =	simm.s32 $_size__tile_overlayer_lowered;
	s6 =	simm.s32 $_tile_overlayer_lowered  }
0x9b: {  	s22 =	simm.s32 $0x1BFF;
	s21 =	sshll.u32 s6, $0x1;
	s3 =	sadd.s32 s4, s19  }
0x9c: {  	s7 =	simm.s32 $0x0;
	s20 =	sshll.u32 s5, $0x1;
	s5 =	sadd.s32 s21, s3  }
0x9d: {  	[timem:s7], [sflag:s22] =	dma.local [hbm:s5], s20  }
0x9e: {  	_ =	swait.ge [sflag:s22], s20  }
0x9f: {  	s4 =	ssub.s32 $0x0, s20;
	[sflag:s22] =	ssyncset.done $0x0  }
0xa0: {  	[sflag:s22] =	ssyncadd.s32 s4;
	_ =	sdelay $0x1  }
0xa1: {  	s23 =	simm.s32 $0x1B8B  }
0xa2: {  	_ =	swait.ge [sflag:s23], $0x1  }
0xa3: {  	[sflag:s23] =	ssyncset.done $0x0  }
0xa4: {  	s25 =	simm.s32 $0x1B8E;
	s24 =	sld [smem:$0x3FFE];
	[sflag:s23] =	ssyncadd.s32 $0xFFFFFFFF  }
0xa5: {  	s26 =	simm.s32 $execute0_lowered;
	[smem:$0x3FD2] =	sst s25  }
0xa6: {  	s5 =	sshll.u32 s26, $0x1;
	_ =	strace $0x80000046;
	[dreg:$0x1] =	wrdreg $0xFFFFFFFF  }
0xa7: {  	s28 =	simm.s32 $_size_execute0_lowered;
	s3 =	sadd.s32 s3, s5;
	[dreg:$0x0] =	wrdreg $0x0  }
0xa8: {  	s5 =	sshll.u32 s28, $0x1;
	[dreg:$0x2] =	wrdreg s3  }
0xa9: {  	[dreg:$0x3] =	wrdreg s5  }
0xaa: {  	[dreg:$0x4] =	wrdreg $0xC0  }
0xab: {  	_ =	task [dreg:s7], $0x5FFFF  }
0xac: {  	[dreg:$0x1] =	wrdreg $0xFFFFFFFF  }
0xad: {  	[dreg:$0x0] =	wrdreg $0x60  }
0xae: {  	[dreg:$0x2] =	wrdreg s24  }
0xaf: {  	[dreg:$0x3] =	wrdreg s2  }
0xb0: {  	[dreg:$0x4] =	wrdreg $0x9  }
0xb1: {  	_ =	task.clear_ibuf [dreg:s7], $0x5FFFF;
	_ =	strace $0x90000046  }
0xb2: {  	s29 =	simm.s32 $0x9;
	_ =	strace $0x80000048  }
0xb3: {  	_ =	swait.ge [sflag:s29], $0x1  }
0xb4: {  	[sflag:s29] =	ssyncadd.s32 $0xFFFFFFFF  }
0xb5: {  	_ =	strace $0x90000048  }
0xb6: {  	_ =	sfence  }
0xb7: {  	s30 =	sld [smem:$0x0];
	_ =	sdelay $0x2  }
0xb8: {  	s31 =	sshll.u32 s1, $0xD;
	s1 =	sshrl.u32 s1, $0x2  }
0xb9: {  	s3 =	sand.u32 $0x4000, s31;
	s1 =	sadd.s32 s1, s30  }
0xba: {  	s0 =	sor.u32 s3, s0;
	s1 =	sshll.u32 s1, $0x11  }
0xbb: {  	s0 =	sor.u32 s1, s0  }
0xbc: {  	s0 =	sadd.s32 $0x8F2B, s0  }
0xbd: {  	[sflag:s0] =	ssyncadd.remote.s32 $0x1  }
0xbe: {  	_ =	sfence.sel $0xFFFF  }
0xbf: {  	[dreg:$0x0] =	wrdreg $0xFFFFFFFF;
	(pc) =	sbr.abs _section_cstart, $3  }
0xc0: {  	[dreg:$0x1] =	wrdreg $0xFFFFFFFF  }
0xc1: {  	_ =	task.clear_ibuf [dreg:s7], $0x2FFFF;
	_ =	strace $0x9FFFFFFF  }
0xc2: {  	(tm) =	ssettm $0x7FFFFFFF  }
0xc3: {  	_ =	shalt  }
tec
execute0_lowered:
.L_overlay_start_1:
0x0: {  	(tag) =	ssettag $0x1  }
0x1: {  	s0 =	srdreg.scid;
	s2 =	stileid.u32  }
0x2: {  	s1 =	rddreg [dreg:$0x0];
	s15 =	simm.s32 $0x5;
	s19 =	simm.s32 $0x50  }
0x3: {  	s20 =	simm.s32 $0x4E20;
	s21 =	simm.s32 $0x9E20;
	s31 =	simm.s32 $0xDA20  }
0x4: {  	s17 =	simm.s32 $0x2;
	s18 =	simm.s32 $0x3;
	s22 =	simm.s32 $0x4  }
0x5: {  	s0 =	sand.u32 $0x1, s0;
	s3 =	sshll.u32 s2, $0x1;
	s2 =	rddreg [dreg:$0x1]  }
0x6: {  	s5 =	sadd.s32 $0x14C00, s1;
	s6 =	sadd.s32 $0x1200, s1;
	s9 =	sadd.s32 $0x3C000, s1  }
0x7: {  	s4 =	sor.u32 s0, s3;
	s3 =	simm.s32 $0x0;
	s0 =	ssub.s32 $0x2, s0  }
0x8: {  	s4 =	smul.u32 $0x2710, s4;
	[smem:$0x7FF] =	sst s3;
	s26 =	sshrl.u32 s0, $0x1  }
0x9: {  	_ =	strace $0x80000047;
	[dreg:$0x3] =	wrdreg s9;
	s0 =	ssub.s32 s0, s26  }
0xa: {  	s7 =	sshrl.u32 s4, $0x3;
	s11 =	sadd.s32 $0x50, s4;
	s0 =	smax.u32 s0, $0x1  }
0xb: {  	s8 =	sadd.s32 s7, s1;
	s1 =	sadd.s32 $0x3C200, s1;
	[dreg:$0x8] =	wrdreg s0  }
0xc: {  	s12 =	sadd.s32 $0xA0, s4;
	[dreg:$0x4] =	wrdreg s1;
	s28 =	sadd.s32 $0x28600, s8  }
0xd: {  	s30 =	sadd.s32 s2, s7;
	s29 =	sadd.s32 $0x32240, s8;
	[dreg:$0x5] =	wrdreg s28  }
0xe: {  	s0 =	simm.s32 $0xEE20;
	s1 =	sadd.s32 $0x4D8, s30;
	[dreg:$0x6] =	wrdreg s29  }
0xf: {  	v0 =	vimm.bf16 $0.0e+00;
	v1 =	vlaneseq.u32;
	s8 =	simm.s32 $0x0;
	[dreg:$0x7] =	wrdreg s1;
	s1 =	simm.s32 $0x1  }
.LBB2_1:
0x10: {  	[dreg:$0x9] =	wrdreg s8  }
0x11: {  	s7 =	rddreg [dreg:$0x5]  }
0x12: {  	[tilespmem:s3], [sflag:$0x5] =	stream.linear.gather [hbm4b:s7+s3], $0x2710, $0x38;
	[tilespmem:$0xEEC0] =	vst v63  }
0x13: {  	_ =	swait.ge [sflag:s15], $0x2710  }
0x14: {  	[sflag:s15] =	ssyncset.done $0x0  }
0x15: {  	s10 =	simm.s32 $0x2710;
	s9 =	rddreg [dreg:$0x6];
	[sflag:s15] =	ssyncadd.s32 $0xFFFFD8F0  }
0x16: {  	[tilespmem:s10], [sflag:$0x5] =	stream.linear.gather [hbm4b:s9+s3], $0x2710, $0x38;
	[tilespmem:$0xEEC0] =	vst v63  }
0x17: {  	_ =	swait.ge [sflag:s15], $0x2710  }
0x18: {  	[sflag:s15] =	ssyncset.done $0x0  }
0x19: {  	s9 =	simm.s32 $0xEE70;
	s13 =	rddreg [dreg:$0x3];
	[sflag:s15] =	ssyncadd.s32 $0xFFFFD8F0  }
0x1a: {  	[tilespmem:s9], [sflag:$0x5] =	stream.linear.gather [hbm4b:s13+s3], $0x40, $0x38;
	[tilespmem:$0xEEC0] =	vst v63  }
0x1b: {  	_ =	swait.ge [sflag:s15], $0x40  }
0x1c: {  	[sflag:s15] =	ssyncset.done $0x0  }
0x1d: {  	s16 =	simm.s32 $0xEEB0;
	s14 =	rddreg [dreg:$0x4];
	[sflag:s15] =	ssyncadd.s32 $0xFFFFFFC0  }
0x1e: {  	[tilespmem:s16], [sflag:$0x5] =	stream.linear.gather [hbm4b:s14+s3], $0x10, $0x38;
	[tilespmem:$0xEEC0] =	vst v63  }
0x1f: {  	_ =	swait.ge [sflag:s15], $0x10  }
0x20: {  	[sflag:s15] =	ssyncset.done $0x0  }
0x21: {  	[sflag:s15] =	ssyncadd.s32 $0xFFFFFFF0  }
0x22: {  	v2 =	vld [tilespmem:$0xEEB0]  }
0x23: {  	v3 =	vld [tilespmem:$0xEE70]  }
0x24: {  	v4 =	vld [tilespmem:$0xEE80]  }
0x25: {  	v5 =	vld [tilespmem:$0xEE90]  }
0x26: {  	v6 =	vld [tilespmem:$0xEEA0];
	[tilespmem:s20], [sflag:$0x1] =	stream.indirect.gather [hbm4b:s5+s19], $0x40, s3, s19, $0xb8  }
0x27: {  	_ = 	snop  }
0x28: {  	[tilespmem:s21], [sflag:$0x1] =	stream.indirect.gather [hbm4b:s6+s19], $0x40, s10, s19, $0xb8;
	[tilespmem:$0xEEC0] =	vst v63  }
0x29: {  	s23 =	simm.s32 $0x6220  }
0x2a: {  	[tilespmem:s23], [sflag:$0x2] =	stream.indirect.gather [hbm4b:s5+s19], $0x40, s19, s19, $0xb8;
	[tilespmem:$0xEEC0] =	vst v63  }
0x2b: {  	s24 =	simm.s32 $0x2760;
	s25 =	simm.s32 $0xB220  }
0x2c: {  	[tilespmem:s25], [sflag:$0x2] =	stream.indirect.gather [hbm4b:s6+s19], $0x40, s24, s19, $0xb8;
	[tilespmem:$0xEEC0] =	vst v63  }
0x2d: {  	s26 =	simm.s32 $0xA0;
	s28 =	simm.s32 $0x7620  }
0x2e: {  	[tilespmem:s28], [sflag:$0x3] =	stream.indirect.gather [hbm4b:s5+s19], $0x40, s26, s19, $0xb8;
	[tilespmem:$0xEEC0] =	vst v63  }
0x2f: {  	s29 =	simm.s32 $0x27B0;
	s30 =	simm.s32 $0xC620;
	s24 =	simm.s32 $0x0  }
0x30: {  	[tilespmem:s30], [sflag:$0x3] =	stream.indirect.gather [hbm4b:s6+s19], $0x40, s29, s19, $0xb8;
	[tilespmem:$0xEEC0] =	vst v63  }
.LBB2_2:
0x31: {  	s26 =	smul.u32 $0x140, s24;
	_ =	sdelay $0x1  }
0x32: {  	s7 =	simm.s32 $0x8A20;
	s25 =	sadd.s32 $0xF0, s26  }
0x33: {  	[tilespmem:s7], [sflag:$0x4] =	stream.indirect.gather [hbm4b:s5+s19], $0x40, s25, s19, $0xb8;
	[tilespmem:$0xEEC0] =	vst v63  }
0x34: {  	s30 =	sadd.s32 $0x2800, s26  }
0x35: {  	[tilespmem:s31], [sflag:$0x4] =	stream.indirect.gather [hbm4b:s6+s19], $0x40, s30, s19, $0xb8;
	[tilespmem:$0xEEC0] =	vst v63  }
0x36: {  	_ =	swait.ge [sflag:s1], $0x1400  }
0x37: {  	[sflag:s1] =	ssyncset.done $0x0  }
0x38: {  	[sflag:s1] =	ssyncadd.s32 $0xFFFFEC00  }
0x39: {  	_ =	swait.ge [sflag:s1], $0x1400  }
0x3a: {  	s28 =	simm.s32 $0x0;
	s29 =	simm.s32 $0x9EA0;
	[sflag:s1] =	ssyncset.done $0x0  }
0x3b: {  	s16 =	simm.s32 $0x4EA0;
	s7 =	simm.s32 $0x0;
	[sflag:s1] =	ssyncadd.s32 $0xFFFFEC00  }
.LBB2_3:
0x3c: {  	v7 =	vld [tilespmem:s16+$0x30]  }
0x3d: {  	v8 =	vld [tilespmem:s29+$0x30]  }
0x3e: {  	v9 =	vld [tilespmem:s16+$0x70]  }
0x3f: {  	v10 =	vld [tilespmem:s29+$0x70]  }
0x40: {  	v11 =	vld [tilespmem:s29+$0x60]  }
0x41: {  	v12 =	vld [tilespmem:s16+$0x60]  }
0x42: {  	v13 =	vld [tilespmem:s29+$0x50]  }
0x43: {  	v14 =	vld [tilespmem:s16+$0x50]  }
0x44: {  	v15 =	vld [tilespmem:s29+$0x40]  }
0x45: {  	v16 =	vld [tilespmem:s16+$0x40]  }
0x46: {  	v17 =	vld [tilespmem:s29+$0xFFFFFFF0]  }
0x47: {  	v18 =	vld [tilespmem:s16+$0xFFFFFFF0]  }
0x48: {  	v19 =	vld [tilespmem:s29+$0xFFFFFFB0]  }
0x49: {  	v20 =	vld [tilespmem:s16+$0xFFFFFFB0]  }
0x4a: {  	v21 =	vld [tilespmem:s16+$0x20]  }
0x4b: {  	v22 =	vld [tilespmem:s29+$0xFFFFFFE0]  }
0x4c: {  	v23 =	vld [tilespmem:s29+$0x20]  }
0x4d: {  	v24 =	vld [tilespmem:s29+$0x10]  }
0x4e: {  	v25 =	vld [tilespmem:s16+$0x10]  }
0x4f: {  	v26 =	vld [tilespmem:s29+$0xFFFFFFD0];
	s9 =	simm.s32 $0x2  }
0x50: {  	v27 =	vld [tilespmem:s16+$0xFFFFFFD0];
	v28 =	vmov s9  }
0x51: {  	vm0 =	veq.s32 v28, v1;
	v28 =	vld [tilespmem:s29+$0xFFFFFF90];
	v13 =	vadd.bf16 v13, v14  }
0x52: {  	v14 =	vadd.bf16 v15, v16;
	v16 =	vld [tilespmem:s29+$0x0];
	v9 =	vadd.bf16 v10, v9  }
0x53: {  	v10 =	vld [tilespmem:s16+$0x0];
	v11 =	vadd.bf16 v11, v12;
	v17 =	vadd.bf16 v17, v18  }
0x54: {  	v18 =	vld [tilespmem:s16+$0xFFFFFF80];
	v19 =	vadd.bf16 v19, v20;
	v12 =	vmax.bf16 v13, v0;
	v13 =	vmax.bf16 v14, v0  }
0x55: {  	v20 =	vadd.bf16 v24, v25;
	v24 =	vld [tilespmem:s16+$0xFFFFFF90];
	v15 =	vmul.bf16 v13, v3;
	v12 =	vmul.bf16 v12, v4  }
0x56: {  	v8 =	vadd.bf16 v8, v7;
	v25 =	vld [tilespmem:s16+$0xFFFFFFA0];
	v9 =	vmax.bf16 v9, v0;
	v11 =	vmax.bf16 v11, v0  }
0x57: {  	s8 =	simm.s32 $0x1;
	v14 =	vld [tilespmem:s29+$0xFFFFFFA0];
	v20 =	vmax.bf16 v20, v0;
	v11 =	vmul.bf16 v11, v5;
	v7 =	vadd.bf16 v12, v15  }
0x58: {  	v9 =	vmul.bf16 v9, v6;
	v12 =	vld [tilespmem:s29+$0xFFFFFFC0];
	v15 =	vmov s8;
	v10 =	vadd.bf16 v16, v10  }
0x59: {  	v16 =	vmax.bf16 v19, v0;
	v19 =	vadd.bf16 v23, v21;
	v21 =	vld [tilespmem:s16+$0xFFFFFFC0];
	s8 =	sadd.s32 $0x100, s16;
	v11 =	vadd.bf16 v11, v7  }
0x5a: {  	v26 =	vadd.bf16 v26, v27;
	v20 =	vmul.bf16 v20, v4;
	v27 =	vld [tilespmem:s8+$0x30];
	v10 =	vmax.bf16 v10, v0  }
0x5b: {  	v24 =	vadd.bf16 v28, v24;
	v10 =	vmul.bf16 v10, v3;
	v9 =	vadd.bf16 v9, v11;
	v11 =	vld [tilespmem:s29+$0xFFFFFF80]  }
0x5c: {  	s9 =	sadd.s32 $0x100, s29;
	v8 =	vmax.bf16 v8, v0;
	v28 =	vld [tilespmem:s8+$0xFFFFFFD0]  }
0x5d: {  	v8 =	vmul.bf16 v8, v6;
	v24 =	vmax.bf16 v24, v0;
	v10 =	vadd.bf16 v20, v10;
	v20 =	vld [tilespmem:s9+$0x30]  }
0x5e: {  	v14 =	vadd.bf16 v14, v25;
	v25 =	vld [tilespmem:s9+$0x60];
	v23 =	vunpack.i.u.bf16.f32 v9;
	v9 =	vunpack.i.l.bf16.f32 v9  }
0x5f: {  	v19 =	vmax.bf16 v19, v0;
	v24 =	vmul.bf16 v24, v4;
	v9 =	vadd.f32 v9, v23;
	v23 =	vld [tilespmem:s16+$0xFFFFFFE0]  }
0x60: {  	v14 =	vmax.bf16 v14, v0;
	v12 =	vadd.bf16 v12, v21;
	v21 =	vld [tilespmem:s9+$0x70];
	v11 =	vadd.bf16 v11, v18  }
0x61: {  	s13 =	simm.s32 $0x6;
	v14 =	vmul.bf16 v14, v5;
	v18 =	vmul.bf16 v19, v5;
	v19 =	vld [tilespmem:s8+$0x70];
	(xrf2) =	vadd.scan.msk.f32 $0xffff, v9;
	v9 =	vmax.bf16 v26, v0  }
0x62: {  	v26 =	vmov s13;
	v20 =	vadd.bf16 v20, v27;
	v27 =	vld [tilespmem:s8+$0x10];
	v11 =	vmax.bf16 v11, v0  }
0x63: {  	vm2 =	veq.s32 v26, v1;
	v26 =	vld [tilespmem:s9+$0xFFFFFFD0];
	v10 =	vadd.bf16 v18, v10;
	v11 =	vmul.bf16 v11, v3  }
0x64: {  	v12 =	vmax.bf16 v12, v0;
	v9 =	vmul.bf16 v9, v4;
	v18 =	vld [tilespmem:s8+$0x60];
	v22 =	vadd.bf16 v22, v23  }
0x65: {  	v23 =	vld [tilespmem:s9+$0x50];
	v8 =	vadd.bf16 v8, v10;
	v10 =	vmul.bf16 v12, v3;
	v11 =	vadd.bf16 v24, v11  }
0x66: {  	v17 =	vmax.bf16 v17, v0;
	v16 =	vmul.bf16 v16, v6;
	v12 =	vld [tilespmem:s8+$0x50];
	v22 =	vmax.bf16 v22, v0  }
0x67: {  	v24 =	vld [tilespmem:s9+$0x40];
	v9 =	vadd.bf16 v9, v10;
	v10 =	vmul.bf16 v22, v5;
	v11 =	vadd.bf16 v14, v11  }
0x68: {  	v19 =	vadd.bf16 v21, v19;
	v22 =	vld [tilespmem:s8+$0x40];
	v14 =	vunpack.i.u.bf16.f32 v8;
	v8 =	vunpack.i.l.bf16.f32 v8  }
0x69: {  	v21 =	vld [tilespmem:s9+$0xFFFFFFF0];
	v9 =	vadd.bf16 v10, v9;
	v10 =	vmul.bf16 v17, v6;
	v11 =	vadd.bf16 v16, v11  }
0x6a: {  	v29 =	vmov s28;
	v8 =	vadd.f32 v8, v14;
	v17 =	vld [tilespmem:s9+$0xFFFFFFB0];
	v16 =	vadd.bf16 v25, v18  }
0x6b: {  	v25 =	vld [tilespmem:s8+$0xFFFFFFB0];
	v10 =	vadd.bf16 v10, v9;
	v18 =	vunpack.i.u.bf16.f32 v11;
	v11 =	vunpack.i.l.bf16.f32 v11  }
0x6c: {  	v14 =	vld [tilespmem:s8+$0xFFFFFFF0];
	(xrf2) =	vadd.scan.msk.f32 $0xffff, v8;
	v8 =	vadd.f32 v11, v18;
	v18 =	vmax.bf16 v19, v0;
	v11 =	vadd.bf16 v23, v12  }
0x6d: {  	v19 =	vld [tilespmem:s8+$0x20];
	v12 =	vadd.bf16 v24, v22;
	v22 =	vunpack.i.u.bf16.f32 v10;
	v23 =	vunpack.i.l.bf16.f32 v10  }
0x6e: {  	vm0 =	vmmov vm0;
	v9, _, _ =	vpop (xrf2);
	(xrf2) =	vadd.scan.msk.f32 $0xffff, v8;
	v8 =	vmax.bf16 v11, v0;
	v11 =	vadd.f32 v23, v22;
	v22 =	vld [tilespmem:s9+$0x20]  }
0x6f: {  	vm3 =	veq.s32 v29, v1;
	vm1 =	vmmov vm0;
	v12 =	vmax.bf16 v12, v0;
	v23 =	vld [tilespmem:s9+$0x10]  }
0x70: {  	v17 =	vadd.bf16 v17, v25;
	v25 =	vld [tilespmem:s8+$0x0];
	v12 =	vmul.bf16 v12, v3;
	v24 =	vmul.bf16 v8, v4  }
0x71: {  	s23 =	simm.s32 $0x3;
	v13 =	vimm.f32 $0.0e+00;
	v16 =	vmax.bf16 v16, v0;
	(xrf2) =	vadd.scan.msk.f32 $0xffff, v11;
	v11 =	vadd.bf16 v21, v14;
	v21 =	vld [tilespmem:s9+$0x0]  }
0x72: {  	v7 =	vmov s23;
	v16 =	vmul.bf16 v16, v5;
	v24 =	vadd.bf16 v24, v12  }
0x73: {  	vm0 =	vmmov vm2;
	vm2 =	veq.s32 v15, v1;
	v26 =	vadd.bf16 v26, v28  }
0x74: {  	v28 =	vmax.bf16 v20, v0;
	v10 =	vld [tilespmem:s9+$0xFFFFFFE0];
	v9 =	vbroadcast v9, $0xF;
	v24 =	vadd.bf16 v16, v24  }
0x75: {  	s10 =	simm.s32 $0x5;
	v18 =	vmul.bf16 v18, v6;
	v14 =	vld [tilespmem:s9+$0xFFFFFFA0];
	v19 =	vadd.bf16 v22, v19;
	v23 =	vadd.bf16 v23, v27  }
0x76: {  	v8 =	vmov s10;
	v16 =	vmax.bf16 v17, v0;
	v17 =	vld [tilespmem:s9+$0xFFFFFFC0];
	v21 =	vadd.bf16 v21, v25  }
0x77: {  	v22, _, _ =	vpop (xrf2);
	v24 =	vadd.bf16 v18, v24;
	v27 =	vmax.bf16 v19, v0;
	v18 =	vld [tilespmem:s8+$0xFFFFFF80];
	v23 =	vmax.bf16 v23, v0  }
0x78: {  	v15 =	vbroadcast v22, $0xF;
	v19 =	vld [tilespmem:s9+$0xFFFFFF90];
	v31 =	vmul.bf16 v23, v4;
	v21 =	vmax.bf16 v21, v0;
	v22, _, _ =	vpop (xrf2)  }
0x79: {  	s30 =	simm.s32 $0x7;
	v23 =	vld [tilespmem:s9+$0xFFFFFF80];
	v25 =	vunpack.i.u.bf16.f32 v24;
	v24 =	vunpack.i.l.bf16.f32 v24;
	v30 =	vbroadcast v22, $0xF  }
0x7a: {  	v12 =	vmov s30;
	v25 =	vadd.f32 v24, v25;
	v32 =	vmul.bf16 v21, v3;
	v22 =	vld [tilespmem:s8+$0xFFFFFF90]  }
0x7b: {  	v11 =	vmax.bf16 v11, v0;
	v27 =	vmul.bf16 v27, v5;
	v24 =	vld [tilespmem:s8+$0xFFFFFFC0];
	v21, _, _ =	vpop (xrf2);
	v13 =	vsel vm3, v30, v13  }
0x7c: {  	s13 =	simm.s32 $0x8;
	s10 =	simm.s32 $0x4;
	(xrf2) =	vadd.scan.msk.f32 $0xffff, v25;
	v25 =	vld [tilespmem:s8+$0xFFFFFFA0];
	v20 =	vbroadcast v21, $0xF;
	v21 =	vmax.bf16 v26, v0;
	v26 =	vadd.bf16 v31, v32  }
.LBB2_4:
0x7d: {  	s9 =	sadd.s32 $0x100, s9  }
0x7e: {  	v29 =	vld [tilespmem:s8+$0xFFFFFFE0];
	v28 =	vmul.bf16 v28, v6;
	s8 =	sadd.s32 $0x100, s8;
	v13 =	vsel vm2, v20, v13;
	vm2 =	veq.s32 v7, v1;
	v7 =	vmovc v12;
	s14 =	smov.u32 s13;
	s23 =	sadd.s32 $0x4, s13  }
0x7f: {  	p0 =	slt.u32 s13, $0xC;
	v12 =	vld [tilespmem:s8+$0x30];
	v19 =	vadd.bf16 v19, v22;
	v20 =	vadd.bf16 v27, v26;
	v13 =	vsel vm1, v15, v13  }
0x80: {  	v16 =	vmul.bf16 v16, v6;
	v15 =	vld [tilespmem:s9+$0x30];
	v18 =	vadd.bf16 v23, v18;
	v13 =	vsel vm2, v9, v13  }
0x81: {  	v9 =	vld [tilespmem:s8+$0x70];
	v19 =	vmax.bf16 v19, v0;
	v17 =	vadd.bf16 v17, v24;
	v20 =	vadd.bf16 v28, v20  }
0x82: {  	v22 =	vld [tilespmem:s9+$0x70];
	v18 =	vmax.bf16 v18, v0;
	v19 =	vmul.bf16 v19, v4;
	v14 =	vadd.bf16 v14, v25  }
0x83: {  	v23 =	vld [tilespmem:s9+$0x60];
	v18 =	vmul.bf16 v18, v3;
	v17 =	vmax.bf16 v17, v0;
	v10 =	vadd.bf16 v10, v29  }
0x84: {  	v21 =	vmul.bf16 v21, v4;
	v24 =	vld [tilespmem:s8+$0x60];
	v14 =	vmax.bf16 v14, v0;
	v17 =	vmul.bf16 v17, v3  }
0x85: {  	v25 =	vld [tilespmem:s9+$0x50];
	v18 =	vadd.bf16 v19, v18;
	v14 =	vmul.bf16 v14, v5;
	v10 =	vmax.bf16 v10, v0  }
0x86: {  	v19 =	vld [tilespmem:s8+$0x50];
	v17 =	vadd.bf16 v21, v17;
	v10 =	vmul.bf16 v10, v5;
	v21 =	vunpack.i.u.bf16.f32 v20;
	v26, _, _ =	vpop (xrf2)  }
0x87: {  	v27 =	vld [tilespmem:s9+$0x40];
	v9 =	vadd.bf16 v22, v9;
	v14 =	vadd.bf16 v14, v18;
	v18 =	vunpack.i.l.bf16.f32 v20  }
0x88: {  	v11 =	vmul.bf16 v11, v6;
	v20 =	vld [tilespmem:s8+$0x40];
	v10 =	vadd.bf16 v10, v17;
	v17 =	vadd.f32 v18, v21  }
0x89: {  	v18 =	vld [tilespmem:s9+$0xFFFFFFF0];
	v21 =	vadd.bf16 v23, v24;
	v22 =	vmax.bf16 v9, v0;
	v14 =	vadd.bf16 v16, v14  }
0x8a: {  	v28 =	vadd.bf16 v15, v12;
	v9 =	vbroadcast v26, $0xF;
	v16 =	vld [tilespmem:s8+$0xFFFFFFF0];
	v10 =	vadd.bf16 v11, v10;
	(xrf2) =	vadd.scan.msk.f32 $0xffff, v17  }
0x8b: {  	v11 =	vld [tilespmem:s9+$0xFFFFFFB0];
	v12 =	vadd.bf16 v25, v19;
	v15 =	vunpack.i.u.bf16.f32 v14;
	v14 =	vunpack.i.l.bf16.f32 v14  }
0x8c: {  	v17 =	vld [tilespmem:s8+$0xFFFFFFB0];
	v14 =	vadd.f32 v14, v15;
	v15 =	vunpack.i.u.bf16.f32 v10;
	v10 =	vunpack.i.l.bf16.f32 v10  }
0x8d: {  	s13 =	sadd.s32 $0x1, s14;
	s30 =	sadd.s32 $0x2, s14;
	v19 =	vld [tilespmem:s8+$0x20];
	v20 =	vadd.bf16 v27, v20;
	v12 =	vmax.bf16 v12, v0;
	v15 =	vadd.f32 v10, v15  }
0x8e: {  	v23 =	vmov s13;
	v24 =	vmov s30;
	v21 =	vmax.bf16 v21, v0;
	v10 =	vld [tilespmem:s9+$0xFFFFFFE0];
	(xrf2) =	vadd.scan.msk.f32 $0xffff, v14  }
0x8f: {  	s13 =	sadd.s32 $0x3, s14;
	vm2 =	veq.s32 v24, v1;
	v14 =	vadd.bf16 v18, v16;
	v18 =	vld [tilespmem:s9+$0x20];
	v16 =	vmax.bf16 v20, v0  }
0x90: {  	v24 =	vmul.bf16 v12, v4;
	v12 =	vmov s13;
	v20 =	vld [tilespmem:s9+$0x10];
	v16 =	vmul.bf16 v16, v3  }
0x91: {  	vm1 =	vmmov vm0;
	v17 =	vadd.bf16 v11, v17;
	v11 =	vmax.bf16 v14, v0;
	v25 =	vld [tilespmem:s8+$0x10];
	(xrf2) =	vadd.scan.msk.f32 $0xffff, v15  }
0x92: {  	vm0 =	vmmov vm2;
	v21 =	vmul.bf16 v21, v5;
	v26 =	vld [tilespmem:s9+$0x0];
	v15 =	vadd.bf16 v24, v16  }
0x93: {  	v16 =	vmax.bf16 v17, v0;
	v24 =	vld [tilespmem:s8+$0x0]  }
0x94: {  	v14 =	vld [tilespmem:s9+$0xFFFFFFA0];
	v17 =	vadd.bf16 v18, v19;
	v15 =	vadd.bf16 v21, v15;
	v18 =	vmul.bf16 v22, v6;
	v19, _, _ =	vpop (xrf2)  }
0x95: {  	v21 =	vld [tilespmem:s9+$0xFFFFFFD0]  }
0x96: {  	v27 =	vld [tilespmem:s8+$0xFFFFFFD0];
	v20 =	vadd.bf16 v20, v25;
	v29 =	vmax.bf16 v17, v0;
	v22 =	vadd.bf16 v18, v15  }
0x97: {  	vm2 =	veq.s32 v8, v1;
	v8 =	vmov v23;
	v15 =	vbroadcast v19, $0xF;
	v17 =	vld [tilespmem:s9+$0xFFFFFFC0]  }
0x98: {  	v18 =	vld [tilespmem:s8+$0xFFFFFF80];
	v23 =	vadd.bf16 v26, v24;
	v20 =	vmax.bf16 v20, v0;
	v24 =	vunpack.i.u.bf16.f32 v22;
	v25, _, _ =	vpop (xrf2)  }
.Ltmp0:
0x99: {  	v30 =	vmov s10;
	s10 =	smov.u32 s14;
	v26 =	vunpack.i.l.bf16.f32 v22;
	v19 =	vld [tilespmem:s9+$0xFFFFFF90];
	v25 =	vbroadcast v25, $0xF;
	(pc) =	sbr.rel @p0 .LBB2_4-.Ltmp0, $4  }
0x9a: {  	v32 =	vmul.bf16 v20, v4;
	v20 =	vadd.f32 v26, v24;
	v22 =	vld [tilespmem:s8+$0xFFFFFF90];
	v31 =	vmax.bf16 v23, v0  }
0x9b: {  	vm3 =	veq.s32 v30, v1;
	v23 =	vld [tilespmem:s9+$0xFFFFFF80];
	v21 =	vadd.bf16 v21, v27;
	v26 =	vmul.bf16 v31, v3;
	v27, _, _ =	vpop (xrf2)  }
0x9c: {  	v28 =	vmax.bf16 v28, v0;
	v13 =	vsel vm3, v25, v13;
	v24 =	vld [tilespmem:s8+$0xFFFFFFC0];
	(xrf2) =	vadd.scan.msk.f32 $0xffff, v20;
	v20 =	vbroadcast v27, $0xF  }
0x9d: {  	s13 =	smov.u32 s23;
	v27 =	vmul.bf16 v29, v5;
	v25 =	vld [tilespmem:s8+$0xFFFFFFA0];
	v21 =	vmax.bf16 v21, v0;
	v26 =	vadd.bf16 v32, v26  }
0x9e: {  	v29 =	vld [tilespmem:s8+$0xFFFFFFE0]  }
0x9f: {  	v19 =	vadd.bf16 v19, v22  }
0xa0: {  	v18 =	vadd.bf16 v23, v18  }
0xa1: {  	v51 =	vmul.bf16 v28, v6;
	v19 =	vmax.bf16 v19, v0;
	v17 =	vadd.bf16 v17, v24  }
0xa2: {  	v18 =	vmax.bf16 v18, v0;
	v19 =	vmul.bf16 v19, v4;
	v14 =	vadd.bf16 v14, v25  }
0xa3: {  	v18 =	vmul.bf16 v18, v3;
	v17 =	vmax.bf16 v17, v0;
	v10 =	vadd.bf16 v10, v29  }
0xa4: {  	v21 =	vmul.bf16 v21, v4;
	v14 =	vmax.bf16 v14, v0;
	v17 =	vmul.bf16 v17, v3  }
0xa5: {  	v18 =	vadd.bf16 v19, v18;
	v14 =	vmul.bf16 v14, v5;
	v10 =	vmax.bf16 v10, v0  }
0xa6: {  	v52 =	vadd.bf16 v27, v26;
	v17 =	vadd.bf16 v21, v17;
	v10 =	vmul.bf16 v10, v5  }
0xa7: {  	v16 =	vmul.bf16 v16, v6;
	v14 =	vadd.bf16 v14, v18  }
0xa8: {  	v11 =	vmul.bf16 v11, v6;
	v53 =	vadd.bf16 v51, v52;
	v10 =	vadd.bf16 v10, v17  }
0xa9: {  	v14 =	vadd.bf16 v16, v14  }
0xaa: {  	v54 =	vunpack.i.u.bf16.f32 v53;
	v55 =	vunpack.i.l.bf16.f32 v53;
	v10 =	vadd.bf16 v11, v10  }
0xab: {  	v56 =	vadd.f32 v55, v54;
	v57 =	vunpack.i.u.bf16.f32 v14;
	v14 =	vunpack.i.l.bf16.f32 v14  }
0xac: {  	v14 =	vadd.f32 v14, v57;
	v58 =	vunpack.i.u.bf16.f32 v10;
	v10 =	vunpack.i.l.bf16.f32 v10  }
0xad: {  	(xrf2) =	vadd.scan.msk.f32 $0xffff, v56;
	v10 =	vadd.f32 v10, v58  }
0xae: {  	(xrf2) =	vadd.scan.msk.f32 $0xffff, v14  }
0xaf: {  	(xrf2) =	vadd.scan.msk.f32 $0xffff, v10;
	_ =	sdelay $0x6  }
0xb0: {  	v59, _, _ =	vpop (xrf2)  }
0xb1: {  	v11, _, _ =	vpop (xrf2)  }
0xb2: {  	v13 =	vsel vm2, v20, v13;
	vm12 =	veq.s32 v7, v1;
	v7, _, _ =	vpop (xrf2)  }
0xb3: {  	v60 =	vmov s10;
	v13 =	vsel vm1, v15, v13;
	v7 =	vbroadcast v7, $0xF;
	v61, _, _ =	vpop (xrf2)  }
0xb4: {  	vm13 =	veq.s32 v60, v1;
	v9 =	vsel vm12, v9, v13;
	v62 =	vbroadcast v61, $0xF  }
0xb5: {  	vm14 =	veq.s32 v8, v1;
	v8 =	vbroadcast v11, $0xF;
	v7 =	vsel vm13, v7, v9  }
0xb6: {  	vm0 =	vmmov vm0;
	v63 =	vbroadcast v59, $0xF;
	v7 =	vsel vm14, v62, v7  }
0xb7: {  	vm15 =	veq.s32 v12, v1;
	v7 =	vsel vm0, v8, v7  }
0xb8: {  	v7 =	vsel vm15, v63, v7  }
0xb9: {  	v7 =	vadd.f32 v7, v2;
	_ =	sdelay $0x1  }
0xba: {  	v7 =	vsub.f32 $0.0e+00, v7;
	_ =	sdelay $0x1  }
0xbb: {  	v7 =	vmul.f32 $1.442695020e+00, v7;
	_ =	sdelay $0x1  }
0xbc: {  	(erf) = vpow2.f32 v7;
	_ =	sdelay $0x8  }
0xbd: {  	v7 =	vpop (erf)  }
0xbe: {  	v7 =	vadd.f32 $1.000000000e+00, v7;
	_ =	sdelay $0x1  }
0xbf: {  	(erf) = vrcp.f32 v7;
	_ =	sdelay $0x3  }
0xc0: {  	s30 =	sshll.u32 s7, $0x4;
	s7 =	sadd.s32 $0x1, s7  }
0xc1: {  	p0 =	sne.s32 s7, $0x5  }
.Ltmp1:
0xc2: {  	_ = 	snop;
	(pc) =	sbr.rel @p0 .LBB2_3-.Ltmp1, $3  }
0xc3: {  	_ =	sdelay $0x1  }
0xc4: {  	s8 =	sand.u32 $0x3FFFFFF0, s30;
	v7 =	vpop (erf)  }
0xc5: {  	s29 =	sadd.s32 $0x400, s29;
	s16 =	sadd.s32 $0x400, s16;
	[tilespmem:s8+$0xEE20] =	vst v7  }
0xc6: {  	s7 =	sadd.s32 s4, s26  }
0xc7: {  	s7 =	sshrl.u32 s7, $0x3  }
0xc8: {  	s28 =	simm.s32 $0x0;
	s7 =	sadd.s32 s2, s7  }
0xc9: {  	[hbm4b:s7+s28] =	stream.linear.scatter [tilespmem:s0], [sflag:$0x5], $0x50, $0x38;
	[tilespmem:$0xEEC0] =	vst v63  }
0xca: {  	_ =	swait.ge [sflag:s15], $0x50  }
0xcb: {  	[sflag:s15] =	ssyncset.done $0x0  }
0xcc: {  	s23 =	sadd.s32 $0x140, s26;
	[sflag:s15] =	ssyncadd.s32 $0xFFFFFFB0  }
0xcd: {  	[tilespmem:s20], [sflag:$0x1] =	stream.indirect.gather [hbm4b:s5+s19], $0x40, s23, s19, $0xb8;
	[tilespmem:$0xEEC0] =	vst v63  }
0xce: {  	s30 =	sadd.s32 $0x2850, s26  }
0xcf: {  	[tilespmem:s21], [sflag:$0x1] =	stream.indirect.gather [hbm4b:s6+s19], $0x40, s30, s19, $0xb8;
	[tilespmem:$0xEEC0] =	vst v63  }
0xd0: {  	_ =	swait.ge [sflag:s17], $0x1400  }
0xd1: {  	[sflag:s17] =	ssyncset.done $0x0  }
0xd2: {  	[sflag:s17] =	ssyncadd.s32 $0xFFFFEC00  }
0xd3: {  	_ =	swait.ge [sflag:s17], $0x1400  }
0xd4: {  	s29 =	simm.s32 $0x6310;
	[sflag:s17] =	ssyncset.done $0x0  }
0xd5: {  	s16 =	simm.s32 $0xB310;
	s7 =	simm.s32 $0x0;
	[sflag:s17] =	ssyncadd.s32 $0xFFFFEC00  }
.LBB2_7:
0xd6: {  	v7 =	vld [tilespmem:s29+$0xFFFFFFC0]  }
0xd7: {  	v8 =	vld [tilespmem:s16+$0xFFFFFFC0]  }
0xd8: {  	v9 =	vld [tilespmem:s29+$0x0]  }
0xd9: {  	v10 =	vld [tilespmem:s16+$0x0]  }
0xda: {  	v11 =	vld [tilespmem:s16+$0xFFFFFFF0]  }
0xdb: {  	v12 =	vld [tilespmem:s29+$0xFFFFFFF0]  }
0xdc: {  	v13 =	vld [tilespmem:s16+$0xFFFFFFE0]  }
0xdd: {  	v14 =	vld [tilespmem:s29+$0xFFFFFFE0]  }
0xde: {  	v15 =	vld [tilespmem:s16+$0xFFFFFFD0]  }
0xdf: {  	v16 =	vld [tilespmem:s29+$0xFFFFFFD0]  }
0xe0: {  	v17 =	vld [tilespmem:s16+$0xFFFFFF80]  }
0xe1: {  	v18 =	vld [tilespmem:s29+$0xFFFFFF80]  }
0xe2: {  	v19 =	vld [tilespmem:s16+$0xFFFFFF40]  }
0xe3: {  	v20 =	vld [tilespmem:s29+$0xFFFFFF40]  }
0xe4: {  	v21 =	vld [tilespmem:s29+$0xFFFFFFB0]  }
0xe5: {  	v22 =	vld [tilespmem:s16+$0xFFFFFF70]  }
0xe6: {  	v23 =	vld [tilespmem:s16+$0xFFFFFFB0]  }
0xe7: {  	v24 =	vld [tilespmem:s16+$0xFFFFFFA0]  }
0xe8: {  	v25 =	vld [tilespmem:s29+$0xFFFFFFA0]  }
0xe9: {  	v26 =	vld [tilespmem:s16+$0xFFFFFF60];
	s9 =	simm.s32 $0x2  }
0xea: {  	v27 =	vld [tilespmem:s29+$0xFFFFFF60];
	v28 =	vmov s9  }
0xeb: {  	vm0 =	veq.s32 v28, v1;
	v28 =	vld [tilespmem:s16+$0xFFFFFF20];
	v13 =	vadd.bf16 v13, v14  }
0xec: {  	v14 =	vadd.bf16 v15, v16;
	v16 =	vld [tilespmem:s16+$0xFFFFFF90];
	v9 =	vadd.bf16 v10, v9  }
0xed: {  	v10 =	vld [tilespmem:s29+$0xFFFFFF90];
	v11 =	vadd.bf16 v11, v12;
	v17 =	vadd.bf16 v17, v18  }
0xee: {  	v18 =	vld [tilespmem:s29+$0xFFFFFF10];
	v19 =	vadd.bf16 v19, v20;
	v12 =	vmax.bf16 v13, v0;
	v13 =	vmax.bf16 v14, v0  }
0xef: {  	v20 =	vadd.bf16 v24, v25;
	v24 =	vld [tilespmem:s29+$0xFFFFFF20];
	v15 =	vmul.bf16 v13, v3;
	v12 =	vmul.bf16 v12, v4  }
0xf0: {  	v8 =	vadd.bf16 v8, v7;
	v25 =	vld [tilespmem:s29+$0xFFFFFF30];
	v9 =	vmax.bf16 v9, v0;
	v11 =	vmax.bf16 v11, v0  }
0xf1: {  	s8 =	simm.s32 $0x1;
	v14 =	vld [tilespmem:s16+$0xFFFFFF30];
	v20 =	vmax.bf16 v20, v0;
	v11 =	vmul.bf16 v11, v5;
	v7 =	vadd.bf16 v12, v15  }
0xf2: {  	v9 =	vmul.bf16 v9, v6;
	v12 =	vld [tilespmem:s16+$0xFFFFFF50];
	v15 =	vmov s8;
	v10 =	vadd.bf16 v16, v10  }
0xf3: {  	v16 =	vmax.bf16 v19, v0;
	v19 =	vadd.bf16 v23, v21;
	v21 =	vld [tilespmem:s29+$0xFFFFFF50];
	s8 =	sadd.s32 $0x100, s29;
	v11 =	vadd.bf16 v11, v7  }
0xf4: {  	v26 =	vadd.bf16 v26, v27;
	v20 =	vmul.bf16 v20, v4;
	v27 =	vld [tilespmem:s8+$0xFFFFFFC0];
	v10 =	vmax.bf16 v10, v0  }
0xf5: {  	v24 =	vadd.bf16 v28, v24;
	v10 =	vmul.bf16 v10, v3;
	v9 =	vadd.bf16 v9, v11;
	v11 =	vld [tilespmem:s16+$0xFFFFFF10]  }
0xf6: {  	s9 =	sadd.s32 $0x100, s16;
	v8 =	vmax.bf16 v8, v0;
	v28 =	vld [tilespmem:s8+$0xFFFFFF60]  }
0xf7: {  	v8 =	vmul.bf16 v8, v6;
	v24 =	vmax.bf16 v24, v0;
	v10 =	vadd.bf16 v20, v10;
	v20 =	vld [tilespmem:s9+$0xFFFFFFC0]  }
0xf8: {  	v14 =	vadd.bf16 v14, v25;
	v25 =	vld [tilespmem:s9+$0xFFFFFFF0];
	v23 =	vunpack.i.u.bf16.f32 v9;
	v9 =	vunpack.i.l.bf16.f32 v9  }
0xf9: {  	v19 =	vmax.bf16 v19, v0;
	v24 =	vmul.bf16 v24, v4;
	v9 =	vadd.f32 v9, v23;
	v23 =	vld [tilespmem:s29+$0xFFFFFF70]  }
0xfa: {  	v14 =	vmax.bf16 v14, v0;
	v12 =	vadd.bf16 v12, v21;
	v21 =	vld [tilespmem:s9+$0x0];
	v11 =	vadd.bf16 v11, v18  }
0xfb: {  	s13 =	simm.s32 $0x6;
	v14 =	vmul.bf16 v14, v5;
	v18 =	vmul.bf16 v19, v5;
	v19 =	vld [tilespmem:s8+$0x0];
	(xrf2) =	vadd.scan.msk.f32 $0xffff, v9;
	v9 =	vmax.bf16 v26, v0  }
0xfc: {  	v26 =	vmov s13;
	v20 =	vadd.bf16 v20, v27;
	v27 =	vld [tilespmem:s8+$0xFFFFFFA0];
	v11 =	vmax.bf16 v11, v0  }
0xfd: {  	vm2 =	veq.s32 v26, v1;
	v26 =	vld [tilespmem:s9+$0xFFFFFF60];
	v10 =	vadd.bf16 v18, v10;
	v11 =	vmul.bf16 v11, v3  }
0xfe: {  	v12 =	vmax.bf16 v12, v0;
	v9 =	vmul.bf16 v9, v4;
	v18 =	vld [tilespmem:s8+$0xFFFFFFF0];
	v22 =	vadd.bf16 v22, v23  }
0xff: {  	v23 =	vld [tilespmem:s9+$0xFFFFFFE0];
	v8 =	vadd.bf16 v8, v10;
	v10 =	vmul.bf16 v12, v3;
	v11 =	vadd.bf16 v24, v11  }
0x100: {  	v17 =	vmax.bf16 v17, v0;
	v16 =	vmul.bf16 v16, v6;
	v12 =	vld [tilespmem:s8+$0xFFFFFFE0];
	v22 =	vmax.bf16 v22, v0  }
0x101: {  	v24 =	vld [tilespmem:s9+$0xFFFFFFD0];
	v9 =	vadd.bf16 v9, v10;
	v10 =	vmul.bf16 v22, v5;
	v11 =	vadd.bf16 v14, v11  }
0x102: {  	v19 =	vadd.bf16 v21, v19;
	v22 =	vld [tilespmem:s8+$0xFFFFFFD0];
	v14 =	vunpack.i.u.bf16.f32 v8;
	v8 =	vunpack.i.l.bf16.f32 v8  }
0x103: {  	v21 =	vld [tilespmem:s9+$0xFFFFFF80];
	v9 =	vadd.bf16 v10, v9;
	v10 =	vmul.bf16 v17, v6;
	v11 =	vadd.bf16 v16, v11  }
0x104: {  	v29 =	vmov s28;
	v8 =	vadd.f32 v8, v14;
	v17 =	vld [tilespmem:s9+$0xFFFFFF40];
	v16 =	vadd.bf16 v25, v18  }
0x105: {  	v25 =	vld [tilespmem:s8+$0xFFFFFF40];
	v10 =	vadd.bf16 v10, v9;
	v18 =	vunpack.i.u.bf16.f32 v11;
	v11 =	vunpack.i.l.bf16.f32 v11  }
0x106: {  	v14 =	vld [tilespmem:s8+$0xFFFFFF80];
	(xrf2) =	vadd.scan.msk.f32 $0xffff, v8;
	v8 =	vadd.f32 v11, v18;
	v18 =	vmax.bf16 v19, v0;
	v11 =	vadd.bf16 v23, v12  }
0x107: {  	v19 =	vld [tilespmem:s8+$0xFFFFFFB0];
	v12 =	vadd.bf16 v24, v22;
	v22 =	vunpack.i.u.bf16.f32 v10;
	v23 =	vunpack.i.l.bf16.f32 v10  }
0x108: {  	vm0 =	vmmov vm0;
	v9, _, _ =	vpop (xrf2);
	(xrf2) =	vadd.scan.msk.f32 $0xffff, v8;
	v8 =	vmax.bf16 v11, v0;
	v11 =	vadd.f32 v23, v22;
	v22 =	vld [tilespmem:s9+$0xFFFFFFB0]  }
0x109: {  	vm3 =	veq.s32 v29, v1;
	vm1 =	vmmov vm0;
	v12 =	vmax.bf16 v12, v0;
	v23 =	vld [tilespmem:s9+$0xFFFFFFA0]  }
0x10a: {  	v17 =	vadd.bf16 v17, v25;
	v25 =	vld [tilespmem:s8+$0xFFFFFF90];
	v12 =	vmul.bf16 v12, v3;
	v24 =	vmul.bf16 v8, v4  }
0x10b: {  	s23 =	simm.s32 $0x3;
	v13 =	vimm.f32 $0.0e+00;
	v16 =	vmax.bf16 v16, v0;
	(xrf2) =	vadd.scan.msk.f32 $0xffff, v11;
	v11 =	vadd.bf16 v21, v14;
	v21 =	vld [tilespmem:s9+$0xFFFFFF90]  }
0x10c: {  	v7 =	vmov s23;
	v16 =	vmul.bf16 v16, v5;
	v24 =	vadd.bf16 v24, v12  }
0x10d: {  	vm0 =	vmmov vm2;
	vm2 =	veq.s32 v15, v1;
	v26 =	vadd.bf16 v26, v28  }
0x10e: {  	v28 =	vmax.bf16 v20, v0;
	v10 =	vld [tilespmem:s9+$0xFFFFFF70];
	v9 =	vbroadcast v9, $0xF;
	v24 =	vadd.bf16 v16, v24  }
0x10f: {  	s10 =	simm.s32 $0x5;
	v18 =	vmul.bf16 v18, v6;
	v14 =	vld [tilespmem:s9+$0xFFFFFF30];
	v19 =	vadd.bf16 v22, v19;
	v23 =	vadd.bf16 v23, v27  }
0x110: {  	v8 =	vmov s10;
	v16 =	vmax.bf16 v17, v0;
	v17 =	vld [tilespmem:s9+$0xFFFFFF50];
	v21 =	vadd.bf16 v21, v25  }
0x111: {  	v22, _, _ =	vpop (xrf2);
	v24 =	vadd.bf16 v18, v24;
	v27 =	vmax.bf16 v19, v0;
	v18 =	vld [tilespmem:s8+$0xFFFFFF10];
	v23 =	vmax.bf16 v23, v0  }
0x112: {  	v15 =	vbroadcast v22, $0xF;
	v19 =	vld [tilespmem:s9+$0xFFFFFF20];
	v31 =	vmul.bf16 v23, v4;
	v21 =	vmax.bf16 v21, v0;
	v22, _, _ =	vpop (xrf2)  }
0x113: {  	s30 =	simm.s32 $0x7;
	v23 =	vld [tilespmem:s9+$0xFFFFFF10];
	v25 =	vunpack.i.u.bf16.f32 v24;
	v24 =	vunpack.i.l.bf16.f32 v24;
	v30 =	vbroadcast v22, $0xF  }
0x114: {  	v12 =	vmov s30;
	v25 =	vadd.f32 v24, v25;
	v32 =	vmul.bf16 v21, v3;
	v22 =	vld [tilespmem:s8+$0xFFFFFF20]  }
0x115: {  	v11 =	vmax.bf16 v11, v0;
	v27 =	vmul.bf16 v27, v5;
	v24 =	vld [tilespmem:s8+$0xFFFFFF50];
	v21, _, _ =	vpop (xrf2);
	v13 =	vsel vm3, v30, v13  }
0x116: {  	s23 =	simm.s32 $0x8;
	s10 =	simm.s32 $0x4;
	(xrf2) =	vadd.scan.msk.f32 $0xffff, v25;
	v25 =	vld [tilespmem:s8+$0xFFFFFF30];
	v20 =	vbroadcast v21, $0xF;
	v21 =	vmax.bf16 v26, v0;
	v26 =	vadd.bf16 v31, v32  }
.LBB2_8:
0x117: {  	v29 =	vld [tilespmem:s8+$0xFFFFFF70];
	s8 =	sadd.s32 $0x100, s8  }
0x118: {  	v28 =	vmul.bf16 v28, v6;
	s9 =	sadd.s32 $0x100, s9;
	v13 =	vsel vm2, v20, v13;
	vm2 =	veq.s32 v7, v1;
	v7 =	vmovc v12;
	s14 =	smov.u32 s23;
	s13 =	sadd.s32 $0x4, s23  }
0x119: {  	p0 =	slt.u32 s23, $0xC;
	v12 =	vld [tilespmem:s8+$0xFFFFFFC0];
	v19 =	vadd.bf16 v19, v22;
	v20 =	vadd.bf16 v27, v26;
	v13 =	vsel vm1, v15, v13  }
0x11a: {  	v16 =	vmul.bf16 v16, v6;
	v15 =	vld [tilespmem:s9+$0xFFFFFFC0];
	v18 =	vadd.bf16 v23, v18;
	v13 =	vsel vm2, v9, v13  }
0x11b: {  	v9 =	vld [tilespmem:s8+$0x0];
	v19 =	vmax.bf16 v19, v0;
	v17 =	vadd.bf16 v17, v24;
	v20 =	vadd.bf16 v28, v20  }
0x11c: {  	v22 =	vld [tilespmem:s9+$0x0];
	v18 =	vmax.bf16 v18, v0;
	v19 =	vmul.bf16 v19, v4;
	v14 =	vadd.bf16 v14, v25  }
0x11d: {  	v23 =	vld [tilespmem:s9+$0xFFFFFFF0];
	v18 =	vmul.bf16 v18, v3;
	v17 =	vmax.bf16 v17, v0;
	v10 =	vadd.bf16 v10, v29  }
0x11e: {  	v21 =	vmul.bf16 v21, v4;
	v24 =	vld [tilespmem:s8+$0xFFFFFFF0];
	v14 =	vmax.bf16 v14, v0;
	v17 =	vmul.bf16 v17, v3  }
0x11f: {  	v25 =	vld [tilespmem:s9+$0xFFFFFFE0];
	v18 =	vadd.bf16 v19, v18;
	v14 =	vmul.bf16 v14, v5;
	v10 =	vmax.bf16 v10, v0  }
0x120: {  	v19 =	vld [tilespmem:s8+$0xFFFFFFE0];
	v17 =	vadd.bf16 v21, v17;
	v10 =	vmul.bf16 v10, v5;
	v21 =	vunpack.i.u.bf16.f32 v20;
	v26, _, _ =	vpop (xrf2)  }
0x121: {  	v27 =	vld [tilespmem:s9+$0xFFFFFFD0];
	v9 =	vadd.bf16 v22, v9;
	v14 =	vadd.bf16 v14, v18;
	v18 =	vunpack.i.l.bf16.f32 v20  }
0x122: {  	v11 =	vmul.bf16 v11, v6;
	v20 =	vld [tilespmem:s8+$0xFFFFFFD0];
	v10 =	vadd.bf16 v10, v17;
	v17 =	vadd.f32 v18, v21  }
0x123: {  	v18 =	vld [tilespmem:s9+$0xFFFFFF80];
	v21 =	vadd.bf16 v23, v24;
	v22 =	vmax.bf16 v9, v0;
	v14 =	vadd.bf16 v16, v14  }
0x124: {  	v28 =	vadd.bf16 v15, v12;
	v9 =	vbroadcast v26, $0xF;
	v16 =	vld [tilespmem:s8+$0xFFFFFF80];
	v10 =	vadd.bf16 v11, v10;
	(xrf2) =	vadd.scan.msk.f32 $0xffff, v17  }
0x125: {  	v11 =	vld [tilespmem:s9+$0xFFFFFF40];
	v12 =	vadd.bf16 v25, v19;
	v15 =	vunpack.i.u.bf16.f32 v14;
	v14 =	vunpack.i.l.bf16.f32 v14  }
0x126: {  	v17 =	vld [tilespmem:s8+$0xFFFFFF40];
	v14 =	vadd.f32 v14, v15;
	v15 =	vunpack.i.u.bf16.f32 v10;
	v10 =	vunpack.i.l.bf16.f32 v10  }
0x127: {  	s23 =	sadd.s32 $0x1, s14;
	s30 =	sadd.s32 $0x2, s14;
	v19 =	vld [tilespmem:s8+$0xFFFFFFB0];
	v20 =	vadd.bf16 v27, v20;
	v12 =	vmax.bf16 v12, v0;
	v15 =	vadd.f32 v10, v15  }
0x128: {  	v23 =	vmov s23;
	v24 =	vmov s30;
	v21 =	vmax.bf16 v21, v0;
	v10 =	vld [tilespmem:s9+$0xFFFFFF70];
	(xrf2) =	vadd.scan.msk.f32 $0xffff, v14  }
0x129: {  	s23 =	sadd.s32 $0x3, s14;
	vm2 =	veq.s32 v24, v1;
	v14 =	vadd.bf16 v18, v16;
	v18 =	vld [tilespmem:s9+$0xFFFFFFB0];
	v16 =	vmax.bf16 v20, v0  }
0x12a: {  	v24 =	vmul.bf16 v12, v4;
	v12 =	vmov s23;
	v20 =	vld [tilespmem:s9+$0xFFFFFFA0];
	v16 =	vmul.bf16 v16, v3  }
0x12b: {  	vm1 =	vmmov vm0;
	v17 =	vadd.bf16 v11, v17;
	v11 =	vmax.bf16 v14, v0;
	v25 =	vld [tilespmem:s8+$0xFFFFFFA0];
	(xrf2) =	vadd.scan.msk.f32 $0xffff, v15  }
0x12c: {  	vm0 =	vmmov vm2;
	v21 =	vmul.bf16 v21, v5;
	v26 =	vld [tilespmem:s9+$0xFFFFFF90];
	v15 =	vadd.bf16 v24, v16  }
0x12d: {  	v16 =	vmax.bf16 v17, v0;
	v24 =	vld [tilespmem:s8+$0xFFFFFF90]  }
0x12e: {  	v14 =	vld [tilespmem:s9+$0xFFFFFF30];
	v17 =	vadd.bf16 v18, v19;
	v15 =	vadd.bf16 v21, v15;
	v18 =	vmul.bf16 v22, v6;
	v19, _, _ =	vpop (xrf2)  }
0x12f: {  	v21 =	vld [tilespmem:s9+$0xFFFFFF60]  }
0x130: {  	v27 =	vld [tilespmem:s8+$0xFFFFFF60];
	v20 =	vadd.bf16 v20, v25;
	v29 =	vmax.bf16 v17, v0;
	v22 =	vadd.bf16 v18, v15  }
0x131: {  	vm2 =	veq.s32 v8, v1;
	v8 =	vmov v23;
	v15 =	vbroadcast v19, $0xF;
	v17 =	vld [tilespmem:s9+$0xFFFFFF50]  }
0x132: {  	v18 =	vld [tilespmem:s8+$0xFFFFFF10];
	v23 =	vadd.bf16 v26, v24;
	v20 =	vmax.bf16 v20, v0;
	v24 =	vunpack.i.u.bf16.f32 v22;
	v25, _, _ =	vpop (xrf2)  }
.Ltmp2:
0x133: {  	v30 =	vmov s10;
	s10 =	smov.u32 s14;
	v26 =	vunpack.i.l.bf16.f32 v22;
	v19 =	vld [tilespmem:s9+$0xFFFFFF20];
	v25 =	vbroadcast v25, $0xF;
	(pc) =	sbr.rel @p0 .LBB2_8-.Ltmp2, $4  }
0x134: {  	v32 =	vmul.bf16 v20, v4;
	v20 =	vadd.f32 v26, v24;
	v22 =	vld [tilespmem:s8+$0xFFFFFF20];
	v31 =	vmax.bf16 v23, v0  }
0x135: {  	vm3 =	veq.s32 v30, v1;
	v23 =	vld [tilespmem:s9+$0xFFFFFF10];
	v21 =	vadd.bf16 v21, v27;
	v26 =	vmul.bf16 v31, v3;
	v27, _, _ =	vpop (xrf2)  }
0x136: {  	v28 =	vmax.bf16 v28, v0;
	v13 =	vsel vm3, v25, v13;
	v24 =	vld [tilespmem:s8+$0xFFFFFF50];
	(xrf2) =	vadd.scan.msk.f32 $0xffff, v20;
	v20 =	vbroadcast v27, $0xF  }
0x137: {  	s23 =	smov.u32 s13;
	v27 =	vmul.bf16 v29, v5;
	v25 =	vld [tilespmem:s8+$0xFFFFFF30];
	v21 =	vmax.bf16 v21, v0;
	v26 =	vadd.bf16 v32, v26  }
0x138: {  	v29 =	vld [tilespmem:s8+$0xFFFFFF70]  }
0x139: {  	v19 =	vadd.bf16 v19, v22  }
0x13a: {  	v18 =	vadd.bf16 v23, v18  }
0x13b: {  	v51 =	vmul.bf16 v28, v6;
	v19 =	vmax.bf16 v19, v0;
	v17 =	vadd.bf16 v17, v24  }
0x13c: {  	v18 =	vmax.bf16 v18, v0;
	v19 =	vmul.bf16 v19, v4;
	v14 =	vadd.bf16 v14, v25  }
0x13d: {  	v18 =	vmul.bf16 v18, v3;
	v17 =	vmax.bf16 v17, v0;
	v10 =	vadd.bf16 v10, v29  }
0x13e: {  	v21 =	vmul.bf16 v21, v4;
	v14 =	vmax.bf16 v14, v0;
	v17 =	vmul.bf16 v17, v3  }
0x13f: {  	v18 =	vadd.bf16 v19, v18;
	v14 =	vmul.bf16 v14, v5;
	v10 =	vmax.bf16 v10, v0  }
0x140: {  	v52 =	vadd.bf16 v27, v26;
	v17 =	vadd.bf16 v21, v17;
	v10 =	vmul.bf16 v10, v5  }
0x141: {  	v16 =	vmul.bf16 v16, v6;
	v14 =	vadd.bf16 v14, v18  }
0x142: {  	v11 =	vmul.bf16 v11, v6;
	v53 =	vadd.bf16 v51, v52;
	v10 =	vadd.bf16 v10, v17  }
0x143: {  	v14 =	vadd.bf16 v16, v14  }
0x144: {  	v54 =	vunpack.i.u.bf16.f32 v53;
	v55 =	vunpack.i.l.bf16.f32 v53;
	v10 =	vadd.bf16 v11, v10  }
0x145: {  	v56 =	vadd.f32 v55, v54;
	v57 =	vunpack.i.u.bf16.f32 v14;
	v14 =	vunpack.i.l.bf16.f32 v14  }
0x146: {  	v14 =	vadd.f32 v14, v57;
	v58 =	vunpack.i.u.bf16.f32 v10;
	v10 =	vunpack.i.l.bf16.f32 v10  }
0x147: {  	(xrf2) =	vadd.scan.msk.f32 $0xffff, v56;
	v10 =	vadd.f32 v10, v58  }
0x148: {  	(xrf2) =	vadd.scan.msk.f32 $0xffff, v14  }
0x149: {  	(xrf2) =	vadd.scan.msk.f32 $0xffff, v10;
	_ =	sdelay $0x6  }
0x14a: {  	v59, _, _ =	vpop (xrf2)  }
0x14b: {  	v11, _, _ =	vpop (xrf2)  }
0x14c: {  	v13 =	vsel vm2, v20, v13;
	vm12 =	veq.s32 v7, v1;
	v7, _, _ =	vpop (xrf2)  }
0x14d: {  	v60 =	vmov s10;
	v13 =	vsel vm1, v15, v13;
	v7 =	vbroadcast v7, $0xF;
	v61, _, _ =	vpop (xrf2)  }
0x14e: {  	vm13 =	veq.s32 v60, v1;
	v9 =	vsel vm12, v9, v13;
	v62 =	vbroadcast v61, $0xF  }
0x14f: {  	vm14 =	veq.s32 v8, v1;
	v8 =	vbroadcast v11, $0xF;
	v7 =	vsel vm13, v7, v9  }
0x150: {  	vm0 =	vmmov vm0;
	v63 =	vbroadcast v59, $0xF;
	v7 =	vsel vm14, v62, v7  }
0x151: {  	vm15 =	veq.s32 v12, v1;
	v7 =	vsel vm0, v8, v7  }
0x152: {  	v7 =	vsel vm15, v63, v7  }
0x153: {  	v7 =	vadd.f32 v7, v2;
	_ =	sdelay $0x1  }
0x154: {  	v7 =	vsub.f32 $0.0e+00, v7;
	_ =	sdelay $0x1  }
0x155: {  	v7 =	vmul.f32 $1.442695020e+00, v7;
	_ =	sdelay $0x1  }
0x156: {  	(erf) = vpow2.f32 v7;
	_ =	sdelay $0x8  }
0x157: {  	v7 =	vpop (erf)  }
0x158: {  	v7 =	vadd.f32 $1.000000000e+00, v7;
	_ =	sdelay $0x1  }
0x159: {  	(erf) = vrcp.f32 v7;
	_ =	sdelay $0x3  }
0x15a: {  	s30 =	sshll.u32 s7, $0x4;
	s7 =	sadd.s32 $0x1, s7  }
0x15b: {  	p0 =	sne.s32 s7, $0x5  }
.Ltmp3:
0x15c: {  	_ = 	snop;
	(pc) =	sbr.rel @p0 .LBB2_7-.Ltmp3, $3  }
0x15d: {  	_ =	sdelay $0x1  }
0x15e: {  	s8 =	sand.u32 $0x3FFFFFF0, s30;
	v7 =	vpop (erf)  }
0x15f: {  	s29 =	sadd.s32 $0x400, s29;
	s16 =	sadd.s32 $0x400, s16;
	[tilespmem:s8+$0xEE20] =	vst v7  }
0x160: {  	s7 =	sadd.s32 s26, s11  }
0x161: {  	s7 =	sshrl.u32 s7, $0x3  }
0x162: {  	s7 =	sadd.s32 s2, s7  }
0x163: {  	[hbm4b:s7+s3] =	stream.linear.scatter [tilespmem:s0], [sflag:$0x5], $0x50, $0x38;
	[tilespmem:$0xEEC0] =	vst v63  }
0x164: {  	p0 =	seq.s32 s24, $0x1E;
	_ =	swait.ge [sflag:s15], $0x50  }
0x165: {  	s8 =	simm.s32 @!p0 $0x50;
	[sflag:s15] =	ssyncset.done $0x0  }
0x166: {  	s9 =	simm.s32 @!p0 $0x6220;
	s7 =	sadd.s32 @!p0 $0x190, s26;
	[sflag:s15] =	ssyncadd.s32 $0xFFFFFFB0  }
0x167: {  	[tilespmem:s9], [sflag:$0x2] =	stream.indirect.gather @!p0 [hbm4b:s5+s8], $0x40, s7, s8, $0xb8;
	[tilespmem:$0xEEC0] =	vst v63  }
0x168: {  	s7 =	sadd.s32 @!p0 $0x28A0, s26;
	s9 =	simm.s32 @!p0 $0xB220  }
0x169: {  	[tilespmem:s9], [sflag:$0x2] =	stream.indirect.gather @!p0 [hbm4b:s6+s8], $0x40, s7, s8, $0xb8;
	[tilespmem:$0xEEC0] =	vst v63  }
0x16a: {  	_ =	swait.ge [sflag:s18], $0x1400  }
0x16b: {  	[sflag:s18] =	ssyncset.done $0x0  }
0x16c: {  	[sflag:s18] =	ssyncadd.s32 $0xFFFFEC00  }
0x16d: {  	_ =	swait.ge [sflag:s18], $0x1400  }
0x16e: {  	s28 =	simm.s32 $0x0;
	s29 =	simm.s32 $0x7710;
	[sflag:s18] =	ssyncset.done $0x0  }
0x16f: {  	s16 =	simm.s32 $0xC710;
	s7 =	simm.s32 $0x0;
	[sflag:s18] =	ssyncadd.s32 $0xFFFFEC00  }
.LBB2_11:
0x170: {  	v7 =	vld [tilespmem:s29+$0xFFFFFFC0]  }
0x171: {  	v8 =	vld [tilespmem:s16+$0xFFFFFFC0]  }
0x172: {  	v9 =	vld [tilespmem:s29+$0x0]  }
0x173: {  	v10 =	vld [tilespmem:s16+$0x0]  }
0x174: {  	v11 =	vld [tilespmem:s16+$0xFFFFFFF0]  }
0x175: {  	v12 =	vld [tilespmem:s29+$0xFFFFFFF0]  }
0x176: {  	v13 =	vld [tilespmem:s16+$0xFFFFFFE0]  }
0x177: {  	v14 =	vld [tilespmem:s29+$0xFFFFFFE0]  }
0x178: {  	v15 =	vld [tilespmem:s16+$0xFFFFFFD0]  }
0x179: {  	v16 =	vld [tilespmem:s29+$0xFFFFFFD0]  }
0x17a: {  	v17 =	vld [tilespmem:s16+$0xFFFFFF80]  }
0x17b: {  	v18 =	vld [tilespmem:s29+$0xFFFFFF80]  }
0x17c: {  	v19 =	vld [tilespmem:s16+$0xFFFFFF40]  }
0x17d: {  	v20 =	vld [tilespmem:s29+$0xFFFFFF40]  }
0x17e: {  	v21 =	vld [tilespmem:s29+$0xFFFFFFB0]  }
0x17f: {  	v22 =	vld [tilespmem:s16+$0xFFFFFF70]  }
0x180: {  	v23 =	vld [tilespmem:s16+$0xFFFFFFB0]  }
0x181: {  	v24 =	vld [tilespmem:s16+$0xFFFFFFA0]  }
0x182: {  	v25 =	vld [tilespmem:s29+$0xFFFFFFA0]  }
0x183: {  	v26 =	vld [tilespmem:s16+$0xFFFFFF60];
	s9 =	simm.s32 $0x2  }
0x184: {  	v27 =	vld [tilespmem:s29+$0xFFFFFF60];
	v28 =	vmov s9  }
0x185: {  	vm0 =	veq.s32 v28, v1;
	v28 =	vld [tilespmem:s16+$0xFFFFFF20];
	v13 =	vadd.bf16 v13, v14  }
0x186: {  	v14 =	vadd.bf16 v15, v16;
	v16 =	vld [tilespmem:s16+$0xFFFFFF90];
	v9 =	vadd.bf16 v10, v9  }
0x187: {  	v10 =	vld [tilespmem:s29+$0xFFFFFF90];
	v11 =	vadd.bf16 v11, v12;
	v17 =	vadd.bf16 v17, v18  }
0x188: {  	v18 =	vld [tilespmem:s29+$0xFFFFFF10];
	v19 =	vadd.bf16 v19, v20;
	v12 =	vmax.bf16 v13, v0;
	v13 =	vmax.bf16 v14, v0  }
0x189: {  	v20 =	vadd.bf16 v24, v25;
	v24 =	vld [tilespmem:s29+$0xFFFFFF20];
	v15 =	vmul.bf16 v13, v3;
	v12 =	vmul.bf16 v12, v4  }
0x18a: {  	v8 =	vadd.bf16 v8, v7;
	v25 =	vld [tilespmem:s29+$0xFFFFFF30];
	v9 =	vmax.bf16 v9, v0;
	v11 =	vmax.bf16 v11, v0  }
0x18b: {  	s8 =	simm.s32 $0x1;
	v14 =	vld [tilespmem:s16+$0xFFFFFF30];
	v20 =	vmax.bf16 v20, v0;
	v11 =	vmul.bf16 v11, v5;
	v7 =	vadd.bf16 v12, v15  }
0x18c: {  	v9 =	vmul.bf16 v9, v6;
	v12 =	vld [tilespmem:s16+$0xFFFFFF50];
	v15 =	vmov s8;
	v10 =	vadd.bf16 v16, v10  }
0x18d: {  	v16 =	vmax.bf16 v19, v0;
	v19 =	vadd.bf16 v23, v21;
	v21 =	vld [tilespmem:s29+$0xFFFFFF50];
	s8 =	sadd.s32 $0x100, s29;
	v11 =	vadd.bf16 v11, v7  }
0x18e: {  	v26 =	vadd.bf16 v26, v27;
	v20 =	vmul.bf16 v20, v4;
	v27 =	vld [tilespmem:s8+$0xFFFFFFC0];
	v10 =	vmax.bf16 v10, v0  }
0x18f: {  	v24 =	vadd.bf16 v28, v24;
	v10 =	vmul.bf16 v10, v3;
	v9 =	vadd.bf16 v9, v11;
	v11 =	vld [tilespmem:s16+$0xFFFFFF10]  }
0x190: {  	s9 =	sadd.s32 $0x100, s16;
	v8 =	vmax.bf16 v8, v0;
	v28 =	vld [tilespmem:s8+$0xFFFFFF60]  }
0x191: {  	v8 =	vmul.bf16 v8, v6;
	v24 =	vmax.bf16 v24, v0;
	v10 =	vadd.bf16 v20, v10;
	v20 =	vld [tilespmem:s9+$0xFFFFFFC0]  }
0x192: {  	v14 =	vadd.bf16 v14, v25;
	v25 =	vld [tilespmem:s9+$0xFFFFFFF0];
	v23 =	vunpack.i.u.bf16.f32 v9;
	v9 =	vunpack.i.l.bf16.f32 v9  }
0x193: {  	v19 =	vmax.bf16 v19, v0;
	v24 =	vmul.bf16 v24, v4;
	v9 =	vadd.f32 v9, v23;
	v23 =	vld [tilespmem:s29+$0xFFFFFF70]  }
0x194: {  	v14 =	vmax.bf16 v14, v0;
	v12 =	vadd.bf16 v12, v21;
	v21 =	vld [tilespmem:s9+$0x0];
	v11 =	vadd.bf16 v11, v18  }
0x195: {  	s13 =	simm.s32 $0x6;
	v14 =	vmul.bf16 v14, v5;
	v18 =	vmul.bf16 v19, v5;
	v19 =	vld [tilespmem:s8+$0x0];
	(xrf2) =	vadd.scan.msk.f32 $0xffff, v9;
	v9 =	vmax.bf16 v26, v0  }
0x196: {  	v26 =	vmov s13;
	v20 =	vadd.bf16 v20, v27;
	v27 =	vld [tilespmem:s8+$0xFFFFFFA0];
	v11 =	vmax.bf16 v11, v0  }
0x197: {  	vm2 =	veq.s32 v26, v1;
	v26 =	vld [tilespmem:s9+$0xFFFFFF60];
	v10 =	vadd.bf16 v18, v10;
	v11 =	vmul.bf16 v11, v3  }
0x198: {  	v12 =	vmax.bf16 v12, v0;
	v9 =	vmul.bf16 v9, v4;
	v18 =	vld [tilespmem:s8+$0xFFFFFFF0];
	v22 =	vadd.bf16 v22, v23  }
0x199: {  	v23 =	vld [tilespmem:s9+$0xFFFFFFE0];
	v8 =	vadd.bf16 v8, v10;
	v10 =	vmul.bf16 v12, v3;
	v11 =	vadd.bf16 v24, v11  }
0x19a: {  	v17 =	vmax.bf16 v17, v0;
	v16 =	vmul.bf16 v16, v6;
	v12 =	vld [tilespmem:s8+$0xFFFFFFE0];
	v22 =	vmax.bf16 v22, v0  }
0x19b: {  	v24 =	vld [tilespmem:s9+$0xFFFFFFD0];
	v9 =	vadd.bf16 v9, v10;
	v10 =	vmul.bf16 v22, v5;
	v11 =	vadd.bf16 v14, v11  }
0x19c: {  	v19 =	vadd.bf16 v21, v19;
	v22 =	vld [tilespmem:s8+$0xFFFFFFD0];
	v14 =	vunpack.i.u.bf16.f32 v8;
	v8 =	vunpack.i.l.bf16.f32 v8  }
0x19d: {  	v21 =	vld [tilespmem:s9+$0xFFFFFF80];
	v9 =	vadd.bf16 v10, v9;
	v10 =	vmul.bf16 v17, v6;
	v11 =	vadd.bf16 v16, v11  }
0x19e: {  	v29 =	vmov s28;
	v8 =	vadd.f32 v8, v14;
	v17 =	vld [tilespmem:s9+$0xFFFFFF40];
	v16 =	vadd.bf16 v25, v18  }
0x19f: {  	v25 =	vld [tilespmem:s8+$0xFFFFFF40];
	v10 =	vadd.bf16 v10, v9;
	v18 =	vunpack.i.u.bf16.f32 v11;
	v11 =	vunpack.i.l.bf16.f32 v11  }
0x1a0: {  	v14 =	vld [tilespmem:s8+$0xFFFFFF80];
	(xrf2) =	vadd.scan.msk.f32 $0xffff, v8;
	v8 =	vadd.f32 v11, v18;
	v18 =	vmax.bf16 v19, v0;
	v11 =	vadd.bf16 v23, v12  }
0x1a1: {  	v19 =	vld [tilespmem:s8+$0xFFFFFFB0];
	v12 =	vadd.bf16 v24, v22;
	v22 =	vunpack.i.u.bf16.f32 v10;
	v23 =	vunpack.i.l.bf16.f32 v10  }
0x1a2: {  	vm0 =	vmmov vm0;
	v9, _, _ =	vpop (xrf2);
	(xrf2) =	vadd.scan.msk.f32 $0xffff, v8;
	v8 =	vmax.bf16 v11, v0;
	v11 =	vadd.f32 v23, v22;
	v22 =	vld [tilespmem:s9+$0xFFFFFFB0]  }
0x1a3: {  	vm3 =	veq.s32 v29, v1;
	vm1 =	vmmov vm0;
	v12 =	vmax.bf16 v12, v0;
	v23 =	vld [tilespmem:s9+$0xFFFFFFA0]  }
0x1a4: {  	v17 =	vadd.bf16 v17, v25;
	v25 =	vld [tilespmem:s8+$0xFFFFFF90];
	v12 =	vmul.bf16 v12, v3;
	v24 =	vmul.bf16 v8, v4  }
0x1a5: {  	s23 =	simm.s32 $0x3;
	v13 =	vimm.f32 $0.0e+00;
	v16 =	vmax.bf16 v16, v0;
	(xrf2) =	vadd.scan.msk.f32 $0xffff, v11;
	v11 =	vadd.bf16 v21, v14;
	v21 =	vld [tilespmem:s9+$0xFFFFFF90]  }
0x1a6: {  	v7 =	vmov s23;
	v16 =	vmul.bf16 v16, v5;
	v24 =	vadd.bf16 v24, v12  }
0x1a7: {  	vm0 =	vmmov vm2;
	vm2 =	veq.s32 v15, v1;
	v26 =	vadd.bf16 v26, v28  }
0x1a8: {  	v28 =	vmax.bf16 v20, v0;
	v10 =	vld [tilespmem:s9+$0xFFFFFF70];
	v9 =	vbroadcast v9, $0xF;
	v24 =	vadd.bf16 v16, v24  }
0x1a9: {  	s10 =	simm.s32 $0x5;
	v18 =	vmul.bf16 v18, v6;
	v14 =	vld [tilespmem:s9+$0xFFFFFF30];
	v19 =	vadd.bf16 v22, v19;
	v23 =	vadd.bf16 v23, v27  }
0x1aa: {  	v8 =	vmov s10;
	v16 =	vmax.bf16 v17, v0;
	v17 =	vld [tilespmem:s9+$0xFFFFFF50];
	v21 =	vadd.bf16 v21, v25  }
0x1ab: {  	v22, _, _ =	vpop (xrf2);
	v24 =	vadd.bf16 v18, v24;
	v27 =	vmax.bf16 v19, v0;
	v18 =	vld [tilespmem:s8+$0xFFFFFF10];
	v23 =	vmax.bf16 v23, v0  }
0x1ac: {  	v15 =	vbroadcast v22, $0xF;
	v19 =	vld [tilespmem:s9+$0xFFFFFF20];
	v31 =	vmul.bf16 v23, v4;
	v21 =	vmax.bf16 v21, v0;
	v22, _, _ =	vpop (xrf2)  }
0x1ad: {  	s30 =	simm.s32 $0x7;
	v23 =	vld [tilespmem:s9+$0xFFFFFF10];
	v25 =	vunpack.i.u.bf16.f32 v24;
	v24 =	vunpack.i.l.bf16.f32 v24;
	v30 =	vbroadcast v22, $0xF  }
0x1ae: {  	v12 =	vmov s30;
	v25 =	vadd.f32 v24, v25;
	v32 =	vmul.bf16 v21, v3;
	v22 =	vld [tilespmem:s8+$0xFFFFFF20]  }
0x1af: {  	v11 =	vmax.bf16 v11, v0;
	v27 =	vmul.bf16 v27, v5;
	v24 =	vld [tilespmem:s8+$0xFFFFFF50];
	v21, _, _ =	vpop (xrf2);
	v13 =	vsel vm3, v30, v13  }
0x1b0: {  	s23 =	simm.s32 $0x8;
	s10 =	simm.s32 $0x4;
	(xrf2) =	vadd.scan.msk.f32 $0xffff, v25;
	v25 =	vld [tilespmem:s8+$0xFFFFFF30];
	v20 =	vbroadcast v21, $0xF;
	v21 =	vmax.bf16 v26, v0;
	v26 =	vadd.bf16 v31, v32  }
.LBB2_12:
0x1b1: {  	v29 =	vld [tilespmem:s8+$0xFFFFFF70];
	s8 =	sadd.s32 $0x100, s8  }
0x1b2: {  	v28 =	vmul.bf16 v28, v6;
	s9 =	sadd.s32 $0x100, s9;
	v13 =	vsel vm2, v20, v13;
	vm2 =	veq.s32 v7, v1;
	v7 =	vmovc v12;
	s14 =	smov.u32 s23;
	s13 =	sadd.s32 $0x4, s23  }
0x1b3: {  	p1 =	slt.u32 s23, $0xC;
	v12 =	vld [tilespmem:s8+$0xFFFFFFC0];
	v19 =	vadd.bf16 v19, v22;
	v20 =	vadd.bf16 v27, v26;
	v13 =	vsel vm1, v15, v13  }
0x1b4: {  	v16 =	vmul.bf16 v16, v6;
	v15 =	vld [tilespmem:s9+$0xFFFFFFC0];
	v18 =	vadd.bf16 v23, v18;
	v13 =	vsel vm2, v9, v13  }
0x1b5: {  	v9 =	vld [tilespmem:s8+$0x0];
	v19 =	vmax.bf16 v19, v0;
	v17 =	vadd.bf16 v17, v24;
	v20 =	vadd.bf16 v28, v20  }
0x1b6: {  	v22 =	vld [tilespmem:s9+$0x0];
	v18 =	vmax.bf16 v18, v0;
	v19 =	vmul.bf16 v19, v4;
	v14 =	vadd.bf16 v14, v25  }
0x1b7: {  	v23 =	vld [tilespmem:s9+$0xFFFFFFF0];
	v18 =	vmul.bf16 v18, v3;
	v17 =	vmax.bf16 v17, v0;
	v10 =	vadd.bf16 v10, v29  }
0x1b8: {  	v21 =	vmul.bf16 v21, v4;
	v24 =	vld [tilespmem:s8+$0xFFFFFFF0];
	v14 =	vmax.bf16 v14, v0;
	v17 =	vmul.bf16 v17, v3  }
0x1b9: {  	v25 =	vld [tilespmem:s9+$0xFFFFFFE0];
	v18 =	vadd.bf16 v19, v18;
	v14 =	vmul.bf16 v14, v5;
	v10 =	vmax.bf16 v10, v0  }
0x1ba: {  	v19 =	vld [tilespmem:s8+$0xFFFFFFE0];
	v17 =	vadd.bf16 v21, v17;
	v10 =	vmul.bf16 v10, v5;
	v21 =	vunpack.i.u.bf16.f32 v20;
	v26, _, _ =	vpop (xrf2)  }
0x1bb: {  	v27 =	vld [tilespmem:s9+$0xFFFFFFD0];
	v9 =	vadd.bf16 v22, v9;
	v14 =	vadd.bf16 v14, v18;
	v18 =	vunpack.i.l.bf16.f32 v20  }
0x1bc: {  	v11 =	vmul.bf16 v11, v6;
	v20 =	vld [tilespmem:s8+$0xFFFFFFD0];
	v10 =	vadd.bf16 v10, v17;
	v17 =	vadd.f32 v18, v21  }
0x1bd: {  	v18 =	vld [tilespmem:s9+$0xFFFFFF80];
	v21 =	vadd.bf16 v23, v24;
	v22 =	vmax.bf16 v9, v0;
	v14 =	vadd.bf16 v16, v14  }
0x1be: {  	v28 =	vadd.bf16 v15, v12;
	v9 =	vbroadcast v26, $0xF;
	v16 =	vld [tilespmem:s8+$0xFFFFFF80];
	v10 =	vadd.bf16 v11, v10;
	(xrf2) =	vadd.scan.msk.f32 $0xffff, v17  }
0x1bf: {  	v11 =	vld [tilespmem:s9+$0xFFFFFF40];
	v12 =	vadd.bf16 v25, v19;
	v15 =	vunpack.i.u.bf16.f32 v14;
	v14 =	vunpack.i.l.bf16.f32 v14  }
0x1c0: {  	v17 =	vld [tilespmem:s8+$0xFFFFFF40];
	v14 =	vadd.f32 v14, v15;
	v15 =	vunpack.i.u.bf16.f32 v10;
	v10 =	vunpack.i.l.bf16.f32 v10  }
0x1c1: {  	s23 =	sadd.s32 $0x1, s14;
	s30 =	sadd.s32 $0x2, s14;
	v19 =	vld [tilespmem:s8+$0xFFFFFFB0];
	v20 =	vadd.bf16 v27, v20;
	v12 =	vmax.bf16 v12, v0;
	v15 =	vadd.f32 v10, v15  }
0x1c2: {  	v23 =	vmov s23;
	v24 =	vmov s30;
	v21 =	vmax.bf16 v21, v0;
	v10 =	vld [tilespmem:s9+$0xFFFFFF70];
	(xrf2) =	vadd.scan.msk.f32 $0xffff, v14  }
0x1c3: {  	s23 =	sadd.s32 $0x3, s14;
	vm2 =	veq.s32 v24, v1;
	v14 =	vadd.bf16 v18, v16;
	v18 =	vld [tilespmem:s9+$0xFFFFFFB0];
	v16 =	vmax.bf16 v20, v0  }
0x1c4: {  	v24 =	vmul.bf16 v12, v4;
	v12 =	vmov s23;
	v20 =	vld [tilespmem:s9+$0xFFFFFFA0];
	v16 =	vmul.bf16 v16, v3  }
0x1c5: {  	vm1 =	vmmov vm0;
	v17 =	vadd.bf16 v11, v17;
	v11 =	vmax.bf16 v14, v0;
	v25 =	vld [tilespmem:s8+$0xFFFFFFA0];
	(xrf2) =	vadd.scan.msk.f32 $0xffff, v15  }
0x1c6: {  	vm0 =	vmmov vm2;
	v21 =	vmul.bf16 v21, v5;
	v26 =	vld [tilespmem:s9+$0xFFFFFF90];
	v15 =	vadd.bf16 v24, v16  }
0x1c7: {  	v16 =	vmax.bf16 v17, v0;
	v24 =	vld [tilespmem:s8+$0xFFFFFF90]  }
0x1c8: {  	v14 =	vld [tilespmem:s9+$0xFFFFFF30];
	v17 =	vadd.bf16 v18, v19;
	v15 =	vadd.bf16 v21, v15;
	v18 =	vmul.bf16 v22, v6;
	v19, _, _ =	vpop (xrf2)  }
0x1c9: {  	v21 =	vld [tilespmem:s9+$0xFFFFFF60]  }
0x1ca: {  	v27 =	vld [tilespmem:s8+$0xFFFFFF60];
	v20 =	vadd.bf16 v20, v25;
	v29 =	vmax.bf16 v17, v0;
	v22 =	vadd.bf16 v18, v15  }
0x1cb: {  	vm2 =	veq.s32 v8, v1;
	v8 =	vmov v23;
	v15 =	vbroadcast v19, $0xF;
	v17 =	vld [tilespmem:s9+$0xFFFFFF50]  }
0x1cc: {  	v18 =	vld [tilespmem:s8+$0xFFFFFF10];
	v23 =	vadd.bf16 v26, v24;
	v20 =	vmax.bf16 v20, v0;
	v24 =	vunpack.i.u.bf16.f32 v22;
	v25, _, _ =	vpop (xrf2)  }
.Ltmp4:
0x1cd: {  	v30 =	vmov s10;
	s10 =	smov.u32 s14;
	v26 =	vunpack.i.l.bf16.f32 v22;
	v19 =	vld [tilespmem:s9+$0xFFFFFF20];
	v25 =	vbroadcast v25, $0xF;
	(pc) =	sbr.rel @p1 .LBB2_12-.Ltmp4, $4  }
0x1ce: {  	v32 =	vmul.bf16 v20, v4;
	v20 =	vadd.f32 v26, v24;
	v22 =	vld [tilespmem:s8+$0xFFFFFF20];
	v31 =	vmax.bf16 v23, v0  }
0x1cf: {  	vm3 =	veq.s32 v30, v1;
	v23 =	vld [tilespmem:s9+$0xFFFFFF10];
	v21 =	vadd.bf16 v21, v27;
	v26 =	vmul.bf16 v31, v3;
	v27, _, _ =	vpop (xrf2)  }
0x1d0: {  	v28 =	vmax.bf16 v28, v0;
	v13 =	vsel vm3, v25, v13;
	v24 =	vld [tilespmem:s8+$0xFFFFFF50];
	(xrf2) =	vadd.scan.msk.f32 $0xffff, v20;
	v20 =	vbroadcast v27, $0xF  }
0x1d1: {  	s23 =	smov.u32 s13;
	v27 =	vmul.bf16 v29, v5;
	v25 =	vld [tilespmem:s8+$0xFFFFFF30];
	v21 =	vmax.bf16 v21, v0;
	v26 =	vadd.bf16 v32, v26  }
0x1d2: {  	v29 =	vld [tilespmem:s8+$0xFFFFFF70]  }
0x1d3: {  	v19 =	vadd.bf16 v19, v22  }
0x1d4: {  	v18 =	vadd.bf16 v23, v18  }
0x1d5: {  	v51 =	vmul.bf16 v28, v6;
	v19 =	vmax.bf16 v19, v0;
	v17 =	vadd.bf16 v17, v24  }
0x1d6: {  	v18 =	vmax.bf16 v18, v0;
	v19 =	vmul.bf16 v19, v4;
	v14 =	vadd.bf16 v14, v25  }
0x1d7: {  	v18 =	vmul.bf16 v18, v3;
	v17 =	vmax.bf16 v17, v0;
	v10 =	vadd.bf16 v10, v29  }
0x1d8: {  	v21 =	vmul.bf16 v21, v4;
	v14 =	vmax.bf16 v14, v0;
	v17 =	vmul.bf16 v17, v3  }
0x1d9: {  	v18 =	vadd.bf16 v19, v18;
	v14 =	vmul.bf16 v14, v5;
	v10 =	vmax.bf16 v10, v0  }
0x1da: {  	v52 =	vadd.bf16 v27, v26;
	v17 =	vadd.bf16 v21, v17;
	v10 =	vmul.bf16 v10, v5  }
0x1db: {  	v16 =	vmul.bf16 v16, v6;
	v14 =	vadd.bf16 v14, v18  }
0x1dc: {  	v11 =	vmul.bf16 v11, v6;
	v53 =	vadd.bf16 v51, v52;
	v10 =	vadd.bf16 v10, v17  }
0x1dd: {  	v14 =	vadd.bf16 v16, v14  }
0x1de: {  	v54 =	vunpack.i.u.bf16.f32 v53;
	v55 =	vunpack.i.l.bf16.f32 v53;
	v10 =	vadd.bf16 v11, v10  }
0x1df: {  	v56 =	vadd.f32 v55, v54;
	v57 =	vunpack.i.u.bf16.f32 v14;
	v14 =	vunpack.i.l.bf16.f32 v14  }
0x1e0: {  	v14 =	vadd.f32 v14, v57;
	v58 =	vunpack.i.u.bf16.f32 v10;
	v10 =	vunpack.i.l.bf16.f32 v10  }
0x1e1: {  	(xrf2) =	vadd.scan.msk.f32 $0xffff, v56;
	v10 =	vadd.f32 v10, v58  }
0x1e2: {  	(xrf2) =	vadd.scan.msk.f32 $0xffff, v14  }
0x1e3: {  	(xrf2) =	vadd.scan.msk.f32 $0xffff, v10;
	_ =	sdelay $0x6  }
0x1e4: {  	v59, _, _ =	vpop (xrf2)  }
0x1e5: {  	v11, _, _ =	vpop (xrf2)  }
0x1e6: {  	v13 =	vsel vm2, v20, v13;
	vm12 =	veq.s32 v7, v1;
	v7, _, _ =	vpop (xrf2)  }
0x1e7: {  	v60 =	vmov s10;
	v13 =	vsel vm1, v15, v13;
	v7 =	vbroadcast v7, $0xF;
	v61, _, _ =	vpop (xrf2)  }
0x1e8: {  	vm13 =	veq.s32 v60, v1;
	v9 =	vsel vm12, v9, v13;
	v62 =	vbroadcast v61, $0xF  }
0x1e9: {  	vm14 =	veq.s32 v8, v1;
	v8 =	vbroadcast v11, $0xF;
	v7 =	vsel vm13, v7, v9  }
0x1ea: {  	vm0 =	vmmov vm0;
	v63 =	vbroadcast v59, $0xF;
	v7 =	vsel vm14, v62, v7  }
0x1eb: {  	vm15 =	veq.s32 v12, v1;
	v7 =	vsel vm0, v8, v7  }
0x1ec: {  	v7 =	vsel vm15, v63, v7  }
0x1ed: {  	v7 =	vadd.f32 v7, v2;
	_ =	sdelay $0x1  }
0x1ee: {  	v7 =	vsub.f32 $0.0e+00, v7;
	_ =	sdelay $0x1  }
0x1ef: {  	v7 =	vmul.f32 $1.442695020e+00, v7;
	_ =	sdelay $0x1  }
0x1f0: {  	(erf) = vpow2.f32 v7;
	_ =	sdelay $0x8  }
0x1f1: {  	v7 =	vpop (erf)  }
0x1f2: {  	v7 =	vadd.f32 $1.000000000e+00, v7;
	_ =	sdelay $0x1  }
0x1f3: {  	(erf) = vrcp.f32 v7;
	_ =	sdelay $0x3  }
0x1f4: {  	s30 =	sshll.u32 s7, $0x4;
	s7 =	sadd.s32 $0x1, s7  }
0x1f5: {  	p1 =	sne.s32 s7, $0x5  }
.Ltmp5:
0x1f6: {  	_ = 	snop;
	(pc) =	sbr.rel @p1 .LBB2_11-.Ltmp5, $3  }
0x1f7: {  	_ =	sdelay $0x1  }
0x1f8: {  	s8 =	sand.u32 $0x3FFFFFF0, s30;
	v7 =	vpop (erf)  }
0x1f9: {  	s29 =	sadd.s32 $0x400, s29;
	s16 =	sadd.s32 $0x400, s16;
	[tilespmem:s8+$0xEE20] =	vst v7  }
0x1fa: {  	s7 =	sadd.s32 s26, s12  }
0x1fb: {  	s7 =	sshrl.u32 s7, $0x3  }
0x1fc: {  	s7 =	sadd.s32 s2, s7  }
0x1fd: {  	[hbm4b:s7+s3] =	stream.linear.scatter [tilespmem:s0], [sflag:$0x5], $0x50, $0x38;
	[tilespmem:$0xEEC0] =	vst v63  }
0x1fe: {  	_ =	swait.ge [sflag:s15], $0x50  }
0x1ff: {  	s8 =	simm.s32 @!p0 $0x50;
	[sflag:s15] =	ssyncset.done $0x0  }
0x200: {  	s9 =	simm.s32 @!p0 $0x7620;
	s7 =	sadd.s32 @!p0 $0x1E0, s26;
	[sflag:s15] =	ssyncadd.s32 $0xFFFFFFB0  }
0x201: {  	[tilespmem:s9], [sflag:$0x3] =	stream.indirect.gather @!p0 [hbm4b:s5+s8], $0x40, s7, s8, $0xb8;
	[tilespmem:$0xEEC0] =	vst v63  }
0x202: {  	s7 =	sadd.s32 @!p0 $0x28F0, s26;
	s9 =	simm.s32 @!p0 $0xC620  }
0x203: {  	[tilespmem:s9], [sflag:$0x3] =	stream.indirect.gather @!p0 [hbm4b:s6+s8], $0x40, s7, s8, $0xb8;
	[tilespmem:$0xEEC0] =	vst v63  }
0x204: {  	_ =	swait.ge [sflag:s22], $0x1400  }
0x205: {  	[sflag:s22] =	ssyncset.done $0x0  }
0x206: {  	[sflag:s22] =	ssyncadd.s32 $0xFFFFEC00  }
0x207: {  	_ =	swait.ge [sflag:s22], $0x1400  }
0x208: {  	s28 =	simm.s32 $0x8B10;
	s16 =	simm.s32 $0xDB10;
	[sflag:s22] =	ssyncset.done $0x0  }
0x209: {  	s26 =	simm.s32 $0x0;
	s7 =	simm.s32 $0x0;
	[sflag:s22] =	ssyncadd.s32 $0xFFFFEC00  }
.LBB2_15:
0x20a: {  	v7 =	vld [tilespmem:s28+$0xFFFFFFC0]  }
0x20b: {  	v8 =	vld [tilespmem:s16+$0xFFFFFFC0]  }
0x20c: {  	v9 =	vld [tilespmem:s28+$0x0]  }
0x20d: {  	v10 =	vld [tilespmem:s16+$0x0]  }
0x20e: {  	v11 =	vld [tilespmem:s16+$0xFFFFFFF0]  }
0x20f: {  	v12 =	vld [tilespmem:s28+$0xFFFFFFF0]  }
0x210: {  	v13 =	vld [tilespmem:s16+$0xFFFFFFE0]  }
0x211: {  	v14 =	vld [tilespmem:s28+$0xFFFFFFE0]  }
0x212: {  	v15 =	vld [tilespmem:s16+$0xFFFFFFD0]  }
0x213: {  	v16 =	vld [tilespmem:s28+$0xFFFFFFD0]  }
0x214: {  	v17 =	vld [tilespmem:s16+$0xFFFFFF80]  }
0x215: {  	v18 =	vld [tilespmem:s28+$0xFFFFFF80]  }
0x216: {  	v19 =	vld [tilespmem:s16+$0xFFFFFF40]  }
0x217: {  	v20 =	vld [tilespmem:s28+$0xFFFFFF40]  }
0x218: {  	v21 =	vld [tilespmem:s28+$0xFFFFFFB0]  }
0x219: {  	v22 =	vld [tilespmem:s16+$0xFFFFFF70]  }
0x21a: {  	v23 =	vld [tilespmem:s16+$0xFFFFFFB0]  }
0x21b: {  	v24 =	vld [tilespmem:s16+$0xFFFFFFA0]  }
0x21c: {  	v25 =	vld [tilespmem:s28+$0xFFFFFFA0]  }
0x21d: {  	v26 =	vld [tilespmem:s16+$0xFFFFFF60];
	s9 =	simm.s32 $0x2  }
0x21e: {  	v27 =	vld [tilespmem:s28+$0xFFFFFF60];
	v28 =	vmov s9  }
0x21f: {  	vm0 =	veq.s32 v28, v1;
	v28 =	vld [tilespmem:s16+$0xFFFFFF20];
	v13 =	vadd.bf16 v13, v14  }
0x220: {  	v14 =	vadd.bf16 v15, v16;
	v16 =	vld [tilespmem:s16+$0xFFFFFF90];
	v9 =	vadd.bf16 v10, v9  }
0x221: {  	v10 =	vld [tilespmem:s28+$0xFFFFFF90];
	v11 =	vadd.bf16 v11, v12;
	v17 =	vadd.bf16 v17, v18  }
0x222: {  	v18 =	vld [tilespmem:s28+$0xFFFFFF10];
	v19 =	vadd.bf16 v19, v20;
	v12 =	vmax.bf16 v13, v0;
	v13 =	vmax.bf16 v14, v0  }
0x223: {  	v20 =	vadd.bf16 v24, v25;
	v24 =	vld [tilespmem:s28+$0xFFFFFF20];
	v15 =	vmul.bf16 v13, v3;
	v12 =	vmul.bf16 v12, v4  }
0x224: {  	v8 =	vadd.bf16 v8, v7;
	v25 =	vld [tilespmem:s28+$0xFFFFFF30];
	v9 =	vmax.bf16 v9, v0;
	v11 =	vmax.bf16 v11, v0  }
0x225: {  	s8 =	simm.s32 $0x1;
	v14 =	vld [tilespmem:s16+$0xFFFFFF30];
	v20 =	vmax.bf16 v20, v0;
	v11 =	vmul.bf16 v11, v5;
	v7 =	vadd.bf16 v12, v15  }
0x226: {  	v9 =	vmul.bf16 v9, v6;
	v12 =	vld [tilespmem:s16+$0xFFFFFF50];
	v15 =	vmov s8;
	v10 =	vadd.bf16 v16, v10  }
0x227: {  	v16 =	vmax.bf16 v19, v0;
	v19 =	vadd.bf16 v23, v21;
	v21 =	vld [tilespmem:s28+$0xFFFFFF50];
	s8 =	sadd.s32 $0x100, s28;
	v11 =	vadd.bf16 v11, v7  }
0x228: {  	v26 =	vadd.bf16 v26, v27;
	v20 =	vmul.bf16 v20, v4;
	v27 =	vld [tilespmem:s8+$0xFFFFFFC0];
	v10 =	vmax.bf16 v10, v0  }
0x229: {  	v24 =	vadd.bf16 v28, v24;
	v10 =	vmul.bf16 v10, v3;
	v9 =	vadd.bf16 v9, v11;
	v11 =	vld [tilespmem:s16+$0xFFFFFF10]  }
0x22a: {  	s9 =	sadd.s32 $0x100, s16;
	v8 =	vmax.bf16 v8, v0;
	v28 =	vld [tilespmem:s8+$0xFFFFFF60]  }
0x22b: {  	v8 =	vmul.bf16 v8, v6;
	v24 =	vmax.bf16 v24, v0;
	v10 =	vadd.bf16 v20, v10;
	v20 =	vld [tilespmem:s9+$0xFFFFFFC0]  }
0x22c: {  	v14 =	vadd.bf16 v14, v25;
	v25 =	vld [tilespmem:s9+$0xFFFFFFF0];
	v23 =	vunpack.i.u.bf16.f32 v9;
	v9 =	vunpack.i.l.bf16.f32 v9  }
0x22d: {  	v19 =	vmax.bf16 v19, v0;
	v24 =	vmul.bf16 v24, v4;
	v9 =	vadd.f32 v9, v23;
	v23 =	vld [tilespmem:s28+$0xFFFFFF70]  }
0x22e: {  	v14 =	vmax.bf16 v14, v0;
	v12 =	vadd.bf16 v12, v21;
	v21 =	vld [tilespmem:s9+$0x0];
	v11 =	vadd.bf16 v11, v18  }
0x22f: {  	s13 =	simm.s32 $0x6;
	v14 =	vmul.bf16 v14, v5;
	v18 =	vmul.bf16 v19, v5;
	v19 =	vld [tilespmem:s8+$0x0];
	(xrf2) =	vadd.scan.msk.f32 $0xffff, v9;
	v9 =	vmax.bf16 v26, v0  }
0x230: {  	v26 =	vmov s13;
	v20 =	vadd.bf16 v20, v27;
	v27 =	vld [tilespmem:s8+$0xFFFFFFA0];
	v11 =	vmax.bf16 v11, v0  }
0x231: {  	vm2 =	veq.s32 v26, v1;
	v26 =	vld [tilespmem:s9+$0xFFFFFF60];
	v10 =	vadd.bf16 v18, v10;
	v11 =	vmul.bf16 v11, v3  }
0x232: {  	v12 =	vmax.bf16 v12, v0;
	v9 =	vmul.bf16 v9, v4;
	v18 =	vld [tilespmem:s8+$0xFFFFFFF0];
	v22 =	vadd.bf16 v22, v23  }
0x233: {  	v23 =	vld [tilespmem:s9+$0xFFFFFFE0];
	v8 =	vadd.bf16 v8, v10;
	v10 =	vmul.bf16 v12, v3;
	v11 =	vadd.bf16 v24, v11  }
0x234: {  	v17 =	vmax.bf16 v17, v0;
	v16 =	vmul.bf16 v16, v6;
	v12 =	vld [tilespmem:s8+$0xFFFFFFE0];
	v22 =	vmax.bf16 v22, v0  }
0x235: {  	v24 =	vld [tilespmem:s9+$0xFFFFFFD0];
	v9 =	vadd.bf16 v9, v10;
	v10 =	vmul.bf16 v22, v5;
	v11 =	vadd.bf16 v14, v11  }
0x236: {  	v19 =	vadd.bf16 v21, v19;
	v22 =	vld [tilespmem:s8+$0xFFFFFFD0];
	v14 =	vunpack.i.u.bf16.f32 v8;
	v8 =	vunpack.i.l.bf16.f32 v8  }
0x237: {  	v21 =	vld [tilespmem:s9+$0xFFFFFF80];
	v9 =	vadd.bf16 v10, v9;
	v10 =	vmul.bf16 v17, v6;
	v11 =	vadd.bf16 v16, v11  }
0x238: {  	v29 =	vmov s26;
	v8 =	vadd.f32 v8, v14;
	v17 =	vld [tilespmem:s9+$0xFFFFFF40];
	v16 =	vadd.bf16 v25, v18  }
0x239: {  	v25 =	vld [tilespmem:s8+$0xFFFFFF40];
	v10 =	vadd.bf16 v10, v9;
	v18 =	vunpack.i.u.bf16.f32 v11;
	v11 =	vunpack.i.l.bf16.f32 v11  }
0x23a: {  	v14 =	vld [tilespmem:s8+$0xFFFFFF80];
	(xrf2) =	vadd.scan.msk.f32 $0xffff, v8;
	v8 =	vadd.f32 v11, v18;
	v18 =	vmax.bf16 v19, v0;
	v11 =	vadd.bf16 v23, v12  }
0x23b: {  	v19 =	vld [tilespmem:s8+$0xFFFFFFB0];
	v12 =	vadd.bf16 v24, v22;
	v22 =	vunpack.i.u.bf16.f32 v10;
	v23 =	vunpack.i.l.bf16.f32 v10  }
0x23c: {  	vm0 =	vmmov vm0;
	v9, _, _ =	vpop (xrf2);
	(xrf2) =	vadd.scan.msk.f32 $0xffff, v8;
	v8 =	vmax.bf16 v11, v0;
	v11 =	vadd.f32 v23, v22;
	v22 =	vld [tilespmem:s9+$0xFFFFFFB0]  }
0x23d: {  	vm3 =	veq.s32 v29, v1;
	vm1 =	vmmov vm0;
	v12 =	vmax.bf16 v12, v0;
	v23 =	vld [tilespmem:s9+$0xFFFFFFA0]  }
0x23e: {  	v17 =	vadd.bf16 v17, v25;
	v25 =	vld [tilespmem:s8+$0xFFFFFF90];
	v12 =	vmul.bf16 v12, v3;
	v24 =	vmul.bf16 v8, v4  }
0x23f: {  	s29 =	simm.s32 $0x3;
	v13 =	vimm.f32 $0.0e+00;
	v16 =	vmax.bf16 v16, v0;
	(xrf2) =	vadd.scan.msk.f32 $0xffff, v11;
	v11 =	vadd.bf16 v21, v14;
	v21 =	vld [tilespmem:s9+$0xFFFFFF90]  }
0x240: {  	v7 =	vmov s29;
	v16 =	vmul.bf16 v16, v5;
	v24 =	vadd.bf16 v24, v12  }
0x241: {  	vm0 =	vmmov vm2;
	vm2 =	veq.s32 v15, v1;
	v26 =	vadd.bf16 v26, v28  }
0x242: {  	v28 =	vmax.bf16 v20, v0;
	v10 =	vld [tilespmem:s9+$0xFFFFFF70];
	v9 =	vbroadcast v9, $0xF;
	v24 =	vadd.bf16 v16, v24  }
0x243: {  	s10 =	simm.s32 $0x5;
	v18 =	vmul.bf16 v18, v6;
	v14 =	vld [tilespmem:s9+$0xFFFFFF30];
	v19 =	vadd.bf16 v22, v19;
	v23 =	vadd.bf16 v23, v27  }
0x244: {  	v8 =	vmov s10;
	v16 =	vmax.bf16 v17, v0;
	v17 =	vld [tilespmem:s9+$0xFFFFFF50];
	v21 =	vadd.bf16 v21, v25  }
0x245: {  	v22, _, _ =	vpop (xrf2);
	v24 =	vadd.bf16 v18, v24;
	v27 =	vmax.bf16 v19, v0;
	v18 =	vld [tilespmem:s8+$0xFFFFFF10];
	v23 =	vmax.bf16 v23, v0  }
0x246: {  	v15 =	vbroadcast v22, $0xF;
	v19 =	vld [tilespmem:s9+$0xFFFFFF20];
	v31 =	vmul.bf16 v23, v4;
	v21 =	vmax.bf16 v21, v0;
	v22, _, _ =	vpop (xrf2)  }
0x247: {  	s30 =	simm.s32 $0x7;
	v23 =	vld [tilespmem:s9+$0xFFFFFF10];
	v25 =	vunpack.i.u.bf16.f32 v24;
	v24 =	vunpack.i.l.bf16.f32 v24;
	v30 =	vbroadcast v22, $0xF  }
0x248: {  	v12 =	vmov s30;
	v25 =	vadd.f32 v24, v25;
	v32 =	vmul.bf16 v21, v3;
	v22 =	vld [tilespmem:s8+$0xFFFFFF20]  }
0x249: {  	v11 =	vmax.bf16 v11, v0;
	v27 =	vmul.bf16 v27, v5;
	v24 =	vld [tilespmem:s8+$0xFFFFFF50];
	v21, _, _ =	vpop (xrf2);
	v13 =	vsel vm3, v30, v13  }
0x24a: {  	s23 =	simm.s32 $0x8;
	s10 =	simm.s32 $0x4;
	(xrf2) =	vadd.scan.msk.f32 $0xffff, v25;
	v25 =	vld [tilespmem:s8+$0xFFFFFF30];
	v20 =	vbroadcast v21, $0xF;
	v21 =	vmax.bf16 v26, v0;
	v26 =	vadd.bf16 v31, v32  }
.LBB2_16:
0x24b: {  	v29 =	vld [tilespmem:s8+$0xFFFFFF70];
	s8 =	sadd.s32 $0x100, s8  }
0x24c: {  	v28 =	vmul.bf16 v28, v6;
	s9 =	sadd.s32 $0x100, s9;
	v13 =	vsel vm2, v20, v13;
	vm2 =	veq.s32 v7, v1;
	v7 =	vmovc v12;
	s14 =	smov.u32 s23;
	s13 =	sadd.s32 $0x4, s23  }
0x24d: {  	p0 =	slt.u32 s23, $0xC;
	v12 =	vld [tilespmem:s8+$0xFFFFFFC0];
	v19 =	vadd.bf16 v19, v22;
	v20 =	vadd.bf16 v27, v26;
	v13 =	vsel vm1, v15, v13  }
0x24e: {  	v16 =	vmul.bf16 v16, v6;
	v15 =	vld [tilespmem:s9+$0xFFFFFFC0];
	v18 =	vadd.bf16 v23, v18;
	v13 =	vsel vm2, v9, v13  }
0x24f: {  	v9 =	vld [tilespmem:s8+$0x0];
	v19 =	vmax.bf16 v19, v0;
	v17 =	vadd.bf16 v17, v24;
	v20 =	vadd.bf16 v28, v20  }
0x250: {  	v22 =	vld [tilespmem:s9+$0x0];
	v18 =	vmax.bf16 v18, v0;
	v19 =	vmul.bf16 v19, v4;
	v14 =	vadd.bf16 v14, v25  }
0x251: {  	v23 =	vld [tilespmem:s9+$0xFFFFFFF0];
	v18 =	vmul.bf16 v18, v3;
	v17 =	vmax.bf16 v17, v0;
	v10 =	vadd.bf16 v10, v29  }
0x252: {  	v21 =	vmul.bf16 v21, v4;
	v24 =	vld [tilespmem:s8+$0xFFFFFFF0];
	v14 =	vmax.bf16 v14, v0;
	v17 =	vmul.bf16 v17, v3  }
0x253: {  	v25 =	vld [tilespmem:s9+$0xFFFFFFE0];
	v18 =	vadd.bf16 v19, v18;
	v14 =	vmul.bf16 v14, v5;
	v10 =	vmax.bf16 v10, v0  }
0x254: {  	v19 =	vld [tilespmem:s8+$0xFFFFFFE0];
	v17 =	vadd.bf16 v21, v17;
	v10 =	vmul.bf16 v10, v5;
	v21 =	vunpack.i.u.bf16.f32 v20;
	v26, _, _ =	vpop (xrf2)  }
0x255: {  	v27 =	vld [tilespmem:s9+$0xFFFFFFD0];
	v9 =	vadd.bf16 v22, v9;
	v14 =	vadd.bf16 v14, v18;
	v18 =	vunpack.i.l.bf16.f32 v20  }
0x256: {  	v11 =	vmul.bf16 v11, v6;
	v20 =	vld [tilespmem:s8+$0xFFFFFFD0];
	v10 =	vadd.bf16 v10, v17;
	v17 =	vadd.f32 v18, v21  }
0x257: {  	v18 =	vld [tilespmem:s9+$0xFFFFFF80];
	v21 =	vadd.bf16 v23, v24;
	v22 =	vmax.bf16 v9, v0;
	v14 =	vadd.bf16 v16, v14  }
0x258: {  	v28 =	vadd.bf16 v15, v12;
	v9 =	vbroadcast v26, $0xF;
	v16 =	vld [tilespmem:s8+$0xFFFFFF80];
	v10 =	vadd.bf16 v11, v10;
	(xrf2) =	vadd.scan.msk.f32 $0xffff, v17  }
0x259: {  	v11 =	vld [tilespmem:s9+$0xFFFFFF40];
	v12 =	vadd.bf16 v25, v19;
	v15 =	vunpack.i.u.bf16.f32 v14;
	v14 =	vunpack.i.l.bf16.f32 v14  }
0x25a: {  	v17 =	vld [tilespmem:s8+$0xFFFFFF40];
	v14 =	vadd.f32 v14, v15;
	v15 =	vunpack.i.u.bf16.f32 v10;
	v10 =	vunpack.i.l.bf16.f32 v10  }
0x25b: {  	s23 =	sadd.s32 $0x1, s14;
	s29 =	sadd.s32 $0x2, s14;
	v19 =	vld [tilespmem:s8+$0xFFFFFFB0];
	v20 =	vadd.bf16 v27, v20;
	v12 =	vmax.bf16 v12, v0;
	v15 =	vadd.f32 v10, v15  }
0x25c: {  	v23 =	vmov s23;
	v24 =	vmov s29;
	v21 =	vmax.bf16 v21, v0;
	v10 =	vld [tilespmem:s9+$0xFFFFFF70];
	(xrf2) =	vadd.scan.msk.f32 $0xffff, v14  }
0x25d: {  	s23 =	sadd.s32 $0x3, s14;
	vm2 =	veq.s32 v24, v1;
	v14 =	vadd.bf16 v18, v16;
	v18 =	vld [tilespmem:s9+$0xFFFFFFB0];
	v16 =	vmax.bf16 v20, v0  }
0x25e: {  	v24 =	vmul.bf16 v12, v4;
	v12 =	vmov s23;
	v20 =	vld [tilespmem:s9+$0xFFFFFFA0];
	v16 =	vmul.bf16 v16, v3  }
0x25f: {  	vm1 =	vmmov vm0;
	v17 =	vadd.bf16 v11, v17;
	v11 =	vmax.bf16 v14, v0;
	v25 =	vld [tilespmem:s8+$0xFFFFFFA0];
	(xrf2) =	vadd.scan.msk.f32 $0xffff, v15  }
0x260: {  	vm0 =	vmmov vm2;
	v21 =	vmul.bf16 v21, v5;
	v26 =	vld [tilespmem:s9+$0xFFFFFF90];
	v15 =	vadd.bf16 v24, v16  }
0x261: {  	v16 =	vmax.bf16 v17, v0;
	v24 =	vld [tilespmem:s8+$0xFFFFFF90]  }
0x262: {  	v14 =	vld [tilespmem:s9+$0xFFFFFF30];
	v17 =	vadd.bf16 v18, v19;
	v15 =	vadd.bf16 v21, v15;
	v18 =	vmul.bf16 v22, v6;
	v19, _, _ =	vpop (xrf2)  }
0x263: {  	v21 =	vld [tilespmem:s9+$0xFFFFFF60]  }
0x264: {  	v27 =	vld [tilespmem:s8+$0xFFFFFF60];
	v20 =	vadd.bf16 v20, v25;
	v29 =	vmax.bf16 v17, v0;
	v22 =	vadd.bf16 v18, v15  }
0x265: {  	vm2 =	veq.s32 v8, v1;
	v8 =	vmov v23;
	v15 =	vbroadcast v19, $0xF;
	v17 =	vld [tilespmem:s9+$0xFFFFFF50]  }
0x266: {  	v18 =	vld [tilespmem:s8+$0xFFFFFF10];
	v23 =	vadd.bf16 v26, v24;
	v20 =	vmax.bf16 v20, v0;
	v24 =	vunpack.i.u.bf16.f32 v22;
	v25, _, _ =	vpop (xrf2)  }
.Ltmp6:
0x267: {  	v30 =	vmov s10;
	s10 =	smov.u32 s14;
	v26 =	vunpack.i.l.bf16.f32 v22;
	v19 =	vld [tilespmem:s9+$0xFFFFFF20];
	v25 =	vbroadcast v25, $0xF;
	(pc) =	sbr.rel @p0 .LBB2_16-.Ltmp6, $4  }
0x268: {  	v32 =	vmul.bf16 v20, v4;
	v20 =	vadd.f32 v26, v24;
	v22 =	vld [tilespmem:s8+$0xFFFFFF20];
	v31 =	vmax.bf16 v23, v0  }
0x269: {  	vm3 =	veq.s32 v30, v1;
	v23 =	vld [tilespmem:s9+$0xFFFFFF10];
	v21 =	vadd.bf16 v21, v27;
	v26 =	vmul.bf16 v31, v3;
	v27, _, _ =	vpop (xrf2)  }
0x26a: {  	v28 =	vmax.bf16 v28, v0;
	v13 =	vsel vm3, v25, v13;
	v24 =	vld [tilespmem:s8+$0xFFFFFF50];
	(xrf2) =	vadd.scan.msk.f32 $0xffff, v20;
	v20 =	vbroadcast v27, $0xF  }
0x26b: {  	s23 =	smov.u32 s13;
	v27 =	vmul.bf16 v29, v5;
	v25 =	vld [tilespmem:s8+$0xFFFFFF30];
	v21 =	vmax.bf16 v21, v0;
	v26 =	vadd.bf16 v32, v26  }
0x26c: {  	v29 =	vld [tilespmem:s8+$0xFFFFFF70]  }
0x26d: {  	v19 =	vadd.bf16 v19, v22  }
0x26e: {  	v18 =	vadd.bf16 v23, v18  }
0x26f: {  	v51 =	vmul.bf16 v28, v6;
	v19 =	vmax.bf16 v19, v0;
	v17 =	vadd.bf16 v17, v24  }
0x270: {  	v18 =	vmax.bf16 v18, v0;
	v19 =	vmul.bf16 v19, v4;
	v14 =	vadd.bf16 v14, v25  }
0x271: {  	v18 =	vmul.bf16 v18, v3;
	v17 =	vmax.bf16 v17, v0;
	v10 =	vadd.bf16 v10, v29  }
0x272: {  	v21 =	vmul.bf16 v21, v4;
	v14 =	vmax.bf16 v14, v0;
	v17 =	vmul.bf16 v17, v3  }
0x273: {  	v18 =	vadd.bf16 v19, v18;
	v14 =	vmul.bf16 v14, v5;
	v10 =	vmax.bf16 v10, v0  }
0x274: {  	v52 =	vadd.bf16 v27, v26;
	v17 =	vadd.bf16 v21, v17;
	v10 =	vmul.bf16 v10, v5  }
0x275: {  	v16 =	vmul.bf16 v16, v6;
	v14 =	vadd.bf16 v14, v18  }
0x276: {  	v11 =	vmul.bf16 v11, v6;
	v53 =	vadd.bf16 v51, v52;
	v10 =	vadd.bf16 v10, v17  }
0x277: {  	v14 =	vadd.bf16 v16, v14  }
0x278: {  	v54 =	vunpack.i.u.bf16.f32 v53;
	v55 =	vunpack.i.l.bf16.f32 v53;
	v10 =	vadd.bf16 v11, v10  }
0x279: {  	v56 =	vadd.f32 v55, v54;
	v57 =	vunpack.i.u.bf16.f32 v14;
	v14 =	vunpack.i.l.bf16.f32 v14  }
0x27a: {  	v14 =	vadd.f32 v14, v57;
	v58 =	vunpack.i.u.bf16.f32 v10;
	v10 =	vunpack.i.l.bf16.f32 v10  }
0x27b: {  	(xrf2) =	vadd.scan.msk.f32 $0xffff, v56;
	v10 =	vadd.f32 v10, v58  }
0x27c: {  	(xrf2) =	vadd.scan.msk.f32 $0xffff, v14  }
0x27d: {  	(xrf2) =	vadd.scan.msk.f32 $0xffff, v10;
	_ =	sdelay $0x6  }
0x27e: {  	v59, _, _ =	vpop (xrf2)  }
0x27f: {  	v11, _, _ =	vpop (xrf2)  }
0x280: {  	v13 =	vsel vm2, v20, v13;
	vm12 =	veq.s32 v7, v1;
	v7, _, _ =	vpop (xrf2)  }
0x281: {  	v60 =	vmov s10;
	v13 =	vsel vm1, v15, v13;
	v7 =	vbroadcast v7, $0xF;
	v61, _, _ =	vpop (xrf2)  }
0x282: {  	vm13 =	veq.s32 v60, v1;
	v9 =	vsel vm12, v9, v13;
	v62 =	vbroadcast v61, $0xF  }
0x283: {  	vm14 =	veq.s32 v8, v1;
	v8 =	vbroadcast v11, $0xF;
	v7 =	vsel vm13, v7, v9  }
0x284: {  	vm0 =	vmmov vm0;
	v63 =	vbroadcast v59, $0xF;
	v7 =	vsel vm14, v62, v7  }
0x285: {  	vm15 =	veq.s32 v12, v1;
	v7 =	vsel vm0, v8, v7  }
0x286: {  	v7 =	vsel vm15, v63, v7  }
0x287: {  	v7 =	vadd.f32 v7, v2;
	_ =	sdelay $0x1  }
0x288: {  	v7 =	vsub.f32 $0.0e+00, v7;
	_ =	sdelay $0x1  }
0x289: {  	v7 =	vmul.f32 $1.442695020e+00, v7;
	_ =	sdelay $0x1  }
0x28a: {  	(erf) = vpow2.f32 v7;
	_ =	sdelay $0x8  }
0x28b: {  	v7 =	vpop (erf)  }
0x28c: {  	v7 =	vadd.f32 $1.000000000e+00, v7;
	_ =	sdelay $0x1  }
0x28d: {  	(erf) = vrcp.f32 v7;
	_ =	sdelay $0x3  }
0x28e: {  	s30 =	sshll.u32 s7, $0x4;
	s7 =	sadd.s32 $0x1, s7  }
0x28f: {  	p0 =	sne.s32 s7, $0x5  }
.Ltmp7:
0x290: {  	_ = 	snop;
	(pc) =	sbr.rel @p0 .LBB2_15-.Ltmp7, $3  }
0x291: {  	_ =	sdelay $0x1  }
0x292: {  	s8 =	sand.u32 $0x3FFFFFF0, s30;
	v7 =	vpop (erf)  }
0x293: {  	s28 =	sadd.s32 $0x400, s28;
	s16 =	sadd.s32 $0x400, s16;
	[tilespmem:s8+$0xEE20] =	vst v7  }
0x294: {  	s7 =	sadd.s32 s4, s25;
	s24 =	sadd.s32 $0x1, s24  }
0x295: {  	s7 =	sshrl.u32 s7, $0x3;
	p0 =	sne.s32 s24, $0x1F  }
.Ltmp8:
0x296: {  	s7 =	sadd.s32 s2, s7;
	(pc) =	sbr.rel @p0 .LBB2_2-.Ltmp8, $4  }
0x297: {  	[hbm4b:s7+s3] =	stream.linear.scatter [tilespmem:s0], [sflag:$0x5], $0x50, $0x38;
	[tilespmem:$0xEEC0] =	vst v63  }
0x298: {  	_ =	swait.ge [sflag:s15], $0x50  }
0x299: {  	[sflag:s15] =	ssyncset.done $0x0  }
0x29a: {  	[sflag:s15] =	ssyncadd.s32 $0xFFFFFFB0  }
0x29b: {  	_ =	swait.ge [sflag:s1], $0x1400  }
0x29c: {  	[sflag:s1] =	ssyncset.done $0x0  }
0x29d: {  	[sflag:s1] =	ssyncadd.s32 $0xFFFFEC00  }
0x29e: {  	_ =	swait.ge [sflag:s1], $0x1400  }
0x29f: {  	s24 =	simm.s32 $0x0;
	s25 =	simm.s32 $0x9EA0;
	[sflag:s1] =	ssyncset.done $0x0  }
0x2a0: {  	s16 =	simm.s32 $0x4EA0;
	s7 =	simm.s32 $0x0;
	[sflag:s1] =	ssyncadd.s32 $0xFFFFEC00  }
.LBB2_20:
0x2a1: {  	v7 =	vld [tilespmem:s16+$0x30]  }
0x2a2: {  	v8 =	vld [tilespmem:s25+$0x30]  }
0x2a3: {  	v9 =	vld [tilespmem:s16+$0x70]  }
0x2a4: {  	v10 =	vld [tilespmem:s25+$0x70]  }
0x2a5: {  	v11 =	vld [tilespmem:s25+$0x60]  }
0x2a6: {  	v12 =	vld [tilespmem:s16+$0x60]  }
0x2a7: {  	v13 =	vld [tilespmem:s25+$0x50]  }
0x2a8: {  	v14 =	vld [tilespmem:s16+$0x50]  }
0x2a9: {  	v15 =	vld [tilespmem:s25+$0x40]  }
0x2aa: {  	v16 =	vld [tilespmem:s16+$0x40]  }
0x2ab: {  	v17 =	vld [tilespmem:s25+$0xFFFFFFF0]  }
0x2ac: {  	v18 =	vld [tilespmem:s16+$0xFFFFFFF0]  }
0x2ad: {  	v19 =	vld [tilespmem:s25+$0xFFFFFFB0]  }
0x2ae: {  	v20 =	vld [tilespmem:s16+$0xFFFFFFB0]  }
0x2af: {  	v21 =	vld [tilespmem:s16+$0x20]  }
0x2b0: {  	v22 =	vld [tilespmem:s25+$0xFFFFFFE0]  }
0x2b1: {  	v23 =	vld [tilespmem:s25+$0x20]  }
0x2b2: {  	v24 =	vld [tilespmem:s25+$0x10]  }
0x2b3: {  	v25 =	vld [tilespmem:s16+$0x10]  }
0x2b4: {  	v26 =	vld [tilespmem:s25+$0xFFFFFFD0];
	s9 =	simm.s32 $0x2  }
0x2b5: {  	v27 =	vld [tilespmem:s16+$0xFFFFFFD0];
	v28 =	vmov s9  }
0x2b6: {  	vm0 =	veq.s32 v28, v1;
	v28 =	vld [tilespmem:s25+$0xFFFFFF90];
	v13 =	vadd.bf16 v13, v14  }
0x2b7: {  	v14 =	vadd.bf16 v15, v16;
	v16 =	vld [tilespmem:s25+$0x0];
	v9 =	vadd.bf16 v10, v9  }
0x2b8: {  	v10 =	vld [tilespmem:s16+$0x0];
	v11 =	vadd.bf16 v11, v12;
	v17 =	vadd.bf16 v17, v18  }
0x2b9: {  	v18 =	vld [tilespmem:s16+$0xFFFFFF80];
	v19 =	vadd.bf16 v19, v20;
	v12 =	vmax.bf16 v13, v0;
	v13 =	vmax.bf16 v14, v0  }
0x2ba: {  	v20 =	vadd.bf16 v24, v25;
	v24 =	vld [tilespmem:s16+$0xFFFFFF90];
	v15 =	vmul.bf16 v13, v3;
	v12 =	vmul.bf16 v12, v4  }
0x2bb: {  	v8 =	vadd.bf16 v8, v7;
	v25 =	vld [tilespmem:s16+$0xFFFFFFA0];
	v9 =	vmax.bf16 v9, v0;
	v11 =	vmax.bf16 v11, v0  }
0x2bc: {  	s8 =	simm.s32 $0x1;
	v14 =	vld [tilespmem:s25+$0xFFFFFFA0];
	v20 =	vmax.bf16 v20, v0;
	v11 =	vmul.bf16 v11, v5;
	v7 =	vadd.bf16 v12, v15  }
0x2bd: {  	v9 =	vmul.bf16 v9, v6;
	v12 =	vld [tilespmem:s25+$0xFFFFFFC0];
	v15 =	vmov s8;
	v10 =	vadd.bf16 v16, v10  }
0x2be: {  	v16 =	vmax.bf16 v19, v0;
	v19 =	vadd.bf16 v23, v21;
	v21 =	vld [tilespmem:s16+$0xFFFFFFC0];
	s8 =	sadd.s32 $0x100, s16;
	v11 =	vadd.bf16 v11, v7  }
0x2bf: {  	v26 =	vadd.bf16 v26, v27;
	v20 =	vmul.bf16 v20, v4;
	v27 =	vld [tilespmem:s8+$0x30];
	v10 =	vmax.bf16 v10, v0  }
0x2c0: {  	v24 =	vadd.bf16 v28, v24;
	v10 =	vmul.bf16 v10, v3;
	v9 =	vadd.bf16 v9, v11;
	v11 =	vld [tilespmem:s25+$0xFFFFFF80]  }
0x2c1: {  	s9 =	sadd.s32 $0x100, s25;
	v8 =	vmax.bf16 v8, v0;
	v28 =	vld [tilespmem:s8+$0xFFFFFFD0]  }
0x2c2: {  	v8 =	vmul.bf16 v8, v6;
	v24 =	vmax.bf16 v24, v0;
	v10 =	vadd.bf16 v20, v10;
	v20 =	vld [tilespmem:s9+$0x30]  }
0x2c3: {  	v14 =	vadd.bf16 v14, v25;
	v25 =	vld [tilespmem:s9+$0x60];
	v23 =	vunpack.i.u.bf16.f32 v9;
	v9 =	vunpack.i.l.bf16.f32 v9  }
0x2c4: {  	v19 =	vmax.bf16 v19, v0;
	v24 =	vmul.bf16 v24, v4;
	v9 =	vadd.f32 v9, v23;
	v23 =	vld [tilespmem:s16+$0xFFFFFFE0]  }
0x2c5: {  	v14 =	vmax.bf16 v14, v0;
	v12 =	vadd.bf16 v12, v21;
	v21 =	vld [tilespmem:s9+$0x70];
	v11 =	vadd.bf16 v11, v18  }
0x2c6: {  	s13 =	simm.s32 $0x6;
	v14 =	vmul.bf16 v14, v5;
	v18 =	vmul.bf16 v19, v5;
	v19 =	vld [tilespmem:s8+$0x70];
	(xrf2) =	vadd.scan.msk.f32 $0xffff, v9;
	v9 =	vmax.bf16 v26, v0  }
0x2c7: {  	v26 =	vmov s13;
	v20 =	vadd.bf16 v20, v27;
	v27 =	vld [tilespmem:s8+$0x10];
	v11 =	vmax.bf16 v11, v0  }
0x2c8: {  	vm2 =	veq.s32 v26, v1;
	v26 =	vld [tilespmem:s9+$0xFFFFFFD0];
	v10 =	vadd.bf16 v18, v10;
	v11 =	vmul.bf16 v11, v3  }
0x2c9: {  	v12 =	vmax.bf16 v12, v0;
	v9 =	vmul.bf16 v9, v4;
	v18 =	vld [tilespmem:s8+$0x60];
	v22 =	vadd.bf16 v22, v23  }
0x2ca: {  	v23 =	vld [tilespmem:s9+$0x50];
	v8 =	vadd.bf16 v8, v10;
	v10 =	vmul.bf16 v12, v3;
	v11 =	vadd.bf16 v24, v11  }
0x2cb: {  	v17 =	vmax.bf16 v17, v0;
	v16 =	vmul.bf16 v16, v6;
	v12 =	vld [tilespmem:s8+$0x50];
	v22 =	vmax.bf16 v22, v0  }
0x2cc: {  	v24 =	vld [tilespmem:s9+$0x40];
	v9 =	vadd.bf16 v9, v10;
	v10 =	vmul.bf16 v22, v5;
	v11 =	vadd.bf16 v14, v11  }
0x2cd: {  	v19 =	vadd.bf16 v21, v19;
	v22 =	vld [tilespmem:s8+$0x40];
	v14 =	vunpack.i.u.bf16.f32 v8;
	v8 =	vunpack.i.l.bf16.f32 v8  }
0x2ce: {  	v21 =	vld [tilespmem:s9+$0xFFFFFFF0];
	v9 =	vadd.bf16 v10, v9;
	v10 =	vmul.bf16 v17, v6;
	v11 =	vadd.bf16 v16, v11  }
0x2cf: {  	v29 =	vmov s24;
	v8 =	vadd.f32 v8, v14;
	v17 =	vld [tilespmem:s9+$0xFFFFFFB0];
	v16 =	vadd.bf16 v25, v18  }
0x2d0: {  	v25 =	vld [tilespmem:s8+$0xFFFFFFB0];
	v10 =	vadd.bf16 v10, v9;
	v18 =	vunpack.i.u.bf16.f32 v11;
	v11 =	vunpack.i.l.bf16.f32 v11  }
0x2d1: {  	v14 =	vld [tilespmem:s8+$0xFFFFFFF0];
	(xrf2) =	vadd.scan.msk.f32 $0xffff, v8;
	v8 =	vadd.f32 v11, v18;
	v18 =	vmax.bf16 v19, v0;
	v11 =	vadd.bf16 v23, v12  }
0x2d2: {  	v19 =	vld [tilespmem:s8+$0x20];
	v12 =	vadd.bf16 v24, v22;
	v22 =	vunpack.i.u.bf16.f32 v10;
	v23 =	vunpack.i.l.bf16.f32 v10  }
0x2d3: {  	vm0 =	vmmov vm0;
	v9, _, _ =	vpop (xrf2);
	(xrf2) =	vadd.scan.msk.f32 $0xffff, v8;
	v8 =	vmax.bf16 v11, v0;
	v11 =	vadd.f32 v23, v22;
	v22 =	vld [tilespmem:s9+$0x20]  }
0x2d4: {  	vm3 =	veq.s32 v29, v1;
	vm1 =	vmmov vm0;
	v12 =	vmax.bf16 v12, v0;
	v23 =	vld [tilespmem:s9+$0x10]  }
0x2d5: {  	v17 =	vadd.bf16 v17, v25;
	v25 =	vld [tilespmem:s8+$0x0];
	v12 =	vmul.bf16 v12, v3;
	v24 =	vmul.bf16 v8, v4  }
0x2d6: {  	s29 =	simm.s32 $0x3;
	v13 =	vimm.f32 $0.0e+00;
	v16 =	vmax.bf16 v16, v0;
	(xrf2) =	vadd.scan.msk.f32 $0xffff, v11;
	v11 =	vadd.bf16 v21, v14;
	v21 =	vld [tilespmem:s9+$0x0]  }
0x2d7: {  	v7 =	vmov s29;
	v16 =	vmul.bf16 v16, v5;
	v24 =	vadd.bf16 v24, v12  }
0x2d8: {  	vm0 =	vmmov vm2;
	vm2 =	veq.s32 v15, v1;
	v26 =	vadd.bf16 v26, v28  }
0x2d9: {  	v28 =	vmax.bf16 v20, v0;
	v10 =	vld [tilespmem:s9+$0xFFFFFFE0];
	v9 =	vbroadcast v9, $0xF;
	v24 =	vadd.bf16 v16, v24  }
0x2da: {  	s10 =	simm.s32 $0x5;
	v18 =	vmul.bf16 v18, v6;
	v14 =	vld [tilespmem:s9+$0xFFFFFFA0];
	v19 =	vadd.bf16 v22, v19;
	v23 =	vadd.bf16 v23, v27  }
0x2db: {  	v8 =	vmov s10;
	v16 =	vmax.bf16 v17, v0;
	v17 =	vld [tilespmem:s9+$0xFFFFFFC0];
	v21 =	vadd.bf16 v21, v25  }
0x2dc: {  	v22, _, _ =	vpop (xrf2);
	v24 =	vadd.bf16 v18, v24;
	v27 =	vmax.bf16 v19, v0;
	v18 =	vld [tilespmem:s8+$0xFFFFFF80];
	v23 =	vmax.bf16 v23, v0  }
0x2dd: {  	v15 =	vbroadcast v22, $0xF;
	v19 =	vld [tilespmem:s9+$0xFFFFFF90];
	v31 =	vmul.bf16 v23, v4;
	v21 =	vmax.bf16 v21, v0;
	v22, _, _ =	vpop (xrf2)  }
0x2de: {  	s30 =	simm.s32 $0x7;
	v23 =	vld [tilespmem:s9+$0xFFFFFF80];
	v25 =	vunpack.i.u.bf16.f32 v24;
	v24 =	vunpack.i.l.bf16.f32 v24;
	v30 =	vbroadcast v22, $0xF  }
0x2df: {  	v12 =	vmov s30;
	v25 =	vadd.f32 v24, v25;
	v32 =	vmul.bf16 v21, v3;
	v22 =	vld [tilespmem:s8+$0xFFFFFF90]  }
0x2e0: {  	v11 =	vmax.bf16 v11, v0;
	v27 =	vmul.bf16 v27, v5;
	v24 =	vld [tilespmem:s8+$0xFFFFFFC0];
	v21, _, _ =	vpop (xrf2);
	v13 =	vsel vm3, v30, v13  }
0x2e1: {  	s23 =	simm.s32 $0x8;
	s10 =	simm.s32 $0x4;
	(xrf2) =	vadd.scan.msk.f32 $0xffff, v25;
	v25 =	vld [tilespmem:s8+$0xFFFFFFA0];
	v20 =	vbroadcast v21, $0xF;
	v21 =	vmax.bf16 v26, v0;
	v26 =	vadd.bf16 v31, v32  }
.LBB2_21:
0x2e2: {  	s9 =	sadd.s32 $0x100, s9  }
0x2e3: {  	v29 =	vld [tilespmem:s8+$0xFFFFFFE0];
	v28 =	vmul.bf16 v28, v6;
	s8 =	sadd.s32 $0x100, s8;
	v13 =	vsel vm2, v20, v13;
	vm2 =	veq.s32 v7, v1;
	v7 =	vmovc v12;
	s14 =	smov.u32 s23;
	s13 =	sadd.s32 $0x4, s23  }
0x2e4: {  	p0 =	slt.u32 s23, $0xC;
	v12 =	vld [tilespmem:s8+$0x30];
	v19 =	vadd.bf16 v19, v22;
	v20 =	vadd.bf16 v27, v26;
	v13 =	vsel vm1, v15, v13  }
0x2e5: {  	v16 =	vmul.bf16 v16, v6;
	v15 =	vld [tilespmem:s9+$0x30];
	v18 =	vadd.bf16 v23, v18;
	v13 =	vsel vm2, v9, v13  }
0x2e6: {  	v9 =	vld [tilespmem:s8+$0x70];
	v19 =	vmax.bf16 v19, v0;
	v17 =	vadd.bf16 v17, v24;
	v20 =	vadd.bf16 v28, v20  }
0x2e7: {  	v22 =	vld [tilespmem:s9+$0x70];
	v18 =	vmax.bf16 v18, v0;
	v19 =	vmul.bf16 v19, v4;
	v14 =	vadd.bf16 v14, v25  }
0x2e8: {  	v23 =	vld [tilespmem:s9+$0x60];
	v18 =	vmul.bf16 v18, v3;
	v17 =	vmax.bf16 v17, v0;
	v10 =	vadd.bf16 v10, v29  }
0x2e9: {  	v21 =	vmul.bf16 v21, v4;
	v24 =	vld [tilespmem:s8+$0x60];
	v14 =	vmax.bf16 v14, v0;
	v17 =	vmul.bf16 v17, v3  }
0x2ea: {  	v25 =	vld [tilespmem:s9+$0x50];
	v18 =	vadd.bf16 v19, v18;
	v14 =	vmul.bf16 v14, v5;
	v10 =	vmax.bf16 v10, v0  }
0x2eb: {  	v19 =	vld [tilespmem:s8+$0x50];
	v17 =	vadd.bf16 v21, v17;
	v10 =	vmul.bf16 v10, v5;
	v21 =	vunpack.i.u.bf16.f32 v20;
	v26, _, _ =	vpop (xrf2)  }
0x2ec: {  	v27 =	vld [tilespmem:s9+$0x40];
	v9 =	vadd.bf16 v22, v9;
	v14 =	vadd.bf16 v14, v18;
	v18 =	vunpack.i.l.bf16.f32 v20  }
0x2ed: {  	v11 =	vmul.bf16 v11, v6;
	v20 =	vld [tilespmem:s8+$0x40];
	v10 =	vadd.bf16 v10, v17;
	v17 =	vadd.f32 v18, v21  }
0x2ee: {  	v18 =	vld [tilespmem:s9+$0xFFFFFFF0];
	v21 =	vadd.bf16 v23, v24;
	v22 =	vmax.bf16 v9, v0;
	v14 =	vadd.bf16 v16, v14  }
0x2ef: {  	v28 =	vadd.bf16 v15, v12;
	v9 =	vbroadcast v26, $0xF;
	v16 =	vld [tilespmem:s8+$0xFFFFFFF0];
	v10 =	vadd.bf16 v11, v10;
	(xrf2) =	vadd.scan.msk.f32 $0xffff, v17  }
0x2f0: {  	v11 =	vld [tilespmem:s9+$0xFFFFFFB0];
	v12 =	vadd.bf16 v25, v19;
	v15 =	vunpack.i.u.bf16.f32 v14;
	v14 =	vunpack.i.l.bf16.f32 v14  }
0x2f1: {  	v17 =	vld [tilespmem:s8+$0xFFFFFFB0];
	v14 =	vadd.f32 v14, v15;
	v15 =	vunpack.i.u.bf16.f32 v10;
	v10 =	vunpack.i.l.bf16.f32 v10  }
0x2f2: {  	s23 =	sadd.s32 $0x1, s14;
	s26 =	sadd.s32 $0x2, s14;
	v19 =	vld [tilespmem:s8+$0x20];
	v20 =	vadd.bf16 v27, v20;
	v12 =	vmax.bf16 v12, v0;
	v15 =	vadd.f32 v10, v15  }
0x2f3: {  	v23 =	vmov s23;
	v24 =	vmov s26;
	v21 =	vmax.bf16 v21, v0;
	v10 =	vld [tilespmem:s9+$0xFFFFFFE0];
	(xrf2) =	vadd.scan.msk.f32 $0xffff, v14  }
0x2f4: {  	s23 =	sadd.s32 $0x3, s14;
	vm2 =	veq.s32 v24, v1;
	v14 =	vadd.bf16 v18, v16;
	v18 =	vld [tilespmem:s9+$0x20];
	v16 =	vmax.bf16 v20, v0  }
0x2f5: {  	v24 =	vmul.bf16 v12, v4;
	v12 =	vmov s23;
	v20 =	vld [tilespmem:s9+$0x10];
	v16 =	vmul.bf16 v16, v3  }
0x2f6: {  	vm1 =	vmmov vm0;
	v17 =	vadd.bf16 v11, v17;
	v11 =	vmax.bf16 v14, v0;
	v25 =	vld [tilespmem:s8+$0x10];
	(xrf2) =	vadd.scan.msk.f32 $0xffff, v15  }
0x2f7: {  	vm0 =	vmmov vm2;
	v21 =	vmul.bf16 v21, v5;
	v26 =	vld [tilespmem:s9+$0x0];
	v15 =	vadd.bf16 v24, v16  }
0x2f8: {  	v16 =	vmax.bf16 v17, v0;
	v24 =	vld [tilespmem:s8+$0x0]  }
0x2f9: {  	v14 =	vld [tilespmem:s9+$0xFFFFFFA0];
	v17 =	vadd.bf16 v18, v19;
	v15 =	vadd.bf16 v21, v15;
	v18 =	vmul.bf16 v22, v6;
	v19, _, _ =	vpop (xrf2)  }
0x2fa: {  	v21 =	vld [tilespmem:s9+$0xFFFFFFD0]  }
0x2fb: {  	v27 =	vld [tilespmem:s8+$0xFFFFFFD0];
	v20 =	vadd.bf16 v20, v25;
	v29 =	vmax.bf16 v17, v0;
	v22 =	vadd.bf16 v18, v15  }
0x2fc: {  	vm2 =	veq.s32 v8, v1;
	v8 =	vmov v23;
	v15 =	vbroadcast v19, $0xF;
	v17 =	vld [tilespmem:s9+$0xFFFFFFC0]  }
0x2fd: {  	v18 =	vld [tilespmem:s8+$0xFFFFFF80];
	v23 =	vadd.bf16 v26, v24;
	v20 =	vmax.bf16 v20, v0;
	v24 =	vunpack.i.u.bf16.f32 v22;
	v25, _, _ =	vpop (xrf2)  }
.Ltmp9:
0x2fe: {  	v30 =	vmov s10;
	s10 =	smov.u32 s14;
	v26 =	vunpack.i.l.bf16.f32 v22;
	v19 =	vld [tilespmem:s9+$0xFFFFFF90];
	v25 =	vbroadcast v25, $0xF;
	(pc) =	sbr.rel @p0 .LBB2_21-.Ltmp9, $4  }
0x2ff: {  	v32 =	vmul.bf16 v20, v4;
	v20 =	vadd.f32 v26, v24;
	v22 =	vld [tilespmem:s8+$0xFFFFFF90];
	v31 =	vmax.bf16 v23, v0  }
0x300: {  	vm3 =	veq.s32 v30, v1;
	v23 =	vld [tilespmem:s9+$0xFFFFFF80];
	v21 =	vadd.bf16 v21, v27;
	v26 =	vmul.bf16 v31, v3;
	v27, _, _ =	vpop (xrf2)  }
0x301: {  	v28 =	vmax.bf16 v28, v0;
	v13 =	vsel vm3, v25, v13;
	v24 =	vld [tilespmem:s8+$0xFFFFFFC0];
	(xrf2) =	vadd.scan.msk.f32 $0xffff, v20;
	v20 =	vbroadcast v27, $0xF  }
0x302: {  	s23 =	smov.u32 s13;
	v27 =	vmul.bf16 v29, v5;
	v25 =	vld [tilespmem:s8+$0xFFFFFFA0];
	v21 =	vmax.bf16 v21, v0;
	v26 =	vadd.bf16 v32, v26  }
0x303: {  	v29 =	vld [tilespmem:s8+$0xFFFFFFE0]  }
0x304: {  	v19 =	vadd.bf16 v19, v22  }
0x305: {  	v18 =	vadd.bf16 v23, v18  }
0x306: {  	v51 =	vmul.bf16 v28, v6;
	v19 =	vmax.bf16 v19, v0;
	v17 =	vadd.bf16 v17, v24  }
0x307: {  	v18 =	vmax.bf16 v18, v0;
	v19 =	vmul.bf16 v19, v4;
	v14 =	vadd.bf16 v14, v25  }
0x308: {  	v18 =	vmul.bf16 v18, v3;
	v17 =	vmax.bf16 v17, v0;
	v10 =	vadd.bf16 v10, v29  }
0x309: {  	v21 =	vmul.bf16 v21, v4;
	v14 =	vmax.bf16 v14, v0;
	v17 =	vmul.bf16 v17, v3  }
0x30a: {  	v18 =	vadd.bf16 v19, v18;
	v14 =	vmul.bf16 v14, v5;
	v10 =	vmax.bf16 v10, v0  }
0x30b: {  	v52 =	vadd.bf16 v27, v26;
	v17 =	vadd.bf16 v21, v17;
	v10 =	vmul.bf16 v10, v5  }
0x30c: {  	v16 =	vmul.bf16 v16, v6;
	v14 =	vadd.bf16 v14, v18  }
0x30d: {  	v11 =	vmul.bf16 v11, v6;
	v53 =	vadd.bf16 v51, v52;
	v10 =	vadd.bf16 v10, v17  }
0x30e: {  	v14 =	vadd.bf16 v16, v14  }
0x30f: {  	v54 =	vunpack.i.u.bf16.f32 v53;
	v55 =	vunpack.i.l.bf16.f32 v53;
	v10 =	vadd.bf16 v11, v10  }
0x310: {  	v56 =	vadd.f32 v55, v54;
	v57 =	vunpack.i.u.bf16.f32 v14;
	v14 =	vunpack.i.l.bf16.f32 v14  }
0x311: {  	v14 =	vadd.f32 v14, v57;
	v58 =	vunpack.i.u.bf16.f32 v10;
	v10 =	vunpack.i.l.bf16.f32 v10  }
0x312: {  	(xrf2) =	vadd.scan.msk.f32 $0xffff, v56;
	v10 =	vadd.f32 v10, v58  }
0x313: {  	(xrf2) =	vadd.scan.msk.f32 $0xffff, v14  }
0x314: {  	(xrf2) =	vadd.scan.msk.f32 $0xffff, v10;
	_ =	sdelay $0x6  }
0x315: {  	v59, _, _ =	vpop (xrf2)  }
0x316: {  	v11, _, _ =	vpop (xrf2)  }
0x317: {  	v13 =	vsel vm2, v20, v13;
	vm12 =	veq.s32 v7, v1;
	v7, _, _ =	vpop (xrf2)  }
0x318: {  	v60 =	vmov s10;
	v13 =	vsel vm1, v15, v13;
	v7 =	vbroadcast v7, $0xF;
	v61, _, _ =	vpop (xrf2)  }
0x319: {  	vm13 =	veq.s32 v60, v1;
	v9 =	vsel vm12, v9, v13;
	v62 =	vbroadcast v61, $0xF  }
0x31a: {  	vm14 =	veq.s32 v8, v1;
	v8 =	vbroadcast v11, $0xF;
	v7 =	vsel vm13, v7, v9  }
0x31b: {  	vm0 =	vmmov vm0;
	v63 =	vbroadcast v59, $0xF;
	v7 =	vsel vm14, v62, v7  }
0x31c: {  	vm15 =	veq.s32 v12, v1;
	v7 =	vsel vm0, v8, v7  }
0x31d: {  	v7 =	vsel vm15, v63, v7  }
0x31e: {  	v7 =	vadd.f32 v7, v2;
	_ =	sdelay $0x1  }
0x31f: {  	v7 =	vsub.f32 $0.0e+00, v7;
	_ =	sdelay $0x1  }
0x320: {  	v7 =	vmul.f32 $1.442695020e+00, v7;
	_ =	sdelay $0x1  }
0x321: {  	(erf) = vpow2.f32 v7;
	_ =	sdelay $0x8  }
0x322: {  	v7 =	vpop (erf)  }
0x323: {  	v7 =	vadd.f32 $1.000000000e+00, v7;
	_ =	sdelay $0x1  }
0x324: {  	(erf) = vrcp.f32 v7;
	_ =	sdelay $0x3  }
0x325: {  	s30 =	sshll.u32 s7, $0x4;
	s7 =	sadd.s32 $0x1, s7  }
0x326: {  	p0 =	sne.s32 s7, $0x5  }
.Ltmp10:
0x327: {  	_ = 	snop;
	(pc) =	sbr.rel @p0 .LBB2_20-.Ltmp10, $3  }
0x328: {  	_ =	sdelay $0x1  }
0x329: {  	s8 =	sand.u32 $0x3FFFFFF0, s30;
	v7 =	vpop (erf)  }
0x32a: {  	s25 =	sadd.s32 $0x400, s25;
	s16 =	sadd.s32 $0x400, s16;
	[tilespmem:s8+$0xEE20] =	vst v7  }
0x32b: {  	s7 =	rddreg [dreg:$0x7]  }
0x32c: {  	[hbm4b:s7+s3] =	stream.linear.scatter [tilespmem:s0], [sflag:$0x5], $0x50, $0x38;
	[tilespmem:$0xEEC0] =	vst v63  }
0x32d: {  	_ =	swait.ge [sflag:s15], $0x50  }
0x32e: {  	s8 =	rddreg [dreg:$0x9]  }
0x32f: {  	s30 =	rddreg [dreg:$0x8];
	s8 =	sadd.s32 $0x1, s8  }
0x330: {  	p0 =	sne.s32 s8, s30  }
.Ltmp11:
0x331: {  	_ = 	snop;
	(pc) =	sbr.rel @p0 .LBB2_1-.Ltmp11, $3  }
0x332: {  	_ =	sdelay $0x1  }
0x333: {  	[sflag:s15] =	ssyncset.done $0x0  }
0x334: {  	[sflag:s15] =	ssyncadd.s32 $0xFFFFFFB0  }
0x335: {  	_ =	sfence.sel $0x180000  }
0x336: {  	[bflag:$0x0] =	sbarrier.arrive $0xFFFF  }
0x337: {  	_ =	strace $0x90000047  }
0x338: {  	s0 =	stileid.u32;
	[bflag:$0x2] =	sbarrier.arrive $0xFFFF  }
0x339: {  	p0 =	sne.s32 s0, $0x0;
	s0 =	rddreg [dreg:$0x2]  }
0x33a: {  	s0 =	sadd.s32 @!p0 $0x100000, s0  }
0x33b: {  	[sflag:s0] =	ssyncadd.tile.s32 @!p0 $0x1;
	_ =	shalt  }
.Lfunc_end2:
_tile_overlayer_lowered:
.L_overlay_start_2:
0x33c: {  	(tag) =	ssettag $0x2  }
0x33d: {  	s0 =	rddreg [dreg:$0x0];
	s2 =	stileid.u32  }
0x33e: {  	s1 =	rddreg [dreg:$0x1];
	p0 =	sne.s32 s2, $0x0  }
0x33f: {  	s3 =	rddreg [dreg:$0x2];
	[bflag:$0x3] =	sbarrier.arrive $0xFFFF;
	s2 =	simm.s32 @!p0 $0x1C05  }
0x340: {  	[timem:s3], [sflag:s2] =	dma.local @!p0 [hbm:s0], s1  }
0x341: {  	s0 =	simm.s32 @!p0 $0x5  }
0x342: {  	_ =	swait.ge @!p0 [sflag:s0], s1  }
0x343: {  	s1 =	ssub.s32 @!p0 $0x0, s1;
	[sflag:s0] =	ssyncset.done @!p0 $0x0  }
0x344: {  	[sflag:s0] =	ssyncadd.s32 @!p0 s1  }
0x345: {  	[bflag:$0x3] =	sbarrier.arrive $0xFFFF  }
0x346: {  	_ =	shalt  }

</sc_bundles>
